<compile_context>
chip_gen: v7x
topology: tpu7x:2x2x1
jax: 0.10.2.dev20260603
libtpu: 0.0.44.dev20260713+nightly
codegen_flags: <defaults>
</compile_context>

<pallas_src>
import functools

import jax
import jax.numpy as jnp
from jax import lax
from jax.experimental import pallas as pl
from jax.experimental.pallas import tpu as pltpu
from jax.experimental.pallas import tpu_sc as plsc

N = 10000
E = 320000
NW = 32
EPW = E // NW
K = 80
C = EPW // K
TB = 5
CB = C // TB
DW = 128

_MESH = plsc.VectorSubcoreMesh(core_axis_name="c", subcore_axis_name="s")


def _make_prop(F):

    @functools.partial(
        pl.kernel,
        mesh=_MESH,
        out_type=jax.ShapeDtypeStruct((2, N, F), jnp.float32),
        scratch_types=[
            pltpu.VMEM((CB, K), jnp.int32),
            pltpu.VMEM((CB, K), jnp.int32),
            pltpu.VMEM((K, F), jnp.float32),
            pltpu.VMEM((K, F), jnp.float32),
            pltpu.VMEM((K, F), jnp.float32),
            pltpu.VMEM_SHARED((N, F), jnp.float32),
            pltpu.SemaphoreType.DMA,
            pltpu.SemaphoreType.DMA,
            pltpu.SemaphoreType.DMA,
        ],
    )
    def prop(g_hbm, src_hbm, dst_hbm, zeros_hbm, out_hbm,
             src_v, dst_v, rows0, rows1, rows2, acc, sem0, sem1, sem2):
        cid = lax.axis_index("c")
        sid = lax.axis_index("s")
        wid = sid * 2 + cid

        @pl.when(sid == 0)
        def _():
            pltpu.sync_copy(zeros_hbm, acc)

        def gstart(i, buf, sem):
            pltpu.async_copy(g_hbm.at[src_v.at[i]], buf, sem)

        def gwait(buf, sem):
            pltpu.make_async_copy(zeros_hbm.at[pl.ds(0, K)], buf, sem).wait()

        def scatter(i, buf):
            pltpu.sync_copy(buf, acc.at[dst_v.at[i]], add=True)

        plsc.subcore_barrier()

        def block(t, carry):
            blk = wid * TB + t
            pltpu.sync_copy(src_hbm.at[blk], src_v)
            pltpu.sync_copy(dst_hbm.at[blk], dst_v)
            gstart(0, rows0, sem0)
            gstart(1, rows1, sem1)

            def body(j, c2):
                i = 3 * j
                gstart(i + 2, rows2, sem2)
                gwait(rows0, sem0)
                scatter(i, rows0)
                gstart(i + 3, rows0, sem0)
                gwait(rows1, sem1)
                scatter(i + 1, rows1)

                @pl.when(i + 4 < CB)
                def _():
                    gstart(i + 4, rows1, sem1)

                gwait(rows2, sem2)
                scatter(i + 2, rows2)
                return c2

            lax.fori_loop(0, CB // 3, body, 0)
            gwait(rows0, sem0)
            scatter(CB - 1, rows0)
            return carry

        lax.fori_loop(0, TB, block, 0)

        plsc.subcore_barrier()

        @pl.when(sid == 0)
        def _():
            pltpu.sync_copy(acc, out_hbm.at[cid])

    return prop


@functools.partial(
    pl.kernel,
    mesh=_MESH,
    out_type=jax.ShapeDtypeStruct((2, N, DW), jnp.float32),
    scratch_types=[
        pltpu.VMEM((CB, K), jnp.int32),
        pltpu.VMEM((K, DW), jnp.float32),
        pltpu.VMEM_SHARED((N, DW), jnp.float32),
        pltpu.SemaphoreType.DMA,
    ],
)
def _deg_kernel(dst_hbm, ones_hbm, zeros_hbm, out_hbm, dst_v, ones_v, acc, sem):
    cid = lax.axis_index("c")
    sid = lax.axis_index("s")
    wid = sid * 2 + cid

    @pl.when(sid == 0)
    def _():
        pltpu.sync_copy(zeros_hbm, acc)

    pltpu.sync_copy(ones_hbm, ones_v)
    plsc.subcore_barrier()

    def block(t, carry):
        pltpu.sync_copy(dst_hbm.at[wid * TB + t], dst_v)

        def body(i, c2):
            pltpu.async_copy(ones_v, acc.at[dst_v.at[i]], sem, add=True)
            return c2

        lax.fori_loop(0, CB, body, 0)

        def drain(i, c2):
            pltpu.make_async_copy(zeros_hbm.at[pl.ds(0, K)], ones_v, sem).wait()
            return c2

        lax.fori_loop(0, CB, drain, 0)
        return carry

    lax.fori_loop(0, TB, block, 0)
    plsc.subcore_barrier()

    @pl.when(sid == 0)
    def _():
        pltpu.sync_copy(acc, out_hbm.at[cid])


_prop128 = _make_prop(128)

_GRID = 5
_BLK = N // _GRID


def _dinv_block(dega, degb):
    deg = dega[:, 0:1] + degb[:, 0:1] + 1.0
    dinv = lax.rsqrt(deg)
    return dinv


def _tc_first_body(dega_ref, degb_ref, x_ref, w_ref, t_ref, g_ref):
    dinv = _dinv_block(dega_ref[...], degb_ref[...])
    t = jnp.dot(x_ref[...], w_ref[...], preferred_element_type=jnp.float32)
    t_ref[...] = t
    g_ref[...] = t * dinv


def _tc_mid_body(dega_ref, degb_ref, sa_ref, sb_ref, t_ref, b_ref, w_ref,
                 tn_ref, gn_ref):
    dinv = _dinv_block(dega_ref[...], degb_ref[...])
    t = t_ref[...]
    p = dinv * (sa_ref[...] + sb_ref[...]) + (dinv * dinv) * t + b_ref[...]
    h = jnp.maximum(p, 0.0)
    tn = jnp.dot(h, w_ref[...], preferred_element_type=jnp.float32)
    tn_ref[...] = tn
    g = tn * dinv
    if gn_ref.shape[1] != tn.shape[1]:
        g = jnp.concatenate([g, jnp.zeros_like(g)], axis=1)
    gn_ref[...] = g


def _tc_last_body(dega_ref, degb_ref, sa_ref, sb_ref, t_ref, b_ref, o_ref):
    dinv = _dinv_block(dega_ref[...], degb_ref[...])
    p = dinv * (sa_ref[...] + sb_ref[...]) + (dinv * dinv) * t_ref[...] + b_ref[...]
    m = jnp.max(p, axis=1, keepdims=True)
    z = p - m
    lse = jnp.log(jnp.sum(jnp.exp(z), axis=1, keepdims=True))
    o_ref[...] = z - lse


def _row_spec(F):
    return pl.BlockSpec((_BLK, F), lambda i: (i, 0))


def _full_spec(shape):
    return pl.BlockSpec(shape, lambda i: (0,) * len(shape))


def _tc_first(dega, degb, x, w):
    return pl.pallas_call(
        _tc_first_body,
        grid=(_GRID,),
        in_specs=[_row_spec(DW), _row_spec(DW), _row_spec(128),
                  _full_spec((128, 128))],
        out_specs=[_row_spec(128), _row_spec(128)],
        out_shape=[jax.ShapeDtypeStruct((N, 128), jnp.float32)] * 2,
    )(dega, degb, x, w)


def _tc_mid(dega, degb, sa, sb, t, b, w, fout):
    gout = 128
    return pl.pallas_call(
        _tc_mid_body,
        grid=(_GRID,),
        in_specs=[_row_spec(DW), _row_spec(DW), _row_spec(128), _row_spec(128),
                  _row_spec(128), _full_spec((1, 128)),
                  _full_spec((128, fout))],
        out_specs=[_row_spec(fout), _row_spec(gout)],
        out_shape=[jax.ShapeDtypeStruct((N, fout), jnp.float32),
                   jax.ShapeDtypeStruct((N, gout), jnp.float32)],
    )(dega, degb, sa, sb, t, b, w)


def _tc_last(dega, degb, sa, sb, t, b):
    return pl.pallas_call(
        _tc_last_body,
        grid=(_GRID,),
        in_specs=[_row_spec(DW), _row_spec(DW), _row_spec(64), _row_spec(64),
                  _row_spec(64), _full_spec((1, 64))],
        out_specs=_row_spec(64),
        out_shape=jax.ShapeDtypeStruct((N, 64), jnp.float32),
    )(dega, degb, sa, sb, t, b)


def kernel(x, edge_index, W1, b1, W2, b2, W3, b3):
    ei = edge_index.astype(jnp.int32)
    src = ei[0].reshape(NW * TB, CB, K)
    dst = ei[1].reshape(NW * TB, CB, K)

    ones_rows = jnp.ones((K, DW), jnp.float32)
    z16 = jnp.zeros((N, DW), jnp.float32)
    z128 = jnp.zeros((N, 128), jnp.float32)

    degp = _deg_kernel(dst, ones_rows, z16)
    dega, degb = degp[0], degp[1]

    t1, g1 = _tc_first(dega, degb, x, W1)
    s1 = _prop128(g1, src, dst, z128)
    t2, g2 = _tc_mid(dega, degb, s1[0], s1[1], t1, b1.reshape(1, 128), W2, 128)
    s2 = _prop128(g2, src, dst, z128)
    t3, g3 = _tc_mid(dega, degb, s2[0], s2[1], t2, b2.reshape(1, 128), W3, 64)
    s3 = _prop128(g3, src, dst, z128)
    return _tc_last(dega, degb, s3[0, :, :64], s3[1, :, :64], t3,
                    b3.reshape(1, 64))

# --- scband reference (transcript-rebuilt; emitter-appended) ---
"""Pipeline reference for scband-gcn3layer-57535381897260 (READ-ONLY COPY).

The authoritative reference and input builder live on the scoring server;
editing this copy changes nothing except your own understanding.
"""

import jax, jax.numpy as jnp
import numpy as np

N = 10000
E = 320000
NFEAT = 128
NHID = 128
NCLASS = 64


def setup_inputs(seed: int = 0) -> dict:
    key = jax.random.key(seed)
    ks = jax.random.split(key, 8)
    x = jax.random.normal(ks[0], (N, NFEAT), dtype=jnp.float32)
    edge_index = jax.random.randint(ks[1], (2, E), 0, N, dtype=jnp.int64)
    # Glorot-ish init for GCNConv weights, zero bias (PyG default)
    W1 = jax.random.normal(ks[2], (NFEAT, NHID), dtype=jnp.float32) * (1.0 / np.sqrt(NFEAT))
    b1 = jnp.zeros((NHID,), dtype=jnp.float32)
    W2 = jax.random.normal(ks[3], (NHID, NHID), dtype=jnp.float32) * (1.0 / np.sqrt(NHID))
    b2 = jnp.zeros((NHID,), dtype=jnp.float32)
    W3 = jax.random.normal(ks[4], (NHID, NCLASS), dtype=jnp.float32) * (1.0 / np.sqrt(NHID))
    b3 = jnp.zeros((NCLASS,), dtype=jnp.float32)
    return {"x": x, "edge_index": edge_index, "W1": W1, "b1": b1, "W2": W2, "b2": b2, "W3": W3, "b3": b3}


def _gcn_conv(x, src, dst, W, b, n_nodes):
    # PyG GCNConv: add self-loops, symmetric normalization D^-1/2 (A+I) D^-1/2, then linear.
    h = x @ W
    loop = jnp.arange(n_nodes, dtype=src.dtype)
    src2 = jnp.concatenate([src, loop])
    dst2 = jnp.concatenate([dst, loop])
    deg = jnp.zeros((n_nodes,), dtype=h.dtype).at[dst2].add(1.0)
    dinv = jnp.where(deg > 0, jax.lax.rsqrt(deg), 0.0)
    norm = dinv[src2] * dinv[dst2]
    msg = h[src2] * norm[:, None]
    out = jnp.zeros((n_nodes, h.shape[1]), dtype=h.dtype).at[dst2].add(msg)
    return out + b


def reference(x, edge_index, W1, b1, W2, b2, W3, b3):
    src = edge_index[0]
    dst = edge_index[1]
    h = _gcn_conv(x, src, dst, W1, b1, N)
    h = jax.nn.relu(h)
    # dropout p=0.5 is identity in eval mode
    h = _gcn_conv(h, src, dst, W2, b2, N)
    h = jax.nn.relu(h)
    h = _gcn_conv(h, src, dst, W3, b3, N)
    return jax.nn.log_softmax(h, axis=1)

if __name__ == "__main__":
    import jax
    _d = setup_inputs()
    print(jax.jit(kernel)(*tuple(_d.values())))

</pallas_src>

<mosaic_0001>
#map = affine_map<(d0, d1) -> (0, 0)>
#map1 = affine_map<(d0, d1) -> (0, 0, 0)>
module attributes {stable_mosaic.version = 14 : i64} {
  func.func @prop(%arg0: i32, %arg1: i32, %arg2: memref<10000x128xf32, #tpu.memory_space<hbm>>, %arg3: memref<160x25x80xi32, #tpu.memory_space<hbm>>, %arg4: memref<160x25x80xi32, #tpu.memory_space<hbm>>, %arg5: memref<10000x128xf32, #tpu.memory_space<hbm>>, %arg6: memref<2x10000x128xf32, #tpu.memory_space<hbm>>, %arg7: memref<25x80xi32, #tpu.memory_space<vmem>>, %arg8: memref<25x80xi32, #tpu.memory_space<vmem>>, %arg9: memref<80x128xf32, #tpu.memory_space<vmem>>, %arg10: memref<80x128xf32, #tpu.memory_space<vmem>>, %arg11: memref<80x128xf32, #tpu.memory_space<vmem>>, %arg12: memref<10000x128xf32, #tpu.memory_space<vmem_shared>>, %arg13: memref<!tpu.dma_semaphore, #tpu.memory_space<semaphore_mem>>, %arg14: memref<!tpu.dma_semaphore, #tpu.memory_space<semaphore_mem>>, %arg15: memref<!tpu.dma_semaphore, #tpu.memory_space<semaphore_mem>>) attributes {dimension_semantics = [#tpu.dimension_semantics<core_parallel>, #tpu.dimension_semantics<subcore_parallel>], iteration_bounds = array<i64: 2, 16>, scalar_prefetch = 0 : i64, scratch_operands = 9 : i64, tpu.core_type = #tpu.core_type<sc_vector_subcore>, window_params = [{transform_indices = #map}, {transform_indices = #map1}, {transform_indices = #map1}, {transform_indices = #map}, {transform_indices = #map1}]} {
    %mul3A = arith.constant 2 : i32
    %mul3A_0 = arith.muli %arg1, %mul3A : i32
    %add3A = arith.addi %mul3A_0, %arg0 : i32
    %eq3A = arith.constant 0 : i32
    %eq3A_1 = arith.cmpi eq, %arg1, %eq3A : i32
    %convert_element_type3A = arith.extui %eq3A_1 : i1 to i32
    %cond3A = arith.constant 0 : i32
    %cond3A_2 = arith.cmpi ne, %convert_element_type3A, %cond3A : i32
    scf.if %cond3A_2 {
      "tpu.region"() ({
        %run_scoped3A = tpu.sem_alloc : memref<!tpu.dma_semaphore, #tpu.memory_space<semaphore_mem>>
        tpu.enqueue_dma source(%arg5 : memref<10000x128xf32, #tpu.memory_space<hbm>>) target(%arg12 : memref<10000x128xf32, #tpu.memory_space<vmem_shared>>) target_semaphore(%run_scoped3A : memref<!tpu.dma_semaphore, #tpu.memory_space<semaphore_mem>>)
        tpu.wait_dma2 semaphore(%run_scoped3A : memref<!tpu.dma_semaphore, #tpu.memory_space<semaphore_mem>>) src(%arg5 : memref<10000x128xf32, #tpu.memory_space<hbm>>) dst(%arg12 : memref<10000x128xf32, #tpu.memory_space<vmem_shared>>)
        tpu.yield
      }) : () -> ()
    } else {
    }
    %barrier3A = arith.constant 0 : index
    tpu.barrier barrier_id(%barrier3A)
    %scan3A = arith.constant 0 : i32
    %scan3A_3 = arith.constant 0 : i32
    %scan3A_4 = arith.constant 5 : i32
    %scan3A_5 = arith.addi %scan3A_3, %scan3A_4 : i32
    %scan3A_6 = arith.constant 1 : i32
    scf.for %scan3A_14 = %scan3A_3 to %scan3A_5 step %scan3A_6  : i32 {
      %mul3A_15 = arith.constant 5 : i32
      %mul3A_16 = arith.muli %add3A, %mul3A_15 : i32
      %add3A_17 = arith.addi %mul3A_16, %scan3A_14 : i32
      "tpu.region"() ({
        %run_scoped3A_42 = tpu.sem_alloc : memref<!tpu.dma_semaphore, #tpu.memory_space<semaphore_mem>>
        %dma_start3A_43 = arith.constant 0 : i32
        %dma_start3A_44 = arith.constant 0 : i32
        %dma_start3A_45 = tpu.memref_slice %arg3[%add3A_17, %dma_start3A_43, %dma_start3A_44] : memref<160x25x80xi32, #tpu.memory_space<hbm>> -> memref<1x25x80xi32, #tpu.memory_space<hbm>>
        %dma_start3A_46 = tpu.memref_squeeze %dma_start3A_45 : memref<1x25x80xi32, #tpu.memory_space<hbm>> -> memref<25x80xi32, #tpu.memory_space<hbm>>
        %dma_start3A_47 = arith.constant 0 : i32
        %dma_start3A_48 = arith.constant 0 : i32
        %dma_start3A_49 = tpu.memref_slice %arg3[%add3A_17, %dma_start3A_47, %dma_start3A_48] : memref<160x25x80xi32, #tpu.memory_space<hbm>> -> memref<1x25x80xi32, #tpu.memory_space<hbm>>
        %dma_start3A_50 = tpu.memref_squeeze %dma_start3A_49 : memref<1x25x80xi32, #tpu.memory_space<hbm>> -> memref<25x80xi32, #tpu.memory_space<hbm>>
        tpu.enqueue_dma source(%dma_start3A_50 : memref<25x80xi32, #tpu.memory_space<hbm>>) target(%arg7 : memref<25x80xi32, #tpu.memory_space<vmem>>) target_semaphore(%run_scoped3A_42 : memref<!tpu.dma_semaphore, #tpu.memory_space<semaphore_mem>>)
        %dma_wait3A_51 = arith.constant 0 : i32
        %dma_wait3A_52 = arith.constant 0 : i32
        %dma_wait3A_53 = tpu.memref_slice %arg3[%add3A_17, %dma_wait3A_51, %dma_wait3A_52] : memref<160x25x80xi32, #tpu.memory_space<hbm>> -> memref<1x25x80xi32, #tpu.memory_space<hbm>>
        %dma_wait3A_54 = tpu.memref_squeeze %dma_wait3A_53 : memref<1x25x80xi32, #tpu.memory_space<hbm>> -> memref<25x80xi32, #tpu.memory_space<hbm>>
        %dma_wait3A_55 = arith.constant 0 : i32
        %dma_wait3A_56 = arith.constant 0 : i32
        %dma_wait3A_57 = tpu.memref_slice %arg3[%add3A_17, %dma_wait3A_55, %dma_wait3A_56] : memref<160x25x80xi32, #tpu.memory_space<hbm>> -> memref<1x25x80xi32, #tpu.memory_space<hbm>>
        %dma_wait3A_58 = tpu.memref_squeeze %dma_wait3A_57 : memref<1x25x80xi32, #tpu.memory_space<hbm>> -> memref<25x80xi32, #tpu.memory_space<hbm>>
        tpu.wait_dma2 semaphore(%run_scoped3A_42 : memref<!tpu.dma_semaphore, #tpu.memory_space<semaphore_mem>>) src(%dma_wait3A_58 : memref<25x80xi32, #tpu.memory_space<hbm>>) dst(%arg7 : memref<25x80xi32, #tpu.memory_space<vmem>>)
        tpu.yield
      }) : () -> ()
      "tpu.region"() ({
        %run_scoped3A_42 = tpu.sem_alloc : memref<!tpu.dma_semaphore, #tpu.memory_space<semaphore_mem>>
        %dma_start3A_43 = arith.constant 0 : i32
        %dma_start3A_44 = arith.constant 0 : i32
        %dma_start3A_45 = tpu.memref_slice %arg4[%add3A_17, %dma_start3A_43, %dma_start3A_44] : memref<160x25x80xi32, #tpu.memory_space<hbm>> -> memref<1x25x80xi32, #tpu.memory_space<hbm>>
        %dma_start3A_46 = tpu.memref_squeeze %dma_start3A_45 : memref<1x25x80xi32, #tpu.memory_space<hbm>> -> memref<25x80xi32, #tpu.memory_space<hbm>>
        %dma_start3A_47 = arith.constant 0 : i32
        %dma_start3A_48 = arith.constant 0 : i32
        %dma_start3A_49 = tpu.memref_slice %arg4[%add3A_17, %dma_start3A_47, %dma_start3A_48] : memref<160x25x80xi32, #tpu.memory_space<hbm>> -> memref<1x25x80xi32, #tpu.memory_space<hbm>>
        %dma_start3A_50 = tpu.memref_squeeze %dma_start3A_49 : memref<1x25x80xi32, #tpu.memory_space<hbm>> -> memref<25x80xi32, #tpu.memory_space<hbm>>
        tpu.enqueue_dma source(%dma_start3A_50 : memref<25x80xi32, #tpu.memory_space<hbm>>) target(%arg8 : memref<25x80xi32, #tpu.memory_space<vmem>>) target_semaphore(%run_scoped3A_42 : memref<!tpu.dma_semaphore, #tpu.memory_space<semaphore_mem>>)
        %dma_wait3A_51 = arith.constant 0 : i32
        %dma_wait3A_52 = arith.constant 0 : i32
        %dma_wait3A_53 = tpu.memref_slice %arg4[%add3A_17, %dma_wait3A_51, %dma_wait3A_52] : memref<160x25x80xi32, #tpu.memory_space<hbm>> -> memref<1x25x80xi32, #tpu.memory_space<hbm>>
        %dma_wait3A_54 = tpu.memref_squeeze %dma_wait3A_53 : memref<1x25x80xi32, #tpu.memory_space<hbm>> -> memref<25x80xi32, #tpu.memory_space<hbm>>
        %dma_wait3A_55 = arith.constant 0 : i32
        %dma_wait3A_56 = arith.constant 0 : i32
        %dma_wait3A_57 = tpu.memref_slice %arg4[%add3A_17, %dma_wait3A_55, %dma_wait3A_56] : memref<160x25x80xi32, #tpu.memory_space<hbm>> -> memref<1x25x80xi32, #tpu.memory_space<hbm>>
        %dma_wait3A_58 = tpu.memref_squeeze %dma_wait3A_57 : memref<1x25x80xi32, #tpu.memory_space<hbm>> -> memref<25x80xi32, #tpu.memory_space<hbm>>
        tpu.wait_dma2 semaphore(%run_scoped3A_42 : memref<!tpu.dma_semaphore, #tpu.memory_space<semaphore_mem>>) src(%dma_wait3A_58 : memref<25x80xi32, #tpu.memory_space<hbm>>) dst(%arg8 : memref<25x80xi32, #tpu.memory_space<vmem>>)
        tpu.yield
      }) : () -> ()
      %dma_start3A = arith.constant 0 : i32
      %dma_start3A_18 = arith.constant 0 : i32
      %dma_start3A_19 = tpu.memref_slice %arg7[%dma_start3A, %dma_start3A_18] : memref<25x80xi32, #tpu.memory_space<vmem>> -> memref<1x80xi32, #tpu.memory_space<vmem>>
      %dma_start3A_20 = tpu.memref_squeeze %dma_start3A_19 : memref<1x80xi32, #tpu.memory_space<vmem>> -> memref<80xi32, #tpu.memory_space<vmem>>
      %dma_start3A_21 = arith.constant 0 : i32
      %dma_start3A_22 = arith.constant 0 : i32
      %dma_start3A_23 = tpu.memref_slice %arg2[%dma_start3A_21, %dma_start3A_22] : memref<10000x128xf32, #tpu.memory_space<hbm>> -> memref<10000x128xf32, #tpu.memory_space<hbm>>
      tpu.enqueue_indirect_dma source(%dma_start3A_23 : memref<10000x128xf32, #tpu.memory_space<hbm>>) target(%arg9 : memref<80x128xf32, #tpu.memory_space<vmem>>) offsets(%dma_start3A_20 : memref<80xi32, #tpu.memory_space<vmem>>) semaphore(%arg13 : memref<!tpu.dma_semaphore, #tpu.memory_space<semaphore_mem>>)
      %dma_start3A_24 = arith.constant 1 : i32
      %dma_start3A_25 = arith.constant 0 : i32
      %dma_start3A_26 = tpu.memref_slice %arg7[%dma_start3A_24, %dma_start3A_25] : memref<25x80xi32, #tpu.memory_space<vmem>> -> memref<1x80xi32, #tpu.memory_space<vmem>>
      %dma_start3A_27 = tpu.memref_squeeze %dma_start3A_26 : memref<1x80xi32, #tpu.memory_space<vmem>> -> memref<80xi32, #tpu.memory_space<vmem>>
      %dma_start3A_28 = arith.constant 0 : i32
      %dma_start3A_29 = arith.constant 0 : i32
      %dma_start3A_30 = tpu.memref_slice %arg2[%dma_start3A_28, %dma_start3A_29] : memref<10000x128xf32, #tpu.memory_space<hbm>> -> memref<10000x128xf32, #tpu.memory_space<hbm>>
      tpu.enqueue_indirect_dma source(%dma_start3A_30 : memref<10000x128xf32, #tpu.memory_space<hbm>>) target(%arg10 : memref<80x128xf32, #tpu.memory_space<vmem>>) offsets(%dma_start3A_27 : memref<80xi32, #tpu.memory_space<vmem>>) semaphore(%arg14 : memref<!tpu.dma_semaphore, #tpu.memory_space<semaphore_mem>>)
      %scan3A_31 = arith.constant 0 : i32
      %scan3A_32 = arith.constant 0 : i32
      %scan3A_33 = arith.constant 8 : i32
      %scan3A_34 = arith.addi %scan3A_32, %scan3A_33 : i32
      %scan3A_35 = arith.constant 1 : i32
      scf.for %scan3A_42 = %scan3A_32 to %scan3A_34 step %scan3A_35  : i32 {
        %mul3A_43 = arith.constant 3 : i32
        %mul3A_44 = arith.muli %mul3A_43, %scan3A_42 : i32
        %add3A_45 = arith.constant 2 : i32
        %add3A_46 = arith.addi %mul3A_44, %add3A_45 : i32
        %dma_start3A_47 = arith.constant 0 : i32
        %dma_start3A_48 = tpu.memref_slice %arg7[%add3A_46, %dma_start3A_47] : memref<25x80xi32, #tpu.memory_space<vmem>> -> memref<1x80xi32, #tpu.memory_space<vmem>>
        %dma_start3A_49 = tpu.memref_squeeze %dma_start3A_48 : memref<1x80xi32, #tpu.memory_space<vmem>> -> memref<80xi32, #tpu.memory_space<vmem>>
        %dma_start3A_50 = arith.constant 0 : i32
        %dma_start3A_51 = arith.constant 0 : i32
        %dma_start3A_52 = tpu.memref_slice %arg2[%dma_start3A_50, %dma_start3A_51] : memref<10000x128xf32, #tpu.memory_space<hbm>> -> memref<10000x128xf32, #tpu.memory_space<hbm>>
        tpu.enqueue_indirect_dma source(%dma_start3A_52 : memref<10000x128xf32, #tpu.memory_space<hbm>>) target(%arg11 : memref<80x128xf32, #tpu.memory_space<vmem>>) offsets(%dma_start3A_49 : memref<80xi32, #tpu.memory_space<vmem>>) semaphore(%arg15 : memref<!tpu.dma_semaphore, #tpu.memory_space<semaphore_mem>>)
        %dma_wait3A_53 = arith.constant 0 : i32
        %dma_wait3A_54 = arith.constant 0 : i32
        %dma_wait3A_55 = tpu.memref_slice %arg5[%dma_wait3A_53, %dma_wait3A_54] : memref<10000x128xf32, #tpu.memory_space<hbm>> -> memref<80x128xf32, #tpu.memory_space<hbm>>
        %dma_wait3A_56 = arith.constant 0 : i32
        %dma_wait3A_57 = arith.constant 0 : i32
        %dma_wait3A_58 = tpu.memref_slice %arg5[%dma_wait3A_56, %dma_wait3A_57] : memref<10000x128xf32, #tpu.memory_space<hbm>> -> memref<80x128xf32, #tpu.memory_space<hbm>>
        tpu.wait_dma2 semaphore(%arg13 : memref<!tpu.dma_semaphore, #tpu.memory_space<semaphore_mem>>) src(%dma_wait3A_58 : memref<80x128xf32, #tpu.memory_space<hbm>>) dst(%arg9 : memref<80x128xf32, #tpu.memory_space<vmem>>)
        "tpu.region"() ({
          %run_scoped3A_89 = tpu.sem_alloc : memref<!tpu.dma_semaphore, #tpu.memory_space<semaphore_mem>>
          %dma_start3A_90 = arith.constant 0 : i32
          %dma_start3A_91 = tpu.memref_slice %arg8[%mul3A_44, %dma_start3A_90] : memref<25x80xi32, #tpu.memory_space<vmem>> -> memref<1x80xi32, #tpu.memory_space<vmem>>
          %dma_start3A_92 = tpu.memref_squeeze %dma_start3A_91 : memref<1x80xi32, #tpu.memory_space<vmem>> -> memref<80xi32, #tpu.memory_space<vmem>>
          %dma_start3A_93 = arith.constant 0 : i32
          %dma_start3A_94 = arith.constant 0 : i32
          %dma_start3A_95 = tpu.memref_slice %arg12[%dma_start3A_93, %dma_start3A_94] : memref<10000x128xf32, #tpu.memory_space<vmem_shared>> -> memref<10000x128xf32, #tpu.memory_space<vmem_shared>>
          tpu.enqueue_indirect_dma source(%arg9 : memref<80x128xf32, #tpu.memory_space<vmem>>) target(%dma_start3A_95 : memref<10000x128xf32, #tpu.memory_space<vmem_shared>>) offsets(%dma_start3A_92 : memref<80xi32, #tpu.memory_space<vmem>>) semaphore(%run_scoped3A_89 : memref<!tpu.dma_semaphore, #tpu.memory_space<semaphore_mem>>) {add = true}
          %dma_wait3A_96 = arith.constant 0 : i32
          %dma_wait3A_97 = tpu.memref_slice %arg8[%mul3A_44, %dma_wait3A_96] : memref<25x80xi32, #tpu.memory_space<vmem>> -> memref<1x80xi32, #tpu.memory_space<vmem>>
          %dma_wait3A_98 = tpu.memref_squeeze %dma_wait3A_97 : memref<1x80xi32, #tpu.memory_space<vmem>> -> memref<80xi32, #tpu.memory_space<vmem>>
          %dma_wait3A_99 = arith.constant 0 : i32
          %dma_wait3A_100 = arith.constant 0 : i32
          %dma_wait3A_101 = tpu.memref_slice %arg12[%dma_wait3A_99, %dma_wait3A_100] : memref<10000x128xf32, #tpu.memory_space<vmem_shared>> -> memref<10000x128xf32, #tpu.memory_space<vmem_shared>>
          tpu.wait_indirect_dma semaphore(%run_scoped3A_89 : memref<!tpu.dma_semaphore, #tpu.memory_space<semaphore_mem>>) src(%arg9 : memref<80x128xf32, #tpu.memory_space<vmem>>) dst(%dma_wait3A_101 : memref<10000x128xf32, #tpu.memory_space<vmem_shared>>)
          tpu.yield
        }) : () -> ()
        %add3A_59 = arith.constant 3 : i32
        %add3A_60 = arith.addi %mul3A_44, %add3A_59 : i32
        %dma_start3A_61 = arith.constant 0 : i32
        %dma_start3A_62 = tpu.memref_slice %arg7[%add3A_60, %dma_start3A_61] : memref<25x80xi32, #tpu.memory_space<vmem>> -> memref<1x80xi32, #tpu.memory_space<vmem>>
        %dma_start3A_63 = tpu.memref_squeeze %dma_start3A_62 : memref<1x80xi32, #tpu.memory_space<vmem>> -> memref<80xi32, #tpu.memory_space<vmem>>
        %dma_start3A_64 = arith.constant 0 : i32
        %dma_start3A_65 = arith.constant 0 : i32
        %dma_start3A_66 = tpu.memref_slice %arg2[%dma_start3A_64, %dma_start3A_65] : memref<10000x128xf32, #tpu.memory_space<hbm>> -> memref<10000x128xf32, #tpu.memory_space<hbm>>
        tpu.enqueue_indirect_dma source(%dma_start3A_66 : memref<10000x128xf32, #tpu.memory_space<hbm>>) target(%arg9 : memref<80x128xf32, #tpu.memory_space<vmem>>) offsets(%dma_start3A_63 : memref<80xi32, #tpu.memory_space<vmem>>) semaphore(%arg13 : memref<!tpu.dma_semaphore, #tpu.memory_space<semaphore_mem>>)
        %dma_wait3A_67 = arith.constant 0 : i32
        %dma_wait3A_68 = arith.constant 0 : i32
        %dma_wait3A_69 = tpu.memref_slice %arg5[%dma_wait3A_67, %dma_wait3A_68] : memref<10000x128xf32, #tpu.memory_space<hbm>> -> memref<80x128xf32, #tpu.memory_space<hbm>>
        %dma_wait3A_70 = arith.constant 0 : i32
        %dma_wait3A_71 = arith.constant 0 : i32
        %dma_wait3A_72 = tpu.memref_slice %arg5[%dma_wait3A_70, %dma_wait3A_71] : memref<10000x128xf32, #tpu.memory_space<hbm>> -> memref<80x128xf32, #tpu.memory_space<hbm>>
        tpu.wait_dma2 semaphore(%arg14 : memref<!tpu.dma_semaphore, #tpu.memory_space<semaphore_mem>>) src(%dma_wait3A_72 : memref<80x128xf32, #tpu.memory_space<hbm>>) dst(%arg10 : memref<80x128xf32, #tpu.memory_space<vmem>>)
        %add3A_73 = arith.constant 1 : i32
        %add3A_74 = arith.addi %mul3A_44, %add3A_73 : i32
        "tpu.region"() ({
          %run_scoped3A_89 = tpu.sem_alloc : memref<!tpu.dma_semaphore, #tpu.memory_space<semaphore_mem>>
          %dma_start3A_90 = arith.constant 0 : i32
          %dma_start3A_91 = tpu.memref_slice %arg8[%add3A_74, %dma_start3A_90] : memref<25x80xi32, #tpu.memory_space<vmem>> -> memref<1x80xi32, #tpu.memory_space<vmem>>
          %dma_start3A_92 = tpu.memref_squeeze %dma_start3A_91 : memref<1x80xi32, #tpu.memory_space<vmem>> -> memref<80xi32, #tpu.memory_space<vmem>>
          %dma_start3A_93 = arith.constant 0 : i32
          %dma_start3A_94 = arith.constant 0 : i32
          %dma_start3A_95 = tpu.memref_slice %arg12[%dma_start3A_93, %dma_start3A_94] : memref<10000x128xf32, #tpu.memory_space<vmem_shared>> -> memref<10000x128xf32, #tpu.memory_space<vmem_shared>>
          tpu.enqueue_indirect_dma source(%arg10 : memref<80x128xf32, #tpu.memory_space<vmem>>) target(%dma_start3A_95 : memref<10000x128xf32, #tpu.memory_space<vmem_shared>>) offsets(%dma_start3A_92 : memref<80xi32, #tpu.memory_space<vmem>>) semaphore(%run_scoped3A_89 : memref<!tpu.dma_semaphore, #tpu.memory_space<semaphore_mem>>) {add = true}
          %dma_wait3A_96 = arith.constant 0 : i32
          %dma_wait3A_97 = tpu.memref_slice %arg8[%add3A_74, %dma_wait3A_96] : memref<25x80xi32, #tpu.memory_space<vmem>> -> memref<1x80xi32, #tpu.memory_space<vmem>>
          %dma_wait3A_98 = tpu.memref_squeeze %dma_wait3A_97 : memref<1x80xi32, #tpu.memory_space<vmem>> -> memref<80xi32, #tpu.memory_space<vmem>>
          %dma_wait3A_99 = arith.constant 0 : i32
          %dma_wait3A_100 = arith.constant 0 : i32
          %dma_wait3A_101 = tpu.memref_slice %arg12[%dma_wait3A_99, %dma_wait3A_100] : memref<10000x128xf32, #tpu.memory_space<vmem_shared>> -> memref<10000x128xf32, #tpu.memory_space<vmem_shared>>
          tpu.wait_indirect_dma semaphore(%run_scoped3A_89 : memref<!tpu.dma_semaphore, #tpu.memory_space<semaphore_mem>>) src(%arg10 : memref<80x128xf32, #tpu.memory_space<vmem>>) dst(%dma_wait3A_101 : memref<10000x128xf32, #tpu.memory_space<vmem_shared>>)
          tpu.yield
        }) : () -> ()
        %add3A_75 = arith.constant 4 : i32
        %add3A_76 = arith.addi %mul3A_44, %add3A_75 : i32
        %lt3A = arith.constant 25 : i32
        %lt3A_77 = arith.cmpi slt, %add3A_76, %lt3A : i32
        %convert_element_type3A_78 = arith.extui %lt3A_77 : i1 to i32
        %cond3A_79 = arith.constant 0 : i32
        %cond3A_80 = arith.cmpi ne, %convert_element_type3A_78, %cond3A_79 : i32
        scf.if %cond3A_80 {
          %add3A_89 = arith.constant 4 : i32
          %add3A_90 = arith.addi %mul3A_44, %add3A_89 : i32
          %dma_start3A_91 = arith.constant 0 : i32
          %dma_start3A_92 = tpu.memref_slice %arg7[%add3A_90, %dma_start3A_91] : memref<25x80xi32, #tpu.memory_space<vmem>> -> memref<1x80xi32, #tpu.memory_space<vmem>>
          %dma_start3A_93 = tpu.memref_squeeze %dma_start3A_92 : memref<1x80xi32, #tpu.memory_space<vmem>> -> memref<80xi32, #tpu.memory_space<vmem>>
          %dma_start3A_94 = arith.constant 0 : i32
          %dma_start3A_95 = arith.constant 0 : i32
          %dma_start3A_96 = tpu.memref_slice %arg2[%dma_start3A_94, %dma_start3A_95] : memref<10000x128xf32, #tpu.memory_space<hbm>> -> memref<10000x128xf32, #tpu.memory_space<hbm>>
          tpu.enqueue_indirect_dma source(%dma_start3A_96 : memref<10000x128xf32, #tpu.memory_space<hbm>>) target(%arg10 : memref<80x128xf32, #tpu.memory_space<vmem>>) offsets(%dma_start3A_93 : memref<80xi32, #tpu.memory_space<vmem>>) semaphore(%arg14 : memref<!tpu.dma_semaphore, #tpu.memory_space<semaphore_mem>>)
        } else {
        }
        %dma_wait3A_81 = arith.constant 0 : i32
        %dma_wait3A_82 = arith.constant 0 : i32
        %dma_wait3A_83 = tpu.memref_slice %arg5[%dma_wait3A_81, %dma_wait3A_82] : memref<10000x128xf32, #tpu.memory_space<hbm>> -> memref<80x128xf32, #tpu.memory_space<hbm>>
        %dma_wait3A_84 = arith.constant 0 : i32
        %dma_wait3A_85 = arith.constant 0 : i32
        %dma_wait3A_86 = tpu.memref_slice %arg5[%dma_wait3A_84, %dma_wait3A_85] : memref<10000x128xf32, #tpu.memory_space<hbm>> -> memref<80x128xf32, #tpu.memory_space<hbm>>
        tpu.wait_dma2 semaphore(%arg15 : memref<!tpu.dma_semaphore, #tpu.memory_space<semaphore_mem>>) src(%dma_wait3A_86 : memref<80x128xf32, #tpu.memory_space<hbm>>) dst(%arg11 : memref<80x128xf32, #tpu.memory_space<vmem>>)
        %add3A_87 = arith.constant 2 : i32
        %add3A_88 = arith.addi %mul3A_44, %add3A_87 : i32
        "tpu.region"() ({
          %run_scoped3A_89 = tpu.sem_alloc : memref<!tpu.dma_semaphore, #tpu.memory_space<semaphore_mem>>
          %dma_start3A_90 = arith.constant 0 : i32
          %dma_start3A_91 = tpu.memref_slice %arg8[%add3A_88, %dma_start3A_90] : memref<25x80xi32, #tpu.memory_space<vmem>> -> memref<1x80xi32, #tpu.memory_space<vmem>>
          %dma_start3A_92 = tpu.memref_squeeze %dma_start3A_91 : memref<1x80xi32, #tpu.memory_space<vmem>> -> memref<80xi32, #tpu.memory_space<vmem>>
          %dma_start3A_93 = arith.constant 0 : i32
          %dma_start3A_94 = arith.constant 0 : i32
          %dma_start3A_95 = tpu.memref_slice %arg12[%dma_start3A_93, %dma_start3A_94] : memref<10000x128xf32, #tpu.memory_space<vmem_shared>> -> memref<10000x128xf32, #tpu.memory_space<vmem_shared>>
          tpu.enqueue_indirect_dma source(%arg11 : memref<80x128xf32, #tpu.memory_space<vmem>>) target(%dma_start3A_95 : memref<10000x128xf32, #tpu.memory_space<vmem_shared>>) offsets(%dma_start3A_92 : memref<80xi32, #tpu.memory_space<vmem>>) semaphore(%run_scoped3A_89 : memref<!tpu.dma_semaphore, #tpu.memory_space<semaphore_mem>>) {add = true}
          %dma_wait3A_96 = arith.constant 0 : i32
          %dma_wait3A_97 = tpu.memref_slice %arg8[%add3A_88, %dma_wait3A_96] : memref<25x80xi32, #tpu.memory_space<vmem>> -> memref<1x80xi32, #tpu.memory_space<vmem>>
          %dma_wait3A_98 = tpu.memref_squeeze %dma_wait3A_97 : memref<1x80xi32, #tpu.memory_space<vmem>> -> memref<80xi32, #tpu.memory_space<vmem>>
          %dma_wait3A_99 = arith.constant 0 : i32
          %dma_wait3A_100 = arith.constant 0 : i32
          %dma_wait3A_101 = tpu.memref_slice %arg12[%dma_wait3A_99, %dma_wait3A_100] : memref<10000x128xf32, #tpu.memory_space<vmem_shared>> -> memref<10000x128xf32, #tpu.memory_space<vmem_shared>>
          tpu.wait_indirect_dma semaphore(%run_scoped3A_89 : memref<!tpu.dma_semaphore, #tpu.memory_space<semaphore_mem>>) src(%arg11 : memref<80x128xf32, #tpu.memory_space<vmem>>) dst(%dma_wait3A_101 : memref<10000x128xf32, #tpu.memory_space<vmem_shared>>)
          tpu.yield
        }) : () -> ()
      }
      %scan3A_36 = arith.constant 8 : i32
      %dma_wait3A = arith.constant 0 : i32
      %dma_wait3A_37 = arith.constant 0 : i32
      %dma_wait3A_38 = tpu.memref_slice %arg5[%dma_wait3A, %dma_wait3A_37] : memref<10000x128xf32, #tpu.memory_space<hbm>> -> memref<80x128xf32, #tpu.memory_space<hbm>>
      %dma_wait3A_39 = arith.constant 0 : i32
      %dma_wait3A_40 = arith.constant 0 : i32
      %dma_wait3A_41 = tpu.memref_slice %arg5[%dma_wait3A_39, %dma_wait3A_40] : memref<10000x128xf32, #tpu.memory_space<hbm>> -> memref<80x128xf32, #tpu.memory_space<hbm>>
      tpu.wait_dma2 semaphore(%arg13 : memref<!tpu.dma_semaphore, #tpu.memory_space<semaphore_mem>>) src(%dma_wait3A_41 : memref<80x128xf32, #tpu.memory_space<hbm>>) dst(%arg9 : memref<80x128xf32, #tpu.memory_space<vmem>>)
      %run_scoped3A = arith.constant 24 : i32
      "tpu.region"() ({
        %run_scoped3A_42 = tpu.sem_alloc : memref<!tpu.dma_semaphore, #tpu.memory_space<semaphore_mem>>
        %dma_start3A_43 = arith.constant 0 : i32
        %dma_start3A_44 = tpu.memref_slice %arg8[%run_scoped3A, %dma_start3A_43] : memref<25x80xi32, #tpu.memory_space<vmem>> -> memref<1x80xi32, #tpu.memory_space<vmem>>
        %dma_start3A_45 = tpu.memref_squeeze %dma_start3A_44 : memref<1x80xi32, #tpu.memory_space<vmem>> -> memref<80xi32, #tpu.memory_space<vmem>>
        %dma_start3A_46 = arith.constant 0 : i32
        %dma_start3A_47 = arith.constant 0 : i32
        %dma_start3A_48 = tpu.memref_slice %arg12[%dma_start3A_46, %dma_start3A_47] : memref<10000x128xf32, #tpu.memory_space<vmem_shared>> -> memref<10000x128xf32, #tpu.memory_space<vmem_shared>>
        tpu.enqueue_indirect_dma source(%arg9 : memref<80x128xf32, #tpu.memory_space<vmem>>) target(%dma_start3A_48 : memref<10000x128xf32, #tpu.memory_space<vmem_shared>>) offsets(%dma_start3A_45 : memref<80xi32, #tpu.memory_space<vmem>>) semaphore(%run_scoped3A_42 : memref<!tpu.dma_semaphore, #tpu.memory_space<semaphore_mem>>) {add = true}
        %dma_wait3A_49 = arith.constant 0 : i32
        %dma_wait3A_50 = tpu.memref_slice %arg8[%run_scoped3A, %dma_wait3A_49] : memref<25x80xi32, #tpu.memory_space<vmem>> -> memref<1x80xi32, #tpu.memory_space<vmem>>
        %dma_wait3A_51 = tpu.memref_squeeze %dma_wait3A_50 : memref<1x80xi32, #tpu.memory_space<vmem>> -> memref<80xi32, #tpu.memory_space<vmem>>
        %dma_wait3A_52 = arith.constant 0 : i32
        %dma_wait3A_53 = arith.constant 0 : i32
        %dma_wait3A_54 = tpu.memref_slice %arg12[%dma_wait3A_52, %dma_wait3A_53] : memref<10000x128xf32, #tpu.memory_space<vmem_shared>> -> memref<10000x128xf32, #tpu.memory_space<vmem_shared>>
        tpu.wait_indirect_dma semaphore(%run_scoped3A_42 : memref<!tpu.dma_semaphore, #tpu.memory_space<semaphore_mem>>) src(%arg9 : memref<80x128xf32, #tpu.memory_space<vmem>>) dst(%dma_wait3A_54 : memref<10000x128xf32, #tpu.memory_space<vmem_shared>>)
        tpu.yield
      }) : () -> ()
    }
    %scan3A_7 = arith.constant 5 : i32
    %barrier3A_8 = arith.constant 0 : index
    tpu.barrier barrier_id(%barrier3A_8)
    %eq3A_9 = arith.constant 0 : i32
    %eq3A_10 = arith.cmpi eq, %arg1, %eq3A_9 : i32
    %convert_element_type3A_11 = arith.extui %eq3A_10 : i1 to i32
    %cond3A_12 = arith.constant 0 : i32
    %cond3A_13 = arith.cmpi ne, %convert_element_type3A_11, %cond3A_12 : i32
    scf.if %cond3A_13 {
      "tpu.region"() ({
        %run_scoped3A = tpu.sem_alloc : memref<!tpu.dma_semaphore, #tpu.memory_space<semaphore_mem>>
        %dma_start3A = arith.constant 0 : i32
        %dma_start3A_14 = arith.constant 0 : i32
        %dma_start3A_15 = tpu.memref_slice %arg6[%arg0, %dma_start3A, %dma_start3A_14] : memref<2x10000x128xf32, #tpu.memory_space<hbm>> -> memref<1x10000x128xf32, #tpu.memory_space<hbm>>
        %dma_start3A_16 = tpu.memref_squeeze %dma_start3A_15 : memref<1x10000x128xf32, #tpu.memory_space<hbm>> -> memref<10000x128xf32, #tpu.memory_space<hbm>>
        tpu.enqueue_dma source(%arg12 : memref<10000x128xf32, #tpu.memory_space<vmem_shared>>) target(%dma_start3A_16 : memref<10000x128xf32, #tpu.memory_space<hbm>>) target_semaphore(%run_scoped3A : memref<!tpu.dma_semaphore, #tpu.memory_space<semaphore_mem>>)
        %dma_wait3A = arith.constant 0 : i32
        %dma_wait3A_17 = arith.constant 0 : i32
        %dma_wait3A_18 = tpu.memref_slice %arg6[%arg0, %dma_wait3A, %dma_wait3A_17] : memref<2x10000x128xf32, #tpu.memory_space<hbm>> -> memref<1x10000x128xf32, #tpu.memory_space<hbm>>
        %dma_wait3A_19 = tpu.memref_squeeze %dma_wait3A_18 : memref<1x10000x128xf32, #tpu.memory_space<hbm>> -> memref<10000x128xf32, #tpu.memory_space<hbm>>
        tpu.wait_dma2 semaphore(%run_scoped3A : memref<!tpu.dma_semaphore, #tpu.memory_space<semaphore_mem>>) src(%arg12 : memref<10000x128xf32, #tpu.memory_space<vmem_shared>>) dst(%dma_wait3A_19 : memref<10000x128xf32, #tpu.memory_space<hbm>>)
        tpu.yield
      }) : () -> ()
    } else {
    }
    return
  }
}

#map = affine_map<(d0, d1) -> (0, 0)>
#map1 = affine_map<(d0, d1) -> (0, 0, 0)>
module attributes {stable_mosaic.version = 14 : i64} {
  func.func @prop(%arg0: i32, %arg1: i32, %arg2: memref<10000x128xf32, #tpu.memory_space<hbm>>, %arg3: memref<160x25x80xi32, #tpu.memory_space<hbm>>, %arg4: memref<160x25x80xi32, #tpu.memory_space<hbm>>, %arg5: memref<10000x128xf32, #tpu.memory_space<hbm>>, %arg6: memref<2x10000x128xf32, #tpu.memory_space<hbm>>, %arg7: memref<25x80xi32, #tpu.memory_space<vmem>>, %arg8: memref<25x80xi32, #tpu.memory_space<vmem>>, %arg9: memref<80x128xf32, #tpu.memory_space<vmem>>, %arg10: memref<80x128xf32, #tpu.memory_space<vmem>>, %arg11: memref<80x128xf32, #tpu.memory_space<vmem>>, %arg12: memref<10000x128xf32, #tpu.memory_space<vmem_shared>>, %arg13: memref<!tpu.dma_semaphore, #tpu.memory_space<semaphore_mem>>, %arg14: memref<!tpu.dma_semaphore, #tpu.memory_space<semaphore_mem>>, %arg15: memref<!tpu.dma_semaphore, #tpu.memory_space<semaphore_mem>>) attributes {dimension_semantics = [#tpu.dimension_semantics<core_parallel>, #tpu.dimension_semantics<subcore_parallel>], iteration_bounds = array<i64: 2, 16>, scalar_prefetch = 0 : i64, scratch_operands = 9 : i64, tpu.core_type = #tpu.core_type<sc_vector_subcore>, window_params = [{transform_indices = #map}, {transform_indices = #map1}, {transform_indices = #map1}, {transform_indices = #map}, {transform_indices = #map1}]} {
    %mul3A = arith.constant 2 : i32
    %mul3A_0 = arith.muli %arg1, %mul3A : i32
    %add3A = arith.addi %mul3A_0, %arg0 : i32
    %eq3A = arith.constant 0 : i32
    %eq3A_1 = arith.cmpi eq, %arg1, %eq3A : i32
    %convert_element_type3A = arith.extui %eq3A_1 : i1 to i32
    %cond3A = arith.constant 0 : i32
    %cond3A_2 = arith.cmpi ne, %convert_element_type3A, %cond3A : i32
    scf.if %cond3A_2 {
      "tpu.region"() ({
        %run_scoped3A = tpu.sem_alloc : memref<!tpu.dma_semaphore, #tpu.memory_space<semaphore_mem>>
        tpu.enqueue_dma source(%arg5 : memref<10000x128xf32, #tpu.memory_space<hbm>>) target(%arg12 : memref<10000x128xf32, #tpu.memory_space<vmem_shared>>) target_semaphore(%run_scoped3A : memref<!tpu.dma_semaphore, #tpu.memory_space<semaphore_mem>>)
        tpu.wait_dma2 semaphore(%run_scoped3A : memref<!tpu.dma_semaphore, #tpu.memory_space<semaphore_mem>>) src(%arg5 : memref<10000x128xf32, #tpu.memory_space<hbm>>) dst(%arg12 : memref<10000x128xf32, #tpu.memory_space<vmem_shared>>)
        tpu.yield
      }) : () -> ()
    } else {
    }
    %barrier3A = arith.constant 0 : index
    tpu.barrier barrier_id(%barrier3A)
    %scan3A = arith.constant 0 : i32
    %scan3A_3 = arith.constant 0 : i32
    %scan3A_4 = arith.constant 5 : i32
    %scan3A_5 = arith.addi %scan3A_3, %scan3A_4 : i32
    %scan3A_6 = arith.constant 1 : i32
    scf.for %scan3A_14 = %scan3A_3 to %scan3A_5 step %scan3A_6  : i32 {
      %mul3A_15 = arith.constant 5 : i32
      %mul3A_16 = arith.muli %add3A, %mul3A_15 : i32
      %add3A_17 = arith.addi %mul3A_16, %scan3A_14 : i32
      "tpu.region"() ({
        %run_scoped3A_42 = tpu.sem_alloc : memref<!tpu.dma_semaphore, #tpu.memory_space<semaphore_mem>>
        %dma_start3A_43 = arith.constant 0 : i32
        %dma_start3A_44 = arith.constant 0 : i32
        %dma_start3A_45 = tpu.memref_slice %arg3[%add3A_17, %dma_start3A_43, %dma_start3A_44] : memref<160x25x80xi32, #tpu.memory_space<hbm>> -> memref<1x25x80xi32, #tpu.memory_space<hbm>>
        %dma_start3A_46 = tpu.memref_squeeze %dma_start3A_45 : memref<1x25x80xi32, #tpu.memory_space<hbm>> -> memref<25x80xi32, #tpu.memory_space<hbm>>
        %dma_start3A_47 = arith.constant 0 : i32
        %dma_start3A_48 = arith.constant 0 : i32
        %dma_start3A_49 = tpu.memref_slice %arg3[%add3A_17, %dma_start3A_47, %dma_start3A_48] : memref<160x25x80xi32, #tpu.memory_space<hbm>> -> memref<1x25x80xi32, #tpu.memory_space<hbm>>
        %dma_start3A_50 = tpu.memref_squeeze %dma_start3A_49 : memref<1x25x80xi32, #tpu.memory_space<hbm>> -> memref<25x80xi32, #tpu.memory_space<hbm>>
        tpu.enqueue_dma source(%dma_start3A_50 : memref<25x80xi32, #tpu.memory_space<hbm>>) target(%arg7 : memref<25x80xi32, #tpu.memory_space<vmem>>) target_semaphore(%run_scoped3A_42 : memref<!tpu.dma_semaphore, #tpu.memory_space<semaphore_mem>>)
        %dma_wait3A_51 = arith.constant 0 : i32
        %dma_wait3A_52 = arith.constant 0 : i32
        %dma_wait3A_53 = tpu.memref_slice %arg3[%add3A_17, %dma_wait3A_51, %dma_wait3A_52] : memref<160x25x80xi32, #tpu.memory_space<hbm>> -> memref<1x25x80xi32, #tpu.memory_space<hbm>>
        %dma_wait3A_54 = tpu.memref_squeeze %dma_wait3A_53 : memref<1x25x80xi32, #tpu.memory_space<hbm>> -> memref<25x80xi32, #tpu.memory_space<hbm>>
        %dma_wait3A_55 = arith.constant 0 : i32
        %dma_wait3A_56 = arith.constant 0 : i32
        %dma_wait3A_57 = tpu.memref_slice %arg3[%add3A_17, %dma_wait3A_55, %dma_wait3A_56] : memref<160x25x80xi32, #tpu.memory_space<hbm>> -> memref<1x25x80xi32, #tpu.memory_space<hbm>>
        %dma_wait3A_58 = tpu.memref_squeeze %dma_wait3A_57 : memref<1x25x80xi32, #tpu.memory_space<hbm>> -> memref<25x80xi32, #tpu.memory_space<hbm>>
        tpu.wait_dma2 semaphore(%run_scoped3A_42 : memref<!tpu.dma_semaphore, #tpu.memory_space<semaphore_mem>>) src(%dma_wait3A_58 : memref<25x80xi32, #tpu.memory_space<hbm>>) dst(%arg7 : memref<25x80xi32, #tpu.memory_space<vmem>>)
        tpu.yield
      }) : () -> ()
      "tpu.region"() ({
        %run_scoped3A_42 = tpu.sem_alloc : memref<!tpu.dma_semaphore, #tpu.memory_space<semaphore_mem>>
        %dma_start3A_43 = arith.constant 0 : i32
        %dma_start3A_44 = arith.constant 0 : i32
        %dma_start3A_45 = tpu.memref_slice %arg4[%add3A_17, %dma_start3A_43, %dma_start3A_44] : memref<160x25x80xi32, #tpu.memory_space<hbm>> -> memref<1x25x80xi32, #tpu.memory_space<hbm>>
        %dma_start3A_46 = tpu.memref_squeeze %dma_start3A_45 : memref<1x25x80xi32, #tpu.memory_space<hbm>> -> memref<25x80xi32, #tpu.memory_space<hbm>>
        %dma_start3A_47 = arith.constant 0 : i32
        %dma_start3A_48 = arith.constant 0 : i32
        %dma_start3A_49 = tpu.memref_slice %arg4[%add3A_17, %dma_start3A_47, %dma_start3A_48] : memref<160x25x80xi32, #tpu.memory_space<hbm>> -> memref<1x25x80xi32, #tpu.memory_space<hbm>>
        %dma_start3A_50 = tpu.memref_squeeze %dma_start3A_49 : memref<1x25x80xi32, #tpu.memory_space<hbm>> -> memref<25x80xi32, #tpu.memory_space<hbm>>
        tpu.enqueue_dma source(%dma_start3A_50 : memref<25x80xi32, #tpu.memory_space<hbm>>) target(%arg8 : memref<25x80xi32, #tpu.memory_space<vmem>>) target_semaphore(%run_scoped3A_42 : memref<!tpu.dma_semaphore, #tpu.memory_space<semaphore_mem>>)
        %dma_wait3A_51 = arith.constant 0 : i32
        %dma_wait3A_52 = arith.constant 0 : i32
        %dma_wait3A_53 = tpu.memref_slice %arg4[%add3A_17, %dma_wait3A_51, %dma_wait3A_52] : memref<160x25x80xi32, #tpu.memory_space<hbm>> -> memref<1x25x80xi32, #tpu.memory_space<hbm>>
        %dma_wait3A_54 = tpu.memref_squeeze %dma_wait3A_53 : memref<1x25x80xi32, #tpu.memory_space<hbm>> -> memref<25x80xi32, #tpu.memory_space<hbm>>
        %dma_wait3A_55 = arith.constant 0 : i32
        %dma_wait3A_56 = arith.constant 0 : i32
        %dma_wait3A_57 = tpu.memref_slice %arg4[%add3A_17, %dma_wait3A_55, %dma_wait3A_56] : memref<160x25x80xi32, #tpu.memory_space<hbm>> -> memref<1x25x80xi32, #tpu.memory_space<hbm>>
        %dma_wait3A_58 = tpu.memref_squeeze %dma_wait3A_57 : memref<1x25x80xi32, #tpu.memory_space<hbm>> -> memref<25x80xi32, #tpu.memory_space<hbm>>
        tpu.wait_dma2 semaphore(%run_scoped3A_42 : memref<!tpu.dma_semaphore, #tpu.memory_space<semaphore_mem>>) src(%dma_wait3A_58 : memref<25x80xi32, #tpu.memory_space<hbm>>) dst(%arg8 : memref<25x80xi32, #tpu.memory_space<vmem>>)
        tpu.yield
      }) : () -> ()
      %dma_start3A = arith.constant 0 : i32
      %dma_start3A_18 = arith.constant 0 : i32
      %dma_start3A_19 = tpu.memref_slice %arg7[%dma_start3A, %dma_start3A_18] : memref<25x80xi32, #tpu.memory_space<vmem>> -> memref<1x80xi32, #tpu.memory_space<vmem>>
      %dma_start3A_20 = tpu.memref_squeeze %dma_start3A_19 : memref<1x80xi32, #tpu.memory_space<vmem>> -> memref<80xi32, #tpu.memory_space<vmem>>
      %dma_start3A_21 = arith.constant 0 : i32
      %dma_start3A_22 = arith.constant 0 : i32
      %dma_start3A_23 = tpu.memref_slice %arg2[%dma_start3A_21, %dma_start3A_22] : memref<10000x128xf32, #tpu.memory_space<hbm>> -> memref<10000x128xf32, #tpu.memory_space<hbm>>
      tpu.enqueue_indirect_dma source(%dma_start3A_23 : memref<10000x128xf32, #tpu.memory_space<hbm>>) target(%arg9 : memref<80x128xf32, #tpu.memory_space<vmem>>) offsets(%dma_start3A_20 : memref<80xi32, #tpu.memory_space<vmem>>) semaphore(%arg13 : memref<!tpu.dma_semaphore, #tpu.memory_space<semaphore_mem>>)
      %dma_start3A_24 = arith.constant 1 : i32
      %dma_start3A_25 = arith.constant 0 : i32
      %dma_start3A_26 = tpu.memref_slice %arg7[%dma_start3A_24, %dma_start3A_25] : memref<25x80xi32, #tpu.memory_space<vmem>> -> memref<1x80xi32, #tpu.memory_space<vmem>>
      %dma_start3A_27 = tpu.memref_squeeze %dma_start3A_26 : memref<1x80xi32, #tpu.memory_space<vmem>> -> memref<80xi32, #tpu.memory_space<vmem>>
      %dma_start3A_28 = arith.constant 0 : i32
      %dma_start3A_29 = arith.constant 0 : i32
      %dma_start3A_30 = tpu.memref_slice %arg2[%dma_start3A_28, %dma_start3A_29] : memref<10000x128xf32, #tpu.memory_space<hbm>> -> memref<10000x128xf32, #tpu.memory_space<hbm>>
      tpu.enqueue_indirect_dma source(%dma_start3A_30 : memref<10000x128xf32, #tpu.memory_space<hbm>>) target(%arg10 : memref<80x128xf32, #tpu.memory_space<vmem>>) offsets(%dma_start3A_27 : memref<80xi32, #tpu.memory_space<vmem>>) semaphore(%arg14 : memref<!tpu.dma_semaphore, #tpu.memory_space<semaphore_mem>>)
      %scan3A_31 = arith.constant 0 : i32
      %scan3A_32 = arith.constant 0 : i32
      %scan3A_33 = arith.constant 8 : i32
      %scan3A_34 = arith.addi %scan3A_32, %scan3A_33 : i32
      %scan3A_35 = arith.constant 1 : i32
      scf.for %scan3A_42 = %scan3A_32 to %scan3A_34 step %scan3A_35  : i32 {
        %mul3A_43 = arith.constant 3 : i32
        %mul3A_44 = arith.muli %mul3A_43, %scan3A_42 : i32
        %add3A_45 = arith.constant 2 : i32
        %add3A_46 = arith.addi %mul3A_44, %add3A_45 : i32
        %dma_start3A_47 = arith.constant 0 : i32
        %dma_start3A_48 = tpu.memref_slice %arg7[%add3A_46, %dma_start3A_47] : memref<25x80xi32, #tpu.memory_space<vmem>> -> memref<1x80xi32, #tpu.memory_space<vmem>>
        %dma_start3A_49 = tpu.memref_squeeze %dma_start3A_48 : memref<1x80xi32, #tpu.memory_space<vmem>> -> memref<80xi32, #tpu.memory_space<vmem>>
        %dma_start3A_50 = arith.constant 0 : i32
        %dma_start3A_51 = arith.constant 0 : i32
        %dma_start3A_52 = tpu.memref_slice %arg2[%dma_start3A_50, %dma_start3A_51] : memref<10000x128xf32, #tpu.memory_space<hbm>> -> memref<10000x128xf32, #tpu.memory_space<hbm>>
        tpu.enqueue_indirect_dma source(%dma_start3A_52 : memref<10000x128xf32, #tpu.memory_space<hbm>>) target(%arg11 : memref<80x128xf32, #tpu.memory_space<vmem>>) offsets(%dma_start3A_49 : memref<80xi32, #tpu.memory_space<vmem>>) semaphore(%arg15 : memref<!tpu.dma_semaphore, #tpu.memory_space<semaphore_mem>>)
        %dma_wait3A_53 = arith.constant 0 : i32
        %dma_wait3A_54 = arith.constant 0 : i32
        %dma_wait3A_55 = tpu.memref_slice %arg5[%dma_wait3A_53, %dma_wait3A_54] : memref<10000x128xf32, #tpu.memory_space<hbm>> -> memref<80x128xf32, #tpu.memory_space<hbm>>
        %dma_wait3A_56 = arith.constant 0 : i32
        %dma_wait3A_57 = arith.constant 0 : i32
        %dma_wait3A_58 = tpu.memref_slice %arg5[%dma_wait3A_56, %dma_wait3A_57] : memref<10000x128xf32, #tpu.memory_space<hbm>> -> memref<80x128xf32, #tpu.memory_space<hbm>>
        tpu.wait_dma2 semaphore(%arg13 : memref<!tpu.dma_semaphore, #tpu.memory_space<semaphore_mem>>) src(%dma_wait3A_58 : memref<80x128xf32, #tpu.memory_space<hbm>>) dst(%arg9 : memref<80x128xf32, #tpu.memory_space<vmem>>)
        "tpu.region"() ({
          %run_scoped3A_89 = tpu.sem_alloc : memref<!tpu.dma_semaphore, #tpu.memory_space<semaphore_mem>>
          %dma_start3A_90 = arith.constant 0 : i32
          %dma_start3A_91 = tpu.memref_slice %arg8[%mul3A_44, %dma_start3A_90] : memref<25x80xi32, #tpu.memory_space<vmem>> -> memref<1x80xi32, #tpu.memory_space<vmem>>
          %dma_start3A_92 = tpu.memref_squeeze %dma_start3A_91 : memref<1x80xi32, #tpu.memory_space<vmem>> -> memref<80xi32, #tpu.memory_space<vmem>>
          %dma_start3A_93 = arith.constant 0 : i32
          %dma_start3A_94 = arith.constant 0 : i32
          %dma_start3A_95 = tpu.memref_slice %arg12[%dma_start3A_93, %dma_start3A_94] : memref<10000x128xf32, #tpu.memory_space<vmem_shared>> -> memref<10000x128xf32, #tpu.memory_space<vmem_shared>>
          tpu.enqueue_indirect_dma source(%arg9 : memref<80x128xf32, #tpu.memory_space<vmem>>) target(%dma_start3A_95 : memref<10000x128xf32, #tpu.memory_space<vmem_shared>>) offsets(%dma_start3A_92 : memref<80xi32, #tpu.memory_space<vmem>>) semaphore(%run_scoped3A_89 : memref<!tpu.dma_semaphore, #tpu.memory_space<semaphore_mem>>) {add = true}
          %dma_wait3A_96 = arith.constant 0 : i32
          %dma_wait3A_97 = tpu.memref_slice %arg8[%mul3A_44, %dma_wait3A_96] : memref<25x80xi32, #tpu.memory_space<vmem>> -> memref<1x80xi32, #tpu.memory_space<vmem>>
          %dma_wait3A_98 = tpu.memref_squeeze %dma_wait3A_97 : memref<1x80xi32, #tpu.memory_space<vmem>> -> memref<80xi32, #tpu.memory_space<vmem>>
          %dma_wait3A_99 = arith.constant 0 : i32
          %dma_wait3A_100 = arith.constant 0 : i32
          %dma_wait3A_101 = tpu.memref_slice %arg12[%dma_wait3A_99, %dma_wait3A_100] : memref<10000x128xf32, #tpu.memory_space<vmem_shared>> -> memref<10000x128xf32, #tpu.memory_space<vmem_shared>>
          tpu.wait_indirect_dma semaphore(%run_scoped3A_89 : memref<!tpu.dma_semaphore, #tpu.memory_space<semaphore_mem>>) src(%arg9 : memref<80x128xf32, #tpu.memory_space<vmem>>) dst(%dma_wait3A_101 : memref<10000x128xf32, #tpu.memory_space<vmem_shared>>)
          tpu.yield
        }) : () -> ()
        %add3A_59 = arith.constant 3 : i32
        %add3A_60 = arith.addi %mul3A_44, %add3A_59 : i32
        %dma_start3A_61 = arith.constant 0 : i32
        %dma_start3A_62 = tpu.memref_slice %arg7[%add3A_60, %dma_start3A_61] : memref<25x80xi32, #tpu.memory_space<vmem>> -> memref<1x80xi32, #tpu.memory_space<vmem>>
        %dma_start3A_63 = tpu.memref_squeeze %dma_start3A_62 : memref<1x80xi32, #tpu.memory_space<vmem>> -> memref<80xi32, #tpu.memory_space<vmem>>
        %dma_start3A_64 = arith.constant 0 : i32
        %dma_start3A_65 = arith.constant 0 : i32
        %dma_start3A_66 = tpu.memref_slice %arg2[%dma_start3A_64, %dma_start3A_65] : memref<10000x128xf32, #tpu.memory_space<hbm>> -> memref<10000x128xf32, #tpu.memory_space<hbm>>
        tpu.enqueue_indirect_dma source(%dma_start3A_66 : memref<10000x128xf32, #tpu.memory_space<hbm>>) target(%arg9 : memref<80x128xf32, #tpu.memory_space<vmem>>) offsets(%dma_start3A_63 : memref<80xi32, #tpu.memory_space<vmem>>) semaphore(%arg13 : memref<!tpu.dma_semaphore, #tpu.memory_space<semaphore_mem>>)
        %dma_wait3A_67 = arith.constant 0 : i32
        %dma_wait3A_68 = arith.constant 0 : i32
        %dma_wait3A_69 = tpu.memref_slice %arg5[%dma_wait3A_67, %dma_wait3A_68] : memref<10000x128xf32, #tpu.memory_space<hbm>> -> memref<80x128xf32, #tpu.memory_space<hbm>>
        %dma_wait3A_70 = arith.constant 0 : i32
        %dma_wait3A_71 = arith.constant 0 : i32
        %dma_wait3A_72 = tpu.memref_slice %arg5[%dma_wait3A_70, %dma_wait3A_71] : memref<10000x128xf32, #tpu.memory_space<hbm>> -> memref<80x128xf32, #tpu.memory_space<hbm>>
        tpu.wait_dma2 semaphore(%arg14 : memref<!tpu.dma_semaphore, #tpu.memory_space<semaphore_mem>>) src(%dma_wait3A_72 : memref<80x128xf32, #tpu.memory_space<hbm>>) dst(%arg10 : memref<80x128xf32, #tpu.memory_space<vmem>>)
        %add3A_73 = arith.constant 1 : i32
        %add3A_74 = arith.addi %mul3A_44, %add3A_73 : i32
        "tpu.region"() ({
          %run_scoped3A_89 = tpu.sem_alloc : memref<!tpu.dma_semaphore, #tpu.memory_space<semaphore_mem>>
          %dma_start3A_90 = arith.constant 0 : i32
          %dma_start3A_91 = tpu.memref_slice %arg8[%add3A_74, %dma_start3A_90] : memref<25x80xi32, #tpu.memory_space<vmem>> -> memref<1x80xi32, #tpu.memory_space<vmem>>
          %dma_start3A_92 = tpu.memref_squeeze %dma_start3A_91 : memref<1x80xi32, #tpu.memory_space<vmem>> -> memref<80xi32, #tpu.memory_space<vmem>>
          %dma_start3A_93 = arith.constant 0 : i32
          %dma_start3A_94 = arith.constant 0 : i32
          %dma_start3A_95 = tpu.memref_slice %arg12[%dma_start3A_93, %dma_start3A_94] : memref<10000x128xf32, #tpu.memory_space<vmem_shared>> -> memref<10000x128xf32, #tpu.memory_space<vmem_shared>>
          tpu.enqueue_indirect_dma source(%arg10 : memref<80x128xf32, #tpu.memory_space<vmem>>) target(%dma_start3A_95 : memref<10000x128xf32, #tpu.memory_space<vmem_shared>>) offsets(%dma_start3A_92 : memref<80xi32, #tpu.memory_space<vmem>>) semaphore(%run_scoped3A_89 : memref<!tpu.dma_semaphore, #tpu.memory_space<semaphore_mem>>) {add = true}
          %dma_wait3A_96 = arith.constant 0 : i32
          %dma_wait3A_97 = tpu.memref_slice %arg8[%add3A_74, %dma_wait3A_96] : memref<25x80xi32, #tpu.memory_space<vmem>> -> memref<1x80xi32, #tpu.memory_space<vmem>>
          %dma_wait3A_98 = tpu.memref_squeeze %dma_wait3A_97 : memref<1x80xi32, #tpu.memory_space<vmem>> -> memref<80xi32, #tpu.memory_space<vmem>>
          %dma_wait3A_99 = arith.constant 0 : i32
          %dma_wait3A_100 = arith.constant 0 : i32
          %dma_wait3A_101 = tpu.memref_slice %arg12[%dma_wait3A_99, %dma_wait3A_100] : memref<10000x128xf32, #tpu.memory_space<vmem_shared>> -> memref<10000x128xf32, #tpu.memory_space<vmem_shared>>
          tpu.wait_indirect_dma semaphore(%run_scoped3A_89 : memref<!tpu.dma_semaphore, #tpu.memory_space<semaphore_mem>>) src(%arg10 : memref<80x128xf32, #tpu.memory_space<vmem>>) dst(%dma_wait3A_101 : memref<10000x128xf32, #tpu.memory_space<vmem_shared>>)
          tpu.yield
        }) : () -> ()
        %add3A_75 = arith.constant 4 : i32
        %add3A_76 = arith.addi %mul3A_44, %add3A_75 : i32
        %lt3A = arith.constant 25 : i32
        %lt3A_77 = arith.cmpi slt, %add3A_76, %lt3A : i32
        %convert_element_type3A_78 = arith.extui %lt3A_77 : i1 to i32
        %cond3A_79 = arith.constant 0 : i32
        %cond3A_80 = arith.cmpi ne, %convert_element_type3A_78, %cond3A_79 : i32
        scf.if %cond3A_80 {
          %add3A_89 = arith.constant 4 : i32
          %add3A_90 = arith.addi %mul3A_44, %add3A_89 : i32
          %dma_start3A_91 = arith.constant 0 : i32
          %dma_start3A_92 = tpu.memref_slice %arg7[%add3A_90, %dma_start3A_91] : memref<25x80xi32, #tpu.memory_space<vmem>> -> memref<1x80xi32, #tpu.memory_space<vmem>>
          %dma_start3A_93 = tpu.memref_squeeze %dma_start3A_92 : memref<1x80xi32, #tpu.memory_space<vmem>> -> memref<80xi32, #tpu.memory_space<vmem>>
          %dma_start3A_94 = arith.constant 0 : i32
          %dma_start3A_95 = arith.constant 0 : i32
          %dma_start3A_96 = tpu.memref_slice %arg2[%dma_start3A_94, %dma_start3A_95] : memref<10000x128xf32, #tpu.memory_space<hbm>> -> memref<10000x128xf32, #tpu.memory_space<hbm>>
          tpu.enqueue_indirect_dma source(%dma_start3A_96 : memref<10000x128xf32, #tpu.memory_space<hbm>>) target(%arg10 : memref<80x128xf32, #tpu.memory_space<vmem>>) offsets(%dma_start3A_93 : memref<80xi32, #tpu.memory_space<vmem>>) semaphore(%arg14 : memref<!tpu.dma_semaphore, #tpu.memory_space<semaphore_mem>>)
        } else {
        }
        %dma_wait3A_81 = arith.constant 0 : i32
        %dma_wait3A_82 = arith.constant 0 : i32
        %dma_wait3A_83 = tpu.memref_slice %arg5[%dma_wait3A_81, %dma_wait3A_82] : memref<10000x128xf32, #tpu.memory_space<hbm>> -> memref<80x128xf32, #tpu.memory_space<hbm>>
        %dma_wait3A_84 = arith.constant 0 : i32
        %dma_wait3A_85 = arith.constant 0 : i32
        %dma_wait3A_86 = tpu.memref_slice %arg5[%dma_wait3A_84, %dma_wait3A_85] : memref<10000x128xf32, #tpu.memory_space<hbm>> -> memref<80x128xf32, #tpu.memory_space<hbm>>
        tpu.wait_dma2 semaphore(%arg15 : memref<!tpu.dma_semaphore, #tpu.memory_space<semaphore_mem>>) src(%dma_wait3A_86 : memref<80x128xf32, #tpu.memory_space<hbm>>) dst(%arg11 : memref<80x128xf32, #tpu.memory_space<vmem>>)
        %add3A_87 = arith.constant 2 : i32
        %add3A_88 = arith.addi %mul3A_44, %add3A_87 : i32
        "tpu.region"() ({
          %run_scoped3A_89 = tpu.sem_alloc : memref<!tpu.dma_semaphore, #tpu.memory_space<semaphore_mem>>
          %dma_start3A_90 = arith.constant 0 : i32
          %dma_start3A_91 = tpu.memref_slice %arg8[%add3A_88, %dma_start3A_90] : memref<25x80xi32, #tpu.memory_space<vmem>> -> memref<1x80xi32, #tpu.memory_space<vmem>>
          %dma_start3A_92 = tpu.memref_squeeze %dma_start3A_91 : memref<1x80xi32, #tpu.memory_space<vmem>> -> memref<80xi32, #tpu.memory_space<vmem>>
          %dma_start3A_93 = arith.constant 0 : i32
          %dma_start3A_94 = arith.constant 0 : i32
          %dma_start3A_95 = tpu.memref_slice %arg12[%dma_start3A_93, %dma_start3A_94] : memref<10000x128xf32, #tpu.memory_space<vmem_shared>> -> memref<10000x128xf32, #tpu.memory_space<vmem_shared>>
          tpu.enqueue_indirect_dma source(%arg11 : memref<80x128xf32, #tpu.memory_space<vmem>>) target(%dma_start3A_95 : memref<10000x128xf32, #tpu.memory_space<vmem_shared>>) offsets(%dma_start3A_92 : memref<80xi32, #tpu.memory_space<vmem>>) semaphore(%run_scoped3A_89 : memref<!tpu.dma_semaphore, #tpu.memory_space<semaphore_mem>>) {add = true}
          %dma_wait3A_96 = arith.constant 0 : i32
          %dma_wait3A_97 = tpu.memref_slice %arg8[%add3A_88, %dma_wait3A_96] : memref<25x80xi32, #tpu.memory_space<vmem>> -> memref<1x80xi32, #tpu.memory_space<vmem>>
          %dma_wait3A_98 = tpu.memref_squeeze %dma_wait3A_97 : memref<1x80xi32, #tpu.memory_space<vmem>> -> memref<80xi32, #tpu.memory_space<vmem>>
          %dma_wait3A_99 = arith.constant 0 : i32
          %dma_wait3A_100 = arith.constant 0 : i32
          %dma_wait3A_101 = tpu.memref_slice %arg12[%dma_wait3A_99, %dma_wait3A_100] : memref<10000x128xf32, #tpu.memory_space<vmem_shared>> -> memref<10000x128xf32, #tpu.memory_space<vmem_shared>>
          tpu.wait_indirect_dma semaphore(%run_scoped3A_89 : memref<!tpu.dma_semaphore, #tpu.memory_space<semaphore_mem>>) src(%arg11 : memref<80x128xf32, #tpu.memory_space<vmem>>) dst(%dma_wait3A_101 : memref<10000x128xf32, #tpu.memory_space<vmem_shared>>)
          tpu.yield
        }) : () -> ()
      }
      %scan3A_36 = arith.constant 8 : i32
      %dma_wait3A = arith.constant 0 : i32
      %dma_wait3A_37 = arith.constant 0 : i32
      %dma_wait3A_38 = tpu.memref_slice %arg5[%dma_wait3A, %dma_wait3A_37] : memref<10000x128xf32, #tpu.memory_space<hbm>> -> memref<80x128xf32, #tpu.memory_space<hbm>>
      %dma_wait3A_39 = arith.constant 0 : i32
      %dma_wait3A_40 = arith.constant 0 : i32
      %dma_wait3A_41 = tpu.memref_slice %arg5[%dma_wait3A_39, %dma_wait3A_40] : memref<10000x128xf32, #tpu.memory_space<hbm>> -> memref<80x128xf32, #tpu.memory_space<hbm>>
      tpu.wait_dma2 semaphore(%arg13 : memref<!tpu.dma_semaphore, #tpu.memory_space<semaphore_mem>>) src(%dma_wait3A_41 : memref<80x128xf32, #tpu.memory_space<hbm>>) dst(%arg9 : memref<80x128xf32, #tpu.memory_space<vmem>>)
      %run_scoped3A = arith.constant 24 : i32
      "tpu.region"() ({
        %run_scoped3A_42 = tpu.sem_alloc : memref<!tpu.dma_semaphore, #tpu.memory_space<semaphore_mem>>
        %dma_start3A_43 = arith.constant 0 : i32
        %dma_start3A_44 = tpu.memref_slice %arg8[%run_scoped3A, %dma_start3A_43] : memref<25x80xi32, #tpu.memory_space<vmem>> -> memref<1x80xi32, #tpu.memory_space<vmem>>
        %dma_start3A_45 = tpu.memref_squeeze %dma_start3A_44 : memref<1x80xi32, #tpu.memory_space<vmem>> -> memref<80xi32, #tpu.memory_space<vmem>>
        %dma_start3A_46 = arith.constant 0 : i32
        %dma_start3A_47 = arith.constant 0 : i32
        %dma_start3A_48 = tpu.memref_slice %arg12[%dma_start3A_46, %dma_start3A_47] : memref<10000x128xf32, #tpu.memory_space<vmem_shared>> -> memref<10000x128xf32, #tpu.memory_space<vmem_shared>>
        tpu.enqueue_indirect_dma source(%arg9 : memref<80x128xf32, #tpu.memory_space<vmem>>) target(%dma_start3A_48 : memref<10000x128xf32, #tpu.memory_space<vmem_shared>>) offsets(%dma_start3A_45 : memref<80xi32, #tpu.memory_space<vmem>>) semaphore(%run_scoped3A_42 : memref<!tpu.dma_semaphore, #tpu.memory_space<semaphore_mem>>) {add = true}
        %dma_wait3A_49 = arith.constant 0 : i32
        %dma_wait3A_50 = tpu.memref_slice %arg8[%run_scoped3A, %dma_wait3A_49] : memref<25x80xi32, #tpu.memory_space<vmem>> -> memref<1x80xi32, #tpu.memory_space<vmem>>
        %dma_wait3A_51 = tpu.memref_squeeze %dma_wait3A_50 : memref<1x80xi32, #tpu.memory_space<vmem>> -> memref<80xi32, #tpu.memory_space<vmem>>
        %dma_wait3A_52 = arith.constant 0 : i32
        %dma_wait3A_53 = arith.constant 0 : i32
        %dma_wait3A_54 = tpu.memref_slice %arg12[%dma_wait3A_52, %dma_wait3A_53] : memref<10000x128xf32, #tpu.memory_space<vmem_shared>> -> memref<10000x128xf32, #tpu.memory_space<vmem_shared>>
        tpu.wait_indirect_dma semaphore(%run_scoped3A_42 : memref<!tpu.dma_semaphore, #tpu.memory_space<semaphore_mem>>) src(%arg9 : memref<80x128xf32, #tpu.memory_space<vmem>>) dst(%dma_wait3A_54 : memref<10000x128xf32, #tpu.memory_space<vmem_shared>>)
        tpu.yield
      }) : () -> ()
    }
    %scan3A_7 = arith.constant 5 : i32
    %barrier3A_8 = arith.constant 0 : index
    tpu.barrier barrier_id(%barrier3A_8)
    %eq3A_9 = arith.constant 0 : i32
    %eq3A_10 = arith.cmpi eq, %arg1, %eq3A_9 : i32
    %convert_element_type3A_11 = arith.extui %eq3A_10 : i1 to i32
    %cond3A_12 = arith.constant 0 : i32
    %cond3A_13 = arith.cmpi ne, %convert_element_type3A_11, %cond3A_12 : i32
    scf.if %cond3A_13 {
      "tpu.region"() ({
        %run_scoped3A = tpu.sem_alloc : memref<!tpu.dma_semaphore, #tpu.memory_space<semaphore_mem>>
        %dma_start3A = arith.constant 0 : i32
        %dma_start3A_14 = arith.constant 0 : i32
        %dma_start3A_15 = tpu.memref_slice %arg6[%arg0, %dma_start3A, %dma_start3A_14] : memref<2x10000x128xf32, #tpu.memory_space<hbm>> -> memref<1x10000x128xf32, #tpu.memory_space<hbm>>
        %dma_start3A_16 = tpu.memref_squeeze %dma_start3A_15 : memref<1x10000x128xf32, #tpu.memory_space<hbm>> -> memref<10000x128xf32, #tpu.memory_space<hbm>>
        tpu.enqueue_dma source(%arg12 : memref<10000x128xf32, #tpu.memory_space<vmem_shared>>) target(%dma_start3A_16 : memref<10000x128xf32, #tpu.memory_space<hbm>>) target_semaphore(%run_scoped3A : memref<!tpu.dma_semaphore, #tpu.memory_space<semaphore_mem>>)
        %dma_wait3A = arith.constant 0 : i32
        %dma_wait3A_17 = arith.constant 0 : i32
        %dma_wait3A_18 = tpu.memref_slice %arg6[%arg0, %dma_wait3A, %dma_wait3A_17] : memref<2x10000x128xf32, #tpu.memory_space<hbm>> -> memref<1x10000x128xf32, #tpu.memory_space<hbm>>
        %dma_wait3A_19 = tpu.memref_squeeze %dma_wait3A_18 : memref<1x10000x128xf32, #tpu.memory_space<hbm>> -> memref<10000x128xf32, #tpu.memory_space<hbm>>
        tpu.wait_dma2 semaphore(%run_scoped3A : memref<!tpu.dma_semaphore, #tpu.memory_space<semaphore_mem>>) src(%arg12 : memref<10000x128xf32, #tpu.memory_space<vmem_shared>>) dst(%dma_wait3A_19 : memref<10000x128xf32, #tpu.memory_space<hbm>>)
        tpu.yield
      }) : () -> ()
    } else {
    }
    return
  }
}

#map = affine_map<(d0, d1) -> (0, 0, 0)>
#map1 = affine_map<(d0, d1) -> (0, 0)>
module attributes {stable_mosaic.version = 14 : i64} {
  func.func @_deg_kernel(%arg0: i32, %arg1: i32, %arg2: memref<160x25x80xi32, #tpu.memory_space<hbm>>, %arg3: memref<80x128xf32, #tpu.memory_space<hbm>>, %arg4: memref<10000x128xf32, #tpu.memory_space<hbm>>, %arg5: memref<2x10000x128xf32, #tpu.memory_space<hbm>>, %arg6: memref<25x80xi32, #tpu.memory_space<vmem>>, %arg7: memref<80x128xf32, #tpu.memory_space<vmem>>, %arg8: memref<10000x128xf32, #tpu.memory_space<vmem_shared>>, %arg9: memref<!tpu.dma_semaphore, #tpu.memory_space<semaphore_mem>>) attributes {dimension_semantics = [#tpu.dimension_semantics<core_parallel>, #tpu.dimension_semantics<subcore_parallel>], iteration_bounds = array<i64: 2, 16>, scalar_prefetch = 0 : i64, scratch_operands = 4 : i64, tpu.core_type = #tpu.core_type<sc_vector_subcore>, window_params = [{transform_indices = #map}, {transform_indices = #map1}, {transform_indices = #map1}, {transform_indices = #map}]} {
    %mul3A = arith.constant 2 : i32
    %mul3A_0 = arith.muli %arg1, %mul3A : i32
    %add3A = arith.addi %mul3A_0, %arg0 : i32
    %eq3A = arith.constant 0 : i32
    %eq3A_1 = arith.cmpi eq, %arg1, %eq3A : i32
    %convert_element_type3A = arith.extui %eq3A_1 : i1 to i32
    %cond3A = arith.constant 0 : i32
    %cond3A_2 = arith.cmpi ne, %convert_element_type3A, %cond3A : i32
    scf.if %cond3A_2 {
      "tpu.region"() ({
        %run_scoped3A = tpu.sem_alloc : memref<!tpu.dma_semaphore, #tpu.memory_space<semaphore_mem>>
        tpu.enqueue_dma source(%arg4 : memref<10000x128xf32, #tpu.memory_space<hbm>>) target(%arg8 : memref<10000x128xf32, #tpu.memory_space<vmem_shared>>) target_semaphore(%run_scoped3A : memref<!tpu.dma_semaphore, #tpu.memory_space<semaphore_mem>>)
        tpu.wait_dma2 semaphore(%run_scoped3A : memref<!tpu.dma_semaphore, #tpu.memory_space<semaphore_mem>>) src(%arg4 : memref<10000x128xf32, #tpu.memory_space<hbm>>) dst(%arg8 : memref<10000x128xf32, #tpu.memory_space<vmem_shared>>)
        tpu.yield
      }) : () -> ()
    } else {
    }
    "tpu.region"() ({
      %run_scoped3A = tpu.sem_alloc : memref<!tpu.dma_semaphore, #tpu.memory_space<semaphore_mem>>
      tpu.enqueue_dma source(%arg3 : memref<80x128xf32, #tpu.memory_space<hbm>>) target(%arg7 : memref<80x128xf32, #tpu.memory_space<vmem>>) target_semaphore(%run_scoped3A : memref<!tpu.dma_semaphore, #tpu.memory_space<semaphore_mem>>)
      tpu.wait_dma2 semaphore(%run_scoped3A : memref<!tpu.dma_semaphore, #tpu.memory_space<semaphore_mem>>) src(%arg3 : memref<80x128xf32, #tpu.memory_space<hbm>>) dst(%arg7 : memref<80x128xf32, #tpu.memory_space<vmem>>)
      tpu.yield
    }) : () -> ()
    %barrier3A = arith.constant 0 : index
    tpu.barrier barrier_id(%barrier3A)
    %scan3A = arith.constant 0 : i32
    %scan3A_3 = arith.constant 0 : i32
    %scan3A_4 = arith.constant 5 : i32
    %scan3A_5 = arith.addi %scan3A_3, %scan3A_4 : i32
    %scan3A_6 = arith.constant 1 : i32
    scf.for %scan3A_14 = %scan3A_3 to %scan3A_5 step %scan3A_6  : i32 {
      %mul3A_15 = arith.constant 5 : i32
      %mul3A_16 = arith.muli %add3A, %mul3A_15 : i32
      %add3A_17 = arith.addi %mul3A_16, %scan3A_14 : i32
      "tpu.region"() ({
        %run_scoped3A = tpu.sem_alloc : memref<!tpu.dma_semaphore, #tpu.memory_space<semaphore_mem>>
        %dma_start3A = arith.constant 0 : i32
        %dma_start3A_30 = arith.constant 0 : i32
        %dma_start3A_31 = tpu.memref_slice %arg2[%add3A_17, %dma_start3A, %dma_start3A_30] : memref<160x25x80xi32, #tpu.memory_space<hbm>> -> memref<1x25x80xi32, #tpu.memory_space<hbm>>
        %dma_start3A_32 = tpu.memref_squeeze %dma_start3A_31 : memref<1x25x80xi32, #tpu.memory_space<hbm>> -> memref<25x80xi32, #tpu.memory_space<hbm>>
        %dma_start3A_33 = arith.constant 0 : i32
        %dma_start3A_34 = arith.constant 0 : i32
        %dma_start3A_35 = tpu.memref_slice %arg2[%add3A_17, %dma_start3A_33, %dma_start3A_34] : memref<160x25x80xi32, #tpu.memory_space<hbm>> -> memref<1x25x80xi32, #tpu.memory_space<hbm>>
        %dma_start3A_36 = tpu.memref_squeeze %dma_start3A_35 : memref<1x25x80xi32, #tpu.memory_space<hbm>> -> memref<25x80xi32, #tpu.memory_space<hbm>>
        tpu.enqueue_dma source(%dma_start3A_36 : memref<25x80xi32, #tpu.memory_space<hbm>>) target(%arg6 : memref<25x80xi32, #tpu.memory_space<vmem>>) target_semaphore(%run_scoped3A : memref<!tpu.dma_semaphore, #tpu.memory_space<semaphore_mem>>)
        %dma_wait3A = arith.constant 0 : i32
        %dma_wait3A_37 = arith.constant 0 : i32
        %dma_wait3A_38 = tpu.memref_slice %arg2[%add3A_17, %dma_wait3A, %dma_wait3A_37] : memref<160x25x80xi32, #tpu.memory_space<hbm>> -> memref<1x25x80xi32, #tpu.memory_space<hbm>>
        %dma_wait3A_39 = tpu.memref_squeeze %dma_wait3A_38 : memref<1x25x80xi32, #tpu.memory_space<hbm>> -> memref<25x80xi32, #tpu.memory_space<hbm>>
        %dma_wait3A_40 = arith.constant 0 : i32
        %dma_wait3A_41 = arith.constant 0 : i32
        %dma_wait3A_42 = tpu.memref_slice %arg2[%add3A_17, %dma_wait3A_40, %dma_wait3A_41] : memref<160x25x80xi32, #tpu.memory_space<hbm>> -> memref<1x25x80xi32, #tpu.memory_space<hbm>>
        %dma_wait3A_43 = tpu.memref_squeeze %dma_wait3A_42 : memref<1x25x80xi32, #tpu.memory_space<hbm>> -> memref<25x80xi32, #tpu.memory_space<hbm>>
        tpu.wait_dma2 semaphore(%run_scoped3A : memref<!tpu.dma_semaphore, #tpu.memory_space<semaphore_mem>>) src(%dma_wait3A_43 : memref<25x80xi32, #tpu.memory_space<hbm>>) dst(%arg6 : memref<25x80xi32, #tpu.memory_space<vmem>>)
        tpu.yield
      }) : () -> ()
      %scan3A_18 = arith.constant 0 : i32
      %scan3A_19 = arith.constant 0 : i32
      %scan3A_20 = arith.constant 25 : i32
      %scan3A_21 = arith.addi %scan3A_19, %scan3A_20 : i32
      %scan3A_22 = arith.constant 1 : i32
      scf.for %scan3A_30 = %scan3A_19 to %scan3A_21 step %scan3A_22  : i32 {
        %dma_start3A = arith.constant 0 : i32
        %dma_start3A_31 = tpu.memref_slice %arg6[%scan3A_30, %dma_start3A] : memref<25x80xi32, #tpu.memory_space<vmem>> -> memref<1x80xi32, #tpu.memory_space<vmem>>
        %dma_start3A_32 = tpu.memref_squeeze %dma_start3A_31 : memref<1x80xi32, #tpu.memory_space<vmem>> -> memref<80xi32, #tpu.memory_space<vmem>>
        %dma_start3A_33 = arith.constant 0 : i32
        %dma_start3A_34 = arith.constant 0 : i32
        %dma_start3A_35 = tpu.memref_slice %arg8[%dma_start3A_33, %dma_start3A_34] : memref<10000x128xf32, #tpu.memory_space<vmem_shared>> -> memref<10000x128xf32, #tpu.memory_space<vmem_shared>>
        tpu.enqueue_indirect_dma source(%arg7 : memref<80x128xf32, #tpu.memory_space<vmem>>) target(%dma_start3A_35 : memref<10000x128xf32, #tpu.memory_space<vmem_shared>>) offsets(%dma_start3A_32 : memref<80xi32, #tpu.memory_space<vmem>>) semaphore(%arg9 : memref<!tpu.dma_semaphore, #tpu.memory_space<semaphore_mem>>) {add = true}
      }
      %scan3A_23 = arith.constant 25 : i32
      %scan3A_24 = arith.constant 0 : i32
      %scan3A_25 = arith.constant 0 : i32
      %scan3A_26 = arith.constant 25 : i32
      %scan3A_27 = arith.addi %scan3A_25, %scan3A_26 : i32
      %scan3A_28 = arith.constant 1 : i32
      scf.for %scan3A_30 = %scan3A_25 to %scan3A_27 step %scan3A_28  : i32 {
        %dma_wait3A = arith.constant 0 : i32
        %dma_wait3A_31 = arith.constant 0 : i32
        %dma_wait3A_32 = tpu.memref_slice %arg4[%dma_wait3A, %dma_wait3A_31] : memref<10000x128xf32, #tpu.memory_space<hbm>> -> memref<80x128xf32, #tpu.memory_space<hbm>>
        %dma_wait3A_33 = arith.constant 0 : i32
        %dma_wait3A_34 = arith.constant 0 : i32
        %dma_wait3A_35 = tpu.memref_slice %arg4[%dma_wait3A_33, %dma_wait3A_34] : memref<10000x128xf32, #tpu.memory_space<hbm>> -> memref<80x128xf32, #tpu.memory_space<hbm>>
        tpu.wait_dma2 semaphore(%arg9 : memref<!tpu.dma_semaphore, #tpu.memory_space<semaphore_mem>>) src(%dma_wait3A_35 : memref<80x128xf32, #tpu.memory_space<hbm>>) dst(%arg7 : memref<80x128xf32, #tpu.memory_space<vmem>>)
      }
      %scan3A_29 = arith.constant 25 : i32
    }
    %scan3A_7 = arith.constant 5 : i32
    %barrier3A_8 = arith.constant 0 : index
    tpu.barrier barrier_id(%barrier3A_8)
    %eq3A_9 = arith.constant 0 : i32
    %eq3A_10 = arith.cmpi eq, %arg1, %eq3A_9 : i32
    %convert_element_type3A_11 = arith.extui %eq3A_10 : i1 to i32
    %cond3A_12 = arith.constant 0 : i32
    %cond3A_13 = arith.cmpi ne, %convert_element_type3A_11, %cond3A_12 : i32
    scf.if %cond3A_13 {
      "tpu.region"() ({
        %run_scoped3A = tpu.sem_alloc : memref<!tpu.dma_semaphore, #tpu.memory_space<semaphore_mem>>
        %dma_start3A = arith.constant 0 : i32
        %dma_start3A_14 = arith.constant 0 : i32
        %dma_start3A_15 = tpu.memref_slice %arg5[%arg0, %dma_start3A, %dma_start3A_14] : memref<2x10000x128xf32, #tpu.memory_space<hbm>> -> memref<1x10000x128xf32, #tpu.memory_space<hbm>>
        %dma_start3A_16 = tpu.memref_squeeze %dma_start3A_15 : memref<1x10000x128xf32, #tpu.memory_space<hbm>> -> memref<10000x128xf32, #tpu.memory_space<hbm>>
        tpu.enqueue_dma source(%arg8 : memref<10000x128xf32, #tpu.memory_space<vmem_shared>>) target(%dma_start3A_16 : memref<10000x128xf32, #tpu.memory_space<hbm>>) target_semaphore(%run_scoped3A : memref<!tpu.dma_semaphore, #tpu.memory_space<semaphore_mem>>)
        %dma_wait3A = arith.constant 0 : i32
        %dma_wait3A_17 = arith.constant 0 : i32
        %dma_wait3A_18 = tpu.memref_slice %arg5[%arg0, %dma_wait3A, %dma_wait3A_17] : memref<2x10000x128xf32, #tpu.memory_space<hbm>> -> memref<1x10000x128xf32, #tpu.memory_space<hbm>>
        %dma_wait3A_19 = tpu.memref_squeeze %dma_wait3A_18 : memref<1x10000x128xf32, #tpu.memory_space<hbm>> -> memref<10000x128xf32, #tpu.memory_space<hbm>>
        tpu.wait_dma2 semaphore(%run_scoped3A : memref<!tpu.dma_semaphore, #tpu.memory_space<semaphore_mem>>) src(%arg8 : memref<10000x128xf32, #tpu.memory_space<vmem_shared>>) dst(%dma_wait3A_19 : memref<10000x128xf32, #tpu.memory_space<hbm>>)
        tpu.yield
      }) : () -> ()
    } else {
    }
    return
  }
}

#map = affine_map<(d0, d1) -> (0, 0)>
#map1 = affine_map<(d0, d1) -> (0, 0, 0)>
module attributes {stable_mosaic.version = 14 : i64} {
  func.func @prop(%arg0: i32, %arg1: i32, %arg2: memref<10000x128xf32, #tpu.memory_space<hbm>>, %arg3: memref<160x25x80xi32, #tpu.memory_space<hbm>>, %arg4: memref<160x25x80xi32, #tpu.memory_space<hbm>>, %arg5: memref<10000x128xf32, #tpu.memory_space<hbm>>, %arg6: memref<2x10000x128xf32, #tpu.memory_space<hbm>>, %arg7: memref<25x80xi32, #tpu.memory_space<vmem>>, %arg8: memref<25x80xi32, #tpu.memory_space<vmem>>, %arg9: memref<80x128xf32, #tpu.memory_space<vmem>>, %arg10: memref<80x128xf32, #tpu.memory_space<vmem>>, %arg11: memref<80x128xf32, #tpu.memory_space<vmem>>, %arg12: memref<10000x128xf32, #tpu.memory_space<vmem_shared>>, %arg13: memref<!tpu.dma_semaphore, #tpu.memory_space<semaphore_mem>>, %arg14: memref<!tpu.dma_semaphore, #tpu.memory_space<semaphore_mem>>, %arg15: memref<!tpu.dma_semaphore, #tpu.memory_space<semaphore_mem>>) attributes {dimension_semantics = [#tpu.dimension_semantics<core_parallel>, #tpu.dimension_semantics<subcore_parallel>], iteration_bounds = array<i64: 2, 16>, scalar_prefetch = 0 : i64, scratch_operands = 9 : i64, tpu.core_type = #tpu.core_type<sc_vector_subcore>, window_params = [{transform_indices = #map}, {transform_indices = #map1}, {transform_indices = #map1}, {transform_indices = #map}, {transform_indices = #map1}]} {
    %mul3A = arith.constant 2 : i32
    %mul3A_0 = arith.muli %arg1, %mul3A : i32
    %add3A = arith.addi %mul3A_0, %arg0 : i32
    %eq3A = arith.constant 0 : i32
    %eq3A_1 = arith.cmpi eq, %arg1, %eq3A : i32
    %convert_element_type3A = arith.extui %eq3A_1 : i1 to i32
    %cond3A = arith.constant 0 : i32
    %cond3A_2 = arith.cmpi ne, %convert_element_type3A, %cond3A : i32
    scf.if %cond3A_2 {
      "tpu.region"() ({
        %run_scoped3A = tpu.sem_alloc : memref<!tpu.dma_semaphore, #tpu.memory_space<semaphore_mem>>
        tpu.enqueue_dma source(%arg5 : memref<10000x128xf32, #tpu.memory_space<hbm>>) target(%arg12 : memref<10000x128xf32, #tpu.memory_space<vmem_shared>>) target_semaphore(%run_scoped3A : memref<!tpu.dma_semaphore, #tpu.memory_space<semaphore_mem>>)
        tpu.wait_dma2 semaphore(%run_scoped3A : memref<!tpu.dma_semaphore, #tpu.memory_space<semaphore_mem>>) src(%arg5 : memref<10000x128xf32, #tpu.memory_space<hbm>>) dst(%arg12 : memref<10000x128xf32, #tpu.memory_space<vmem_shared>>)
        tpu.yield
      }) : () -> ()
    } else {
    }
    %barrier3A = arith.constant 0 : index
    tpu.barrier barrier_id(%barrier3A)
    %scan3A = arith.constant 0 : i32
    %scan3A_3 = arith.constant 0 : i32
    %scan3A_4 = arith.constant 5 : i32
    %scan3A_5 = arith.addi %scan3A_3, %scan3A_4 : i32
    %scan3A_6 = arith.constant 1 : i32
    scf.for %scan3A_14 = %scan3A_3 to %scan3A_5 step %scan3A_6  : i32 {
      %mul3A_15 = arith.constant 5 : i32
      %mul3A_16 = arith.muli %add3A, %mul3A_15 : i32
      %add3A_17 = arith.addi %mul3A_16, %scan3A_14 : i32
      "tpu.region"() ({
        %run_scoped3A_42 = tpu.sem_alloc : memref<!tpu.dma_semaphore, #tpu.memory_space<semaphore_mem>>
        %dma_start3A_43 = arith.constant 0 : i32
        %dma_start3A_44 = arith.constant 0 : i32
        %dma_start3A_45 = tpu.memref_slice %arg3[%add3A_17, %dma_start3A_43, %dma_start3A_44] : memref<160x25x80xi32, #tpu.memory_space<hbm>> -> memref<1x25x80xi32, #tpu.memory_space<hbm>>
        %dma_start3A_46 = tpu.memref_squeeze %dma_start3A_45 : memref<1x25x80xi32, #tpu.memory_space<hbm>> -> memref<25x80xi32, #tpu.memory_space<hbm>>
        %dma_start3A_47 = arith.constant 0 : i32
        %dma_start3A_48 = arith.constant 0 : i32
        %dma_start3A_49 = tpu.memref_slice %arg3[%add3A_17, %dma_start3A_47, %dma_start3A_48] : memref<160x25x80xi32, #tpu.memory_space<hbm>> -> memref<1x25x80xi32, #tpu.memory_space<hbm>>
        %dma_start3A_50 = tpu.memref_squeeze %dma_start3A_49 : memref<1x25x80xi32, #tpu.memory_space<hbm>> -> memref<25x80xi32, #tpu.memory_space<hbm>>
        tpu.enqueue_dma source(%dma_start3A_50 : memref<25x80xi32, #tpu.memory_space<hbm>>) target(%arg7 : memref<25x80xi32, #tpu.memory_space<vmem>>) target_semaphore(%run_scoped3A_42 : memref<!tpu.dma_semaphore, #tpu.memory_space<semaphore_mem>>)
        %dma_wait3A_51 = arith.constant 0 : i32
        %dma_wait3A_52 = arith.constant 0 : i32
        %dma_wait3A_53 = tpu.memref_slice %arg3[%add3A_17, %dma_wait3A_51, %dma_wait3A_52] : memref<160x25x80xi32, #tpu.memory_space<hbm>> -> memref<1x25x80xi32, #tpu.memory_space<hbm>>
        %dma_wait3A_54 = tpu.memref_squeeze %dma_wait3A_53 : memref<1x25x80xi32, #tpu.memory_space<hbm>> -> memref<25x80xi32, #tpu.memory_space<hbm>>
        %dma_wait3A_55 = arith.constant 0 : i32
        %dma_wait3A_56 = arith.constant 0 : i32
        %dma_wait3A_57 = tpu.memref_slice %arg3[%add3A_17, %dma_wait3A_55, %dma_wait3A_56] : memref<160x25x80xi32, #tpu.memory_space<hbm>> -> memref<1x25x80xi32, #tpu.memory_space<hbm>>
        %dma_wait3A_58 = tpu.memref_squeeze %dma_wait3A_57 : memref<1x25x80xi32, #tpu.memory_space<hbm>> -> memref<25x80xi32, #tpu.memory_space<hbm>>
        tpu.wait_dma2 semaphore(%run_scoped3A_42 : memref<!tpu.dma_semaphore, #tpu.memory_space<semaphore_mem>>) src(%dma_wait3A_58 : memref<25x80xi32, #tpu.memory_space<hbm>>) dst(%arg7 : memref<25x80xi32, #tpu.memory_space<vmem>>)
        tpu.yield
      }) : () -> ()
      "tpu.region"() ({
        %run_scoped3A_42 = tpu.sem_alloc : memref<!tpu.dma_semaphore, #tpu.memory_space<semaphore_mem>>
        %dma_start3A_43 = arith.constant 0 : i32
        %dma_start3A_44 = arith.constant 0 : i32
        %dma_start3A_45 = tpu.memref_slice %arg4[%add3A_17, %dma_start3A_43, %dma_start3A_44] : memref<160x25x80xi32, #tpu.memory_space<hbm>> -> memref<1x25x80xi32, #tpu.memory_space<hbm>>
        %dma_start3A_46 = tpu.memref_squeeze %dma_start3A_45 : memref<1x25x80xi32, #tpu.memory_space<hbm>> -> memref<25x80xi32, #tpu.memory_space<hbm>>
        %dma_start3A_47 = arith.constant 0 : i32
        %dma_start3A_48 = arith.constant 0 : i32
        %dma_start3A_49 = tpu.memref_slice %arg4[%add3A_17, %dma_start3A_47, %dma_start3A_48] : memref<160x25x80xi32, #tpu.memory_space<hbm>> -> memref<1x25x80xi32, #tpu.memory_space<hbm>>
        %dma_start3A_50 = tpu.memref_squeeze %dma_start3A_49 : memref<1x25x80xi32, #tpu.memory_space<hbm>> -> memref<25x80xi32, #tpu.memory_space<hbm>>
        tpu.enqueue_dma source(%dma_start3A_50 : memref<25x80xi32, #tpu.memory_space<hbm>>) target(%arg8 : memref<25x80xi32, #tpu.memory_space<vmem>>) target_semaphore(%run_scoped3A_42 : memref<!tpu.dma_semaphore, #tpu.memory_space<semaphore_mem>>)
        %dma_wait3A_51 = arith.constant 0 : i32
        %dma_wait3A_52 = arith.constant 0 : i32
        %dma_wait3A_53 = tpu.memref_slice %arg4[%add3A_17, %dma_wait3A_51, %dma_wait3A_52] : memref<160x25x80xi32, #tpu.memory_space<hbm>> -> memref<1x25x80xi32, #tpu.memory_space<hbm>>
        %dma_wait3A_54 = tpu.memref_squeeze %dma_wait3A_53 : memref<1x25x80xi32, #tpu.memory_space<hbm>> -> memref<25x80xi32, #tpu.memory_space<hbm>>
        %dma_wait3A_55 = arith.constant 0 : i32
        %dma_wait3A_56 = arith.constant 0 : i32
        %dma_wait3A_57 = tpu.memref_slice %arg4[%add3A_17, %dma_wait3A_55, %dma_wait3A_56] : memref<160x25x80xi32, #tpu.memory_space<hbm>> -> memref<1x25x80xi32, #tpu.memory_space<hbm>>
        %dma_wait3A_58 = tpu.memref_squeeze %dma_wait3A_57 : memref<1x25x80xi32, #tpu.memory_space<hbm>> -> memref<25x80xi32, #tpu.memory_space<hbm>>
        tpu.wait_dma2 semaphore(%run_scoped3A_42 : memref<!tpu.dma_semaphore, #tpu.memory_space<semaphore_mem>>) src(%dma_wait3A_58 : memref<25x80xi32, #tpu.memory_space<hbm>>) dst(%arg8 : memref<25x80xi32, #tpu.memory_space<vmem>>)
        tpu.yield
      }) : () -> ()
      %dma_start3A = arith.constant 0 : i32
      %dma_start3A_18 = arith.constant 0 : i32
      %dma_start3A_19 = tpu.memref_slice %arg7[%dma_start3A, %dma_start3A_18] : memref<25x80xi32, #tpu.memory_space<vmem>> -> memref<1x80xi32, #tpu.memory_space<vmem>>
      %dma_start3A_20 = tpu.memref_squeeze %dma_start3A_19 : memref<1x80xi32, #tpu.memory_space<vmem>> -> memref<80xi32, #tpu.memory_space<vmem>>
      %dma_start3A_21 = arith.constant 0 : i32
      %dma_start3A_22 = arith.constant 0 : i32
      %dma_start3A_23 = tpu.memref_slice %arg2[%dma_start3A_21, %dma_start3A_22] : memref<10000x128xf32, #tpu.memory_space<hbm>> -> memref<10000x128xf32, #tpu.memory_space<hbm>>
      tpu.enqueue_indirect_dma source(%dma_start3A_23 : memref<10000x128xf32, #tpu.memory_space<hbm>>) target(%arg9 : memref<80x128xf32, #tpu.memory_space<vmem>>) offsets(%dma_start3A_20 : memref<80xi32, #tpu.memory_space<vmem>>) semaphore(%arg13 : memref<!tpu.dma_semaphore, #tpu.memory_space<semaphore_mem>>)
      %dma_start3A_24 = arith.constant 1 : i32
      %dma_start3A_25 = arith.constant 0 : i32
      %dma_start3A_26 = tpu.memref_slice %arg7[%dma_start3A_24, %dma_start3A_25] : memref<25x80xi32, #tpu.memory_space<vmem>> -> memref<1x80xi32, #tpu.memory_space<vmem>>
      %dma_start3A_27 = tpu.memref_squeeze %dma_start3A_26 : memref<1x80xi32, #tpu.memory_space<vmem>> -> memref<80xi32, #tpu.memory_space<vmem>>
      %dma_start3A_28 = arith.constant 0 : i32
      %dma_start3A_29 = arith.constant 0 : i32
      %dma_start3A_30 = tpu.memref_slice %arg2[%dma_start3A_28, %dma_start3A_29] : memref<10000x128xf32, #tpu.memory_space<hbm>> -> memref<10000x128xf32, #tpu.memory_space<hbm>>
      tpu.enqueue_indirect_dma source(%dma_start3A_30 : memref<10000x128xf32, #tpu.memory_space<hbm>>) target(%arg10 : memref<80x128xf32, #tpu.memory_space<vmem>>) offsets(%dma_start3A_27 : memref<80xi32, #tpu.memory_space<vmem>>) semaphore(%arg14 : memref<!tpu.dma_semaphore, #tpu.memory_space<semaphore_mem>>)
      %scan3A_31 = arith.constant 0 : i32
      %scan3A_32 = arith.constant 0 : i32
      %scan3A_33 = arith.constant 8 : i32
      %scan3A_34 = arith.addi %scan3A_32, %scan3A_33 : i32
      %scan3A_35 = arith.constant 1 : i32
      scf.for %scan3A_42 = %scan3A_32 to %scan3A_34 step %scan3A_35  : i32 {
        %mul3A_43 = arith.constant 3 : i32
        %mul3A_44 = arith.muli %mul3A_43, %scan3A_42 : i32
        %add3A_45 = arith.constant 2 : i32
        %add3A_46 = arith.addi %mul3A_44, %add3A_45 : i32
        %dma_start3A_47 = arith.constant 0 : i32
        %dma_start3A_48 = tpu.memref_slice %arg7[%add3A_46, %dma_start3A_47] : memref<25x80xi32, #tpu.memory_space<vmem>> -> memref<1x80xi32, #tpu.memory_space<vmem>>
        %dma_start3A_49 = tpu.memref_squeeze %dma_start3A_48 : memref<1x80xi32, #tpu.memory_space<vmem>> -> memref<80xi32, #tpu.memory_space<vmem>>
        %dma_start3A_50 = arith.constant 0 : i32
        %dma_start3A_51 = arith.constant 0 : i32
        %dma_start3A_52 = tpu.memref_slice %arg2[%dma_start3A_50, %dma_start3A_51] : memref<10000x128xf32, #tpu.memory_space<hbm>> -> memref<10000x128xf32, #tpu.memory_space<hbm>>
        tpu.enqueue_indirect_dma source(%dma_start3A_52 : memref<10000x128xf32, #tpu.memory_space<hbm>>) target(%arg11 : memref<80x128xf32, #tpu.memory_space<vmem>>) offsets(%dma_start3A_49 : memref<80xi32, #tpu.memory_space<vmem>>) semaphore(%arg15 : memref<!tpu.dma_semaphore, #tpu.memory_space<semaphore_mem>>)
        %dma_wait3A_53 = arith.constant 0 : i32
        %dma_wait3A_54 = arith.constant 0 : i32
        %dma_wait3A_55 = tpu.memref_slice %arg5[%dma_wait3A_53, %dma_wait3A_54] : memref<10000x128xf32, #tpu.memory_space<hbm>> -> memref<80x128xf32, #tpu.memory_space<hbm>>
        %dma_wait3A_56 = arith.constant 0 : i32
        %dma_wait3A_57 = arith.constant 0 : i32
        %dma_wait3A_58 = tpu.memref_slice %arg5[%dma_wait3A_56, %dma_wait3A_57] : memref<10000x128xf32, #tpu.memory_space<hbm>> -> memref<80x128xf32, #tpu.memory_space<hbm>>
        tpu.wait_dma2 semaphore(%arg13 : memref<!tpu.dma_semaphore, #tpu.memory_space<semaphore_mem>>) src(%dma_wait3A_58 : memref<80x128xf32, #tpu.memory_space<hbm>>) dst(%arg9 : memref<80x128xf32, #tpu.memory_space<vmem>>)
        "tpu.region"() ({
          %run_scoped3A_89 = tpu.sem_alloc : memref<!tpu.dma_semaphore, #tpu.memory_space<semaphore_mem>>
          %dma_start3A_90 = arith.constant 0 : i32
          %dma_start3A_91 = tpu.memref_slice %arg8[%mul3A_44, %dma_start3A_90] : memref<25x80xi32, #tpu.memory_space<vmem>> -> memref<1x80xi32, #tpu.memory_space<vmem>>
          %dma_start3A_92 = tpu.memref_squeeze %dma_start3A_91 : memref<1x80xi32, #tpu.memory_space<vmem>> -> memref<80xi32, #tpu.memory_space<vmem>>
          %dma_start3A_93 = arith.constant 0 : i32
          %dma_start3A_94 = arith.constant 0 : i32
          %dma_start3A_95 = tpu.memref_slice %arg12[%dma_start3A_93, %dma_start3A_94] : memref<10000x128xf32, #tpu.memory_space<vmem_shared>> -> memref<10000x128xf32, #tpu.memory_space<vmem_shared>>
          tpu.enqueue_indirect_dma source(%arg9 : memref<80x128xf32, #tpu.memory_space<vmem>>) target(%dma_start3A_95 : memref<10000x128xf32, #tpu.memory_space<vmem_shared>>) offsets(%dma_start3A_92 : memref<80xi32, #tpu.memory_space<vmem>>) semaphore(%run_scoped3A_89 : memref<!tpu.dma_semaphore, #tpu.memory_space<semaphore_mem>>) {add = true}
          %dma_wait3A_96 = arith.constant 0 : i32
          %dma_wait3A_97 = tpu.memref_slice %arg8[%mul3A_44, %dma_wait3A_96] : memref<25x80xi32, #tpu.memory_space<vmem>> -> memref<1x80xi32, #tpu.memory_space<vmem>>
          %dma_wait3A_98 = tpu.memref_squeeze %dma_wait3A_97 : memref<1x80xi32, #tpu.memory_space<vmem>> -> memref<80xi32, #tpu.memory_space<vmem>>
          %dma_wait3A_99 = arith.constant 0 : i32
          %dma_wait3A_100 = arith.constant 0 : i32
          %dma_wait3A_101 = tpu.memref_slice %arg12[%dma_wait3A_99, %dma_wait3A_100] : memref<10000x128xf32, #tpu.memory_space<vmem_shared>> -> memref<10000x128xf32, #tpu.memory_space<vmem_shared>>
          tpu.wait_indirect_dma semaphore(%run_scoped3A_89 : memref<!tpu.dma_semaphore, #tpu.memory_space<semaphore_mem>>) src(%arg9 : memref<80x128xf32, #tpu.memory_space<vmem>>) dst(%dma_wait3A_101 : memref<10000x128xf32, #tpu.memory_space<vmem_shared>>)
          tpu.yield
        }) : () -> ()
        %add3A_59 = arith.constant 3 : i32
        %add3A_60 = arith.addi %mul3A_44, %add3A_59 : i32
        %dma_start3A_61 = arith.constant 0 : i32
        %dma_start3A_62 = tpu.memref_slice %arg7[%add3A_60, %dma_start3A_61] : memref<25x80xi32, #tpu.memory_space<vmem>> -> memref<1x80xi32, #tpu.memory_space<vmem>>
        %dma_start3A_63 = tpu.memref_squeeze %dma_start3A_62 : memref<1x80xi32, #tpu.memory_space<vmem>> -> memref<80xi32, #tpu.memory_space<vmem>>
        %dma_start3A_64 = arith.constant 0 : i32
        %dma_start3A_65 = arith.constant 0 : i32
        %dma_start3A_66 = tpu.memref_slice %arg2[%dma_start3A_64, %dma_start3A_65] : memref<10000x128xf32, #tpu.memory_space<hbm>> -> memref<10000x128xf32, #tpu.memory_space<hbm>>
        tpu.enqueue_indirect_dma source(%dma_start3A_66 : memref<10000x128xf32, #tpu.memory_space<hbm>>) target(%arg9 : memref<80x128xf32, #tpu.memory_space<vmem>>) offsets(%dma_start3A_63 : memref<80xi32, #tpu.memory_space<vmem>>) semaphore(%arg13 : memref<!tpu.dma_semaphore, #tpu.memory_space<semaphore_mem>>)
        %dma_wait3A_67 = arith.constant 0 : i32
        %dma_wait3A_68 = arith.constant 0 : i32
        %dma_wait3A_69 = tpu.memref_slice %arg5[%dma_wait3A_67, %dma_wait3A_68] : memref<10000x128xf32, #tpu.memory_space<hbm>> -> memref<80x128xf32, #tpu.memory_space<hbm>>
        %dma_wait3A_70 = arith.constant 0 : i32
        %dma_wait3A_71 = arith.constant 0 : i32
        %dma_wait3A_72 = tpu.memref_slice %arg5[%dma_wait3A_70, %dma_wait3A_71] : memref<10000x128xf32, #tpu.memory_space<hbm>> -> memref<80x128xf32, #tpu.memory_space<hbm>>
        tpu.wait_dma2 semaphore(%arg14 : memref<!tpu.dma_semaphore, #tpu.memory_space<semaphore_mem>>) src(%dma_wait3A_72 : memref<80x128xf32, #tpu.memory_space<hbm>>) dst(%arg10 : memref<80x128xf32, #tpu.memory_space<vmem>>)
        %add3A_73 = arith.constant 1 : i32
        %add3A_74 = arith.addi %mul3A_44, %add3A_73 : i32
        "tpu.region"() ({
          %run_scoped3A_89 = tpu.sem_alloc : memref<!tpu.dma_semaphore, #tpu.memory_space<semaphore_mem>>
          %dma_start3A_90 = arith.constant 0 : i32
          %dma_start3A_91 = tpu.memref_slice %arg8[%add3A_74, %dma_start3A_90] : memref<25x80xi32, #tpu.memory_space<vmem>> -> memref<1x80xi32, #tpu.memory_space<vmem>>
          %dma_start3A_92 = tpu.memref_squeeze %dma_start3A_91 : memref<1x80xi32, #tpu.memory_space<vmem>> -> memref<80xi32, #tpu.memory_space<vmem>>
          %dma_start3A_93 = arith.constant 0 : i32
          %dma_start3A_94 = arith.constant 0 : i32
          %dma_start3A_95 = tpu.memref_slice %arg12[%dma_start3A_93, %dma_start3A_94] : memref<10000x128xf32, #tpu.memory_space<vmem_shared>> -> memref<10000x128xf32, #tpu.memory_space<vmem_shared>>
          tpu.enqueue_indirect_dma source(%arg10 : memref<80x128xf32, #tpu.memory_space<vmem>>) target(%dma_start3A_95 : memref<10000x128xf32, #tpu.memory_space<vmem_shared>>) offsets(%dma_start3A_92 : memref<80xi32, #tpu.memory_space<vmem>>) semaphore(%run_scoped3A_89 : memref<!tpu.dma_semaphore, #tpu.memory_space<semaphore_mem>>) {add = true}
          %dma_wait3A_96 = arith.constant 0 : i32
          %dma_wait3A_97 = tpu.memref_slice %arg8[%add3A_74, %dma_wait3A_96] : memref<25x80xi32, #tpu.memory_space<vmem>> -> memref<1x80xi32, #tpu.memory_space<vmem>>
          %dma_wait3A_98 = tpu.memref_squeeze %dma_wait3A_97 : memref<1x80xi32, #tpu.memory_space<vmem>> -> memref<80xi32, #tpu.memory_space<vmem>>
          %dma_wait3A_99 = arith.constant 0 : i32
          %dma_wait3A_100 = arith.constant 0 : i32
          %dma_wait3A_101 = tpu.memref_slice %arg12[%dma_wait3A_99, %dma_wait3A_100] : memref<10000x128xf32, #tpu.memory_space<vmem_shared>> -> memref<10000x128xf32, #tpu.memory_space<vmem_shared>>
          tpu.wait_indirect_dma semaphore(%run_scoped3A_89 : memref<!tpu.dma_semaphore, #tpu.memory_space<semaphore_mem>>) src(%arg10 : memref<80x128xf32, #tpu.memory_space<vmem>>) dst(%dma_wait3A_101 : memref<10000x128xf32, #tpu.memory_space<vmem_shared>>)
          tpu.yield
        }) : () -> ()
        %add3A_75 = arith.constant 4 : i32
        %add3A_76 = arith.addi %mul3A_44, %add3A_75 : i32
        %lt3A = arith.constant 25 : i32
        %lt3A_77 = arith.cmpi slt, %add3A_76, %lt3A : i32
        %convert_element_type3A_78 = arith.extui %lt3A_77 : i1 to i32
        %cond3A_79 = arith.constant 0 : i32
        %cond3A_80 = arith.cmpi ne, %convert_element_type3A_78, %cond3A_79 : i32
        scf.if %cond3A_80 {
          %add3A_89 = arith.constant 4 : i32
          %add3A_90 = arith.addi %mul3A_44, %add3A_89 : i32
          %dma_start3A_91 = arith.constant 0 : i32
          %dma_start3A_92 = tpu.memref_slice %arg7[%add3A_90, %dma_start3A_91] : memref<25x80xi32, #tpu.memory_space<vmem>> -> memref<1x80xi32, #tpu.memory_space<vmem>>
          %dma_start3A_93 = tpu.memref_squeeze %dma_start3A_92 : memref<1x80xi32, #tpu.memory_space<vmem>> -> memref<80xi32, #tpu.memory_space<vmem>>
          %dma_start3A_94 = arith.constant 0 : i32
          %dma_start3A_95 = arith.constant 0 : i32
          %dma_start3A_96 = tpu.memref_slice %arg2[%dma_start3A_94, %dma_start3A_95] : memref<10000x128xf32, #tpu.memory_space<hbm>> -> memref<10000x128xf32, #tpu.memory_space<hbm>>
          tpu.enqueue_indirect_dma source(%dma_start3A_96 : memref<10000x128xf32, #tpu.memory_space<hbm>>) target(%arg10 : memref<80x128xf32, #tpu.memory_space<vmem>>) offsets(%dma_start3A_93 : memref<80xi32, #tpu.memory_space<vmem>>) semaphore(%arg14 : memref<!tpu.dma_semaphore, #tpu.memory_space<semaphore_mem>>)
        } else {
        }
        %dma_wait3A_81 = arith.constant 0 : i32
        %dma_wait3A_82 = arith.constant 0 : i32
        %dma_wait3A_83 = tpu.memref_slice %arg5[%dma_wait3A_81, %dma_wait3A_82] : memref<10000x128xf32, #tpu.memory_space<hbm>> -> memref<80x128xf32, #tpu.memory_space<hbm>>
        %dma_wait3A_84 = arith.constant 0 : i32
        %dma_wait3A_85 = arith.constant 0 : i32
        %dma_wait3A_86 = tpu.memref_slice %arg5[%dma_wait3A_84, %dma_wait3A_85] : memref<10000x128xf32, #tpu.memory_space<hbm>> -> memref<80x128xf32, #tpu.memory_space<hbm>>
        tpu.wait_dma2 semaphore(%arg15 : memref<!tpu.dma_semaphore, #tpu.memory_space<semaphore_mem>>) src(%dma_wait3A_86 : memref<80x128xf32, #tpu.memory_space<hbm>>) dst(%arg11 : memref<80x128xf32, #tpu.memory_space<vmem>>)
        %add3A_87 = arith.constant 2 : i32
        %add3A_88 = arith.addi %mul3A_44, %add3A_87 : i32
        "tpu.region"() ({
          %run_scoped3A_89 = tpu.sem_alloc : memref<!tpu.dma_semaphore, #tpu.memory_space<semaphore_mem>>
          %dma_start3A_90 = arith.constant 0 : i32
          %dma_start3A_91 = tpu.memref_slice %arg8[%add3A_88, %dma_start3A_90] : memref<25x80xi32, #tpu.memory_space<vmem>> -> memref<1x80xi32, #tpu.memory_space<vmem>>
          %dma_start3A_92 = tpu.memref_squeeze %dma_start3A_91 : memref<1x80xi32, #tpu.memory_space<vmem>> -> memref<80xi32, #tpu.memory_space<vmem>>
          %dma_start3A_93 = arith.constant 0 : i32
          %dma_start3A_94 = arith.constant 0 : i32
          %dma_start3A_95 = tpu.memref_slice %arg12[%dma_start3A_93, %dma_start3A_94] : memref<10000x128xf32, #tpu.memory_space<vmem_shared>> -> memref<10000x128xf32, #tpu.memory_space<vmem_shared>>
          tpu.enqueue_indirect_dma source(%arg11 : memref<80x128xf32, #tpu.memory_space<vmem>>) target(%dma_start3A_95 : memref<10000x128xf32, #tpu.memory_space<vmem_shared>>) offsets(%dma_start3A_92 : memref<80xi32, #tpu.memory_space<vmem>>) semaphore(%run_scoped3A_89 : memref<!tpu.dma_semaphore, #tpu.memory_space<semaphore_mem>>) {add = true}
          %dma_wait3A_96 = arith.constant 0 : i32
          %dma_wait3A_97 = tpu.memref_slice %arg8[%add3A_88, %dma_wait3A_96] : memref<25x80xi32, #tpu.memory_space<vmem>> -> memref<1x80xi32, #tpu.memory_space<vmem>>
          %dma_wait3A_98 = tpu.memref_squeeze %dma_wait3A_97 : memref<1x80xi32, #tpu.memory_space<vmem>> -> memref<80xi32, #tpu.memory_space<vmem>>
          %dma_wait3A_99 = arith.constant 0 : i32
          %dma_wait3A_100 = arith.constant 0 : i32
          %dma_wait3A_101 = tpu.memref_slice %arg12[%dma_wait3A_99, %dma_wait3A_100] : memref<10000x128xf32, #tpu.memory_space<vmem_shared>> -> memref<10000x128xf32, #tpu.memory_space<vmem_shared>>
          tpu.wait_indirect_dma semaphore(%run_scoped3A_89 : memref<!tpu.dma_semaphore, #tpu.memory_space<semaphore_mem>>) src(%arg11 : memref<80x128xf32, #tpu.memory_space<vmem>>) dst(%dma_wait3A_101 : memref<10000x128xf32, #tpu.memory_space<vmem_shared>>)
          tpu.yield
        }) : () -> ()
      }
      %scan3A_36 = arith.constant 8 : i32
      %dma_wait3A = arith.constant 0 : i32
      %dma_wait3A_37 = arith.constant 0 : i32
      %dma_wait3A_38 = tpu.memref_slice %arg5[%dma_wait3A, %dma_wait3A_37] : memref<10000x128xf32, #tpu.memory_space<hbm>> -> memref<80x128xf32, #tpu.memory_space<hbm>>
      %dma_wait3A_39 = arith.constant 0 : i32
      %dma_wait3A_40 = arith.constant 0 : i32
      %dma_wait3A_41 = tpu.memref_slice %arg5[%dma_wait3A_39, %dma_wait3A_40] : memref<10000x128xf32, #tpu.memory_space<hbm>> -> memref<80x128xf32, #tpu.memory_space<hbm>>
      tpu.wait_dma2 semaphore(%arg13 : memref<!tpu.dma_semaphore, #tpu.memory_space<semaphore_mem>>) src(%dma_wait3A_41 : memref<80x128xf32, #tpu.memory_space<hbm>>) dst(%arg9 : memref<80x128xf32, #tpu.memory_space<vmem>>)
      %run_scoped3A = arith.constant 24 : i32
      "tpu.region"() ({
        %run_scoped3A_42 = tpu.sem_alloc : memref<!tpu.dma_semaphore, #tpu.memory_space<semaphore_mem>>
        %dma_start3A_43 = arith.constant 0 : i32
        %dma_start3A_44 = tpu.memref_slice %arg8[%run_scoped3A, %dma_start3A_43] : memref<25x80xi32, #tpu.memory_space<vmem>> -> memref<1x80xi32, #tpu.memory_space<vmem>>
        %dma_start3A_45 = tpu.memref_squeeze %dma_start3A_44 : memref<1x80xi32, #tpu.memory_space<vmem>> -> memref<80xi32, #tpu.memory_space<vmem>>
        %dma_start3A_46 = arith.constant 0 : i32
        %dma_start3A_47 = arith.constant 0 : i32
        %dma_start3A_48 = tpu.memref_slice %arg12[%dma_start3A_46, %dma_start3A_47] : memref<10000x128xf32, #tpu.memory_space<vmem_shared>> -> memref<10000x128xf32, #tpu.memory_space<vmem_shared>>
        tpu.enqueue_indirect_dma source(%arg9 : memref<80x128xf32, #tpu.memory_space<vmem>>) target(%dma_start3A_48 : memref<10000x128xf32, #tpu.memory_space<vmem_shared>>) offsets(%dma_start3A_45 : memref<80xi32, #tpu.memory_space<vmem>>) semaphore(%run_scoped3A_42 : memref<!tpu.dma_semaphore, #tpu.memory_space<semaphore_mem>>) {add = true}
        %dma_wait3A_49 = arith.constant 0 : i32
        %dma_wait3A_50 = tpu.memref_slice %arg8[%run_scoped3A, %dma_wait3A_49] : memref<25x80xi32, #tpu.memory_space<vmem>> -> memref<1x80xi32, #tpu.memory_space<vmem>>
        %dma_wait3A_51 = tpu.memref_squeeze %dma_wait3A_50 : memref<1x80xi32, #tpu.memory_space<vmem>> -> memref<80xi32, #tpu.memory_space<vmem>>
        %dma_wait3A_52 = arith.constant 0 : i32
        %dma_wait3A_53 = arith.constant 0 : i32
        %dma_wait3A_54 = tpu.memref_slice %arg12[%dma_wait3A_52, %dma_wait3A_53] : memref<10000x128xf32, #tpu.memory_space<vmem_shared>> -> memref<10000x128xf32, #tpu.memory_space<vmem_shared>>
        tpu.wait_indirect_dma semaphore(%run_scoped3A_42 : memref<!tpu.dma_semaphore, #tpu.memory_space<semaphore_mem>>) src(%arg9 : memref<80x128xf32, #tpu.memory_space<vmem>>) dst(%dma_wait3A_54 : memref<10000x128xf32, #tpu.memory_space<vmem_shared>>)
        tpu.yield
      }) : () -> ()
    }
    %scan3A_7 = arith.constant 5 : i32
    %barrier3A_8 = arith.constant 0 : index
    tpu.barrier barrier_id(%barrier3A_8)
    %eq3A_9 = arith.constant 0 : i32
    %eq3A_10 = arith.cmpi eq, %arg1, %eq3A_9 : i32
    %convert_element_type3A_11 = arith.extui %eq3A_10 : i1 to i32
    %cond3A_12 = arith.constant 0 : i32
    %cond3A_13 = arith.cmpi ne, %convert_element_type3A_11, %cond3A_12 : i32
    scf.if %cond3A_13 {
      "tpu.region"() ({
        %run_scoped3A = tpu.sem_alloc : memref<!tpu.dma_semaphore, #tpu.memory_space<semaphore_mem>>
        %dma_start3A = arith.constant 0 : i32
        %dma_start3A_14 = arith.constant 0 : i32
        %dma_start3A_15 = tpu.memref_slice %arg6[%arg0, %dma_start3A, %dma_start3A_14] : memref<2x10000x128xf32, #tpu.memory_space<hbm>> -> memref<1x10000x128xf32, #tpu.memory_space<hbm>>
        %dma_start3A_16 = tpu.memref_squeeze %dma_start3A_15 : memref<1x10000x128xf32, #tpu.memory_space<hbm>> -> memref<10000x128xf32, #tpu.memory_space<hbm>>
        tpu.enqueue_dma source(%arg12 : memref<10000x128xf32, #tpu.memory_space<vmem_shared>>) target(%dma_start3A_16 : memref<10000x128xf32, #tpu.memory_space<hbm>>) target_semaphore(%run_scoped3A : memref<!tpu.dma_semaphore, #tpu.memory_space<semaphore_mem>>)
        %dma_wait3A = arith.constant 0 : i32
        %dma_wait3A_17 = arith.constant 0 : i32
        %dma_wait3A_18 = tpu.memref_slice %arg6[%arg0, %dma_wait3A, %dma_wait3A_17] : memref<2x10000x128xf32, #tpu.memory_space<hbm>> -> memref<1x10000x128xf32, #tpu.memory_space<hbm>>
        %dma_wait3A_19 = tpu.memref_squeeze %dma_wait3A_18 : memref<1x10000x128xf32, #tpu.memory_space<hbm>> -> memref<10000x128xf32, #tpu.memory_space<hbm>>
        tpu.wait_dma2 semaphore(%run_scoped3A : memref<!tpu.dma_semaphore, #tpu.memory_space<semaphore_mem>>) src(%arg12 : memref<10000x128xf32, #tpu.memory_space<vmem_shared>>) dst(%dma_wait3A_19 : memref<10000x128xf32, #tpu.memory_space<hbm>>)
        tpu.yield
      }) : () -> ()
    } else {
    }
    return
  }
}

module attributes {stable_mosaic.version = 14 : i64} {
  func.func @_tc_first_body(%arg0: i32, %arg1: memref<2000x128xf32, #tpu.memory_space<vmem>>, %arg2: memref<2000x128xf32, #tpu.memory_space<vmem>>, %arg3: memref<2000x128xf32, #tpu.memory_space<vmem>>, %arg4: memref<128x128xf32, #tpu.memory_space<vmem>>, %arg5: memref<2000x128xf32, #tpu.memory_space<vmem>>, %arg6: memref<2000x128xf32, #tpu.memory_space<vmem>>) attributes {dimension_semantics = [#tpu.dimension_semantics<arbitrary>], iteration_bounds = array<i64: 5>, scalar_prefetch = 0 : i64, scratch_operands = 0 : i64, tpu.core_type = #tpu.core_type<tc>, window_params = [{transform_indices = @transform_0, window_bounds = array<i64: 2000, 128>}, {transform_indices = @transform_1, window_bounds = array<i64: 2000, 128>}, {transform_indices = @transform_2, window_bounds = array<i64: 2000, 128>}, {pipeline_mode = #tpu.pipeline_mode<synchronous>, transform_indices = @transform_3, window_bounds = array<i64: 128, 128>}, {transform_indices = @transform_4, window_bounds = array<i64: 2000, 128>}, {transform_indices = @transform_5, window_bounds = array<i64: 2000, 128>}]} {
    %get3A = arith.constant 0 : index
    %get3A_0 = arith.constant 0 : index
    %get3A_1 = vector.load %arg1[%get3A, %get3A_0] : memref<2000x128xf32, #tpu.memory_space<vmem>>, vector<2000x128xf32>
    %get3A_2 = arith.constant 0 : index
    %get3A_3 = arith.constant 0 : index
    %get3A_4 = vector.load %arg2[%get3A_2, %get3A_3] : memref<2000x128xf32, #tpu.memory_space<vmem>>, vector<2000x128xf32>
    %slice3A = vector.extract_strided_slice %get3A_1 {offsets = [0, 0], sizes = [2000, 1], strides = [1, 1]} : vector<2000x128xf32> to vector<2000x1xf32>
    %slice3A_5 = vector.extract_strided_slice %get3A_4 {offsets = [0, 0], sizes = [2000, 1], strides = [1, 1]} : vector<2000x128xf32> to vector<2000x1xf32>
    %add3A = arith.addf %slice3A, %slice3A_5 : vector<2000x1xf32>
    %add3A_6 = arith.constant 1.000000e+00 : f32
    %add3A_7 = vector.broadcast %add3A_6 : f32 to vector<2000x1xf32>
    %add3A_8 = arith.addf %add3A, %add3A_7 : vector<2000x1xf32>
    %rsqrt3A = math.rsqrt %add3A_8 : vector<2000x1xf32>
    %get3A_9 = arith.constant 0 : index
    %get3A_10 = arith.constant 0 : index
    %get3A_11 = vector.load %arg3[%get3A_9, %get3A_10] : memref<2000x128xf32, #tpu.memory_space<vmem>>, vector<2000x128xf32>
    %get3A_12 = arith.constant 0 : index
    %get3A_13 = arith.constant 0 : index
    %get3A_14 = vector.load %arg4[%get3A_12, %get3A_13] : memref<128x128xf32, #tpu.memory_space<vmem>>, vector<128x128xf32>
    %dot_general3A = arith.constant dense<0.000000e+00> : vector<2000x128xf32>
    %dot_general3A_15 = tpu.matmul %get3A_11, %get3A_14, %dot_general3A {dimension_numbers = #tpu.dot_dimension_numbers<[1], [0], [0], [1], [0, 0, 1, 1], [], []>, transpose_lhs_hint = false} : vector<2000x128xf32>, vector<128x128xf32>, vector<2000x128xf32> -> vector<2000x128xf32>
    %swap3A = arith.constant 0 : index
    %swap3A_16 = arith.constant 0 : index
    %swap3A_17 = vector.load %arg5[%swap3A, %swap3A_16] : memref<2000x128xf32, #tpu.memory_space<vmem>>, vector<2000x128xf32>
    tpu.vector_store %arg5[%swap3A, %swap3A_16], %dot_general3A_15 {strides = array<i32>} : memref<2000x128xf32, #tpu.memory_space<vmem>>, vector<2000x128xf32>,
    %mul3A = vector.broadcast %rsqrt3A : vector<2000x1xf32> to vector<2000x128xf32>
    %mul3A_18 = arith.mulf %dot_general3A_15, %mul3A : vector<2000x128xf32>
    %swap3A_19 = arith.constant 0 : index
    %swap3A_20 = arith.constant 0 : index
    %swap3A_21 = vector.load %arg6[%swap3A_19, %swap3A_20] : memref<2000x128xf32, #tpu.memory_space<vmem>>, vector<2000x128xf32>
    tpu.vector_store %arg6[%swap3A_19, %swap3A_20], %mul3A_18 {strides = array<i32>} : memref<2000x128xf32, #tpu.memory_space<vmem>>, vector<2000x128xf32>,
    return
  }
  func.func @transform_0(%arg0: i32) -> (i32, i32) {
    %c0_i32 = arith.constant 0 : i32
    %c0_i32_0 = arith.constant 0 : i32
    return %arg0, %c0_i32 : i32, i32
  }
  func.func @transform_1(%arg0: i32) -> (i32, i32) {
    %c0_i32 = arith.constant 0 : i32
    %c0_i32_0 = arith.constant 0 : i32
    return %arg0, %c0_i32 : i32, i32
  }
  func.func @transform_2(%arg0: i32) -> (i32, i32) {
    %c0_i32 = arith.constant 0 : i32
    %c0_i32_0 = arith.constant 0 : i32
    return %arg0, %c0_i32 : i32, i32
  }
  func.func @transform_3(%arg0: i32) -> (i32, i32) {
    %c0_i32 = arith.constant 0 : i32
    %c0_i32_0 = arith.constant 0 : i32
    %c0_i32_1 = arith.constant 0 : i32
    return %c0_i32, %c0_i32_0 : i32, i32
  }
  func.func @transform_4(%arg0: i32) -> (i32, i32) {
    %c0_i32 = arith.constant 0 : i32
    %c0_i32_0 = arith.constant 0 : i32
    return %arg0, %c0_i32 : i32, i32
  }
  func.func @transform_5(%arg0: i32) -> (i32, i32) {
    %c0_i32 = arith.constant 0 : i32
    %c0_i32_0 = arith.constant 0 : i32
    return %arg0, %c0_i32 : i32, i32
  }
}

module attributes {stable_mosaic.version = 14 : i64} {
  func.func @_tc_mid_body(%arg0: i32, %arg1: memref<2000x128xf32, #tpu.memory_space<vmem>>, %arg2: memref<2000x128xf32, #tpu.memory_space<vmem>>, %arg3: memref<2000x128xf32, #tpu.memory_space<vmem>>, %arg4: memref<2000x128xf32, #tpu.memory_space<vmem>>, %arg5: memref<2000x128xf32, #tpu.memory_space<vmem>>, %arg6: memref<1x128xf32, #tpu.memory_space<vmem>>, %arg7: memref<128x128xf32, #tpu.memory_space<vmem>>, %arg8: memref<2000x128xf32, #tpu.memory_space<vmem>>, %arg9: memref<2000x128xf32, #tpu.memory_space<vmem>>) attributes {dimension_semantics = [#tpu.dimension_semantics<arbitrary>], iteration_bounds = array<i64: 5>, scalar_prefetch = 0 : i64, scratch_operands = 0 : i64, tpu.core_type = #tpu.core_type<tc>, window_params = [{transform_indices = @transform_0, window_bounds = array<i64: 2000, 128>}, {transform_indices = @transform_1, window_bounds = array<i64: 2000, 128>}, {transform_indices = @transform_2, window_bounds = array<i64: 2000, 128>}, {transform_indices = @transform_3, window_bounds = array<i64: 2000, 128>}, {transform_indices = @transform_4, window_bounds = array<i64: 2000, 128>}, {pipeline_mode = #tpu.pipeline_mode<synchronous>, transform_indices = @transform_5, window_bounds = array<i64: 1, 128>}, {pipeline_mode = #tpu.pipeline_mode<synchronous>, transform_indices = @transform_6, window_bounds = array<i64: 128, 128>}, {transform_indices = @transform_7, window_bounds = array<i64: 2000, 128>}, {transform_indices = @transform_8, window_bounds = array<i64: 2000, 128>}]} {
    %get3A = arith.constant 0 : index
    %get3A_0 = arith.constant 0 : index
    %get3A_1 = vector.load %arg1[%get3A, %get3A_0] : memref<2000x128xf32, #tpu.memory_space<vmem>>, vector<2000x128xf32>
    %get3A_2 = arith.constant 0 : index
    %get3A_3 = arith.constant 0 : index
    %get3A_4 = vector.load %arg2[%get3A_2, %get3A_3] : memref<2000x128xf32, #tpu.memory_space<vmem>>, vector<2000x128xf32>
    %slice3A = vector.extract_strided_slice %get3A_1 {offsets = [0, 0], sizes = [2000, 1], strides = [1, 1]} : vector<2000x128xf32> to vector<2000x1xf32>
    %slice3A_5 = vector.extract_strided_slice %get3A_4 {offsets = [0, 0], sizes = [2000, 1], strides = [1, 1]} : vector<2000x128xf32> to vector<2000x1xf32>
    %add3A = arith.addf %slice3A, %slice3A_5 : vector<2000x1xf32>
    %add3A_6 = arith.constant 1.000000e+00 : f32
    %add3A_7 = vector.broadcast %add3A_6 : f32 to vector<2000x1xf32>
    %add3A_8 = arith.addf %add3A, %add3A_7 : vector<2000x1xf32>
    %rsqrt3A = math.rsqrt %add3A_8 : vector<2000x1xf32>
    %get3A_9 = arith.constant 0 : index
    %get3A_10 = arith.constant 0 : index
    %get3A_11 = vector.load %arg5[%get3A_9, %get3A_10] : memref<2000x128xf32, #tpu.memory_space<vmem>>, vector<2000x128xf32>
    %get3A_12 = arith.constant 0 : index
    %get3A_13 = arith.constant 0 : index
    %get3A_14 = vector.load %arg3[%get3A_12, %get3A_13] : memref<2000x128xf32, #tpu.memory_space<vmem>>, vector<2000x128xf32>
    %get3A_15 = arith.constant 0 : index
    %get3A_16 = arith.constant 0 : index
    %get3A_17 = vector.load %arg4[%get3A_15, %get3A_16] : memref<2000x128xf32, #tpu.memory_space<vmem>>, vector<2000x128xf32>
    %add3A_18 = arith.addf %get3A_14, %get3A_17 : vector<2000x128xf32>
    %mul3A = vector.broadcast %rsqrt3A : vector<2000x1xf32> to vector<2000x128xf32>
    %mul3A_19 = arith.mulf %mul3A, %add3A_18 : vector<2000x128xf32>
    %mul3A_20 = arith.mulf %rsqrt3A, %rsqrt3A : vector<2000x1xf32>
    %mul3A_21 = vector.broadcast %mul3A_20 : vector<2000x1xf32> to vector<2000x128xf32>
    %mul3A_22 = arith.mulf %mul3A_21, %get3A_11 : vector<2000x128xf32>
    %add3A_23 = arith.addf %mul3A_19, %mul3A_22 : vector<2000x128xf32>
    %get3A_24 = arith.constant 0 : index
    %get3A_25 = arith.constant 0 : index
    %get3A_26 = vector.load %arg6[%get3A_24, %get3A_25] : memref<1x128xf32, #tpu.memory_space<vmem>>, vector<1x128xf32>
    %add3A_27 = vector.broadcast %get3A_26 : vector<1x128xf32> to vector<2000x128xf32>
    %add3A_28 = arith.addf %add3A_23, %add3A_27 : vector<2000x128xf32>
    %max3A = arith.constant 0.000000e+00 : f32
    %max3A_29 = vector.broadcast %max3A : f32 to vector<2000x128xf32>
    %max3A_30 = arith.maximumf %add3A_28, %max3A_29 : vector<2000x128xf32>
    %get3A_31 = arith.constant 0 : index
    %get3A_32 = arith.constant 0 : index
    %get3A_33 = vector.load %arg7[%get3A_31, %get3A_32] : memref<128x128xf32, #tpu.memory_space<vmem>>, vector<128x128xf32>
    %dot_general3A = arith.constant dense<0.000000e+00> : vector<2000x128xf32>
    %dot_general3A_34 = tpu.matmul %max3A_30, %get3A_33, %dot_general3A {dimension_numbers = #tpu.dot_dimension_numbers<[1], [0], [0], [1], [0, 0, 1, 1], [], []>, transpose_lhs_hint = false} : vector<2000x128xf32>, vector<128x128xf32>, vector<2000x128xf32> -> vector<2000x128xf32>
    %swap3A = arith.constant 0 : index
    %swap3A_35 = arith.constant 0 : index
    %swap3A_36 = vector.load %arg8[%swap3A, %swap3A_35] : memref<2000x128xf32, #tpu.memory_space<vmem>>, vector<2000x128xf32>
    tpu.vector_store %arg8[%swap3A, %swap3A_35], %dot_general3A_34 {strides = array<i32>} : memref<2000x128xf32, #tpu.memory_space<vmem>>, vector<2000x128xf32>,
    %mul3A_37 = vector.broadcast %rsqrt3A : vector<2000x1xf32> to vector<2000x128xf32>
    %mul3A_38 = arith.mulf %dot_general3A_34, %mul3A_37 : vector<2000x128xf32>
    %swap3A_39 = arith.constant 0 : index
    %swap3A_40 = arith.constant 0 : index
    %swap3A_41 = vector.load %arg9[%swap3A_39, %swap3A_40] : memref<2000x128xf32, #tpu.memory_space<vmem>>, vector<2000x128xf32>
    tpu.vector_store %arg9[%swap3A_39, %swap3A_40], %mul3A_38 {strides = array<i32>} : memref<2000x128xf32, #tpu.memory_space<vmem>>, vector<2000x128xf32>,
    return
  }
  func.func @transform_0(%arg0: i32) -> (i32, i32) {
    %c0_i32 = arith.constant 0 : i32
    %c0_i32_0 = arith.constant 0 : i32
    return %arg0, %c0_i32 : i32, i32
  }
  func.func @transform_1(%arg0: i32) -> (i32, i32) {
    %c0_i32 = arith.constant 0 : i32
    %c0_i32_0 = arith.constant 0 : i32
    return %arg0, %c0_i32 : i32, i32
  }
  func.func @transform_2(%arg0: i32) -> (i32, i32) {
    %c0_i32 = arith.constant 0 : i32
    %c0_i32_0 = arith.constant 0 : i32
    return %arg0, %c0_i32 : i32, i32
  }
  func.func @transform_3(%arg0: i32) -> (i32, i32) {
    %c0_i32 = arith.constant 0 : i32
    %c0_i32_0 = arith.constant 0 : i32
    return %arg0, %c0_i32 : i32, i32
  }
  func.func @transform_4(%arg0: i32) -> (i32, i32) {
    %c0_i32 = arith.constant 0 : i32
    %c0_i32_0 = arith.constant 0 : i32
    return %arg0, %c0_i32 : i32, i32
  }
  func.func @transform_5(%arg0: i32) -> (i32, i32) {
    %c0_i32 = arith.constant 0 : i32
    %c0_i32_0 = arith.constant 0 : i32
    %c0_i32_1 = arith.constant 0 : i32
    return %c0_i32, %c0_i32_0 : i32, i32
  }
  func.func @transform_6(%arg0: i32) -> (i32, i32) {
    %c0_i32 = arith.constant 0 : i32
    %c0_i32_0 = arith.constant 0 : i32
    %c0_i32_1 = arith.constant 0 : i32
    return %c0_i32, %c0_i32_0 : i32, i32
  }
  func.func @transform_7(%arg0: i32) -> (i32, i32) {
    %c0_i32 = arith.constant 0 : i32
    %c0_i32_0 = arith.constant 0 : i32
    return %arg0, %c0_i32 : i32, i32
  }
  func.func @transform_8(%arg0: i32) -> (i32, i32) {
    %c0_i32 = arith.constant 0 : i32
    %c0_i32_0 = arith.constant 0 : i32
    return %arg0, %c0_i32 : i32, i32
  }
}

module attributes {stable_mosaic.version = 14 : i64} {
  func.func @_tc_mid_body(%arg0: i32, %arg1: memref<2000x128xf32, #tpu.memory_space<vmem>>, %arg2: memref<2000x128xf32, #tpu.memory_space<vmem>>, %arg3: memref<2000x128xf32, #tpu.memory_space<vmem>>, %arg4: memref<2000x128xf32, #tpu.memory_space<vmem>>, %arg5: memref<2000x128xf32, #tpu.memory_space<vmem>>, %arg6: memref<1x128xf32, #tpu.memory_space<vmem>>, %arg7: memref<128x64xf32, #tpu.memory_space<vmem>>, %arg8: memref<2000x64xf32, #tpu.memory_space<vmem>>, %arg9: memref<2000x128xf32, #tpu.memory_space<vmem>>) attributes {dimension_semantics = [#tpu.dimension_semantics<arbitrary>], iteration_bounds = array<i64: 5>, scalar_prefetch = 0 : i64, scratch_operands = 0 : i64, tpu.core_type = #tpu.core_type<tc>, window_params = [{transform_indices = @transform_0, window_bounds = array<i64: 2000, 128>}, {transform_indices = @transform_1, window_bounds = array<i64: 2000, 128>}, {transform_indices = @transform_2, window_bounds = array<i64: 2000, 128>}, {transform_indices = @transform_3, window_bounds = array<i64: 2000, 128>}, {transform_indices = @transform_4, window_bounds = array<i64: 2000, 128>}, {pipeline_mode = #tpu.pipeline_mode<synchronous>, transform_indices = @transform_5, window_bounds = array<i64: 1, 128>}, {pipeline_mode = #tpu.pipeline_mode<synchronous>, transform_indices = @transform_6, window_bounds = array<i64: 128, 64>}, {transform_indices = @transform_7, window_bounds = array<i64: 2000, 64>}, {transform_indices = @transform_8, window_bounds = array<i64: 2000, 128>}]} {
    %get3A = arith.constant 0 : index
    %get3A_0 = arith.constant 0 : index
    %get3A_1 = vector.load %arg1[%get3A, %get3A_0] : memref<2000x128xf32, #tpu.memory_space<vmem>>, vector<2000x128xf32>
    %get3A_2 = arith.constant 0 : index
    %get3A_3 = arith.constant 0 : index
    %get3A_4 = vector.load %arg2[%get3A_2, %get3A_3] : memref<2000x128xf32, #tpu.memory_space<vmem>>, vector<2000x128xf32>
    %slice3A = vector.extract_strided_slice %get3A_1 {offsets = [0, 0], sizes = [2000, 1], strides = [1, 1]} : vector<2000x128xf32> to vector<2000x1xf32>
    %slice3A_5 = vector.extract_strided_slice %get3A_4 {offsets = [0, 0], sizes = [2000, 1], strides = [1, 1]} : vector<2000x128xf32> to vector<2000x1xf32>
    %add3A = arith.addf %slice3A, %slice3A_5 : vector<2000x1xf32>
    %add3A_6 = arith.constant 1.000000e+00 : f32
    %add3A_7 = vector.broadcast %add3A_6 : f32 to vector<2000x1xf32>
    %add3A_8 = arith.addf %add3A, %add3A_7 : vector<2000x1xf32>
    %rsqrt3A = math.rsqrt %add3A_8 : vector<2000x1xf32>
    %get3A_9 = arith.constant 0 : index
    %get3A_10 = arith.constant 0 : index
    %get3A_11 = vector.load %arg5[%get3A_9, %get3A_10] : memref<2000x128xf32, #tpu.memory_space<vmem>>, vector<2000x128xf32>
    %get3A_12 = arith.constant 0 : index
    %get3A_13 = arith.constant 0 : index
    %get3A_14 = vector.load %arg3[%get3A_12, %get3A_13] : memref<2000x128xf32, #tpu.memory_space<vmem>>, vector<2000x128xf32>
    %get3A_15 = arith.constant 0 : index
    %get3A_16 = arith.constant 0 : index
    %get3A_17 = vector.load %arg4[%get3A_15, %get3A_16] : memref<2000x128xf32, #tpu.memory_space<vmem>>, vector<2000x128xf32>
    %add3A_18 = arith.addf %get3A_14, %get3A_17 : vector<2000x128xf32>
    %mul3A = vector.broadcast %rsqrt3A : vector<2000x1xf32> to vector<2000x128xf32>
    %mul3A_19 = arith.mulf %mul3A, %add3A_18 : vector<2000x128xf32>
    %mul3A_20 = arith.mulf %rsqrt3A, %rsqrt3A : vector<2000x1xf32>
    %mul3A_21 = vector.broadcast %mul3A_20 : vector<2000x1xf32> to vector<2000x128xf32>
    %mul3A_22 = arith.mulf %mul3A_21, %get3A_11 : vector<2000x128xf32>
    %add3A_23 = arith.addf %mul3A_19, %mul3A_22 : vector<2000x128xf32>
    %get3A_24 = arith.constant 0 : index
    %get3A_25 = arith.constant 0 : index
    %get3A_26 = vector.load %arg6[%get3A_24, %get3A_25] : memref<1x128xf32, #tpu.memory_space<vmem>>, vector<1x128xf32>
    %add3A_27 = vector.broadcast %get3A_26 : vector<1x128xf32> to vector<2000x128xf32>
    %add3A_28 = arith.addf %add3A_23, %add3A_27 : vector<2000x128xf32>
    %max3A = arith.constant 0.000000e+00 : f32
    %max3A_29 = vector.broadcast %max3A : f32 to vector<2000x128xf32>
    %max3A_30 = arith.maximumf %add3A_28, %max3A_29 : vector<2000x128xf32>
    %get3A_31 = arith.constant 0 : index
    %get3A_32 = arith.constant 0 : index
    %get3A_33 = vector.load %arg7[%get3A_31, %get3A_32] : memref<128x64xf32, #tpu.memory_space<vmem>>, vector<128x64xf32>
    %dot_general3A = arith.constant dense<0.000000e+00> : vector<2000x64xf32>
    %dot_general3A_34 = tpu.matmul %max3A_30, %get3A_33, %dot_general3A {dimension_numbers = #tpu.dot_dimension_numbers<[1], [0], [0], [1], [0, 0, 1, 1], [], []>, transpose_lhs_hint = false} : vector<2000x128xf32>, vector<128x64xf32>, vector<2000x64xf32> -> vector<2000x64xf32>
    %swap3A = arith.constant 0 : index
    %swap3A_35 = arith.constant 0 : index
    %swap3A_36 = vector.load %arg8[%swap3A, %swap3A_35] : memref<2000x64xf32, #tpu.memory_space<vmem>>, vector<2000x64xf32>
    tpu.vector_store %arg8[%swap3A, %swap3A_35], %dot_general3A_34 {strides = array<i32>} : memref<2000x64xf32, #tpu.memory_space<vmem>>, vector<2000x64xf32>,
    %mul3A_37 = vector.broadcast %rsqrt3A : vector<2000x1xf32> to vector<2000x64xf32>
    %mul3A_38 = arith.mulf %dot_general3A_34, %mul3A_37 : vector<2000x64xf32>
    %broadcast_in_dim3A = arith.constant 0.000000e+00 : f32
    %broadcast_in_dim3A_39 = vector.broadcast %broadcast_in_dim3A : f32 to vector<2000x64xf32>
    %concatenate3A = tpu.concatenate %mul3A_38, %broadcast_in_dim3A_39 in 1 : vector<2000x64xf32>, vector<2000x64xf32> -> vector<2000x128xf32>
    %swap3A_40 = arith.constant 0 : index
    %swap3A_41 = arith.constant 0 : index
    %swap3A_42 = vector.load %arg9[%swap3A_40, %swap3A_41] : memref<2000x128xf32, #tpu.memory_space<vmem>>, vector<2000x128xf32>
    tpu.vector_store %arg9[%swap3A_40, %swap3A_41], %concatenate3A {strides = array<i32>} : memref<2000x128xf32, #tpu.memory_space<vmem>>, vector<2000x128xf32>,
    return
  }
  func.func @transform_0(%arg0: i32) -> (i32, i32) {
    %c0_i32 = arith.constant 0 : i32
    %c0_i32_0 = arith.constant 0 : i32
    return %arg0, %c0_i32 : i32, i32
  }
  func.func @transform_1(%arg0: i32) -> (i32, i32) {
    %c0_i32 = arith.constant 0 : i32
    %c0_i32_0 = arith.constant 0 : i32
    return %arg0, %c0_i32 : i32, i32
  }
  func.func @transform_2(%arg0: i32) -> (i32, i32) {
    %c0_i32 = arith.constant 0 : i32
    %c0_i32_0 = arith.constant 0 : i32
    return %arg0, %c0_i32 : i32, i32
  }
  func.func @transform_3(%arg0: i32) -> (i32, i32) {
    %c0_i32 = arith.constant 0 : i32
    %c0_i32_0 = arith.constant 0 : i32
    return %arg0, %c0_i32 : i32, i32
  }
  func.func @transform_4(%arg0: i32) -> (i32, i32) {
    %c0_i32 = arith.constant 0 : i32
    %c0_i32_0 = arith.constant 0 : i32
    return %arg0, %c0_i32 : i32, i32
  }
  func.func @transform_5(%arg0: i32) -> (i32, i32) {
    %c0_i32 = arith.constant 0 : i32
    %c0_i32_0 = arith.constant 0 : i32
    %c0_i32_1 = arith.constant 0 : i32
    return %c0_i32, %c0_i32_0 : i32, i32
  }
  func.func @transform_6(%arg0: i32) -> (i32, i32) {
    %c0_i32 = arith.constant 0 : i32
    %c0_i32_0 = arith.constant 0 : i32
    %c0_i32_1 = arith.constant 0 : i32
    return %c0_i32, %c0_i32_0 : i32, i32
  }
  func.func @transform_7(%arg0: i32) -> (i32, i32) {
    %c0_i32 = arith.constant 0 : i32
    %c0_i32_0 = arith.constant 0 : i32
    return %arg0, %c0_i32 : i32, i32
  }
  func.func @transform_8(%arg0: i32) -> (i32, i32) {
    %c0_i32 = arith.constant 0 : i32
    %c0_i32_0 = arith.constant 0 : i32
    return %arg0, %c0_i32 : i32, i32
  }
}

module attributes {stable_mosaic.version = 14 : i64} {
  func.func @_tc_last_body(%arg0: i32, %arg1: memref<2000x128xf32, #tpu.memory_space<vmem>>, %arg2: memref<2000x128xf32, #tpu.memory_space<vmem>>, %arg3: memref<2000x64xf32, #tpu.memory_space<vmem>>, %arg4: memref<2000x64xf32, #tpu.memory_space<vmem>>, %arg5: memref<2000x64xf32, #tpu.memory_space<vmem>>, %arg6: memref<1x64xf32, #tpu.memory_space<vmem>>, %arg7: memref<2000x64xf32, #tpu.memory_space<vmem>>) attributes {dimension_semantics = [#tpu.dimension_semantics<arbitrary>], iteration_bounds = array<i64: 5>, scalar_prefetch = 0 : i64, scratch_operands = 0 : i64, tpu.core_type = #tpu.core_type<tc>, window_params = [{transform_indices = @transform_0, window_bounds = array<i64: 2000, 128>}, {transform_indices = @transform_1, window_bounds = array<i64: 2000, 128>}, {transform_indices = @transform_2, window_bounds = array<i64: 2000, 64>}, {transform_indices = @transform_3, window_bounds = array<i64: 2000, 64>}, {transform_indices = @transform_4, window_bounds = array<i64: 2000, 64>}, {pipeline_mode = #tpu.pipeline_mode<synchronous>, transform_indices = @transform_5, window_bounds = array<i64: 1, 64>}, {transform_indices = @transform_6, window_bounds = array<i64: 2000, 64>}]} {
    %get3A = arith.constant 0 : index
    %get3A_0 = arith.constant 0 : index
    %get3A_1 = vector.load %arg1[%get3A, %get3A_0] : memref<2000x128xf32, #tpu.memory_space<vmem>>, vector<2000x128xf32>
    %get3A_2 = arith.constant 0 : index
    %get3A_3 = arith.constant 0 : index
    %get3A_4 = vector.load %arg2[%get3A_2, %get3A_3] : memref<2000x128xf32, #tpu.memory_space<vmem>>, vector<2000x128xf32>
    %slice3A = vector.extract_strided_slice %get3A_1 {offsets = [0, 0], sizes = [2000, 1], strides = [1, 1]} : vector<2000x128xf32> to vector<2000x1xf32>
    %slice3A_5 = vector.extract_strided_slice %get3A_4 {offsets = [0, 0], sizes = [2000, 1], strides = [1, 1]} : vector<2000x128xf32> to vector<2000x1xf32>
    %add3A = arith.addf %slice3A, %slice3A_5 : vector<2000x1xf32>
    %add3A_6 = arith.constant 1.000000e+00 : f32
    %add3A_7 = vector.broadcast %add3A_6 : f32 to vector<2000x1xf32>
    %add3A_8 = arith.addf %add3A, %add3A_7 : vector<2000x1xf32>
    %rsqrt3A = math.rsqrt %add3A_8 : vector<2000x1xf32>
    %get3A_9 = arith.constant 0 : index
    %get3A_10 = arith.constant 0 : index
    %get3A_11 = vector.load %arg3[%get3A_9, %get3A_10] : memref<2000x64xf32, #tpu.memory_space<vmem>>, vector<2000x64xf32>
    %get3A_12 = arith.constant 0 : index
    %get3A_13 = arith.constant 0 : index
    %get3A_14 = vector.load %arg4[%get3A_12, %get3A_13] : memref<2000x64xf32, #tpu.memory_space<vmem>>, vector<2000x64xf32>
    %add3A_15 = arith.addf %get3A_11, %get3A_14 : vector<2000x64xf32>
    %mul3A = vector.broadcast %rsqrt3A : vector<2000x1xf32> to vector<2000x64xf32>
    %mul3A_16 = arith.mulf %mul3A, %add3A_15 : vector<2000x64xf32>
    %mul3A_17 = arith.mulf %rsqrt3A, %rsqrt3A : vector<2000x1xf32>
    %get3A_18 = arith.constant 0 : index
    %get3A_19 = arith.constant 0 : index
    %get3A_20 = vector.load %arg5[%get3A_18, %get3A_19] : memref<2000x64xf32, #tpu.memory_space<vmem>>, vector<2000x64xf32>
    %mul3A_21 = vector.broadcast %mul3A_17 : vector<2000x1xf32> to vector<2000x64xf32>
    %mul3A_22 = arith.mulf %mul3A_21, %get3A_20 : vector<2000x64xf32>
    %add3A_23 = arith.addf %mul3A_16, %mul3A_22 : vector<2000x64xf32>
    %get3A_24 = arith.constant 0 : index
    %get3A_25 = arith.constant 0 : index
    %get3A_26 = vector.load %arg6[%get3A_24, %get3A_25] : memref<1x64xf32, #tpu.memory_space<vmem>>, vector<1x64xf32>
    %add3A_27 = vector.broadcast %get3A_26 : vector<1x64xf32> to vector<2000x64xf32>
    %add3A_28 = arith.addf %add3A_23, %add3A_27 : vector<2000x64xf32>
    %reduce_max3A = arith.constant dense<0xFF800000> : vector<2000xf32>
    %reduce_max3A_29 = vector.multi_reduction <maximumf>, %add3A_28, %reduce_max3A [1] : vector<2000x64xf32> to vector<2000xf32>
    %broadcast_in_dim3A = vector.shape_cast %reduce_max3A_29 : vector<2000xf32> to vector<2000x1xf32>
    %sub3A = vector.broadcast %broadcast_in_dim3A : vector<2000x1xf32> to vector<2000x64xf32>
    %sub3A_30 = arith.subf %add3A_28, %sub3A : vector<2000x64xf32>
    %exp3A = math.exp %sub3A_30 : vector<2000x64xf32>
    %reduce_sum3A = arith.constant dense<0.000000e+00> : vector<2000xf32>
    %reduce_sum3A_31 = vector.multi_reduction <add>, %exp3A, %reduce_sum3A [1] : vector<2000x64xf32> to vector<2000xf32>
    %broadcast_in_dim3A_32 = vector.shape_cast %reduce_sum3A_31 : vector<2000xf32> to vector<2000x1xf32>
    %log3A = math.log %broadcast_in_dim3A_32 : vector<2000x1xf32>
    %sub3A_33 = vector.broadcast %log3A : vector<2000x1xf32> to vector<2000x64xf32>
    %sub3A_34 = arith.subf %sub3A_30, %sub3A_33 : vector<2000x64xf32>
    %swap3A = arith.constant 0 : index
    %swap3A_35 = arith.constant 0 : index
    %swap3A_36 = vector.load %arg7[%swap3A, %swap3A_35] : memref<2000x64xf32, #tpu.memory_space<vmem>>, vector<2000x64xf32>
    tpu.vector_store %arg7[%swap3A, %swap3A_35], %sub3A_34 {strides = array<i32>} : memref<2000x64xf32, #tpu.memory_space<vmem>>, vector<2000x64xf32>,
    return
  }
  func.func @transform_0(%arg0: i32) -> (i32, i32) {
    %c0_i32 = arith.constant 0 : i32
    %c0_i32_0 = arith.constant 0 : i32
    return %arg0, %c0_i32 : i32, i32
  }
  func.func @transform_1(%arg0: i32) -> (i32, i32) {
    %c0_i32 = arith.constant 0 : i32
    %c0_i32_0 = arith.constant 0 : i32
    return %arg0, %c0_i32 : i32, i32
  }
  func.func @transform_2(%arg0: i32) -> (i32, i32) {
    %c0_i32 = arith.constant 0 : i32
    %c0_i32_0 = arith.constant 0 : i32
    return %arg0, %c0_i32 : i32, i32
  }
  func.func @transform_3(%arg0: i32) -> (i32, i32) {
    %c0_i32 = arith.constant 0 : i32
    %c0_i32_0 = arith.constant 0 : i32
    return %arg0, %c0_i32 : i32, i32
  }
  func.func @transform_4(%arg0: i32) -> (i32, i32) {
    %c0_i32 = arith.constant 0 : i32
    %c0_i32_0 = arith.constant 0 : i32
    return %arg0, %c0_i32 : i32, i32
  }
  func.func @transform_5(%arg0: i32) -> (i32, i32) {
    %c0_i32 = arith.constant 0 : i32
    %c0_i32_0 = arith.constant 0 : i32
    %c0_i32_1 = arith.constant 0 : i32
    return %c0_i32, %c0_i32_0 : i32, i32
  }
  func.func @transform_6(%arg0: i32) -> (i32, i32) {
    %c0_i32 = arith.constant 0 : i32
    %c0_i32_0 = arith.constant 0 : i32
    return %arg0, %c0_i32 : i32, i32
  }
}

</mosaic_0001>

<sc_bundles>
// kernel: kernel.10.cloned.1.call-start
scs
__scs_entry_jumppad:
0x0: {  	(pc) =	sbr.rel $0x88, $3  }
0x1: {  	(tag) =	ssettag $0x0;
	lr =	simm.s32 $0x1  }
0x2: {  	[smem:$0x3F99] =	sst lr;
	_ =	strace $0xD0000000  }
0x3: {  	_ = 	snop  }
0x4: {  	_ = 	snop  }
0x5: {  	_ = 	snop  }
0x6: {  	_ = 	snop  }
0x7: {  	_ = 	snop  }
__scs_overlays_trampoline_lowered:
0x8: {  	[smem:$0x3FA8] =	sst s0  }
0x9: {  	[smem:$0x3FA9] =	sst s1  }
0xa: {  	[smem:$0x3FAA] =	sst s2  }
0xb: {  	[smem:$0x3FAB] =	sst s3  }
0xc: {  	[smem:$0x3FAC] =	sst s4  }
0xd: {  	[smem:$0x3FAD] =	sst s5  }
0xe: {  	[smem:$0x3FAE] =	sst s6  }
0xf: {  	[smem:$0x3FAF] =	sst s7  }
0x10: {  	[smem:$0x3FB0] =	sst s8  }
0x11: {  	[smem:$0x3FB1] =	sst s9;
	s0 =	simm.s32 @!p0 $0x0  }
0x12: {  	s1 =	sld [smem:$0x3F97];
	s0 =	simm.s32 @p0 $0x1  }
0x13: {  	[smem:$0x3FB2] =	sst s0;
	s0 =	simm.s32 @!p1 $0x0  }
0x14: {  	s2 =	sld [smem:$0x3F96];
	s0 =	simm.s32 @p1 $0x1  }
0x15: {  	[smem:$0x3FB3] =	sst s0;
	s0 =	simm.s32 @!p2 $0x0  }
0x16: {  	s3 =	sld [smem:$0x3FDB];
	s0 =	simm.s32 @p2 $0x1  }
0x17: {  	s4 =	simm.s32 $0x1BF5;
	[smem:$0x3FB5] =	sst s0  }
0x18: {  	s0 =	sld [smem:$0x3F98];
	_ =	swait.ge [sflag:s4], $0x0  }
0x19: {  	s7 =	sld [smem:$0x3F99]  }
0x1a: {  	s8 =	sadd.s32 $0xFFFFE003, lr  }
0x1b: {  	s9 =	sadd.s32 $0xFFFFFEF7, lr;
	s5 =	simm.s32 $0xFFFFFFFF;
	p2 =	slt.u32 s8, $0xFFFFF086  }
0x1c: {  	p1 =	slt.u32 s9, $0xF7A;
	s5 =	simm.s32 @!p2 $0x0  }
0x1d: {  	s5 =	simm.s32 @p1 $0x1;
	p0 =	seq.s32 s7, s2  }
0x1e: {  	s7 =	smul.u32 @!p0 $0xF7A, s2;
	p2 =	seq.s32 @!p0 s5, $0x0  }
0x1f: {  	s9 =	smul.u32 $0xF7A, s1;
	s8 =	simm.s32 @!p0 $0x1BF5;
	p2 =	por !p2, p0  }
0x20: {  	[sflag:s8] =	ssyncset.s32 @!p0 $0xFFFFF086;
	s6 =	sadd.s32 @!p0 s3, s7;
	s7 =	simm.s32 @!p0 $0x108  }
0x21: {  	s3 =	sadd.s32 s3, s9;
	s6 =	sadd.s32 @!p0 $0x88, s6;
	s7 =	simm.s32 @p2 $0x1082  }
0x22: {  	[simem:s7], [sflag:s8] =	dma.local @!p0 [hbm:s6], $0xF7A  }
0x23: {  	s9 =	sor.u32 $0xD0000000, s2;
	s6 =	simm.s32 $0x108;
	_ =	swait.ge @!p0 [sflag:s8], $0x0  }
0x24: {  	s3 =	sadd.s32 $0x88, s3;
	s6 =	simm.s32 @!p1 $0x1082;
	[sflag:s4] =	ssyncset.s32 $0xFFFFF086  }
0x25: {  	[simem:s6], [sflag:s4] =	dma.local [hbm:s3], $0xF7A  }
0x26: {  	[smem:$0x3F99] =	sst s1;
	(tag) =	ssettag s2;
	_ =	strace s9  }
0x27: {  	s1 =	sld [smem:$0x3FA9]  }
0x28: {  	s2 =	sld [smem:$0x3FAA]  }
0x29: {  	s4 =	sld [smem:$0x3FAC]  }
0x2a: {  	p0 =	seq.s32 s5, $0x0;
	s5 =	sld [smem:$0x3FAD]  }
0x2b: {  	s6 =	sld [smem:$0x3FAE]  }
0x2c: {  	s7 =	sld [smem:$0x3FAF]  }
0x2d: {  	s3 =	simm.s32 $0x108;
	s8 =	sld [smem:$0x3FB0]  }
0x2e: {  	s3 =	simm.s32 @!p0 $0x1082;
	s9 =	sld [smem:$0x3FB1]  }
0x2f: {  	lr =	sadd.s32 s0, s3;
	s0 =	sld [smem:$0x3FA8]  }
0x30: {  	s3 =	sld [smem:$0x3FAB]  }
0x31: {  	[smem:$0x3FB4] =	sst s10  }
0x32: {  	s10 =	sld [smem:$0x3FB2];
	_ =	sdelay $0x3  }
0x33: {  	p0 =	seq.s32 s10, $0x1;
	s10 =	sld [smem:$0x3FB4];
	_ =	sdelay $0x3  }
0x34: {  	[smem:$0x3FB4] =	sst s10  }
0x35: {  	s10 =	sld [smem:$0x3FB3];
	_ =	sdelay $0x3  }
0x36: {  	p1 =	seq.s32 s10, $0x1;
	s10 =	sld [smem:$0x3FB4];
	_ =	sdelay $0x3  }
0x37: {  	[smem:$0x3FB4] =	sst s10  }
0x38: {  	s10 =	sld [smem:$0x3FB5]  }
0x39: {  	_ = 	snop;
	(pc) =	sbr.ind lr, $3  }
0x3a: {  	_ = 	snop  }
0x3b: {  	_ = 	snop  }
0x3c: {  	p2 =	seq.s32 s10, $0x1;
	s10 =	sld [smem:$0x3FB4]  }
0x3d: {  	_ =	shalt  }
0x3e: {  	_ =	shalt  }
0x3f: {  	_ =	shalt  }
0x40: {  	_ =	shalt  }
0x41: {  	_ =	shalt  }
0x42: {  	_ =	shalt  }
0x43: {  	_ =	shalt  }
0x44: {  	_ =	shalt  }
0x45: {  	_ =	shalt  }
0x46: {  	_ =	shalt  }
0x47: {  	_ =	shalt  }
0x48: {  	_ =	shalt  }
0x49: {  	_ =	shalt  }
0x4a: {  	_ =	shalt  }
0x4b: {  	_ =	shalt  }
0x4c: {  	_ =	shalt  }
0x4d: {  	_ =	shalt  }
0x4e: {  	_ =	shalt  }
0x4f: {  	_ =	shalt  }
0x50: {  	_ =	shalt  }
0x51: {  	_ =	shalt  }
0x52: {  	_ =	shalt  }
0x53: {  	_ =	shalt  }
0x54: {  	_ =	shalt  }
0x55: {  	_ =	shalt  }
0x56: {  	_ =	shalt  }
0x57: {  	_ =	shalt  }
0x58: {  	_ =	shalt  }
0x59: {  	_ =	shalt  }
0x5a: {  	_ =	shalt  }
0x5b: {  	_ =	shalt  }
0x5c: {  	_ =	shalt  }
0x5d: {  	_ =	shalt  }
0x5e: {  	_ =	shalt  }
0x5f: {  	_ =	shalt  }
0x60: {  	_ =	shalt  }
0x61: {  	_ =	shalt  }
0x62: {  	_ =	shalt  }
0x63: {  	_ =	shalt  }
0x64: {  	_ =	shalt  }
0x65: {  	_ =	shalt  }
0x66: {  	_ =	shalt  }
0x67: {  	_ =	shalt  }
0x68: {  	_ =	shalt  }
0x69: {  	_ =	shalt  }
0x6a: {  	_ =	shalt  }
0x6b: {  	_ =	shalt  }
0x6c: {  	_ =	shalt  }
0x6d: {  	_ =	shalt  }
0x6e: {  	_ =	shalt  }
0x6f: {  	_ =	shalt  }
0x70: {  	_ =	shalt  }
0x71: {  	_ =	shalt  }
0x72: {  	_ =	shalt  }
0x73: {  	_ =	shalt  }
0x74: {  	_ =	shalt  }
0x75: {  	_ =	shalt  }
0x76: {  	_ =	shalt  }
0x77: {  	_ =	shalt  }
0x78: {  	_ =	shalt  }
0x79: {  	_ =	shalt  }
0x7a: {  	_ =	shalt  }
0x7b: {  	_ =	shalt  }
0x7c: {  	_ =	shalt  }
0x7d: {  	_ =	shalt  }
0x7e: {  	_ =	shalt  }
0x7f: {  	_ =	shalt  }
0x80: {  	_ =	shalt  }
0x81: {  	_ =	shalt  }
0x82: {  	_ =	shalt  }
0x83: {  	_ =	shalt  }
0x84: {  	_ =	shalt  }
0x85: {  	_ =	shalt  }
0x86: {  	_ =	shalt  }
0x87: {  	_ =	shalt  }
.Lfunc_end0:
.L_simem_size_0:
called_computation_lowered:
.L_overlay_start_0:
0x88: {  	s2 =	sld [smem:$0x3FD9]  }
0x89: {  	s3 =	sld [smem:$0x3FFE];
	_ =	sdelay $0x1  }
0x8a: {  	s1 =	srdreg.scid  }
0x8b: {  	s0 =	sand.u32 $0x1, s1  }
0x8c: {  	s17 =	sshll.u32 s0, $0xA;
	s2 =	sadd.s32 s3, s2  }
0x8d: {  	s2 =	sadd.s32 s2, s17  }
0x8e: {  	[smem:$0x3FC0] =	sst s2  }
0x8f: {  	_ = 	snop  }
0x90: {  	s2 =	sld [smem:$0x3FD0];
	(tm) =	ssettm $0x1  }
0x91: {  	s18 =	sld [smem:$0x3FFB];
	_ =	sdelay $0x3  }
0x92: {  	_ =	strace s18  }
0x93: {  	s3 =	sld [smem:$0x3FFC];
	_ =	sdelay $0x3  }
0x94: {  	_ =	strace s3  }
0x95: {  	s3 =	sld [smem:$0x3FFD];
	_ =	sdelay $0x3  }
0x96: {  	_ =	strace s3  }
0x97: {  	_ =	strace $0x8FFFFFFF  }
0x98: {  	s19 =	sld [smem:$0x3FDB];
	_ =	sdelay $0x1  }
0x99: {  	s4 =	simm.s32 $_scs_section_size  }
0x9a: {  	s5 =	simm.s32 $_size__tile_overlayer_lowered;
	s6 =	simm.s32 $_tile_overlayer_lowered  }
0x9b: {  	s22 =	simm.s32 $0x1BFF;
	s21 =	sshll.u32 s6, $0x1;
	s3 =	sadd.s32 s4, s19  }
0x9c: {  	s7 =	simm.s32 $0x0;
	s20 =	sshll.u32 s5, $0x1;
	s5 =	sadd.s32 s21, s3  }
0x9d: {  	[timem:s7], [sflag:s22] =	dma.local [hbm:s5], s20  }
0x9e: {  	_ =	swait.ge [sflag:s22], s20  }
0x9f: {  	s4 =	ssub.s32 $0x0, s20;
	[sflag:s22] =	ssyncset.done $0x0  }
0xa0: {  	[sflag:s22] =	ssyncadd.s32 s4;
	_ =	sdelay $0x1  }
0xa1: {  	s23 =	simm.s32 $0x1B8B  }
0xa2: {  	_ =	swait.ge [sflag:s23], $0x1  }
0xa3: {  	[sflag:s23] =	ssyncset.done $0x0  }
0xa4: {  	s25 =	simm.s32 $0x1B8E;
	s24 =	sld [smem:$0x3FFE];
	[sflag:s23] =	ssyncadd.s32 $0xFFFFFFFF  }
0xa5: {  	s26 =	simm.s32 $execute0_lowered;
	[smem:$0x3FD2] =	sst s25  }
0xa6: {  	s5 =	sshll.u32 s26, $0x1;
	_ =	strace $0x80000046;
	[dreg:$0x1] =	wrdreg $0xFFFFFFFF  }
0xa7: {  	s28 =	simm.s32 $_size_execute0_lowered;
	s3 =	sadd.s32 s3, s5;
	[dreg:$0x0] =	wrdreg $0x0  }
0xa8: {  	s5 =	sshll.u32 s28, $0x1;
	[dreg:$0x2] =	wrdreg s3  }
0xa9: {  	[dreg:$0x3] =	wrdreg s5  }
0xaa: {  	[dreg:$0x4] =	wrdreg $0xC0  }
0xab: {  	_ =	task [dreg:s7], $0x5FFFF  }
0xac: {  	[dreg:$0x1] =	wrdreg $0xFFFFFFFF  }
0xad: {  	[dreg:$0x0] =	wrdreg $0x60  }
0xae: {  	[dreg:$0x2] =	wrdreg s24  }
0xaf: {  	[dreg:$0x3] =	wrdreg s2  }
0xb0: {  	[dreg:$0x4] =	wrdreg $0x38000  }
0xb1: {  	[dreg:$0x5] =	wrdreg $0x9  }
0xb2: {  	_ =	task.clear_ibuf [dreg:s7], $0x6FFFF;
	_ =	strace $0x90000046  }
0xb3: {  	s29 =	simm.s32 $0x9;
	_ =	strace $0x80000048  }
0xb4: {  	_ =	swait.ge [sflag:s29], $0x1  }
0xb5: {  	[sflag:s29] =	ssyncadd.s32 $0xFFFFFFFF  }
0xb6: {  	_ =	strace $0x90000048  }
0xb7: {  	_ =	sfence  }
0xb8: {  	s30 =	sld [smem:$0x0];
	_ =	sdelay $0x2  }
0xb9: {  	s31 =	sshll.u32 s1, $0xD;
	s1 =	sshrl.u32 s1, $0x2  }
0xba: {  	s3 =	sand.u32 $0x4000, s31;
	s1 =	sadd.s32 s1, s30  }
0xbb: {  	s0 =	sor.u32 s3, s0;
	s1 =	sshll.u32 s1, $0x11  }
0xbc: {  	s0 =	sor.u32 s1, s0  }
0xbd: {  	s0 =	sadd.s32 $0x8F2B, s0  }
0xbe: {  	[sflag:s0] =	ssyncadd.remote.s32 $0x1  }
0xbf: {  	_ =	sfence.sel $0xFFFF  }
0xc0: {  	[dreg:$0x0] =	wrdreg $0xFFFFFFFF;
	(pc) =	sbr.abs _section_cstart, $3  }
0xc1: {  	[dreg:$0x1] =	wrdreg $0xFFFFFFFF  }
0xc2: {  	_ =	task.clear_ibuf [dreg:s7], $0x2FFFF;
	_ =	strace $0x9FFFFFFF  }
0xc3: {  	(tm) =	ssettm $0x7FFFFFFF  }
tec
execute0_lowered:
.L_overlay_start_1:
0x0: {  	(tag) =	ssettag $0x1  }
0x1: {  	s0 =	rddreg [dreg:$0x0]  }
0x2: {  	s2 =	rddreg [dreg:$0x2];
	s3 =	simm.s32 $0x0;
	s1 =	stileid.u32  }
0x3: {  	s4 =	srdreg.scid;
	s25 =	simm.s32 $0x80;
	s26 =	simm.s32 $0x100  }
0x4: {  	s9 =	simm.s32 $0x2;
	s10 =	simm.s32 $0x50;
	s12 =	simm.s32 $0x200  }
0x5: {  	s13 =	simm.s32 $0x280;
	s14 =	simm.s32 $0x300;
	s15 =	simm.s32 $0x380  }
0x6: {  	s16 =	simm.s32 $0x400;
	s17 =	simm.s32 $0x480;
	s18 =	simm.s32 $0x500  }
0x7: {  	s19 =	simm.s32 $0x580;
	s20 =	simm.s32 $0x600;
	s21 =	simm.s32 $0x680  }
0x8: {  	s28 =	simm.s32 $0x980;
	s29 =	simm.s32 $0xA00;
	s30 =	simm.s32 $0xA80  }
0x9: {  	s31 =	simm.s32 $0xB00;
	s11 =	simm.s32 $0x0;
	[smem:$0x7FF] =	sst s3  }
0xa: {  	s5 =	smul.u32 $0x1400, s1;
	s4 =	sand.u32 $0x1, s4;
	s8 =	sadd.s32 $0x16E00, s0  }
0xb: {  	p0 =	sne.s32 s1, $0x0;
	s1 =	simm.s32 $0xC00;
	_ =	strace $0x80000047  }
0xc: {  	s6 =	smul.u32 $0x27100, s4;
	s7 =	ssub.s32 $0x2, s4;
	[dreg:$0x7] =	wrdreg s8  }
0xd: {  	s4 =	smul.u32 $0xA00, s4;
	s8 =	simm.s32 $0x1000;
	[dreg:$0x5] =	wrdreg s25  }
0xe: {  	[dreg:$0x6] =	wrdreg s26;
	s25 =	simm.s32 $0x880;
	s26 =	simm.s32 $0x900  }
0xf: {  	s5 =	sadd.s32 s5, s0;
	s22 =	sshrl.u32 s7, $0x1;
	s0 =	sadd.s32 s6, s0  }
0x10: {  	s6 =	ssub.s32 s7, s22;
	s23 =	sadd.s32 s4, s5;
	s7 =	sshrl.u32 @!p0 s2, $0x3  }
0x11: {  	s22 =	simm.s32 $0x700;
	s0 =	sadd.s32 $0x3E000, s0;
	[dreg:$0xa] =	wrdreg s7  }
0x12: {  	s4 =	simm.s32 $0x1;
	s24 =	smax.u32 s6, $0x1;
	[dreg:$0x8] =	wrdreg s0  }
0x13: {  	[dreg:$0x9] =	wrdreg s24;
	s0 =	sadd.s32 $0x2E00, s23;
	s23 =	simm.s32 $0x780  }
0x14: {  	s24 =	simm.s32 $0x800;
	[dreg:$0x4] =	wrdreg s0;
	s0 =	simm.s32 $0xB80  }
.LBB2_1:
0x15: {  	[dreg:$0xb] =	wrdreg s11  }
0x16: {  	s5 =	simm.s32 @!p0 $0x1C02;
	s6 =	rddreg [dreg:$0x7]  }
0x17: {  	[spmem:s7], [sflag:s5] =	dma.local @!p0 [hbm:s6], $0x27100  }
0x18: {  	s5 =	simm.s32 @!p0 $0x2  }
0x19: {  	_ =	swait.ge @!p0 [sflag:s5], $0x27100  }
0x1a: {  	[sflag:s5] =	ssyncset.done @!p0 $0x0  }
0x1b: {  	[sflag:s5] =	ssyncadd.s32 @!p0 $0xFFFD8F00  }
0x1c: {  	s5 =	rddreg [dreg:$0x1]  }
0x1d: {  	[tilespmem:s8], [sflag:$0x2] =	stream.linear.gather [hbm4b:s5+s3], $0x2800, $0x38;
	[tilespmem:$0x17080] =	vst v63  }
0x1e: {  	_ =	swait.ge [sflag:s9], $0x2800  }
0x1f: {  	[sflag:s9] =	ssyncset.done $0x0  }
0x20: {  	[sflag:s9] =	ssyncadd.s32 $0xFFFFD800  }
0x21: {  	[bflag:$0x0] =	sbarrier.arrive $0xFFFF  }
0x22: {  	s11 =	rddreg [dreg:$0x4]  }
0x23: {  	s5 =	sadd.s32 $0x0, s11  }
0x24: {  	[tilespmem:s3], [sflag:$0x2] =	stream.linear.gather [hbm4b:s5+s3], $0xC80, $0x38;
	[tilespmem:$0x17080] =	vst v63  }
0x25: {  	_ =	swait.ge [sflag:s9], $0xC80  }
0x26: {  	[sflag:s9] =	ssyncset.done $0x0  }
0x27: {  	[sflag:s9] =	ssyncadd.s32 $0xFFFFF380  }
0x28: {  	[spmem:s2] =	stream.indirect.scatter.add.f32 [tilespmem:s8], [sflag:$0x1], $0x80, s3, s10, $0xb8;
	[tilespmem:$0x17080] =	vst v63  }
0x29: {  	s6 =	rddreg [dreg:$0x5]  }
0x2a: {  	[spmem:s2] =	stream.indirect.scatter.add.f32 [tilespmem:s8], [sflag:$0x1], $0x80, s6, s10, $0xb8;
	[tilespmem:$0x17080] =	vst v63  }
0x2b: {  	s7 =	rddreg [dreg:$0x6]  }
0x2c: {  	[spmem:s2] =	stream.indirect.scatter.add.f32 [tilespmem:s8], [sflag:$0x1], $0x80, s7, s10, $0xb8;
	[tilespmem:$0x17080] =	vst v63  }
0x2d: {  	s11 =	simm.s32 $0x180  }
0x2e: {  	[spmem:s2] =	stream.indirect.scatter.add.f32 [tilespmem:s8], [sflag:$0x1], $0x80, s11, s10, $0xb8;
	[tilespmem:$0x17080] =	vst v63  }
0x2f: {  	_ = 	snop  }
0x30: {  	[spmem:s2] =	stream.indirect.scatter.add.f32 [tilespmem:s8], [sflag:$0x1], $0x80, s12, s10, $0xb8;
	[tilespmem:$0x17080] =	vst v63  }
0x31: {  	_ = 	snop  }
0x32: {  	[spmem:s2] =	stream.indirect.scatter.add.f32 [tilespmem:s8], [sflag:$0x1], $0x80, s13, s10, $0xb8;
	[tilespmem:$0x17080] =	vst v63  }
0x33: {  	_ = 	snop  }
0x34: {  	[spmem:s2] =	stream.indirect.scatter.add.f32 [tilespmem:s8], [sflag:$0x1], $0x80, s14, s10, $0xb8;
	[tilespmem:$0x17080] =	vst v63  }
0x35: {  	_ = 	snop  }
0x36: {  	[spmem:s2] =	stream.indirect.scatter.add.f32 [tilespmem:s8], [sflag:$0x1], $0x80, s15, s10, $0xb8;
	[tilespmem:$0x17080] =	vst v63  }
0x37: {  	_ = 	snop  }
0x38: {  	[spmem:s2] =	stream.indirect.scatter.add.f32 [tilespmem:s8], [sflag:$0x1], $0x80, s16, s10, $0xb8;
	[tilespmem:$0x17080] =	vst v63  }
0x39: {  	_ = 	snop  }
0x3a: {  	[spmem:s2] =	stream.indirect.scatter.add.f32 [tilespmem:s8], [sflag:$0x1], $0x80, s17, s10, $0xb8;
	[tilespmem:$0x17080] =	vst v63  }
0x3b: {  	_ = 	snop  }
0x3c: {  	[spmem:s2] =	stream.indirect.scatter.add.f32 [tilespmem:s8], [sflag:$0x1], $0x80, s18, s10, $0xb8;
	[tilespmem:$0x17080] =	vst v63  }
0x3d: {  	_ = 	snop  }
0x3e: {  	[spmem:s2] =	stream.indirect.scatter.add.f32 [tilespmem:s8], [sflag:$0x1], $0x80, s19, s10, $0xb8;
	[tilespmem:$0x17080] =	vst v63  }
0x3f: {  	_ = 	snop  }
0x40: {  	[spmem:s2] =	stream.indirect.scatter.add.f32 [tilespmem:s8], [sflag:$0x1], $0x80, s20, s10, $0xb8;
	[tilespmem:$0x17080] =	vst v63  }
0x41: {  	_ = 	snop  }
0x42: {  	[spmem:s2] =	stream.indirect.scatter.add.f32 [tilespmem:s8], [sflag:$0x1], $0x80, s21, s10, $0xb8;
	[tilespmem:$0x17080] =	vst v63  }
0x43: {  	_ = 	snop  }
0x44: {  	[spmem:s2] =	stream.indirect.scatter.add.f32 [tilespmem:s8], [sflag:$0x1], $0x80, s22, s10, $0xb8;
	[tilespmem:$0x17080] =	vst v63  }
0x45: {  	_ = 	snop  }
0x46: {  	[spmem:s2] =	stream.indirect.scatter.add.f32 [tilespmem:s8], [sflag:$0x1], $0x80, s23, s10, $0xb8;
	[tilespmem:$0x17080] =	vst v63  }
0x47: {  	_ = 	snop  }
0x48: {  	[spmem:s2] =	stream.indirect.scatter.add.f32 [tilespmem:s8], [sflag:$0x1], $0x80, s24, s10, $0xb8;
	[tilespmem:$0x17080] =	vst v63  }
0x49: {  	_ = 	snop  }
0x4a: {  	[spmem:s2] =	stream.indirect.scatter.add.f32 [tilespmem:s8], [sflag:$0x1], $0x80, s25, s10, $0xb8;
	[tilespmem:$0x17080] =	vst v63  }
0x4b: {  	_ = 	snop  }
0x4c: {  	[spmem:s2] =	stream.indirect.scatter.add.f32 [tilespmem:s8], [sflag:$0x1], $0x80, s26, s10, $0xb8;
	[tilespmem:$0x17080] =	vst v63  }
0x4d: {  	_ = 	snop  }
0x4e: {  	[spmem:s2] =	stream.indirect.scatter.add.f32 [tilespmem:s8], [sflag:$0x1], $0x80, s28, s10, $0xb8;
	[tilespmem:$0x17080] =	vst v63  }
0x4f: {  	_ = 	snop  }
0x50: {  	[spmem:s2] =	stream.indirect.scatter.add.f32 [tilespmem:s8], [sflag:$0x1], $0x80, s29, s10, $0xb8;
	[tilespmem:$0x17080] =	vst v63  }
0x51: {  	_ = 	snop  }
0x52: {  	[spmem:s2] =	stream.indirect.scatter.add.f32 [tilespmem:s8], [sflag:$0x1], $0x80, s30, s10, $0xb8;
	[tilespmem:$0x17080] =	vst v63  }
0x53: {  	_ = 	snop  }
0x54: {  	[spmem:s2] =	stream.indirect.scatter.add.f32 [tilespmem:s8], [sflag:$0x1], $0x80, s31, s10, $0xb8;
	[tilespmem:$0x17080] =	vst v63  }
0x55: {  	_ = 	snop  }
0x56: {  	[spmem:s2] =	stream.indirect.scatter.add.f32 [tilespmem:s8], [sflag:$0x1], $0x80, s0, s10, $0xb8;
	[tilespmem:$0x17080] =	vst v63  }
0x57: {  	_ = 	snop  }
0x58: {  	[spmem:s2] =	stream.indirect.scatter.add.f32 [tilespmem:s8], [sflag:$0x1], $0x80, s1, s10, $0xb8;
	[tilespmem:$0x17080] =	vst v63  }
0x59: {  	_ =	swait.ge [sflag:s4], $0x2800  }
0x5a: {  	[sflag:s4] =	ssyncset.done $0x0  }
0x5b: {  	[sflag:s4] =	ssyncadd.s32 $0xFFFFD800  }
0x5c: {  	_ =	swait.ge [sflag:s4], $0x2800  }
0x5d: {  	[sflag:s4] =	ssyncset.done $0x0  }
0x5e: {  	[sflag:s4] =	ssyncadd.s32 $0xFFFFD800  }
0x5f: {  	_ =	swait.ge [sflag:s4], $0x2800  }
0x60: {  	[sflag:s4] =	ssyncset.done $0x0  }
0x61: {  	[sflag:s4] =	ssyncadd.s32 $0xFFFFD800  }
0x62: {  	_ =	swait.ge [sflag:s4], $0x2800  }
0x63: {  	[sflag:s4] =	ssyncset.done $0x0  }
0x64: {  	[sflag:s4] =	ssyncadd.s32 $0xFFFFD800  }
0x65: {  	_ =	swait.ge [sflag:s4], $0x2800  }
0x66: {  	[sflag:s4] =	ssyncset.done $0x0  }
0x67: {  	[sflag:s4] =	ssyncadd.s32 $0xFFFFD800  }
0x68: {  	_ =	swait.ge [sflag:s4], $0x2800  }
0x69: {  	[sflag:s4] =	ssyncset.done $0x0  }
0x6a: {  	[sflag:s4] =	ssyncadd.s32 $0xFFFFD800  }
0x6b: {  	_ =	swait.ge [sflag:s4], $0x2800  }
0x6c: {  	[sflag:s4] =	ssyncset.done $0x0  }
0x6d: {  	[sflag:s4] =	ssyncadd.s32 $0xFFFFD800  }
0x6e: {  	_ =	swait.ge [sflag:s4], $0x2800  }
0x6f: {  	[sflag:s4] =	ssyncset.done $0x0  }
0x70: {  	[sflag:s4] =	ssyncadd.s32 $0xFFFFD800  }
0x71: {  	_ =	swait.ge [sflag:s4], $0x2800  }
0x72: {  	[sflag:s4] =	ssyncset.done $0x0  }
0x73: {  	[sflag:s4] =	ssyncadd.s32 $0xFFFFD800  }
0x74: {  	_ =	swait.ge [sflag:s4], $0x2800  }
0x75: {  	[sflag:s4] =	ssyncset.done $0x0  }
0x76: {  	[sflag:s4] =	ssyncadd.s32 $0xFFFFD800  }
0x77: {  	_ =	swait.ge [sflag:s4], $0x2800  }
0x78: {  	[sflag:s4] =	ssyncset.done $0x0  }
0x79: {  	[sflag:s4] =	ssyncadd.s32 $0xFFFFD800  }
0x7a: {  	_ =	swait.ge [sflag:s4], $0x2800  }
0x7b: {  	[sflag:s4] =	ssyncset.done $0x0  }
0x7c: {  	[sflag:s4] =	ssyncadd.s32 $0xFFFFD800  }
0x7d: {  	_ =	swait.ge [sflag:s4], $0x2800  }
0x7e: {  	[sflag:s4] =	ssyncset.done $0x0  }
0x7f: {  	[sflag:s4] =	ssyncadd.s32 $0xFFFFD800  }
0x80: {  	_ =	swait.ge [sflag:s4], $0x2800  }
0x81: {  	[sflag:s4] =	ssyncset.done $0x0  }
0x82: {  	[sflag:s4] =	ssyncadd.s32 $0xFFFFD800  }
0x83: {  	_ =	swait.ge [sflag:s4], $0x2800  }
0x84: {  	[sflag:s4] =	ssyncset.done $0x0  }
0x85: {  	[sflag:s4] =	ssyncadd.s32 $0xFFFFD800  }
0x86: {  	_ =	swait.ge [sflag:s4], $0x2800  }
0x87: {  	[sflag:s4] =	ssyncset.done $0x0  }
0x88: {  	[sflag:s4] =	ssyncadd.s32 $0xFFFFD800  }
0x89: {  	_ =	swait.ge [sflag:s4], $0x2800  }
0x8a: {  	[sflag:s4] =	ssyncset.done $0x0  }
0x8b: {  	[sflag:s4] =	ssyncadd.s32 $0xFFFFD800  }
0x8c: {  	_ =	swait.ge [sflag:s4], $0x2800  }
0x8d: {  	[sflag:s4] =	ssyncset.done $0x0  }
0x8e: {  	[sflag:s4] =	ssyncadd.s32 $0xFFFFD800  }
0x8f: {  	_ =	swait.ge [sflag:s4], $0x2800  }
0x90: {  	[sflag:s4] =	ssyncset.done $0x0  }
0x91: {  	[sflag:s4] =	ssyncadd.s32 $0xFFFFD800  }
0x92: {  	_ =	swait.ge [sflag:s4], $0x2800  }
0x93: {  	[sflag:s4] =	ssyncset.done $0x0  }
0x94: {  	[sflag:s4] =	ssyncadd.s32 $0xFFFFD800  }
0x95: {  	_ =	swait.ge [sflag:s4], $0x2800  }
0x96: {  	[sflag:s4] =	ssyncset.done $0x0  }
0x97: {  	[sflag:s4] =	ssyncadd.s32 $0xFFFFD800  }
0x98: {  	_ =	swait.ge [sflag:s4], $0x2800  }
0x99: {  	[sflag:s4] =	ssyncset.done $0x0  }
0x9a: {  	[sflag:s4] =	ssyncadd.s32 $0xFFFFD800  }
0x9b: {  	_ =	swait.ge [sflag:s4], $0x2800  }
0x9c: {  	[sflag:s4] =	ssyncset.done $0x0  }
0x9d: {  	[sflag:s4] =	ssyncadd.s32 $0xFFFFD800  }
0x9e: {  	_ =	swait.ge [sflag:s4], $0x2800  }
0x9f: {  	[sflag:s4] =	ssyncset.done $0x0  }
0xa0: {  	[sflag:s4] =	ssyncadd.s32 $0xFFFFD800  }
0xa1: {  	s6 =	simm.s32 $0x200;
	_ =	swait.ge [sflag:s4], $0x2800  }
0xa2: {  	s7 =	simm.s32 $0x400;
	s5 =	rddreg [dreg:$0x4];
	[sflag:s4] =	ssyncset.done $0x0  }
.LBB2_2:
0xa3: {  	[sflag:s4] =	ssyncadd.s32 $0xFFFFD800;
	s5 =	sadd.s32 s6, s5  }
0xa4: {  	[tilespmem:s3], [sflag:$0x2] =	stream.linear.gather [hbm4b:s5+s3], $0xC80, $0x38;
	[tilespmem:$0x17080] =	vst v63  }
0xa5: {  	_ =	swait.ge [sflag:s9], $0xC80  }
0xa6: {  	[sflag:s9] =	ssyncset.done $0x0  }
0xa7: {  	[sflag:s9] =	ssyncadd.s32 $0xFFFFF380  }
0xa8: {  	[spmem:s2] =	stream.indirect.scatter.add.f32 [tilespmem:s8], [sflag:$0x1], $0x80, s3, s10, $0xb8;
	[tilespmem:$0x17080] =	vst v63  }
0xa9: {  	s11 =	smov.u32 s7;
	s5 =	rddreg [dreg:$0x5]  }
0xaa: {  	[spmem:s2] =	stream.indirect.scatter.add.f32 [tilespmem:s8], [sflag:$0x1], $0x80, s5, s10, $0xb8;
	[tilespmem:$0x17080] =	vst v63  }
0xab: {  	s6 =	smov.u32 s11;
	s11 =	rddreg [dreg:$0x6]  }
0xac: {  	[spmem:s2] =	stream.indirect.scatter.add.f32 [tilespmem:s8], [sflag:$0x1], $0x80, s11, s10, $0xb8;
	[tilespmem:$0x17080] =	vst v63  }
0xad: {  	s11 =	simm.s32 $0x180  }
0xae: {  	[spmem:s2] =	stream.indirect.scatter.add.f32 [tilespmem:s8], [sflag:$0x1], $0x80, s11, s10, $0xb8;
	[tilespmem:$0x17080] =	vst v63  }
0xaf: {  	_ = 	snop  }
0xb0: {  	[spmem:s2] =	stream.indirect.scatter.add.f32 [tilespmem:s8], [sflag:$0x1], $0x80, s12, s10, $0xb8;
	[tilespmem:$0x17080] =	vst v63  }
0xb1: {  	_ = 	snop  }
0xb2: {  	[spmem:s2] =	stream.indirect.scatter.add.f32 [tilespmem:s8], [sflag:$0x1], $0x80, s13, s10, $0xb8;
	[tilespmem:$0x17080] =	vst v63  }
0xb3: {  	_ = 	snop  }
0xb4: {  	[spmem:s2] =	stream.indirect.scatter.add.f32 [tilespmem:s8], [sflag:$0x1], $0x80, s14, s10, $0xb8;
	[tilespmem:$0x17080] =	vst v63  }
0xb5: {  	_ = 	snop  }
0xb6: {  	[spmem:s2] =	stream.indirect.scatter.add.f32 [tilespmem:s8], [sflag:$0x1], $0x80, s15, s10, $0xb8;
	[tilespmem:$0x17080] =	vst v63  }
0xb7: {  	_ = 	snop  }
0xb8: {  	[spmem:s2] =	stream.indirect.scatter.add.f32 [tilespmem:s8], [sflag:$0x1], $0x80, s16, s10, $0xb8;
	[tilespmem:$0x17080] =	vst v63  }
0xb9: {  	_ = 	snop  }
0xba: {  	[spmem:s2] =	stream.indirect.scatter.add.f32 [tilespmem:s8], [sflag:$0x1], $0x80, s17, s10, $0xb8;
	[tilespmem:$0x17080] =	vst v63  }
0xbb: {  	_ = 	snop  }
0xbc: {  	[spmem:s2] =	stream.indirect.scatter.add.f32 [tilespmem:s8], [sflag:$0x1], $0x80, s18, s10, $0xb8;
	[tilespmem:$0x17080] =	vst v63  }
0xbd: {  	_ = 	snop  }
0xbe: {  	[spmem:s2] =	stream.indirect.scatter.add.f32 [tilespmem:s8], [sflag:$0x1], $0x80, s19, s10, $0xb8;
	[tilespmem:$0x17080] =	vst v63  }
0xbf: {  	_ = 	snop  }
0xc0: {  	[spmem:s2] =	stream.indirect.scatter.add.f32 [tilespmem:s8], [sflag:$0x1], $0x80, s20, s10, $0xb8;
	[tilespmem:$0x17080] =	vst v63  }
0xc1: {  	_ = 	snop  }
0xc2: {  	[spmem:s2] =	stream.indirect.scatter.add.f32 [tilespmem:s8], [sflag:$0x1], $0x80, s21, s10, $0xb8;
	[tilespmem:$0x17080] =	vst v63  }
0xc3: {  	_ = 	snop  }
0xc4: {  	[spmem:s2] =	stream.indirect.scatter.add.f32 [tilespmem:s8], [sflag:$0x1], $0x80, s22, s10, $0xb8;
	[tilespmem:$0x17080] =	vst v63  }
0xc5: {  	_ = 	snop  }
0xc6: {  	[spmem:s2] =	stream.indirect.scatter.add.f32 [tilespmem:s8], [sflag:$0x1], $0x80, s23, s10, $0xb8;
	[tilespmem:$0x17080] =	vst v63  }
0xc7: {  	_ = 	snop  }
0xc8: {  	[spmem:s2] =	stream.indirect.scatter.add.f32 [tilespmem:s8], [sflag:$0x1], $0x80, s24, s10, $0xb8;
	[tilespmem:$0x17080] =	vst v63  }
0xc9: {  	_ = 	snop  }
0xca: {  	[spmem:s2] =	stream.indirect.scatter.add.f32 [tilespmem:s8], [sflag:$0x1], $0x80, s25, s10, $0xb8;
	[tilespmem:$0x17080] =	vst v63  }
0xcb: {  	_ = 	snop  }
0xcc: {  	[spmem:s2] =	stream.indirect.scatter.add.f32 [tilespmem:s8], [sflag:$0x1], $0x80, s26, s10, $0xb8;
	[tilespmem:$0x17080] =	vst v63  }
0xcd: {  	_ = 	snop  }
0xce: {  	[spmem:s2] =	stream.indirect.scatter.add.f32 [tilespmem:s8], [sflag:$0x1], $0x80, s28, s10, $0xb8;
	[tilespmem:$0x17080] =	vst v63  }
0xcf: {  	_ = 	snop  }
0xd0: {  	[spmem:s2] =	stream.indirect.scatter.add.f32 [tilespmem:s8], [sflag:$0x1], $0x80, s29, s10, $0xb8;
	[tilespmem:$0x17080] =	vst v63  }
0xd1: {  	_ = 	snop  }
0xd2: {  	[spmem:s2] =	stream.indirect.scatter.add.f32 [tilespmem:s8], [sflag:$0x1], $0x80, s30, s10, $0xb8;
	[tilespmem:$0x17080] =	vst v63  }
0xd3: {  	_ = 	snop  }
0xd4: {  	[spmem:s2] =	stream.indirect.scatter.add.f32 [tilespmem:s8], [sflag:$0x1], $0x80, s31, s10, $0xb8;
	[tilespmem:$0x17080] =	vst v63  }
0xd5: {  	_ = 	snop  }
0xd6: {  	[spmem:s2] =	stream.indirect.scatter.add.f32 [tilespmem:s8], [sflag:$0x1], $0x80, s0, s10, $0xb8;
	[tilespmem:$0x17080] =	vst v63  }
0xd7: {  	_ = 	snop  }
0xd8: {  	[spmem:s2] =	stream.indirect.scatter.add.f32 [tilespmem:s8], [sflag:$0x1], $0x80, s1, s10, $0xb8;
	[tilespmem:$0x17080] =	vst v63  }
0xd9: {  	_ =	swait.ge [sflag:s4], $0x2800  }
0xda: {  	[sflag:s4] =	ssyncset.done $0x0  }
0xdb: {  	[sflag:s4] =	ssyncadd.s32 $0xFFFFD800  }
0xdc: {  	_ =	swait.ge [sflag:s4], $0x2800  }
0xdd: {  	[sflag:s4] =	ssyncset.done $0x0  }
0xde: {  	[sflag:s4] =	ssyncadd.s32 $0xFFFFD800  }
0xdf: {  	_ =	swait.ge [sflag:s4], $0x2800  }
0xe0: {  	[sflag:s4] =	ssyncset.done $0x0  }
0xe1: {  	[sflag:s4] =	ssyncadd.s32 $0xFFFFD800  }
0xe2: {  	_ =	swait.ge [sflag:s4], $0x2800  }
0xe3: {  	[sflag:s4] =	ssyncset.done $0x0  }
0xe4: {  	[sflag:s4] =	ssyncadd.s32 $0xFFFFD800  }
0xe5: {  	_ =	swait.ge [sflag:s4], $0x2800  }
0xe6: {  	[sflag:s4] =	ssyncset.done $0x0  }
0xe7: {  	[sflag:s4] =	ssyncadd.s32 $0xFFFFD800  }
0xe8: {  	_ =	swait.ge [sflag:s4], $0x2800  }
0xe9: {  	[sflag:s4] =	ssyncset.done $0x0  }
0xea: {  	[sflag:s4] =	ssyncadd.s32 $0xFFFFD800  }
0xeb: {  	_ =	swait.ge [sflag:s4], $0x2800  }
0xec: {  	[sflag:s4] =	ssyncset.done $0x0  }
0xed: {  	[sflag:s4] =	ssyncadd.s32 $0xFFFFD800  }
0xee: {  	_ =	swait.ge [sflag:s4], $0x2800  }
0xef: {  	[sflag:s4] =	ssyncset.done $0x0  }
0xf0: {  	[sflag:s4] =	ssyncadd.s32 $0xFFFFD800  }
0xf1: {  	_ =	swait.ge [sflag:s4], $0x2800  }
0xf2: {  	[sflag:s4] =	ssyncset.done $0x0  }
0xf3: {  	[sflag:s4] =	ssyncadd.s32 $0xFFFFD800  }
0xf4: {  	_ =	swait.ge [sflag:s4], $0x2800  }
0xf5: {  	[sflag:s4] =	ssyncset.done $0x0  }
0xf6: {  	[sflag:s4] =	ssyncadd.s32 $0xFFFFD800  }
0xf7: {  	_ =	swait.ge [sflag:s4], $0x2800  }
0xf8: {  	[sflag:s4] =	ssyncset.done $0x0  }
0xf9: {  	[sflag:s4] =	ssyncadd.s32 $0xFFFFD800  }
0xfa: {  	_ =	swait.ge [sflag:s4], $0x2800  }
0xfb: {  	[sflag:s4] =	ssyncset.done $0x0  }
0xfc: {  	[sflag:s4] =	ssyncadd.s32 $0xFFFFD800  }
0xfd: {  	_ =	swait.ge [sflag:s4], $0x2800  }
0xfe: {  	[sflag:s4] =	ssyncset.done $0x0  }
0xff: {  	[sflag:s4] =	ssyncadd.s32 $0xFFFFD800  }
0x100: {  	_ =	swait.ge [sflag:s4], $0x2800  }
0x101: {  	[sflag:s4] =	ssyncset.done $0x0  }
0x102: {  	[sflag:s4] =	ssyncadd.s32 $0xFFFFD800  }
0x103: {  	_ =	swait.ge [sflag:s4], $0x2800  }
0x104: {  	[sflag:s4] =	ssyncset.done $0x0  }
0x105: {  	[sflag:s4] =	ssyncadd.s32 $0xFFFFD800  }
0x106: {  	_ =	swait.ge [sflag:s4], $0x2800  }
0x107: {  	[sflag:s4] =	ssyncset.done $0x0  }
0x108: {  	[sflag:s4] =	ssyncadd.s32 $0xFFFFD800  }
0x109: {  	_ =	swait.ge [sflag:s4], $0x2800  }
0x10a: {  	[sflag:s4] =	ssyncset.done $0x0  }
0x10b: {  	[sflag:s4] =	ssyncadd.s32 $0xFFFFD800  }
0x10c: {  	_ =	swait.ge [sflag:s4], $0x2800  }
0x10d: {  	[sflag:s4] =	ssyncset.done $0x0  }
0x10e: {  	[sflag:s4] =	ssyncadd.s32 $0xFFFFD800  }
0x10f: {  	_ =	swait.ge [sflag:s4], $0x2800  }
0x110: {  	[sflag:s4] =	ssyncset.done $0x0  }
0x111: {  	[sflag:s4] =	ssyncadd.s32 $0xFFFFD800  }
0x112: {  	_ =	swait.ge [sflag:s4], $0x2800  }
0x113: {  	[sflag:s4] =	ssyncset.done $0x0  }
0x114: {  	[sflag:s4] =	ssyncadd.s32 $0xFFFFD800  }
0x115: {  	_ =	swait.ge [sflag:s4], $0x2800  }
0x116: {  	[sflag:s4] =	ssyncset.done $0x0  }
0x117: {  	[sflag:s4] =	ssyncadd.s32 $0xFFFFD800  }
0x118: {  	_ =	swait.ge [sflag:s4], $0x2800  }
0x119: {  	[sflag:s4] =	ssyncset.done $0x0  }
0x11a: {  	[sflag:s4] =	ssyncadd.s32 $0xFFFFD800  }
0x11b: {  	_ =	swait.ge [sflag:s4], $0x2800  }
0x11c: {  	[sflag:s4] =	ssyncset.done $0x0  }
0x11d: {  	p1 =	sne.s32 s7, $0x800;
	[sflag:s4] =	ssyncadd.s32 $0xFFFFD800  }
.Ltmp0:
0x11e: {  	_ =	swait.ge [sflag:s4], $0x2800;
	(pc) =	sbr.rel @p1 .LBB2_2-.Ltmp0, $4  }
0x11f: {  	[sflag:s4] =	ssyncset.done $0x0  }
0x120: {  	[sflag:s4] =	ssyncadd.s32 $0xFFFFD800  }
0x121: {  	_ =	swait.ge [sflag:s4], $0x2800  }
0x122: {  	s7 =	sadd.s32 $0x200, s7;
	s5 =	rddreg [dreg:$0x4];
	[sflag:s4] =	ssyncset.done $0x0  }
0x123: {  	[sflag:s4] =	ssyncadd.s32 $0xFFFFD800;
	s5 =	sadd.s32 s6, s5  }
0x124: {  	[tilespmem:s3], [sflag:$0x2] =	stream.linear.gather [hbm4b:s5+s3], $0xC80, $0x38;
	[tilespmem:$0x17080] =	vst v63  }
0x125: {  	_ =	swait.ge [sflag:s9], $0xC80  }
0x126: {  	[sflag:s9] =	ssyncset.done $0x0  }
0x127: {  	[sflag:s9] =	ssyncadd.s32 $0xFFFFF380  }
0x128: {  	[spmem:s2] =	stream.indirect.scatter.add.f32 [tilespmem:s8], [sflag:$0x1], $0x80, s3, s10, $0xb8;
	[tilespmem:$0x17080] =	vst v63  }
0x129: {  	s6 =	rddreg [dreg:$0x5]  }
0x12a: {  	[spmem:s2] =	stream.indirect.scatter.add.f32 [tilespmem:s8], [sflag:$0x1], $0x80, s6, s10, $0xb8;
	[tilespmem:$0x17080] =	vst v63  }
0x12b: {  	s7 =	rddreg [dreg:$0x6]  }
0x12c: {  	[spmem:s2] =	stream.indirect.scatter.add.f32 [tilespmem:s8], [sflag:$0x1], $0x80, s7, s10, $0xb8;
	[tilespmem:$0x17080] =	vst v63  }
0x12d: {  	s11 =	simm.s32 $0x180  }
0x12e: {  	[spmem:s2] =	stream.indirect.scatter.add.f32 [tilespmem:s8], [sflag:$0x1], $0x80, s11, s10, $0xb8;
	[tilespmem:$0x17080] =	vst v63  }
0x12f: {  	_ = 	snop  }
0x130: {  	[spmem:s2] =	stream.indirect.scatter.add.f32 [tilespmem:s8], [sflag:$0x1], $0x80, s12, s10, $0xb8;
	[tilespmem:$0x17080] =	vst v63  }
0x131: {  	_ = 	snop  }
0x132: {  	[spmem:s2] =	stream.indirect.scatter.add.f32 [tilespmem:s8], [sflag:$0x1], $0x80, s13, s10, $0xb8;
	[tilespmem:$0x17080] =	vst v63  }
0x133: {  	_ = 	snop  }
0x134: {  	[spmem:s2] =	stream.indirect.scatter.add.f32 [tilespmem:s8], [sflag:$0x1], $0x80, s14, s10, $0xb8;
	[tilespmem:$0x17080] =	vst v63  }
0x135: {  	_ = 	snop  }
0x136: {  	[spmem:s2] =	stream.indirect.scatter.add.f32 [tilespmem:s8], [sflag:$0x1], $0x80, s15, s10, $0xb8;
	[tilespmem:$0x17080] =	vst v63  }
0x137: {  	_ = 	snop  }
0x138: {  	[spmem:s2] =	stream.indirect.scatter.add.f32 [tilespmem:s8], [sflag:$0x1], $0x80, s16, s10, $0xb8;
	[tilespmem:$0x17080] =	vst v63  }
0x139: {  	_ = 	snop  }
0x13a: {  	[spmem:s2] =	stream.indirect.scatter.add.f32 [tilespmem:s8], [sflag:$0x1], $0x80, s17, s10, $0xb8;
	[tilespmem:$0x17080] =	vst v63  }
0x13b: {  	_ = 	snop  }
0x13c: {  	[spmem:s2] =	stream.indirect.scatter.add.f32 [tilespmem:s8], [sflag:$0x1], $0x80, s18, s10, $0xb8;
	[tilespmem:$0x17080] =	vst v63  }
0x13d: {  	_ = 	snop  }
0x13e: {  	[spmem:s2] =	stream.indirect.scatter.add.f32 [tilespmem:s8], [sflag:$0x1], $0x80, s19, s10, $0xb8;
	[tilespmem:$0x17080] =	vst v63  }
0x13f: {  	_ = 	snop  }
0x140: {  	[spmem:s2] =	stream.indirect.scatter.add.f32 [tilespmem:s8], [sflag:$0x1], $0x80, s20, s10, $0xb8;
	[tilespmem:$0x17080] =	vst v63  }
0x141: {  	_ = 	snop  }
0x142: {  	[spmem:s2] =	stream.indirect.scatter.add.f32 [tilespmem:s8], [sflag:$0x1], $0x80, s21, s10, $0xb8;
	[tilespmem:$0x17080] =	vst v63  }
0x143: {  	_ = 	snop  }
0x144: {  	[spmem:s2] =	stream.indirect.scatter.add.f32 [tilespmem:s8], [sflag:$0x1], $0x80, s22, s10, $0xb8;
	[tilespmem:$0x17080] =	vst v63  }
0x145: {  	_ = 	snop  }
0x146: {  	[spmem:s2] =	stream.indirect.scatter.add.f32 [tilespmem:s8], [sflag:$0x1], $0x80, s23, s10, $0xb8;
	[tilespmem:$0x17080] =	vst v63  }
0x147: {  	_ = 	snop  }
0x148: {  	[spmem:s2] =	stream.indirect.scatter.add.f32 [tilespmem:s8], [sflag:$0x1], $0x80, s24, s10, $0xb8;
	[tilespmem:$0x17080] =	vst v63  }
0x149: {  	_ = 	snop  }
0x14a: {  	[spmem:s2] =	stream.indirect.scatter.add.f32 [tilespmem:s8], [sflag:$0x1], $0x80, s25, s10, $0xb8;
	[tilespmem:$0x17080] =	vst v63  }
0x14b: {  	_ = 	snop  }
0x14c: {  	[spmem:s2] =	stream.indirect.scatter.add.f32 [tilespmem:s8], [sflag:$0x1], $0x80, s26, s10, $0xb8;
	[tilespmem:$0x17080] =	vst v63  }
0x14d: {  	_ = 	snop  }
0x14e: {  	[spmem:s2] =	stream.indirect.scatter.add.f32 [tilespmem:s8], [sflag:$0x1], $0x80, s28, s10, $0xb8;
	[tilespmem:$0x17080] =	vst v63  }
0x14f: {  	_ = 	snop  }
0x150: {  	[spmem:s2] =	stream.indirect.scatter.add.f32 [tilespmem:s8], [sflag:$0x1], $0x80, s29, s10, $0xb8;
	[tilespmem:$0x17080] =	vst v63  }
0x151: {  	_ = 	snop  }
0x152: {  	[spmem:s2] =	stream.indirect.scatter.add.f32 [tilespmem:s8], [sflag:$0x1], $0x80, s30, s10, $0xb8;
	[tilespmem:$0x17080] =	vst v63  }
0x153: {  	_ = 	snop  }
0x154: {  	[spmem:s2] =	stream.indirect.scatter.add.f32 [tilespmem:s8], [sflag:$0x1], $0x80, s31, s10, $0xb8;
	[tilespmem:$0x17080] =	vst v63  }
0x155: {  	_ = 	snop  }
0x156: {  	[spmem:s2] =	stream.indirect.scatter.add.f32 [tilespmem:s8], [sflag:$0x1], $0x80, s0, s10, $0xb8;
	[tilespmem:$0x17080] =	vst v63  }
0x157: {  	_ = 	snop  }
0x158: {  	[spmem:s2] =	stream.indirect.scatter.add.f32 [tilespmem:s8], [sflag:$0x1], $0x80, s1, s10, $0xb8;
	[tilespmem:$0x17080] =	vst v63  }
0x159: {  	_ =	swait.ge [sflag:s4], $0x2800  }
0x15a: {  	[sflag:s4] =	ssyncset.done $0x0  }
0x15b: {  	[sflag:s4] =	ssyncadd.s32 $0xFFFFD800  }
0x15c: {  	_ =	swait.ge [sflag:s4], $0x2800  }
0x15d: {  	[sflag:s4] =	ssyncset.done $0x0  }
0x15e: {  	[sflag:s4] =	ssyncadd.s32 $0xFFFFD800  }
0x15f: {  	_ =	swait.ge [sflag:s4], $0x2800  }
0x160: {  	[sflag:s4] =	ssyncset.done $0x0  }
0x161: {  	[sflag:s4] =	ssyncadd.s32 $0xFFFFD800  }
0x162: {  	_ =	swait.ge [sflag:s4], $0x2800  }
0x163: {  	[sflag:s4] =	ssyncset.done $0x0  }
0x164: {  	[sflag:s4] =	ssyncadd.s32 $0xFFFFD800  }
0x165: {  	_ =	swait.ge [sflag:s4], $0x2800  }
0x166: {  	[sflag:s4] =	ssyncset.done $0x0  }
0x167: {  	[sflag:s4] =	ssyncadd.s32 $0xFFFFD800  }
0x168: {  	_ =	swait.ge [sflag:s4], $0x2800  }
0x169: {  	[sflag:s4] =	ssyncset.done $0x0  }
0x16a: {  	[sflag:s4] =	ssyncadd.s32 $0xFFFFD800  }
0x16b: {  	_ =	swait.ge [sflag:s4], $0x2800  }
0x16c: {  	[sflag:s4] =	ssyncset.done $0x0  }
0x16d: {  	[sflag:s4] =	ssyncadd.s32 $0xFFFFD800  }
0x16e: {  	_ =	swait.ge [sflag:s4], $0x2800  }
0x16f: {  	[sflag:s4] =	ssyncset.done $0x0  }
0x170: {  	[sflag:s4] =	ssyncadd.s32 $0xFFFFD800  }
0x171: {  	_ =	swait.ge [sflag:s4], $0x2800  }
0x172: {  	[sflag:s4] =	ssyncset.done $0x0  }
0x173: {  	[sflag:s4] =	ssyncadd.s32 $0xFFFFD800  }
0x174: {  	_ =	swait.ge [sflag:s4], $0x2800  }
0x175: {  	[sflag:s4] =	ssyncset.done $0x0  }
0x176: {  	[sflag:s4] =	ssyncadd.s32 $0xFFFFD800  }
0x177: {  	_ =	swait.ge [sflag:s4], $0x2800  }
0x178: {  	[sflag:s4] =	ssyncset.done $0x0  }
0x179: {  	[sflag:s4] =	ssyncadd.s32 $0xFFFFD800  }
0x17a: {  	_ =	swait.ge [sflag:s4], $0x2800  }
0x17b: {  	[sflag:s4] =	ssyncset.done $0x0  }
0x17c: {  	[sflag:s4] =	ssyncadd.s32 $0xFFFFD800  }
0x17d: {  	_ =	swait.ge [sflag:s4], $0x2800  }
0x17e: {  	[sflag:s4] =	ssyncset.done $0x0  }
0x17f: {  	[sflag:s4] =	ssyncadd.s32 $0xFFFFD800  }
0x180: {  	_ =	swait.ge [sflag:s4], $0x2800  }
0x181: {  	[sflag:s4] =	ssyncset.done $0x0  }
0x182: {  	[sflag:s4] =	ssyncadd.s32 $0xFFFFD800  }
0x183: {  	_ =	swait.ge [sflag:s4], $0x2800  }
0x184: {  	[sflag:s4] =	ssyncset.done $0x0  }
0x185: {  	[sflag:s4] =	ssyncadd.s32 $0xFFFFD800  }
0x186: {  	_ =	swait.ge [sflag:s4], $0x2800  }
0x187: {  	[sflag:s4] =	ssyncset.done $0x0  }
0x188: {  	[sflag:s4] =	ssyncadd.s32 $0xFFFFD800  }
0x189: {  	_ =	swait.ge [sflag:s4], $0x2800  }
0x18a: {  	[sflag:s4] =	ssyncset.done $0x0  }
0x18b: {  	[sflag:s4] =	ssyncadd.s32 $0xFFFFD800  }
0x18c: {  	_ =	swait.ge [sflag:s4], $0x2800  }
0x18d: {  	[sflag:s4] =	ssyncset.done $0x0  }
0x18e: {  	[sflag:s4] =	ssyncadd.s32 $0xFFFFD800  }
0x18f: {  	_ =	swait.ge [sflag:s4], $0x2800  }
0x190: {  	[sflag:s4] =	ssyncset.done $0x0  }
0x191: {  	[sflag:s4] =	ssyncadd.s32 $0xFFFFD800  }
0x192: {  	_ =	swait.ge [sflag:s4], $0x2800  }
0x193: {  	[sflag:s4] =	ssyncset.done $0x0  }
0x194: {  	[sflag:s4] =	ssyncadd.s32 $0xFFFFD800  }
0x195: {  	_ =	swait.ge [sflag:s4], $0x2800  }
0x196: {  	[sflag:s4] =	ssyncset.done $0x0  }
0x197: {  	[sflag:s4] =	ssyncadd.s32 $0xFFFFD800  }
0x198: {  	_ =	swait.ge [sflag:s4], $0x2800  }
0x199: {  	[sflag:s4] =	ssyncset.done $0x0  }
0x19a: {  	[sflag:s4] =	ssyncadd.s32 $0xFFFFD800  }
0x19b: {  	_ =	swait.ge [sflag:s4], $0x2800  }
0x19c: {  	[sflag:s4] =	ssyncset.done $0x0  }
0x19d: {  	[sflag:s4] =	ssyncadd.s32 $0xFFFFD800  }
0x19e: {  	_ =	swait.ge [sflag:s4], $0x2800  }
0x19f: {  	[sflag:s4] =	ssyncset.done $0x0  }
0x1a0: {  	[sflag:s4] =	ssyncadd.s32 $0xFFFFD800  }
0x1a1: {  	_ =	swait.ge [sflag:s4], $0x2800  }
0x1a2: {  	[sflag:s4] =	ssyncset.done $0x0  }
0x1a3: {  	[sflag:s4] =	ssyncadd.s32 $0xFFFFD800  }
0x1a4: {  	[bflag:$0x0] =	sbarrier.arrive $0xFFFF  }
0x1a5: {  	s6 =	rddreg [dreg:$0x8]  }
0x1a6: {  	s5 =	simm.s32 @!p0 $0x1C02;
	s7 =	rddreg [dreg:$0xa]  }
0x1a7: {  	[hbm:s6], [sflag:s5] =	dma.local @!p0 [spmem:s7], $0x27100  }
0x1a8: {  	s5 =	simm.s32 @!p0 $0x2  }
0x1a9: {  	_ =	swait.ge @!p0 [sflag:s5], $0x27100  }
0x1aa: {  	s11 =	rddreg [dreg:$0xb]  }
0x1ab: {  	s6 =	rddreg [dreg:$0x9];
	s11 =	sadd.s32 $0x1, s11  }
0x1ac: {  	p1 =	sne.s32 s11, s6  }
.Ltmp1:
0x1ad: {  	_ = 	snop;
	(pc) =	sbr.rel @p1 .LBB2_1-.Ltmp1, $3  }
0x1ae: {  	_ =	sdelay $0x1  }
0x1af: {  	[sflag:s5] =	ssyncset.done @!p0 $0x0  }
0x1b0: {  	[sflag:s5] =	ssyncadd.s32 @!p0 $0xFFFD8F00  }
0x1b1: {  	_ =	sfence.sel $0x180000  }
0x1b2: {  	[bflag:$0x0] =	sbarrier.arrive $0xFFFF  }
0x1b3: {  	_ =	strace $0x90000047  }
0x1b4: {  	[bflag:$0x2] =	sbarrier.arrive $0xFFFF  }
0x1b5: {  	s0 =	rddreg [dreg:$0x3]  }
0x1b6: {  	s0 =	sadd.s32 @!p0 $0x100000, s0  }
0x1b7: {  	[sflag:s0] =	ssyncadd.tile.s32 @!p0 $0x1;
	_ =	shalt  }
.Lfunc_end2:
_tile_overlayer_lowered:
.L_overlay_start_2:
0x1b8: {  	(tag) =	ssettag $0x2  }
0x1b9: {  	s0 =	rddreg [dreg:$0x0];
	s2 =	stileid.u32  }
0x1ba: {  	s1 =	rddreg [dreg:$0x1];
	p0 =	sne.s32 s2, $0x0  }
0x1bb: {  	s3 =	rddreg [dreg:$0x2];
	[bflag:$0x3] =	sbarrier.arrive $0xFFFF;
	s2 =	simm.s32 @!p0 $0x1C02  }
0x1bc: {  	[timem:s3], [sflag:s2] =	dma.local @!p0 [hbm:s0], s1  }
0x1bd: {  	s0 =	simm.s32 @!p0 $0x2  }
0x1be: {  	_ =	swait.ge @!p0 [sflag:s0], s1  }
0x1bf: {  	s1 =	ssub.s32 @!p0 $0x0, s1;
	[sflag:s0] =	ssyncset.done @!p0 $0x0  }
0x1c0: {  	[sflag:s0] =	ssyncadd.s32 @!p0 s1  }
0x1c1: {  	[bflag:$0x3] =	sbarrier.arrive $0xFFFF  }
0x1c2: {  	_ =	shalt  }

// kernel: kernel.13.cloned.1.call-start
scs
__scs_entry_jumppad:
0x0: {  	(pc) =	sbr.rel $0x88, $3  }
0x1: {  	(tag) =	ssettag $0x0;
	lr =	simm.s32 $0x1  }
0x2: {  	[smem:$0x3F99] =	sst lr;
	_ =	strace $0xD0000000  }
0x3: {  	_ = 	snop  }
0x4: {  	_ = 	snop  }
0x5: {  	_ = 	snop  }
0x6: {  	_ = 	snop  }
0x7: {  	_ = 	snop  }
__scs_overlays_trampoline_lowered:
0x8: {  	[smem:$0x3FA8] =	sst s0  }
0x9: {  	[smem:$0x3FA9] =	sst s1  }
0xa: {  	[smem:$0x3FAA] =	sst s2  }
0xb: {  	[smem:$0x3FAB] =	sst s3  }
0xc: {  	[smem:$0x3FAC] =	sst s4  }
0xd: {  	[smem:$0x3FAD] =	sst s5  }
0xe: {  	[smem:$0x3FAE] =	sst s6  }
0xf: {  	[smem:$0x3FAF] =	sst s7  }
0x10: {  	[smem:$0x3FB0] =	sst s8  }
0x11: {  	[smem:$0x3FB1] =	sst s9;
	s0 =	simm.s32 @!p0 $0x0  }
0x12: {  	s1 =	sld [smem:$0x3F97];
	s0 =	simm.s32 @p0 $0x1  }
0x13: {  	[smem:$0x3FB2] =	sst s0;
	s0 =	simm.s32 @!p1 $0x0  }
0x14: {  	s2 =	sld [smem:$0x3F96];
	s0 =	simm.s32 @p1 $0x1  }
0x15: {  	[smem:$0x3FB3] =	sst s0;
	s0 =	simm.s32 @!p2 $0x0  }
0x16: {  	s3 =	sld [smem:$0x3FDB];
	s0 =	simm.s32 @p2 $0x1  }
0x17: {  	s4 =	simm.s32 $0x1BF5;
	[smem:$0x3FB5] =	sst s0  }
0x18: {  	s0 =	sld [smem:$0x3F98];
	_ =	swait.ge [sflag:s4], $0x0  }
0x19: {  	s7 =	sld [smem:$0x3F99]  }
0x1a: {  	s8 =	sadd.s32 $0xFFFFE003, lr  }
0x1b: {  	s9 =	sadd.s32 $0xFFFFFEF7, lr;
	s5 =	simm.s32 $0xFFFFFFFF;
	p2 =	slt.u32 s8, $0xFFFFF086  }
0x1c: {  	p1 =	slt.u32 s9, $0xF7A;
	s5 =	simm.s32 @!p2 $0x0  }
0x1d: {  	s5 =	simm.s32 @p1 $0x1;
	p0 =	seq.s32 s7, s2  }
0x1e: {  	s7 =	smul.u32 @!p0 $0xF7A, s2;
	p2 =	seq.s32 @!p0 s5, $0x0  }
0x1f: {  	s9 =	smul.u32 $0xF7A, s1;
	s8 =	simm.s32 @!p0 $0x1BF5;
	p2 =	por !p2, p0  }
0x20: {  	[sflag:s8] =	ssyncset.s32 @!p0 $0xFFFFF086;
	s6 =	sadd.s32 @!p0 s3, s7;
	s7 =	simm.s32 @!p0 $0x108  }
0x21: {  	s3 =	sadd.s32 s3, s9;
	s6 =	sadd.s32 @!p0 $0x88, s6;
	s7 =	simm.s32 @p2 $0x1082  }
0x22: {  	[simem:s7], [sflag:s8] =	dma.local @!p0 [hbm:s6], $0xF7A  }
0x23: {  	s9 =	sor.u32 $0xD0000000, s2;
	s6 =	simm.s32 $0x108;
	_ =	swait.ge @!p0 [sflag:s8], $0x0  }
0x24: {  	s3 =	sadd.s32 $0x88, s3;
	s6 =	simm.s32 @!p1 $0x1082;
	[sflag:s4] =	ssyncset.s32 $0xFFFFF086  }
0x25: {  	[simem:s6], [sflag:s4] =	dma.local [hbm:s3], $0xF7A  }
0x26: {  	[smem:$0x3F99] =	sst s1;
	(tag) =	ssettag s2;
	_ =	strace s9  }
0x27: {  	s1 =	sld [smem:$0x3FA9]  }
0x28: {  	s2 =	sld [smem:$0x3FAA]  }
0x29: {  	s4 =	sld [smem:$0x3FAC]  }
0x2a: {  	p0 =	seq.s32 s5, $0x0;
	s5 =	sld [smem:$0x3FAD]  }
0x2b: {  	s6 =	sld [smem:$0x3FAE]  }
0x2c: {  	s7 =	sld [smem:$0x3FAF]  }
0x2d: {  	s3 =	simm.s32 $0x108;
	s8 =	sld [smem:$0x3FB0]  }
0x2e: {  	s3 =	simm.s32 @!p0 $0x1082;
	s9 =	sld [smem:$0x3FB1]  }
0x2f: {  	lr =	sadd.s32 s0, s3;
	s0 =	sld [smem:$0x3FA8]  }
0x30: {  	s3 =	sld [smem:$0x3FAB]  }
0x31: {  	[smem:$0x3FB4] =	sst s10  }
0x32: {  	s10 =	sld [smem:$0x3FB2];
	_ =	sdelay $0x3  }
0x33: {  	p0 =	seq.s32 s10, $0x1;
	s10 =	sld [smem:$0x3FB4];
	_ =	sdelay $0x3  }
0x34: {  	[smem:$0x3FB4] =	sst s10  }
0x35: {  	s10 =	sld [smem:$0x3FB3];
	_ =	sdelay $0x3  }
0x36: {  	p1 =	seq.s32 s10, $0x1;
	s10 =	sld [smem:$0x3FB4];
	_ =	sdelay $0x3  }
0x37: {  	[smem:$0x3FB4] =	sst s10  }
0x38: {  	s10 =	sld [smem:$0x3FB5]  }
0x39: {  	_ = 	snop;
	(pc) =	sbr.ind lr, $3  }
0x3a: {  	_ = 	snop  }
0x3b: {  	_ = 	snop  }
0x3c: {  	p2 =	seq.s32 s10, $0x1;
	s10 =	sld [smem:$0x3FB4]  }
0x3d: {  	_ =	shalt  }
0x3e: {  	_ =	shalt  }
0x3f: {  	_ =	shalt  }
0x40: {  	_ =	shalt  }
0x41: {  	_ =	shalt  }
0x42: {  	_ =	shalt  }
0x43: {  	_ =	shalt  }
0x44: {  	_ =	shalt  }
0x45: {  	_ =	shalt  }
0x46: {  	_ =	shalt  }
0x47: {  	_ =	shalt  }
0x48: {  	_ =	shalt  }
0x49: {  	_ =	shalt  }
0x4a: {  	_ =	shalt  }
0x4b: {  	_ =	shalt  }
0x4c: {  	_ =	shalt  }
0x4d: {  	_ =	shalt  }
0x4e: {  	_ =	shalt  }
0x4f: {  	_ =	shalt  }
0x50: {  	_ =	shalt  }
0x51: {  	_ =	shalt  }
0x52: {  	_ =	shalt  }
0x53: {  	_ =	shalt  }
0x54: {  	_ =	shalt  }
0x55: {  	_ =	shalt  }
0x56: {  	_ =	shalt  }
0x57: {  	_ =	shalt  }
0x58: {  	_ =	shalt  }
0x59: {  	_ =	shalt  }
0x5a: {  	_ =	shalt  }
0x5b: {  	_ =	shalt  }
0x5c: {  	_ =	shalt  }
0x5d: {  	_ =	shalt  }
0x5e: {  	_ =	shalt  }
0x5f: {  	_ =	shalt  }
0x60: {  	_ =	shalt  }
0x61: {  	_ =	shalt  }
0x62: {  	_ =	shalt  }
0x63: {  	_ =	shalt  }
0x64: {  	_ =	shalt  }
0x65: {  	_ =	shalt  }
0x66: {  	_ =	shalt  }
0x67: {  	_ =	shalt  }
0x68: {  	_ =	shalt  }
0x69: {  	_ =	shalt  }
0x6a: {  	_ =	shalt  }
0x6b: {  	_ =	shalt  }
0x6c: {  	_ =	shalt  }
0x6d: {  	_ =	shalt  }
0x6e: {  	_ =	shalt  }
0x6f: {  	_ =	shalt  }
0x70: {  	_ =	shalt  }
0x71: {  	_ =	shalt  }
0x72: {  	_ =	shalt  }
0x73: {  	_ =	shalt  }
0x74: {  	_ =	shalt  }
0x75: {  	_ =	shalt  }
0x76: {  	_ =	shalt  }
0x77: {  	_ =	shalt  }
0x78: {  	_ =	shalt  }
0x79: {  	_ =	shalt  }
0x7a: {  	_ =	shalt  }
0x7b: {  	_ =	shalt  }
0x7c: {  	_ =	shalt  }
0x7d: {  	_ =	shalt  }
0x7e: {  	_ =	shalt  }
0x7f: {  	_ =	shalt  }
0x80: {  	_ =	shalt  }
0x81: {  	_ =	shalt  }
0x82: {  	_ =	shalt  }
0x83: {  	_ =	shalt  }
0x84: {  	_ =	shalt  }
0x85: {  	_ =	shalt  }
0x86: {  	_ =	shalt  }
0x87: {  	_ =	shalt  }
.Lfunc_end0:
.L_simem_size_0:
called_computation.1_lowered:
.L_overlay_start_0:
0x88: {  	s2 =	sld [smem:$0x3FD9]  }
0x89: {  	s3 =	sld [smem:$0x3FFE];
	_ =	sdelay $0x1  }
0x8a: {  	s1 =	srdreg.scid  }
0x8b: {  	s0 =	sand.u32 $0x1, s1  }
0x8c: {  	s16 =	sshll.u32 s0, $0xA;
	s2 =	sadd.s32 s3, s2  }
0x8d: {  	s2 =	sadd.s32 s2, s16  }
0x8e: {  	[smem:$0x3FC0] =	sst s2  }
0x8f: {  	_ = 	snop  }
0x90: {  	(tm) =	ssettm $0x1  }
0x91: {  	s17 =	sld [smem:$0x3FFB];
	_ =	sdelay $0x3  }
0x92: {  	_ =	strace s17  }
0x93: {  	s2 =	sld [smem:$0x3FFC];
	_ =	sdelay $0x3  }
0x94: {  	_ =	strace s2  }
0x95: {  	s2 =	sld [smem:$0x3FFD];
	_ =	sdelay $0x3  }
0x96: {  	_ =	strace s2  }
0x97: {  	_ =	strace $0x8FFFFFFF  }
0x98: {  	s18 =	sld [smem:$0x3FDB];
	_ =	sdelay $0x1  }
0x99: {  	s19 =	simm.s32 $_scs_section_size  }
0x9a: {  	s4 =	simm.s32 $_size__tile_overlayer_lowered;
	s5 =	simm.s32 $_tile_overlayer_lowered  }
0x9b: {  	s22 =	simm.s32 $0x1BFF;
	s21 =	sshll.u32 s5, $0x1;
	s2 =	sadd.s32 s19, s18  }
0x9c: {  	s6 =	simm.s32 $0x0;
	s20 =	sshll.u32 s4, $0x1;
	s4 =	sadd.s32 s21, s2  }
0x9d: {  	[timem:s6], [sflag:s22] =	dma.local [hbm:s4], s20  }
0x9e: {  	_ =	swait.ge [sflag:s22], s20  }
0x9f: {  	s3 =	ssub.s32 $0x0, s20;
	[sflag:s22] =	ssyncset.done $0x0  }
0xa0: {  	[sflag:s22] =	ssyncadd.s32 s3;
	_ =	sdelay $0x1  }
0xa1: {  	s23 =	simm.s32 $0x1B8B  }
0xa2: {  	_ =	swait.ge [sflag:s23], $0x1  }
0xa3: {  	[sflag:s23] =	ssyncset.done $0x0  }
0xa4: {  	s25 =	simm.s32 $0x1B8E;
	s24 =	sld [smem:$0x3FFE];
	[sflag:s23] =	ssyncadd.s32 $0xFFFFFFFF  }
0xa5: {  	s26 =	simm.s32 $execute0_lowered;
	[smem:$0x3FD2] =	sst s25  }
0xa6: {  	s4 =	sshll.u32 s26, $0x1;
	_ =	strace $0x80000049;
	[dreg:$0x1] =	wrdreg $0xFFFFFFFF  }
0xa7: {  	s28 =	simm.s32 $_size_execute0_lowered;
	s2 =	sadd.s32 s2, s4;
	[dreg:$0x0] =	wrdreg $0x0  }
0xa8: {  	s4 =	sshll.u32 s28, $0x1;
	[dreg:$0x2] =	wrdreg s2  }
0xa9: {  	[dreg:$0x3] =	wrdreg s4  }
0xaa: {  	[dreg:$0x4] =	wrdreg $0xC0  }
0xab: {  	_ =	task [dreg:s6], $0x5FFFF  }
0xac: {  	[dreg:$0x1] =	wrdreg $0xFFFFFFFF  }
0xad: {  	[dreg:$0x0] =	wrdreg $0x60  }
0xae: {  	[dreg:$0x2] =	wrdreg s24  }
0xaf: {  	[dreg:$0x3] =	wrdreg $0x98000  }
0xb0: {  	[dreg:$0x4] =	wrdreg $0x9  }
0xb1: {  	_ =	task.clear_ibuf [dreg:s6], $0x5FFFF;
	_ =	strace $0x90000049  }
0xb2: {  	s29 =	simm.s32 $0x9;
	_ =	strace $0x8000004B  }
0xb3: {  	_ =	swait.ge [sflag:s29], $0x1  }
0xb4: {  	[sflag:s29] =	ssyncadd.s32 $0xFFFFFFFF  }
0xb5: {  	_ =	strace $0x9000004B  }
0xb6: {  	_ =	sfence  }
0xb7: {  	s30 =	sld [smem:$0x0];
	_ =	sdelay $0x2  }
0xb8: {  	s31 =	sshll.u32 s1, $0xD;
	s1 =	sshrl.u32 s1, $0x2  }
0xb9: {  	s3 =	sand.u32 $0x4000, s31;
	s1 =	sadd.s32 s1, s30  }
0xba: {  	s0 =	sor.u32 s3, s0;
	s1 =	sshll.u32 s1, $0x11  }
0xbb: {  	s0 =	sor.u32 s1, s0  }
0xbc: {  	s0 =	sadd.s32 $0x8F2B, s0  }
0xbd: {  	[sflag:s0] =	ssyncadd.remote.s32 $0x1  }
0xbe: {  	_ =	sfence.sel $0xFFFF  }
0xbf: {  	[dreg:$0x0] =	wrdreg $0xFFFFFFFF;
	(pc) =	sbr.abs _section_cstart, $3  }
0xc0: {  	[dreg:$0x1] =	wrdreg $0xFFFFFFFF  }
0xc1: {  	_ =	task.clear_ibuf [dreg:s6], $0x2FFFF;
	_ =	strace $0x9FFFFFFF  }
0xc2: {  	(tm) =	ssettm $0x7FFFFFFF  }
0xc3: {  	_ =	shalt  }
tec
execute0_lowered:
.L_overlay_start_1:
0x0: {  	(tag) =	ssettag $0x1  }
0x1: {  	s1 =	srdreg.scid;
	s4 =	rddreg [dreg:$0x0]  }
0x2: {  	s2 =	simm.s32 $0x0;
	s5 =	sand.u32 $0x1, s1;
	s1 =	rddreg [dreg:$0x1]  }
0x3: {  	s11 =	simm.s32 $0x80;
	[smem:$0x7FF] =	sst s2  }
0x4: {  	s12 =	simm.s32 $0x100;
	_ =	strace $0x8000004A;
	[dreg:$0x5] =	wrdreg s11  }
0x5: {  	s13 =	simm.s32 $0x180;
	[dreg:$0x6] =	wrdreg s12  }
0x6: {  	s14 =	simm.s32 $0x1080;
	[dreg:$0x7] =	wrdreg s13  }
0x7: {  	s15 =	simm.s32 $0x200;
	[dreg:$0x8] =	wrdreg s14  }
0x8: {  	s16 =	simm.s32 $0x1100;
	[dreg:$0x9] =	wrdreg s15  }
0x9: {  	s17 =	simm.s32 $0x280;
	[dreg:$0xa] =	wrdreg s16  }
0xa: {  	s18 =	simm.s32 $0x1180;
	[dreg:$0xb] =	wrdreg s17  }
0xb: {  	s19 =	simm.s32 $0x300;
	[dreg:$0xc] =	wrdreg s18  }
0xc: {  	s20 =	simm.s32 $0x1200;
	[dreg:$0xd] =	wrdreg s19  }
0xd: {  	s21 =	simm.s32 $0x380;
	[dreg:$0xe] =	wrdreg s20  }
0xe: {  	s22 =	simm.s32 $0x1280;
	[dreg:$0xf] =	wrdreg s21  }
0xf: {  	s23 =	simm.s32 $0x400;
	[dreg:$0x10] =	wrdreg s22  }
0x10: {  	s0 =	stileid.u32;
	s24 =	simm.s32 $0x1300;
	[dreg:$0x11] =	wrdreg s23  }
0x11: {  	s25 =	simm.s32 $0x480;
	s26 =	simm.s32 $0x1380;
	[dreg:$0x12] =	wrdreg s24  }
0x12: {  	s9 =	simm.s32 $0x500;
	s8 =	sadd.s32 $0x16E00, s4;
	[dreg:$0x13] =	wrdreg s25  }
0x13: {  	s10 =	simm.s32 $0x1400;
	s28 =	simm.s32 $0x1A80;
	[smem:$0x7F4] =	sst s8  }
0x14: {  	s29 =	simm.s32 $0xC00;
	s30 =	simm.s32 $0x1B00;
	[dreg:$0x14] =	wrdreg s26  }
0x15: {  	s31 =	simm.s32 $0x1B80;
	s3 =	smul.u32 $0x1400, s0;
	[dreg:$0x15] =	wrdreg s9  }
0x16: {  	p0 =	sne.s32 s0, $0x0;
	[dreg:$0x16] =	wrdreg s10;
	s11 =	simm.s32 $0x580  }
0x17: {  	s0 =	simm.s32 $0x1C00;
	s13 =	simm.s32 $0x1480;
	[dreg:$0x17] =	wrdreg s11  }
0x18: {  	s6 =	smul.u32 $0xA00, s5;
	s14 =	simm.s32 $0x600;
	[dreg:$0x18] =	wrdreg s13  }
0x19: {  	s7 =	smul.u32 $0x27100, s5;
	s15 =	simm.s32 $0x1500;
	[dreg:$0x19] =	wrdreg s14  }
0x1a: {  	s5 =	ssub.s32 $0x2, s5;
	s16 =	simm.s32 $0x680;
	[dreg:$0x1a] =	wrdreg s15  }
0x1b: {  	s17 =	simm.s32 $0x1580;
	s18 =	simm.s32 $0x700;
	[dreg:$0x1b] =	wrdreg s16  }
0x1c: {  	s8 =	simm.s32 $0x4;
	s19 =	simm.s32 $0x1600;
	[dreg:$0x1c] =	wrdreg s17  }
0x1d: {  	s9 =	simm.s32 $0x1000;
	s20 =	simm.s32 $0x780;
	[dreg:$0x1d] =	wrdreg s18  }
0x1e: {  	s10 =	simm.s32 $0x50;
	s21 =	simm.s32 $0x1680;
	[dreg:$0x1e] =	wrdreg s19  }
0x1f: {  	s22 =	simm.s32 $0x800;
	s23 =	simm.s32 $0x1700;
	[dreg:$0x1f] =	wrdreg s20  }
0x20: {  	s24 =	simm.s32 $0x880;
	s25 =	simm.s32 $0x1780;
	[smem:$0x7F7] =	sst s21  }
0x21: {  	s26 =	simm.s32 $0x900;
	s3 =	sadd.s32 s3, s4;
	[smem:$0x7F8] =	sst s22  }
0x22: {  	s12 =	sshrl.u32 s5, $0x1;
	s11 =	simm.s32 $0x2000;
	[smem:$0x7F9] =	sst s23  }
0x23: {  	s13 =	simm.s32 $0x7000;
	s14 =	simm.s32 $0x1;
	[smem:$0x7FA] =	sst s24  }
0x24: {  	s15 =	simm.s32 $0x2;
	[smem:$0x7FB] =	sst s25;
	s16 =	simm.s32 $0x3  }
0x25: {  	[smem:$0x7FC] =	sst s26;
	s17 =	simm.s32 $0x1800;
	s18 =	simm.s32 $0x980  }
0x26: {  	s19 =	simm.s32 $0x1880;
	s20 =	simm.s32 $0xA00;
	s21 =	simm.s32 $0x1900  }
0x27: {  	s22 =	simm.s32 $0xA80;
	s23 =	simm.s32 $0x1980;
	s3 =	sadd.s32 s6, s3  }
0x28: {  	s24 =	simm.s32 $0xB00;
	s25 =	simm.s32 $0x1A00;
	s6 =	sadd.s32 $0x2E00, s3  }
0x29: {  	s5 =	ssub.s32 s5, s12;
	s3 =	sadd.s32 $0x8C200, s3;
	[dreg:$0x3] =	wrdreg s6  }
0x2a: {  	s5 =	smax.u32 s5, $0x1;
	[dreg:$0x4] =	wrdreg s3;
	s3 =	sadd.s32 $0x3E000, s4  }
0x2b: {  	s4 =	sadd.s32 s7, s4;
	[smem:$0x7F6] =	sst s5;
	s6 =	sshrl.u32 @!p0 s1, $0x3  }
0x2c: {  	s26 =	simm.s32 $0xB80;
	s4 =	sadd.s32 $0xC7400, s4;
	[smem:$0x7FD] =	sst s6  }
0x2d: {  	s12 =	simm.s32 $0x4800;
	s7 =	simm.s32 $0x0;
	[smem:$0x7F5] =	sst s4  }
.LBB2_1:
0x2e: {  	s4 =	sld [smem:$0x7F4];
	_ =	sdelay $0x1  }
0x2f: {  	[smem:$0x7F3] =	sst s7;
	s5 =	simm.s32 @!p0 $0x1C04  }
0x30: {  	[spmem:s6], [sflag:s5] =	dma.local @!p0 [hbm:s4], $0x27100  }
0x31: {  	s5 =	simm.s32 @!p0 $0x4  }
0x32: {  	_ =	swait.ge @!p0 [sflag:s5], $0x27100  }
0x33: {  	[sflag:s5] =	ssyncset.done @!p0 $0x0  }
0x34: {  	[sflag:s5] =	ssyncadd.s32 @!p0 $0xFFFD8F00  }
0x35: {  	[bflag:$0x0] =	sbarrier.arrive $0xFFFF  }
0x36: {  	s4 =	rddreg [dreg:$0x4]  }
0x37: {  	s5 =	sadd.s32 $0x0, s4  }
0x38: {  	[tilespmem:s2], [sflag:$0x4] =	stream.linear.gather [hbm4b:s5+s2], $0xC80, $0x38;
	[tilespmem:$0x1D080] =	vst v63  }
0x39: {  	_ =	swait.ge [sflag:s8], $0xC80  }
0x3a: {  	s6 =	rddreg [dreg:$0x3];
	[sflag:s8] =	ssyncset.done $0x0  }
0x3b: {  	[sflag:s8] =	ssyncadd.s32 $0xFFFFF380;
	s5 =	sadd.s32 $0x0, s6  }
0x3c: {  	[tilespmem:s9], [sflag:$0x4] =	stream.linear.gather [hbm4b:s5+s2], $0xC80, $0x38;
	[tilespmem:$0x1D080] =	vst v63  }
0x3d: {  	_ =	swait.ge [sflag:s8], $0xC80  }
0x3e: {  	[sflag:s8] =	ssyncset.done $0x0  }
0x3f: {  	[sflag:s8] =	ssyncadd.s32 $0xFFFFF380  }
0x40: {  	[tilespmem:s11], [sflag:$0x1] =	stream.indirect.gather [hbm4b:s3+s10], $0x80, s2, s10, $0xb8;
	[tilespmem:$0x1D080] =	vst v63  }
0x41: {  	s7 =	rddreg [dreg:$0x5]  }
0x42: {  	[tilespmem:s12], [sflag:$0x2] =	stream.indirect.gather [hbm4b:s3+s10], $0x80, s7, s10, $0xb8;
	[tilespmem:$0x1D080] =	vst v63  }
0x43: {  	s4 =	rddreg [dreg:$0x6]  }
0x44: {  	[tilespmem:s13], [sflag:$0x3] =	stream.indirect.gather [hbm4b:s3+s10], $0x80, s4, s10, $0xb8;
	[tilespmem:$0x1D080] =	vst v63  }
0x45: {  	_ =	swait.ge [sflag:s14], $0x2800  }
0x46: {  	[sflag:s14] =	ssyncset.done $0x0  }
0x47: {  	[sflag:s14] =	ssyncadd.s32 $0xFFFFD800  }
0x48: {  	[spmem:s1] =	stream.indirect.scatter.add.f32 [tilespmem:s11], [sflag:$0x4], $0x80, s9, s10, $0xb8;
	[tilespmem:$0x1D080] =	vst v63  }
0x49: {  	_ =	swait.ge [sflag:s8], $0x2800  }
0x4a: {  	[sflag:s8] =	ssyncset.done $0x0  }
0x4b: {  	s7 =	rddreg [dreg:$0x7];
	[sflag:s8] =	ssyncadd.s32 $0xFFFFD800  }
0x4c: {  	[tilespmem:s11], [sflag:$0x1] =	stream.indirect.gather [hbm4b:s3+s10], $0x80, s7, s10, $0xb8;
	[tilespmem:$0x1D080] =	vst v63  }
0x4d: {  	_ =	swait.ge [sflag:s15], $0x2800  }
0x4e: {  	[sflag:s15] =	ssyncset.done $0x0  }
0x4f: {  	s4 =	rddreg [dreg:$0x8];
	[sflag:s15] =	ssyncadd.s32 $0xFFFFD800  }
0x50: {  	[spmem:s1] =	stream.indirect.scatter.add.f32 [tilespmem:s12], [sflag:$0x4], $0x80, s4, s10, $0xb8;
	[tilespmem:$0x1D080] =	vst v63  }
0x51: {  	_ =	swait.ge [sflag:s8], $0x2800  }
0x52: {  	[sflag:s8] =	ssyncset.done $0x0  }
0x53: {  	s6 =	rddreg [dreg:$0x9];
	[sflag:s8] =	ssyncadd.s32 $0xFFFFD800  }
0x54: {  	[tilespmem:s12], [sflag:$0x2] =	stream.indirect.gather [hbm4b:s3+s10], $0x80, s6, s10, $0xb8;
	[tilespmem:$0x1D080] =	vst v63  }
0x55: {  	_ =	swait.ge [sflag:s16], $0x2800  }
0x56: {  	[sflag:s16] =	ssyncset.done $0x0  }
0x57: {  	s7 =	rddreg [dreg:$0xa];
	[sflag:s16] =	ssyncadd.s32 $0xFFFFD800  }
0x58: {  	[spmem:s1] =	stream.indirect.scatter.add.f32 [tilespmem:s13], [sflag:$0x4], $0x80, s7, s10, $0xb8;
	[tilespmem:$0x1D080] =	vst v63  }
0x59: {  	_ =	swait.ge [sflag:s8], $0x2800  }
0x5a: {  	[sflag:s8] =	ssyncset.done $0x0  }
0x5b: {  	s4 =	rddreg [dreg:$0xb];
	[sflag:s8] =	ssyncadd.s32 $0xFFFFD800  }
0x5c: {  	[tilespmem:s13], [sflag:$0x3] =	stream.indirect.gather [hbm4b:s3+s10], $0x80, s4, s10, $0xb8;
	[tilespmem:$0x1D080] =	vst v63  }
0x5d: {  	_ =	swait.ge [sflag:s14], $0x2800  }
0x5e: {  	[sflag:s14] =	ssyncset.done $0x0  }
0x5f: {  	s6 =	rddreg [dreg:$0xc];
	[sflag:s14] =	ssyncadd.s32 $0xFFFFD800  }
0x60: {  	[spmem:s1] =	stream.indirect.scatter.add.f32 [tilespmem:s11], [sflag:$0x4], $0x80, s6, s10, $0xb8;
	[tilespmem:$0x1D080] =	vst v63  }
0x61: {  	_ =	swait.ge [sflag:s8], $0x2800  }
0x62: {  	[sflag:s8] =	ssyncset.done $0x0  }
0x63: {  	s7 =	rddreg [dreg:$0xd];
	[sflag:s8] =	ssyncadd.s32 $0xFFFFD800  }
0x64: {  	[tilespmem:s11], [sflag:$0x1] =	stream.indirect.gather [hbm4b:s3+s10], $0x80, s7, s10, $0xb8;
	[tilespmem:$0x1D080] =	vst v63  }
0x65: {  	_ =	swait.ge [sflag:s15], $0x2800  }
0x66: {  	[sflag:s15] =	ssyncset.done $0x0  }
0x67: {  	s4 =	rddreg [dreg:$0xe];
	[sflag:s15] =	ssyncadd.s32 $0xFFFFD800  }
0x68: {  	[spmem:s1] =	stream.indirect.scatter.add.f32 [tilespmem:s12], [sflag:$0x4], $0x80, s4, s10, $0xb8;
	[tilespmem:$0x1D080] =	vst v63  }
0x69: {  	_ =	swait.ge [sflag:s8], $0x2800  }
0x6a: {  	[sflag:s8] =	ssyncset.done $0x0  }
0x6b: {  	s6 =	rddreg [dreg:$0xf];
	[sflag:s8] =	ssyncadd.s32 $0xFFFFD800  }
0x6c: {  	[tilespmem:s12], [sflag:$0x2] =	stream.indirect.gather [hbm4b:s3+s10], $0x80, s6, s10, $0xb8;
	[tilespmem:$0x1D080] =	vst v63  }
0x6d: {  	_ =	swait.ge [sflag:s16], $0x2800  }
0x6e: {  	[sflag:s16] =	ssyncset.done $0x0  }
0x6f: {  	s7 =	rddreg [dreg:$0x10];
	[sflag:s16] =	ssyncadd.s32 $0xFFFFD800  }
0x70: {  	[spmem:s1] =	stream.indirect.scatter.add.f32 [tilespmem:s13], [sflag:$0x4], $0x80, s7, s10, $0xb8;
	[tilespmem:$0x1D080] =	vst v63  }
0x71: {  	_ =	swait.ge [sflag:s8], $0x2800  }
0x72: {  	[sflag:s8] =	ssyncset.done $0x0  }
0x73: {  	s4 =	rddreg [dreg:$0x11];
	[sflag:s8] =	ssyncadd.s32 $0xFFFFD800  }
0x74: {  	[tilespmem:s13], [sflag:$0x3] =	stream.indirect.gather [hbm4b:s3+s10], $0x80, s4, s10, $0xb8;
	[tilespmem:$0x1D080] =	vst v63  }
0x75: {  	_ =	swait.ge [sflag:s14], $0x2800  }
0x76: {  	[sflag:s14] =	ssyncset.done $0x0  }
0x77: {  	s6 =	rddreg [dreg:$0x12];
	[sflag:s14] =	ssyncadd.s32 $0xFFFFD800  }
0x78: {  	[spmem:s1] =	stream.indirect.scatter.add.f32 [tilespmem:s11], [sflag:$0x4], $0x80, s6, s10, $0xb8;
	[tilespmem:$0x1D080] =	vst v63  }
0x79: {  	_ =	swait.ge [sflag:s8], $0x2800  }
0x7a: {  	[sflag:s8] =	ssyncset.done $0x0  }
0x7b: {  	s7 =	rddreg [dreg:$0x13];
	[sflag:s8] =	ssyncadd.s32 $0xFFFFD800  }
0x7c: {  	[tilespmem:s11], [sflag:$0x1] =	stream.indirect.gather [hbm4b:s3+s10], $0x80, s7, s10, $0xb8;
	[tilespmem:$0x1D080] =	vst v63  }
0x7d: {  	_ =	swait.ge [sflag:s15], $0x2800  }
0x7e: {  	[sflag:s15] =	ssyncset.done $0x0  }
0x7f: {  	s4 =	rddreg [dreg:$0x14];
	[sflag:s15] =	ssyncadd.s32 $0xFFFFD800  }
0x80: {  	[spmem:s1] =	stream.indirect.scatter.add.f32 [tilespmem:s12], [sflag:$0x4], $0x80, s4, s10, $0xb8;
	[tilespmem:$0x1D080] =	vst v63  }
0x81: {  	_ =	swait.ge [sflag:s8], $0x2800  }
0x82: {  	[sflag:s8] =	ssyncset.done $0x0  }
0x83: {  	s6 =	rddreg [dreg:$0x15];
	[sflag:s8] =	ssyncadd.s32 $0xFFFFD800  }
0x84: {  	[tilespmem:s12], [sflag:$0x2] =	stream.indirect.gather [hbm4b:s3+s10], $0x80, s6, s10, $0xb8;
	[tilespmem:$0x1D080] =	vst v63  }
0x85: {  	_ =	swait.ge [sflag:s16], $0x2800  }
0x86: {  	[sflag:s16] =	ssyncset.done $0x0  }
0x87: {  	s7 =	rddreg [dreg:$0x16];
	[sflag:s16] =	ssyncadd.s32 $0xFFFFD800  }
0x88: {  	[spmem:s1] =	stream.indirect.scatter.add.f32 [tilespmem:s13], [sflag:$0x4], $0x80, s7, s10, $0xb8;
	[tilespmem:$0x1D080] =	vst v63  }
0x89: {  	_ =	swait.ge [sflag:s8], $0x2800  }
0x8a: {  	[sflag:s8] =	ssyncset.done $0x0  }
0x8b: {  	s4 =	rddreg [dreg:$0x17];
	[sflag:s8] =	ssyncadd.s32 $0xFFFFD800  }
0x8c: {  	[tilespmem:s13], [sflag:$0x3] =	stream.indirect.gather [hbm4b:s3+s10], $0x80, s4, s10, $0xb8;
	[tilespmem:$0x1D080] =	vst v63  }
0x8d: {  	_ =	swait.ge [sflag:s14], $0x2800  }
0x8e: {  	[sflag:s14] =	ssyncset.done $0x0  }
0x8f: {  	s6 =	rddreg [dreg:$0x18];
	[sflag:s14] =	ssyncadd.s32 $0xFFFFD800  }
0x90: {  	[spmem:s1] =	stream.indirect.scatter.add.f32 [tilespmem:s11], [sflag:$0x4], $0x80, s6, s10, $0xb8;
	[tilespmem:$0x1D080] =	vst v63  }
0x91: {  	_ =	swait.ge [sflag:s8], $0x2800  }
0x92: {  	[sflag:s8] =	ssyncset.done $0x0  }
0x93: {  	s7 =	rddreg [dreg:$0x19];
	[sflag:s8] =	ssyncadd.s32 $0xFFFFD800  }
0x94: {  	[tilespmem:s11], [sflag:$0x1] =	stream.indirect.gather [hbm4b:s3+s10], $0x80, s7, s10, $0xb8;
	[tilespmem:$0x1D080] =	vst v63  }
0x95: {  	_ =	swait.ge [sflag:s15], $0x2800  }
0x96: {  	[sflag:s15] =	ssyncset.done $0x0  }
0x97: {  	s4 =	rddreg [dreg:$0x1a];
	[sflag:s15] =	ssyncadd.s32 $0xFFFFD800  }
0x98: {  	[spmem:s1] =	stream.indirect.scatter.add.f32 [tilespmem:s12], [sflag:$0x4], $0x80, s4, s10, $0xb8;
	[tilespmem:$0x1D080] =	vst v63  }
0x99: {  	_ =	swait.ge [sflag:s8], $0x2800  }
0x9a: {  	[sflag:s8] =	ssyncset.done $0x0  }
0x9b: {  	s6 =	rddreg [dreg:$0x1b];
	[sflag:s8] =	ssyncadd.s32 $0xFFFFD800  }
0x9c: {  	[tilespmem:s12], [sflag:$0x2] =	stream.indirect.gather [hbm4b:s3+s10], $0x80, s6, s10, $0xb8;
	[tilespmem:$0x1D080] =	vst v63  }
0x9d: {  	_ =	swait.ge [sflag:s16], $0x2800  }
0x9e: {  	[sflag:s16] =	ssyncset.done $0x0  }
0x9f: {  	s7 =	rddreg [dreg:$0x1c];
	[sflag:s16] =	ssyncadd.s32 $0xFFFFD800  }
0xa0: {  	[spmem:s1] =	stream.indirect.scatter.add.f32 [tilespmem:s13], [sflag:$0x4], $0x80, s7, s10, $0xb8;
	[tilespmem:$0x1D080] =	vst v63  }
0xa1: {  	_ =	swait.ge [sflag:s8], $0x2800  }
0xa2: {  	[sflag:s8] =	ssyncset.done $0x0  }
0xa3: {  	s4 =	rddreg [dreg:$0x1d];
	[sflag:s8] =	ssyncadd.s32 $0xFFFFD800  }
0xa4: {  	[tilespmem:s13], [sflag:$0x3] =	stream.indirect.gather [hbm4b:s3+s10], $0x80, s4, s10, $0xb8;
	[tilespmem:$0x1D080] =	vst v63  }
0xa5: {  	_ =	swait.ge [sflag:s14], $0x2800  }
0xa6: {  	[sflag:s14] =	ssyncset.done $0x0  }
0xa7: {  	s6 =	rddreg [dreg:$0x1e];
	[sflag:s14] =	ssyncadd.s32 $0xFFFFD800  }
0xa8: {  	[spmem:s1] =	stream.indirect.scatter.add.f32 [tilespmem:s11], [sflag:$0x4], $0x80, s6, s10, $0xb8;
	[tilespmem:$0x1D080] =	vst v63  }
0xa9: {  	_ =	swait.ge [sflag:s8], $0x2800  }
0xaa: {  	[sflag:s8] =	ssyncset.done $0x0  }
0xab: {  	s7 =	rddreg [dreg:$0x1f];
	[sflag:s8] =	ssyncadd.s32 $0xFFFFD800  }
0xac: {  	[tilespmem:s11], [sflag:$0x1] =	stream.indirect.gather [hbm4b:s3+s10], $0x80, s7, s10, $0xb8;
	[tilespmem:$0x1D080] =	vst v63  }
0xad: {  	_ =	swait.ge [sflag:s15], $0x2800  }
0xae: {  	s4 =	sld [smem:$0x7F7]  }
0xaf: {  	[sflag:s15] =	ssyncset.done $0x0  }
0xb0: {  	[sflag:s15] =	ssyncadd.s32 $0xFFFFD800  }
0xb1: {  	[spmem:s1] =	stream.indirect.scatter.add.f32 [tilespmem:s12], [sflag:$0x4], $0x80, s4, s10, $0xb8;
	[tilespmem:$0x1D080] =	vst v63  }
0xb2: {  	_ =	swait.ge [sflag:s8], $0x2800  }
0xb3: {  	s6 =	sld [smem:$0x7F8]  }
0xb4: {  	[sflag:s8] =	ssyncset.done $0x0  }
0xb5: {  	[sflag:s8] =	ssyncadd.s32 $0xFFFFD800  }
0xb6: {  	[tilespmem:s12], [sflag:$0x2] =	stream.indirect.gather [hbm4b:s3+s10], $0x80, s6, s10, $0xb8;
	[tilespmem:$0x1D080] =	vst v63  }
0xb7: {  	_ =	swait.ge [sflag:s16], $0x2800  }
0xb8: {  	s7 =	sld [smem:$0x7F9]  }
0xb9: {  	[sflag:s16] =	ssyncset.done $0x0  }
0xba: {  	[sflag:s16] =	ssyncadd.s32 $0xFFFFD800  }
0xbb: {  	[spmem:s1] =	stream.indirect.scatter.add.f32 [tilespmem:s13], [sflag:$0x4], $0x80, s7, s10, $0xb8;
	[tilespmem:$0x1D080] =	vst v63  }
0xbc: {  	_ =	swait.ge [sflag:s8], $0x2800  }
0xbd: {  	s4 =	sld [smem:$0x7FA]  }
0xbe: {  	[sflag:s8] =	ssyncset.done $0x0  }
0xbf: {  	[sflag:s8] =	ssyncadd.s32 $0xFFFFD800  }
0xc0: {  	[tilespmem:s13], [sflag:$0x3] =	stream.indirect.gather [hbm4b:s3+s10], $0x80, s4, s10, $0xb8;
	[tilespmem:$0x1D080] =	vst v63  }
0xc1: {  	_ =	swait.ge [sflag:s14], $0x2800  }
0xc2: {  	s6 =	sld [smem:$0x7FB]  }
0xc3: {  	[sflag:s14] =	ssyncset.done $0x0  }
0xc4: {  	[sflag:s14] =	ssyncadd.s32 $0xFFFFD800  }
0xc5: {  	[spmem:s1] =	stream.indirect.scatter.add.f32 [tilespmem:s11], [sflag:$0x4], $0x80, s6, s10, $0xb8;
	[tilespmem:$0x1D080] =	vst v63  }
0xc6: {  	_ =	swait.ge [sflag:s8], $0x2800  }
0xc7: {  	s7 =	sld [smem:$0x7FC]  }
0xc8: {  	[sflag:s8] =	ssyncset.done $0x0  }
0xc9: {  	[sflag:s8] =	ssyncadd.s32 $0xFFFFD800  }
0xca: {  	[tilespmem:s11], [sflag:$0x1] =	stream.indirect.gather [hbm4b:s3+s10], $0x80, s7, s10, $0xb8;
	[tilespmem:$0x1D080] =	vst v63  }
0xcb: {  	_ =	swait.ge [sflag:s15], $0x2800  }
0xcc: {  	[sflag:s15] =	ssyncset.done $0x0  }
0xcd: {  	[sflag:s15] =	ssyncadd.s32 $0xFFFFD800  }
0xce: {  	[spmem:s1] =	stream.indirect.scatter.add.f32 [tilespmem:s12], [sflag:$0x4], $0x80, s17, s10, $0xb8;
	[tilespmem:$0x1D080] =	vst v63  }
0xcf: {  	_ =	swait.ge [sflag:s8], $0x2800  }
0xd0: {  	[sflag:s8] =	ssyncset.done $0x0  }
0xd1: {  	[sflag:s8] =	ssyncadd.s32 $0xFFFFD800  }
0xd2: {  	[tilespmem:s12], [sflag:$0x2] =	stream.indirect.gather [hbm4b:s3+s10], $0x80, s18, s10, $0xb8;
	[tilespmem:$0x1D080] =	vst v63  }
0xd3: {  	_ =	swait.ge [sflag:s16], $0x2800  }
0xd4: {  	[sflag:s16] =	ssyncset.done $0x0  }
0xd5: {  	[sflag:s16] =	ssyncadd.s32 $0xFFFFD800  }
0xd6: {  	[spmem:s1] =	stream.indirect.scatter.add.f32 [tilespmem:s13], [sflag:$0x4], $0x80, s19, s10, $0xb8;
	[tilespmem:$0x1D080] =	vst v63  }
0xd7: {  	_ =	swait.ge [sflag:s8], $0x2800  }
0xd8: {  	[sflag:s8] =	ssyncset.done $0x0  }
0xd9: {  	[sflag:s8] =	ssyncadd.s32 $0xFFFFD800  }
0xda: {  	[tilespmem:s13], [sflag:$0x3] =	stream.indirect.gather [hbm4b:s3+s10], $0x80, s20, s10, $0xb8;
	[tilespmem:$0x1D080] =	vst v63  }
0xdb: {  	_ =	swait.ge [sflag:s14], $0x2800  }
0xdc: {  	[sflag:s14] =	ssyncset.done $0x0  }
0xdd: {  	[sflag:s14] =	ssyncadd.s32 $0xFFFFD800  }
0xde: {  	[spmem:s1] =	stream.indirect.scatter.add.f32 [tilespmem:s11], [sflag:$0x4], $0x80, s21, s10, $0xb8;
	[tilespmem:$0x1D080] =	vst v63  }
0xdf: {  	_ =	swait.ge [sflag:s8], $0x2800  }
0xe0: {  	[sflag:s8] =	ssyncset.done $0x0  }
0xe1: {  	[sflag:s8] =	ssyncadd.s32 $0xFFFFD800  }
0xe2: {  	[tilespmem:s11], [sflag:$0x1] =	stream.indirect.gather [hbm4b:s3+s10], $0x80, s22, s10, $0xb8;
	[tilespmem:$0x1D080] =	vst v63  }
0xe3: {  	_ =	swait.ge [sflag:s15], $0x2800  }
0xe4: {  	[sflag:s15] =	ssyncset.done $0x0  }
0xe5: {  	[sflag:s15] =	ssyncadd.s32 $0xFFFFD800  }
0xe6: {  	[spmem:s1] =	stream.indirect.scatter.add.f32 [tilespmem:s12], [sflag:$0x4], $0x80, s23, s10, $0xb8;
	[tilespmem:$0x1D080] =	vst v63  }
0xe7: {  	_ =	swait.ge [sflag:s8], $0x2800  }
0xe8: {  	[sflag:s8] =	ssyncset.done $0x0  }
0xe9: {  	[sflag:s8] =	ssyncadd.s32 $0xFFFFD800  }
0xea: {  	[tilespmem:s12], [sflag:$0x2] =	stream.indirect.gather [hbm4b:s3+s10], $0x80, s24, s10, $0xb8;
	[tilespmem:$0x1D080] =	vst v63  }
0xeb: {  	_ =	swait.ge [sflag:s16], $0x2800  }
0xec: {  	[sflag:s16] =	ssyncset.done $0x0  }
0xed: {  	[sflag:s16] =	ssyncadd.s32 $0xFFFFD800  }
0xee: {  	[spmem:s1] =	stream.indirect.scatter.add.f32 [tilespmem:s13], [sflag:$0x4], $0x80, s25, s10, $0xb8;
	[tilespmem:$0x1D080] =	vst v63  }
0xef: {  	_ =	swait.ge [sflag:s8], $0x2800  }
0xf0: {  	[sflag:s8] =	ssyncset.done $0x0  }
0xf1: {  	[sflag:s8] =	ssyncadd.s32 $0xFFFFD800  }
0xf2: {  	[tilespmem:s13], [sflag:$0x3] =	stream.indirect.gather [hbm4b:s3+s10], $0x80, s26, s10, $0xb8;
	[tilespmem:$0x1D080] =	vst v63  }
0xf3: {  	_ =	swait.ge [sflag:s14], $0x2800  }
0xf4: {  	[sflag:s14] =	ssyncset.done $0x0  }
0xf5: {  	[sflag:s14] =	ssyncadd.s32 $0xFFFFD800  }
0xf6: {  	[spmem:s1] =	stream.indirect.scatter.add.f32 [tilespmem:s11], [sflag:$0x4], $0x80, s28, s10, $0xb8;
	[tilespmem:$0x1D080] =	vst v63  }
0xf7: {  	_ =	swait.ge [sflag:s8], $0x2800  }
0xf8: {  	[sflag:s8] =	ssyncset.done $0x0  }
0xf9: {  	[sflag:s8] =	ssyncadd.s32 $0xFFFFD800  }
0xfa: {  	[tilespmem:s11], [sflag:$0x1] =	stream.indirect.gather [hbm4b:s3+s10], $0x80, s29, s10, $0xb8;
	[tilespmem:$0x1D080] =	vst v63  }
0xfb: {  	_ =	swait.ge [sflag:s15], $0x2800  }
0xfc: {  	[sflag:s15] =	ssyncset.done $0x0  }
0xfd: {  	[sflag:s15] =	ssyncadd.s32 $0xFFFFD800  }
0xfe: {  	[spmem:s1] =	stream.indirect.scatter.add.f32 [tilespmem:s12], [sflag:$0x4], $0x80, s30, s10, $0xb8;
	[tilespmem:$0x1D080] =	vst v63  }
0xff: {  	_ =	swait.ge [sflag:s8], $0x2800  }
0x100: {  	[sflag:s8] =	ssyncset.done $0x0  }
0x101: {  	[sflag:s8] =	ssyncadd.s32 $0xFFFFD800  }
0x102: {  	_ =	swait.ge [sflag:s16], $0x2800  }
0x103: {  	[sflag:s16] =	ssyncset.done $0x0  }
0x104: {  	[sflag:s16] =	ssyncadd.s32 $0xFFFFD800  }
0x105: {  	[spmem:s1] =	stream.indirect.scatter.add.f32 [tilespmem:s13], [sflag:$0x4], $0x80, s31, s10, $0xb8;
	[tilespmem:$0x1D080] =	vst v63  }
0x106: {  	_ =	swait.ge [sflag:s8], $0x2800  }
0x107: {  	[sflag:s8] =	ssyncset.done $0x0  }
0x108: {  	[sflag:s8] =	ssyncadd.s32 $0xFFFFD800  }
0x109: {  	_ =	swait.ge [sflag:s14], $0x2800  }
0x10a: {  	[sflag:s14] =	ssyncset.done $0x0  }
0x10b: {  	[sflag:s14] =	ssyncadd.s32 $0xFFFFD800  }
0x10c: {  	[spmem:s1] =	stream.indirect.scatter.add.f32 [tilespmem:s11], [sflag:$0x4], $0x80, s0, s10, $0xb8;
	[tilespmem:$0x1D080] =	vst v63  }
0x10d: {  	s5 =	simm.s32 $0x200;
	_ =	swait.ge [sflag:s8], $0x2800  }
0x10e: {  	s6 =	simm.s32 $0x400;
	s7 =	rddreg [dreg:$0x4];
	[sflag:s8] =	ssyncset.done $0x0  }
.LBB2_2:
0x10f: {  	[sflag:s8] =	ssyncadd.s32 $0xFFFFD800;
	s7 =	sadd.s32 s5, s7  }
0x110: {  	[tilespmem:s2], [sflag:$0x4] =	stream.linear.gather [hbm4b:s7+s2], $0xC80, $0x38;
	[tilespmem:$0x1D080] =	vst v63  }
0x111: {  	_ =	swait.ge [sflag:s8], $0xC80  }
0x112: {  	s7 =	rddreg [dreg:$0x3];
	[sflag:s8] =	ssyncset.done $0x0  }
0x113: {  	[sflag:s8] =	ssyncadd.s32 $0xFFFFF380;
	s7 =	sadd.s32 s5, s7  }
0x114: {  	[tilespmem:s9], [sflag:$0x4] =	stream.linear.gather [hbm4b:s7+s2], $0xC80, $0x38;
	[tilespmem:$0x1D080] =	vst v63  }
0x115: {  	_ =	swait.ge [sflag:s8], $0xC80  }
0x116: {  	[sflag:s8] =	ssyncset.done $0x0  }
0x117: {  	s4 =	smov.u32 s6;
	[sflag:s8] =	ssyncadd.s32 $0xFFFFF380  }
0x118: {  	[tilespmem:s11], [sflag:$0x1] =	stream.indirect.gather [hbm4b:s3+s10], $0x80, s2, s10, $0xb8;
	[tilespmem:$0x1D080] =	vst v63  }
0x119: {  	s5 =	smov.u32 s4;
	s4 =	rddreg [dreg:$0x5]  }
0x11a: {  	[tilespmem:s12], [sflag:$0x2] =	stream.indirect.gather [hbm4b:s3+s10], $0x80, s4, s10, $0xb8;
	[tilespmem:$0x1D080] =	vst v63  }
0x11b: {  	s7 =	rddreg [dreg:$0x6]  }
0x11c: {  	[tilespmem:s13], [sflag:$0x3] =	stream.indirect.gather [hbm4b:s3+s10], $0x80, s7, s10, $0xb8;
	[tilespmem:$0x1D080] =	vst v63  }
0x11d: {  	_ =	swait.ge [sflag:s14], $0x2800  }
0x11e: {  	[sflag:s14] =	ssyncset.done $0x0  }
0x11f: {  	[sflag:s14] =	ssyncadd.s32 $0xFFFFD800  }
0x120: {  	[spmem:s1] =	stream.indirect.scatter.add.f32 [tilespmem:s11], [sflag:$0x4], $0x80, s9, s10, $0xb8;
	[tilespmem:$0x1D080] =	vst v63  }
0x121: {  	_ =	swait.ge [sflag:s8], $0x2800  }
0x122: {  	[sflag:s8] =	ssyncset.done $0x0  }
0x123: {  	s7 =	rddreg [dreg:$0x7];
	[sflag:s8] =	ssyncadd.s32 $0xFFFFD800  }
0x124: {  	[tilespmem:s11], [sflag:$0x1] =	stream.indirect.gather [hbm4b:s3+s10], $0x80, s7, s10, $0xb8;
	[tilespmem:$0x1D080] =	vst v63  }
0x125: {  	_ =	swait.ge [sflag:s15], $0x2800  }
0x126: {  	[sflag:s15] =	ssyncset.done $0x0  }
0x127: {  	s7 =	rddreg [dreg:$0x8];
	[sflag:s15] =	ssyncadd.s32 $0xFFFFD800  }
0x128: {  	[spmem:s1] =	stream.indirect.scatter.add.f32 [tilespmem:s12], [sflag:$0x4], $0x80, s7, s10, $0xb8;
	[tilespmem:$0x1D080] =	vst v63  }
0x129: {  	_ =	swait.ge [sflag:s8], $0x2800  }
0x12a: {  	[sflag:s8] =	ssyncset.done $0x0  }
0x12b: {  	s7 =	rddreg [dreg:$0x9];
	[sflag:s8] =	ssyncadd.s32 $0xFFFFD800  }
0x12c: {  	[tilespmem:s12], [sflag:$0x2] =	stream.indirect.gather [hbm4b:s3+s10], $0x80, s7, s10, $0xb8;
	[tilespmem:$0x1D080] =	vst v63  }
0x12d: {  	_ =	swait.ge [sflag:s16], $0x2800  }
0x12e: {  	[sflag:s16] =	ssyncset.done $0x0  }
0x12f: {  	s7 =	rddreg [dreg:$0xa];
	[sflag:s16] =	ssyncadd.s32 $0xFFFFD800  }
0x130: {  	[spmem:s1] =	stream.indirect.scatter.add.f32 [tilespmem:s13], [sflag:$0x4], $0x80, s7, s10, $0xb8;
	[tilespmem:$0x1D080] =	vst v63  }
0x131: {  	_ =	swait.ge [sflag:s8], $0x2800  }
0x132: {  	[sflag:s8] =	ssyncset.done $0x0  }
0x133: {  	s7 =	rddreg [dreg:$0xb];
	[sflag:s8] =	ssyncadd.s32 $0xFFFFD800  }
0x134: {  	[tilespmem:s13], [sflag:$0x3] =	stream.indirect.gather [hbm4b:s3+s10], $0x80, s7, s10, $0xb8;
	[tilespmem:$0x1D080] =	vst v63  }
0x135: {  	_ =	swait.ge [sflag:s14], $0x2800  }
0x136: {  	[sflag:s14] =	ssyncset.done $0x0  }
0x137: {  	s7 =	rddreg [dreg:$0xc];
	[sflag:s14] =	ssyncadd.s32 $0xFFFFD800  }
0x138: {  	[spmem:s1] =	stream.indirect.scatter.add.f32 [tilespmem:s11], [sflag:$0x4], $0x80, s7, s10, $0xb8;
	[tilespmem:$0x1D080] =	vst v63  }
0x139: {  	_ =	swait.ge [sflag:s8], $0x2800  }
0x13a: {  	[sflag:s8] =	ssyncset.done $0x0  }
0x13b: {  	s7 =	rddreg [dreg:$0xd];
	[sflag:s8] =	ssyncadd.s32 $0xFFFFD800  }
0x13c: {  	[tilespmem:s11], [sflag:$0x1] =	stream.indirect.gather [hbm4b:s3+s10], $0x80, s7, s10, $0xb8;
	[tilespmem:$0x1D080] =	vst v63  }
0x13d: {  	_ =	swait.ge [sflag:s15], $0x2800  }
0x13e: {  	[sflag:s15] =	ssyncset.done $0x0  }
0x13f: {  	s7 =	rddreg [dreg:$0xe];
	[sflag:s15] =	ssyncadd.s32 $0xFFFFD800  }
0x140: {  	[spmem:s1] =	stream.indirect.scatter.add.f32 [tilespmem:s12], [sflag:$0x4], $0x80, s7, s10, $0xb8;
	[tilespmem:$0x1D080] =	vst v63  }
0x141: {  	_ =	swait.ge [sflag:s8], $0x2800  }
0x142: {  	[sflag:s8] =	ssyncset.done $0x0  }
0x143: {  	s7 =	rddreg [dreg:$0xf];
	[sflag:s8] =	ssyncadd.s32 $0xFFFFD800  }
0x144: {  	[tilespmem:s12], [sflag:$0x2] =	stream.indirect.gather [hbm4b:s3+s10], $0x80, s7, s10, $0xb8;
	[tilespmem:$0x1D080] =	vst v63  }
0x145: {  	_ =	swait.ge [sflag:s16], $0x2800  }
0x146: {  	[sflag:s16] =	ssyncset.done $0x0  }
0x147: {  	s7 =	rddreg [dreg:$0x10];
	[sflag:s16] =	ssyncadd.s32 $0xFFFFD800  }
0x148: {  	[spmem:s1] =	stream.indirect.scatter.add.f32 [tilespmem:s13], [sflag:$0x4], $0x80, s7, s10, $0xb8;
	[tilespmem:$0x1D080] =	vst v63  }
0x149: {  	_ =	swait.ge [sflag:s8], $0x2800  }
0x14a: {  	[sflag:s8] =	ssyncset.done $0x0  }
0x14b: {  	s7 =	rddreg [dreg:$0x11];
	[sflag:s8] =	ssyncadd.s32 $0xFFFFD800  }
0x14c: {  	[tilespmem:s13], [sflag:$0x3] =	stream.indirect.gather [hbm4b:s3+s10], $0x80, s7, s10, $0xb8;
	[tilespmem:$0x1D080] =	vst v63  }
0x14d: {  	_ =	swait.ge [sflag:s14], $0x2800  }
0x14e: {  	[sflag:s14] =	ssyncset.done $0x0  }
0x14f: {  	s7 =	rddreg [dreg:$0x12];
	[sflag:s14] =	ssyncadd.s32 $0xFFFFD800  }
0x150: {  	[spmem:s1] =	stream.indirect.scatter.add.f32 [tilespmem:s11], [sflag:$0x4], $0x80, s7, s10, $0xb8;
	[tilespmem:$0x1D080] =	vst v63  }
0x151: {  	_ =	swait.ge [sflag:s8], $0x2800  }
0x152: {  	[sflag:s8] =	ssyncset.done $0x0  }
0x153: {  	s7 =	rddreg [dreg:$0x13];
	[sflag:s8] =	ssyncadd.s32 $0xFFFFD800  }
0x154: {  	[tilespmem:s11], [sflag:$0x1] =	stream.indirect.gather [hbm4b:s3+s10], $0x80, s7, s10, $0xb8;
	[tilespmem:$0x1D080] =	vst v63  }
0x155: {  	_ =	swait.ge [sflag:s15], $0x2800  }
0x156: {  	[sflag:s15] =	ssyncset.done $0x0  }
0x157: {  	s7 =	rddreg [dreg:$0x14];
	[sflag:s15] =	ssyncadd.s32 $0xFFFFD800  }
0x158: {  	[spmem:s1] =	stream.indirect.scatter.add.f32 [tilespmem:s12], [sflag:$0x4], $0x80, s7, s10, $0xb8;
	[tilespmem:$0x1D080] =	vst v63  }
0x159: {  	_ =	swait.ge [sflag:s8], $0x2800  }
0x15a: {  	[sflag:s8] =	ssyncset.done $0x0  }
0x15b: {  	s7 =	rddreg [dreg:$0x15];
	[sflag:s8] =	ssyncadd.s32 $0xFFFFD800  }
0x15c: {  	[tilespmem:s12], [sflag:$0x2] =	stream.indirect.gather [hbm4b:s3+s10], $0x80, s7, s10, $0xb8;
	[tilespmem:$0x1D080] =	vst v63  }
0x15d: {  	_ =	swait.ge [sflag:s16], $0x2800  }
0x15e: {  	[sflag:s16] =	ssyncset.done $0x0  }
0x15f: {  	s7 =	rddreg [dreg:$0x16];
	[sflag:s16] =	ssyncadd.s32 $0xFFFFD800  }
0x160: {  	[spmem:s1] =	stream.indirect.scatter.add.f32 [tilespmem:s13], [sflag:$0x4], $0x80, s7, s10, $0xb8;
	[tilespmem:$0x1D080] =	vst v63  }
0x161: {  	_ =	swait.ge [sflag:s8], $0x2800  }
0x162: {  	[sflag:s8] =	ssyncset.done $0x0  }
0x163: {  	s7 =	rddreg [dreg:$0x17];
	[sflag:s8] =	ssyncadd.s32 $0xFFFFD800  }
0x164: {  	[tilespmem:s13], [sflag:$0x3] =	stream.indirect.gather [hbm4b:s3+s10], $0x80, s7, s10, $0xb8;
	[tilespmem:$0x1D080] =	vst v63  }
0x165: {  	_ =	swait.ge [sflag:s14], $0x2800  }
0x166: {  	[sflag:s14] =	ssyncset.done $0x0  }
0x167: {  	s7 =	rddreg [dreg:$0x18];
	[sflag:s14] =	ssyncadd.s32 $0xFFFFD800  }
0x168: {  	[spmem:s1] =	stream.indirect.scatter.add.f32 [tilespmem:s11], [sflag:$0x4], $0x80, s7, s10, $0xb8;
	[tilespmem:$0x1D080] =	vst v63  }
0x169: {  	_ =	swait.ge [sflag:s8], $0x2800  }
0x16a: {  	[sflag:s8] =	ssyncset.done $0x0  }
0x16b: {  	s7 =	rddreg [dreg:$0x19];
	[sflag:s8] =	ssyncadd.s32 $0xFFFFD800  }
0x16c: {  	[tilespmem:s11], [sflag:$0x1] =	stream.indirect.gather [hbm4b:s3+s10], $0x80, s7, s10, $0xb8;
	[tilespmem:$0x1D080] =	vst v63  }
0x16d: {  	_ =	swait.ge [sflag:s15], $0x2800  }
0x16e: {  	[sflag:s15] =	ssyncset.done $0x0  }
0x16f: {  	s7 =	rddreg [dreg:$0x1a];
	[sflag:s15] =	ssyncadd.s32 $0xFFFFD800  }
0x170: {  	[spmem:s1] =	stream.indirect.scatter.add.f32 [tilespmem:s12], [sflag:$0x4], $0x80, s7, s10, $0xb8;
	[tilespmem:$0x1D080] =	vst v63  }
0x171: {  	_ =	swait.ge [sflag:s8], $0x2800  }
0x172: {  	[sflag:s8] =	ssyncset.done $0x0  }
0x173: {  	s7 =	rddreg [dreg:$0x1b];
	[sflag:s8] =	ssyncadd.s32 $0xFFFFD800  }
0x174: {  	[tilespmem:s12], [sflag:$0x2] =	stream.indirect.gather [hbm4b:s3+s10], $0x80, s7, s10, $0xb8;
	[tilespmem:$0x1D080] =	vst v63  }
0x175: {  	_ =	swait.ge [sflag:s16], $0x2800  }
0x176: {  	[sflag:s16] =	ssyncset.done $0x0  }
0x177: {  	s7 =	rddreg [dreg:$0x1c];
	[sflag:s16] =	ssyncadd.s32 $0xFFFFD800  }
0x178: {  	[spmem:s1] =	stream.indirect.scatter.add.f32 [tilespmem:s13], [sflag:$0x4], $0x80, s7, s10, $0xb8;
	[tilespmem:$0x1D080] =	vst v63  }
0x179: {  	_ =	swait.ge [sflag:s8], $0x2800  }
0x17a: {  	[sflag:s8] =	ssyncset.done $0x0  }
0x17b: {  	s7 =	rddreg [dreg:$0x1d];
	[sflag:s8] =	ssyncadd.s32 $0xFFFFD800  }
0x17c: {  	[tilespmem:s13], [sflag:$0x3] =	stream.indirect.gather [hbm4b:s3+s10], $0x80, s7, s10, $0xb8;
	[tilespmem:$0x1D080] =	vst v63  }
0x17d: {  	_ =	swait.ge [sflag:s14], $0x2800  }
0x17e: {  	[sflag:s14] =	ssyncset.done $0x0  }
0x17f: {  	s7 =	rddreg [dreg:$0x1e];
	[sflag:s14] =	ssyncadd.s32 $0xFFFFD800  }
0x180: {  	[spmem:s1] =	stream.indirect.scatter.add.f32 [tilespmem:s11], [sflag:$0x4], $0x80, s7, s10, $0xb8;
	[tilespmem:$0x1D080] =	vst v63  }
0x181: {  	_ =	swait.ge [sflag:s8], $0x2800  }
0x182: {  	[sflag:s8] =	ssyncset.done $0x0  }
0x183: {  	s7 =	rddreg [dreg:$0x1f];
	[sflag:s8] =	ssyncadd.s32 $0xFFFFD800  }
0x184: {  	[tilespmem:s11], [sflag:$0x1] =	stream.indirect.gather [hbm4b:s3+s10], $0x80, s7, s10, $0xb8;
	[tilespmem:$0x1D080] =	vst v63  }
0x185: {  	_ =	swait.ge [sflag:s15], $0x2800  }
0x186: {  	s7 =	sld [smem:$0x7F7]  }
0x187: {  	[sflag:s15] =	ssyncset.done $0x0  }
0x188: {  	[sflag:s15] =	ssyncadd.s32 $0xFFFFD800  }
0x189: {  	[spmem:s1] =	stream.indirect.scatter.add.f32 [tilespmem:s12], [sflag:$0x4], $0x80, s7, s10, $0xb8;
	[tilespmem:$0x1D080] =	vst v63  }
0x18a: {  	_ =	swait.ge [sflag:s8], $0x2800  }
0x18b: {  	s7 =	sld [smem:$0x7F8]  }
0x18c: {  	[sflag:s8] =	ssyncset.done $0x0  }
0x18d: {  	[sflag:s8] =	ssyncadd.s32 $0xFFFFD800  }
0x18e: {  	[tilespmem:s12], [sflag:$0x2] =	stream.indirect.gather [hbm4b:s3+s10], $0x80, s7, s10, $0xb8;
	[tilespmem:$0x1D080] =	vst v63  }
0x18f: {  	_ =	swait.ge [sflag:s16], $0x2800  }
0x190: {  	s7 =	sld [smem:$0x7F9]  }
0x191: {  	[sflag:s16] =	ssyncset.done $0x0  }
0x192: {  	[sflag:s16] =	ssyncadd.s32 $0xFFFFD800  }
0x193: {  	[spmem:s1] =	stream.indirect.scatter.add.f32 [tilespmem:s13], [sflag:$0x4], $0x80, s7, s10, $0xb8;
	[tilespmem:$0x1D080] =	vst v63  }
0x194: {  	_ =	swait.ge [sflag:s8], $0x2800  }
0x195: {  	s7 =	sld [smem:$0x7FA]  }
0x196: {  	[sflag:s8] =	ssyncset.done $0x0  }
0x197: {  	[sflag:s8] =	ssyncadd.s32 $0xFFFFD800  }
0x198: {  	[tilespmem:s13], [sflag:$0x3] =	stream.indirect.gather [hbm4b:s3+s10], $0x80, s7, s10, $0xb8;
	[tilespmem:$0x1D080] =	vst v63  }
0x199: {  	_ =	swait.ge [sflag:s14], $0x2800  }
0x19a: {  	s7 =	sld [smem:$0x7FB]  }
0x19b: {  	[sflag:s14] =	ssyncset.done $0x0  }
0x19c: {  	[sflag:s14] =	ssyncadd.s32 $0xFFFFD800  }
0x19d: {  	[spmem:s1] =	stream.indirect.scatter.add.f32 [tilespmem:s11], [sflag:$0x4], $0x80, s7, s10, $0xb8;
	[tilespmem:$0x1D080] =	vst v63  }
0x19e: {  	_ =	swait.ge [sflag:s8], $0x2800  }
0x19f: {  	s7 =	sld [smem:$0x7FC]  }
0x1a0: {  	[sflag:s8] =	ssyncset.done $0x0  }
0x1a1: {  	[sflag:s8] =	ssyncadd.s32 $0xFFFFD800  }
0x1a2: {  	[tilespmem:s11], [sflag:$0x1] =	stream.indirect.gather [hbm4b:s3+s10], $0x80, s7, s10, $0xb8;
	[tilespmem:$0x1D080] =	vst v63  }
0x1a3: {  	_ =	swait.ge [sflag:s15], $0x2800  }
0x1a4: {  	[sflag:s15] =	ssyncset.done $0x0  }
0x1a5: {  	[sflag:s15] =	ssyncadd.s32 $0xFFFFD800  }
0x1a6: {  	[spmem:s1] =	stream.indirect.scatter.add.f32 [tilespmem:s12], [sflag:$0x4], $0x80, s17, s10, $0xb8;
	[tilespmem:$0x1D080] =	vst v63  }
0x1a7: {  	_ =	swait.ge [sflag:s8], $0x2800  }
0x1a8: {  	[sflag:s8] =	ssyncset.done $0x0  }
0x1a9: {  	[sflag:s8] =	ssyncadd.s32 $0xFFFFD800  }
0x1aa: {  	[tilespmem:s12], [sflag:$0x2] =	stream.indirect.gather [hbm4b:s3+s10], $0x80, s18, s10, $0xb8;
	[tilespmem:$0x1D080] =	vst v63  }
0x1ab: {  	_ =	swait.ge [sflag:s16], $0x2800  }
0x1ac: {  	[sflag:s16] =	ssyncset.done $0x0  }
0x1ad: {  	[sflag:s16] =	ssyncadd.s32 $0xFFFFD800  }
0x1ae: {  	[spmem:s1] =	stream.indirect.scatter.add.f32 [tilespmem:s13], [sflag:$0x4], $0x80, s19, s10, $0xb8;
	[tilespmem:$0x1D080] =	vst v63  }
0x1af: {  	_ =	swait.ge [sflag:s8], $0x2800  }
0x1b0: {  	[sflag:s8] =	ssyncset.done $0x0  }
0x1b1: {  	[sflag:s8] =	ssyncadd.s32 $0xFFFFD800  }
0x1b2: {  	[tilespmem:s13], [sflag:$0x3] =	stream.indirect.gather [hbm4b:s3+s10], $0x80, s20, s10, $0xb8;
	[tilespmem:$0x1D080] =	vst v63  }
0x1b3: {  	_ =	swait.ge [sflag:s14], $0x2800  }
0x1b4: {  	[sflag:s14] =	ssyncset.done $0x0  }
0x1b5: {  	[sflag:s14] =	ssyncadd.s32 $0xFFFFD800  }
0x1b6: {  	[spmem:s1] =	stream.indirect.scatter.add.f32 [tilespmem:s11], [sflag:$0x4], $0x80, s21, s10, $0xb8;
	[tilespmem:$0x1D080] =	vst v63  }
0x1b7: {  	_ =	swait.ge [sflag:s8], $0x2800  }
0x1b8: {  	[sflag:s8] =	ssyncset.done $0x0  }
0x1b9: {  	[sflag:s8] =	ssyncadd.s32 $0xFFFFD800  }
0x1ba: {  	[tilespmem:s11], [sflag:$0x1] =	stream.indirect.gather [hbm4b:s3+s10], $0x80, s22, s10, $0xb8;
	[tilespmem:$0x1D080] =	vst v63  }
0x1bb: {  	_ =	swait.ge [sflag:s15], $0x2800  }
0x1bc: {  	[sflag:s15] =	ssyncset.done $0x0  }
0x1bd: {  	[sflag:s15] =	ssyncadd.s32 $0xFFFFD800  }
0x1be: {  	[spmem:s1] =	stream.indirect.scatter.add.f32 [tilespmem:s12], [sflag:$0x4], $0x80, s23, s10, $0xb8;
	[tilespmem:$0x1D080] =	vst v63  }
0x1bf: {  	_ =	swait.ge [sflag:s8], $0x2800  }
0x1c0: {  	[sflag:s8] =	ssyncset.done $0x0  }
0x1c1: {  	[sflag:s8] =	ssyncadd.s32 $0xFFFFD800  }
0x1c2: {  	[tilespmem:s12], [sflag:$0x2] =	stream.indirect.gather [hbm4b:s3+s10], $0x80, s24, s10, $0xb8;
	[tilespmem:$0x1D080] =	vst v63  }
0x1c3: {  	_ =	swait.ge [sflag:s16], $0x2800  }
0x1c4: {  	[sflag:s16] =	ssyncset.done $0x0  }
0x1c5: {  	[sflag:s16] =	ssyncadd.s32 $0xFFFFD800  }
0x1c6: {  	[spmem:s1] =	stream.indirect.scatter.add.f32 [tilespmem:s13], [sflag:$0x4], $0x80, s25, s10, $0xb8;
	[tilespmem:$0x1D080] =	vst v63  }
0x1c7: {  	_ =	swait.ge [sflag:s8], $0x2800  }
0x1c8: {  	[sflag:s8] =	ssyncset.done $0x0  }
0x1c9: {  	[sflag:s8] =	ssyncadd.s32 $0xFFFFD800  }
0x1ca: {  	[tilespmem:s13], [sflag:$0x3] =	stream.indirect.gather [hbm4b:s3+s10], $0x80, s26, s10, $0xb8;
	[tilespmem:$0x1D080] =	vst v63  }
0x1cb: {  	_ =	swait.ge [sflag:s14], $0x2800  }
0x1cc: {  	[sflag:s14] =	ssyncset.done $0x0  }
0x1cd: {  	[sflag:s14] =	ssyncadd.s32 $0xFFFFD800  }
0x1ce: {  	[spmem:s1] =	stream.indirect.scatter.add.f32 [tilespmem:s11], [sflag:$0x4], $0x80, s28, s10, $0xb8;
	[tilespmem:$0x1D080] =	vst v63  }
0x1cf: {  	_ =	swait.ge [sflag:s8], $0x2800  }
0x1d0: {  	[sflag:s8] =	ssyncset.done $0x0  }
0x1d1: {  	[sflag:s8] =	ssyncadd.s32 $0xFFFFD800  }
0x1d2: {  	[tilespmem:s11], [sflag:$0x1] =	stream.indirect.gather [hbm4b:s3+s10], $0x80, s29, s10, $0xb8;
	[tilespmem:$0x1D080] =	vst v63  }
0x1d3: {  	_ =	swait.ge [sflag:s15], $0x2800  }
0x1d4: {  	[sflag:s15] =	ssyncset.done $0x0  }
0x1d5: {  	[sflag:s15] =	ssyncadd.s32 $0xFFFFD800  }
0x1d6: {  	[spmem:s1] =	stream.indirect.scatter.add.f32 [tilespmem:s12], [sflag:$0x4], $0x80, s30, s10, $0xb8;
	[tilespmem:$0x1D080] =	vst v63  }
0x1d7: {  	_ =	swait.ge [sflag:s8], $0x2800  }
0x1d8: {  	[sflag:s8] =	ssyncset.done $0x0  }
0x1d9: {  	[sflag:s8] =	ssyncadd.s32 $0xFFFFD800  }
0x1da: {  	_ =	swait.ge [sflag:s16], $0x2800  }
0x1db: {  	[sflag:s16] =	ssyncset.done $0x0  }
0x1dc: {  	[sflag:s16] =	ssyncadd.s32 $0xFFFFD800  }
0x1dd: {  	[spmem:s1] =	stream.indirect.scatter.add.f32 [tilespmem:s13], [sflag:$0x4], $0x80, s31, s10, $0xb8;
	[tilespmem:$0x1D080] =	vst v63  }
0x1de: {  	_ =	swait.ge [sflag:s8], $0x2800  }
0x1df: {  	[sflag:s8] =	ssyncset.done $0x0  }
0x1e0: {  	[sflag:s8] =	ssyncadd.s32 $0xFFFFD800  }
0x1e1: {  	p1 =	sne.s32 s6, $0x800;
	_ =	swait.ge [sflag:s14], $0x2800  }
.Ltmp0:
0x1e2: {  	[sflag:s14] =	ssyncset.done $0x0;
	(pc) =	sbr.rel @p1 .LBB2_2-.Ltmp0, $4  }
0x1e3: {  	[sflag:s14] =	ssyncadd.s32 $0xFFFFD800  }
0x1e4: {  	[spmem:s1] =	stream.indirect.scatter.add.f32 [tilespmem:s11], [sflag:$0x4], $0x80, s0, s10, $0xb8;
	[tilespmem:$0x1D080] =	vst v63  }
0x1e5: {  	_ =	swait.ge [sflag:s8], $0x2800  }
0x1e6: {  	s6 =	sadd.s32 $0x200, s6;
	s7 =	rddreg [dreg:$0x4];
	[sflag:s8] =	ssyncset.done $0x0  }
0x1e7: {  	[sflag:s8] =	ssyncadd.s32 $0xFFFFD800;
	s4 =	sadd.s32 s5, s7  }
0x1e8: {  	[tilespmem:s2], [sflag:$0x4] =	stream.linear.gather [hbm4b:s4+s2], $0xC80, $0x38;
	[tilespmem:$0x1D080] =	vst v63  }
0x1e9: {  	_ =	swait.ge [sflag:s8], $0xC80  }
0x1ea: {  	s7 =	rddreg [dreg:$0x3];
	[sflag:s8] =	ssyncset.done $0x0  }
0x1eb: {  	[sflag:s8] =	ssyncadd.s32 $0xFFFFF380;
	s4 =	sadd.s32 s5, s7  }
0x1ec: {  	[tilespmem:s9], [sflag:$0x4] =	stream.linear.gather [hbm4b:s4+s2], $0xC80, $0x38;
	[tilespmem:$0x1D080] =	vst v63  }
0x1ed: {  	_ =	swait.ge [sflag:s8], $0xC80  }
0x1ee: {  	[sflag:s8] =	ssyncset.done $0x0  }
0x1ef: {  	[sflag:s8] =	ssyncadd.s32 $0xFFFFF380  }
0x1f0: {  	[tilespmem:s11], [sflag:$0x1] =	stream.indirect.gather [hbm4b:s3+s10], $0x80, s2, s10, $0xb8;
	[tilespmem:$0x1D080] =	vst v63  }
0x1f1: {  	s5 =	rddreg [dreg:$0x5]  }
0x1f2: {  	[tilespmem:s12], [sflag:$0x2] =	stream.indirect.gather [hbm4b:s3+s10], $0x80, s5, s10, $0xb8;
	[tilespmem:$0x1D080] =	vst v63  }
0x1f3: {  	s6 =	rddreg [dreg:$0x6]  }
0x1f4: {  	[tilespmem:s13], [sflag:$0x3] =	stream.indirect.gather [hbm4b:s3+s10], $0x80, s6, s10, $0xb8;
	[tilespmem:$0x1D080] =	vst v63  }
0x1f5: {  	_ =	swait.ge [sflag:s14], $0x2800  }
0x1f6: {  	[sflag:s14] =	ssyncset.done $0x0  }
0x1f7: {  	[sflag:s14] =	ssyncadd.s32 $0xFFFFD800  }
0x1f8: {  	[spmem:s1] =	stream.indirect.scatter.add.f32 [tilespmem:s11], [sflag:$0x4], $0x80, s9, s10, $0xb8;
	[tilespmem:$0x1D080] =	vst v63  }
0x1f9: {  	_ =	swait.ge [sflag:s8], $0x2800  }
0x1fa: {  	[sflag:s8] =	ssyncset.done $0x0  }
0x1fb: {  	s7 =	rddreg [dreg:$0x7];
	[sflag:s8] =	ssyncadd.s32 $0xFFFFD800  }
0x1fc: {  	[tilespmem:s11], [sflag:$0x1] =	stream.indirect.gather [hbm4b:s3+s10], $0x80, s7, s10, $0xb8;
	[tilespmem:$0x1D080] =	vst v63  }
0x1fd: {  	_ =	swait.ge [sflag:s15], $0x2800  }
0x1fe: {  	[sflag:s15] =	ssyncset.done $0x0  }
0x1ff: {  	s5 =	rddreg [dreg:$0x8];
	[sflag:s15] =	ssyncadd.s32 $0xFFFFD800  }
0x200: {  	[spmem:s1] =	stream.indirect.scatter.add.f32 [tilespmem:s12], [sflag:$0x4], $0x80, s5, s10, $0xb8;
	[tilespmem:$0x1D080] =	vst v63  }
0x201: {  	_ =	swait.ge [sflag:s8], $0x2800  }
0x202: {  	[sflag:s8] =	ssyncset.done $0x0  }
0x203: {  	s6 =	rddreg [dreg:$0x9];
	[sflag:s8] =	ssyncadd.s32 $0xFFFFD800  }
0x204: {  	[tilespmem:s12], [sflag:$0x2] =	stream.indirect.gather [hbm4b:s3+s10], $0x80, s6, s10, $0xb8;
	[tilespmem:$0x1D080] =	vst v63  }
0x205: {  	_ =	swait.ge [sflag:s16], $0x2800  }
0x206: {  	[sflag:s16] =	ssyncset.done $0x0  }
0x207: {  	s7 =	rddreg [dreg:$0xa];
	[sflag:s16] =	ssyncadd.s32 $0xFFFFD800  }
0x208: {  	[spmem:s1] =	stream.indirect.scatter.add.f32 [tilespmem:s13], [sflag:$0x4], $0x80, s7, s10, $0xb8;
	[tilespmem:$0x1D080] =	vst v63  }
0x209: {  	_ =	swait.ge [sflag:s8], $0x2800  }
0x20a: {  	[sflag:s8] =	ssyncset.done $0x0  }
0x20b: {  	s5 =	rddreg [dreg:$0xb];
	[sflag:s8] =	ssyncadd.s32 $0xFFFFD800  }
0x20c: {  	[tilespmem:s13], [sflag:$0x3] =	stream.indirect.gather [hbm4b:s3+s10], $0x80, s5, s10, $0xb8;
	[tilespmem:$0x1D080] =	vst v63  }
0x20d: {  	_ =	swait.ge [sflag:s14], $0x2800  }
0x20e: {  	[sflag:s14] =	ssyncset.done $0x0  }
0x20f: {  	s6 =	rddreg [dreg:$0xc];
	[sflag:s14] =	ssyncadd.s32 $0xFFFFD800  }
0x210: {  	[spmem:s1] =	stream.indirect.scatter.add.f32 [tilespmem:s11], [sflag:$0x4], $0x80, s6, s10, $0xb8;
	[tilespmem:$0x1D080] =	vst v63  }
0x211: {  	_ =	swait.ge [sflag:s8], $0x2800  }
0x212: {  	[sflag:s8] =	ssyncset.done $0x0  }
0x213: {  	s7 =	rddreg [dreg:$0xd];
	[sflag:s8] =	ssyncadd.s32 $0xFFFFD800  }
0x214: {  	[tilespmem:s11], [sflag:$0x1] =	stream.indirect.gather [hbm4b:s3+s10], $0x80, s7, s10, $0xb8;
	[tilespmem:$0x1D080] =	vst v63  }
0x215: {  	_ =	swait.ge [sflag:s15], $0x2800  }
0x216: {  	[sflag:s15] =	ssyncset.done $0x0  }
0x217: {  	s5 =	rddreg [dreg:$0xe];
	[sflag:s15] =	ssyncadd.s32 $0xFFFFD800  }
0x218: {  	[spmem:s1] =	stream.indirect.scatter.add.f32 [tilespmem:s12], [sflag:$0x4], $0x80, s5, s10, $0xb8;
	[tilespmem:$0x1D080] =	vst v63  }
0x219: {  	_ =	swait.ge [sflag:s8], $0x2800  }
0x21a: {  	[sflag:s8] =	ssyncset.done $0x0  }
0x21b: {  	s6 =	rddreg [dreg:$0xf];
	[sflag:s8] =	ssyncadd.s32 $0xFFFFD800  }
0x21c: {  	[tilespmem:s12], [sflag:$0x2] =	stream.indirect.gather [hbm4b:s3+s10], $0x80, s6, s10, $0xb8;
	[tilespmem:$0x1D080] =	vst v63  }
0x21d: {  	_ =	swait.ge [sflag:s16], $0x2800  }
0x21e: {  	[sflag:s16] =	ssyncset.done $0x0  }
0x21f: {  	s7 =	rddreg [dreg:$0x10];
	[sflag:s16] =	ssyncadd.s32 $0xFFFFD800  }
0x220: {  	[spmem:s1] =	stream.indirect.scatter.add.f32 [tilespmem:s13], [sflag:$0x4], $0x80, s7, s10, $0xb8;
	[tilespmem:$0x1D080] =	vst v63  }
0x221: {  	_ =	swait.ge [sflag:s8], $0x2800  }
0x222: {  	[sflag:s8] =	ssyncset.done $0x0  }
0x223: {  	s5 =	rddreg [dreg:$0x11];
	[sflag:s8] =	ssyncadd.s32 $0xFFFFD800  }
0x224: {  	[tilespmem:s13], [sflag:$0x3] =	stream.indirect.gather [hbm4b:s3+s10], $0x80, s5, s10, $0xb8;
	[tilespmem:$0x1D080] =	vst v63  }
0x225: {  	_ =	swait.ge [sflag:s14], $0x2800  }
0x226: {  	[sflag:s14] =	ssyncset.done $0x0  }
0x227: {  	s6 =	rddreg [dreg:$0x12];
	[sflag:s14] =	ssyncadd.s32 $0xFFFFD800  }
0x228: {  	[spmem:s1] =	stream.indirect.scatter.add.f32 [tilespmem:s11], [sflag:$0x4], $0x80, s6, s10, $0xb8;
	[tilespmem:$0x1D080] =	vst v63  }
0x229: {  	_ =	swait.ge [sflag:s8], $0x2800  }
0x22a: {  	[sflag:s8] =	ssyncset.done $0x0  }
0x22b: {  	s7 =	rddreg [dreg:$0x13];
	[sflag:s8] =	ssyncadd.s32 $0xFFFFD800  }
0x22c: {  	[tilespmem:s11], [sflag:$0x1] =	stream.indirect.gather [hbm4b:s3+s10], $0x80, s7, s10, $0xb8;
	[tilespmem:$0x1D080] =	vst v63  }
0x22d: {  	_ =	swait.ge [sflag:s15], $0x2800  }
0x22e: {  	[sflag:s15] =	ssyncset.done $0x0  }
0x22f: {  	s5 =	rddreg [dreg:$0x14];
	[sflag:s15] =	ssyncadd.s32 $0xFFFFD800  }
0x230: {  	[spmem:s1] =	stream.indirect.scatter.add.f32 [tilespmem:s12], [sflag:$0x4], $0x80, s5, s10, $0xb8;
	[tilespmem:$0x1D080] =	vst v63  }
0x231: {  	_ =	swait.ge [sflag:s8], $0x2800  }
0x232: {  	[sflag:s8] =	ssyncset.done $0x0  }
0x233: {  	s6 =	rddreg [dreg:$0x15];
	[sflag:s8] =	ssyncadd.s32 $0xFFFFD800  }
0x234: {  	[tilespmem:s12], [sflag:$0x2] =	stream.indirect.gather [hbm4b:s3+s10], $0x80, s6, s10, $0xb8;
	[tilespmem:$0x1D080] =	vst v63  }
0x235: {  	_ =	swait.ge [sflag:s16], $0x2800  }
0x236: {  	[sflag:s16] =	ssyncset.done $0x0  }
0x237: {  	s7 =	rddreg [dreg:$0x16];
	[sflag:s16] =	ssyncadd.s32 $0xFFFFD800  }
0x238: {  	[spmem:s1] =	stream.indirect.scatter.add.f32 [tilespmem:s13], [sflag:$0x4], $0x80, s7, s10, $0xb8;
	[tilespmem:$0x1D080] =	vst v63  }
0x239: {  	_ =	swait.ge [sflag:s8], $0x2800  }
0x23a: {  	[sflag:s8] =	ssyncset.done $0x0  }
0x23b: {  	s5 =	rddreg [dreg:$0x17];
	[sflag:s8] =	ssyncadd.s32 $0xFFFFD800  }
0x23c: {  	[tilespmem:s13], [sflag:$0x3] =	stream.indirect.gather [hbm4b:s3+s10], $0x80, s5, s10, $0xb8;
	[tilespmem:$0x1D080] =	vst v63  }
0x23d: {  	_ =	swait.ge [sflag:s14], $0x2800  }
0x23e: {  	[sflag:s14] =	ssyncset.done $0x0  }
0x23f: {  	s6 =	rddreg [dreg:$0x18];
	[sflag:s14] =	ssyncadd.s32 $0xFFFFD800  }
0x240: {  	[spmem:s1] =	stream.indirect.scatter.add.f32 [tilespmem:s11], [sflag:$0x4], $0x80, s6, s10, $0xb8;
	[tilespmem:$0x1D080] =	vst v63  }
0x241: {  	_ =	swait.ge [sflag:s8], $0x2800  }
0x242: {  	[sflag:s8] =	ssyncset.done $0x0  }
0x243: {  	s7 =	rddreg [dreg:$0x19];
	[sflag:s8] =	ssyncadd.s32 $0xFFFFD800  }
0x244: {  	[tilespmem:s11], [sflag:$0x1] =	stream.indirect.gather [hbm4b:s3+s10], $0x80, s7, s10, $0xb8;
	[tilespmem:$0x1D080] =	vst v63  }
0x245: {  	_ =	swait.ge [sflag:s15], $0x2800  }
0x246: {  	[sflag:s15] =	ssyncset.done $0x0  }
0x247: {  	s5 =	rddreg [dreg:$0x1a];
	[sflag:s15] =	ssyncadd.s32 $0xFFFFD800  }
0x248: {  	[spmem:s1] =	stream.indirect.scatter.add.f32 [tilespmem:s12], [sflag:$0x4], $0x80, s5, s10, $0xb8;
	[tilespmem:$0x1D080] =	vst v63  }
0x249: {  	_ =	swait.ge [sflag:s8], $0x2800  }
0x24a: {  	[sflag:s8] =	ssyncset.done $0x0  }
0x24b: {  	s6 =	rddreg [dreg:$0x1b];
	[sflag:s8] =	ssyncadd.s32 $0xFFFFD800  }
0x24c: {  	[tilespmem:s12], [sflag:$0x2] =	stream.indirect.gather [hbm4b:s3+s10], $0x80, s6, s10, $0xb8;
	[tilespmem:$0x1D080] =	vst v63  }
0x24d: {  	_ =	swait.ge [sflag:s16], $0x2800  }
0x24e: {  	[sflag:s16] =	ssyncset.done $0x0  }
0x24f: {  	s7 =	rddreg [dreg:$0x1c];
	[sflag:s16] =	ssyncadd.s32 $0xFFFFD800  }
0x250: {  	[spmem:s1] =	stream.indirect.scatter.add.f32 [tilespmem:s13], [sflag:$0x4], $0x80, s7, s10, $0xb8;
	[tilespmem:$0x1D080] =	vst v63  }
0x251: {  	_ =	swait.ge [sflag:s8], $0x2800  }
0x252: {  	[sflag:s8] =	ssyncset.done $0x0  }
0x253: {  	s5 =	rddreg [dreg:$0x1d];
	[sflag:s8] =	ssyncadd.s32 $0xFFFFD800  }
0x254: {  	[tilespmem:s13], [sflag:$0x3] =	stream.indirect.gather [hbm4b:s3+s10], $0x80, s5, s10, $0xb8;
	[tilespmem:$0x1D080] =	vst v63  }
0x255: {  	_ =	swait.ge [sflag:s14], $0x2800  }
0x256: {  	[sflag:s14] =	ssyncset.done $0x0  }
0x257: {  	s6 =	rddreg [dreg:$0x1e];
	[sflag:s14] =	ssyncadd.s32 $0xFFFFD800  }
0x258: {  	[spmem:s1] =	stream.indirect.scatter.add.f32 [tilespmem:s11], [sflag:$0x4], $0x80, s6, s10, $0xb8;
	[tilespmem:$0x1D080] =	vst v63  }
0x259: {  	_ =	swait.ge [sflag:s8], $0x2800  }
0x25a: {  	[sflag:s8] =	ssyncset.done $0x0  }
0x25b: {  	s7 =	rddreg [dreg:$0x1f];
	[sflag:s8] =	ssyncadd.s32 $0xFFFFD800  }
0x25c: {  	[tilespmem:s11], [sflag:$0x1] =	stream.indirect.gather [hbm4b:s3+s10], $0x80, s7, s10, $0xb8;
	[tilespmem:$0x1D080] =	vst v63  }
0x25d: {  	_ =	swait.ge [sflag:s15], $0x2800  }
0x25e: {  	s5 =	sld [smem:$0x7F7]  }
0x25f: {  	[sflag:s15] =	ssyncset.done $0x0  }
0x260: {  	[sflag:s15] =	ssyncadd.s32 $0xFFFFD800  }
0x261: {  	[spmem:s1] =	stream.indirect.scatter.add.f32 [tilespmem:s12], [sflag:$0x4], $0x80, s5, s10, $0xb8;
	[tilespmem:$0x1D080] =	vst v63  }
0x262: {  	_ =	swait.ge [sflag:s8], $0x2800  }
0x263: {  	s6 =	sld [smem:$0x7F8]  }
0x264: {  	[sflag:s8] =	ssyncset.done $0x0  }
0x265: {  	[sflag:s8] =	ssyncadd.s32 $0xFFFFD800  }
0x266: {  	[tilespmem:s12], [sflag:$0x2] =	stream.indirect.gather [hbm4b:s3+s10], $0x80, s6, s10, $0xb8;
	[tilespmem:$0x1D080] =	vst v63  }
0x267: {  	_ =	swait.ge [sflag:s16], $0x2800  }
0x268: {  	s7 =	sld [smem:$0x7F9]  }
0x269: {  	[sflag:s16] =	ssyncset.done $0x0  }
0x26a: {  	[sflag:s16] =	ssyncadd.s32 $0xFFFFD800  }
0x26b: {  	[spmem:s1] =	stream.indirect.scatter.add.f32 [tilespmem:s13], [sflag:$0x4], $0x80, s7, s10, $0xb8;
	[tilespmem:$0x1D080] =	vst v63  }
0x26c: {  	_ =	swait.ge [sflag:s8], $0x2800  }
0x26d: {  	s5 =	sld [smem:$0x7FA]  }
0x26e: {  	[sflag:s8] =	ssyncset.done $0x0  }
0x26f: {  	[sflag:s8] =	ssyncadd.s32 $0xFFFFD800  }
0x270: {  	[tilespmem:s13], [sflag:$0x3] =	stream.indirect.gather [hbm4b:s3+s10], $0x80, s5, s10, $0xb8;
	[tilespmem:$0x1D080] =	vst v63  }
0x271: {  	_ =	swait.ge [sflag:s14], $0x2800  }
0x272: {  	s6 =	sld [smem:$0x7FB]  }
0x273: {  	[sflag:s14] =	ssyncset.done $0x0  }
0x274: {  	[sflag:s14] =	ssyncadd.s32 $0xFFFFD800  }
0x275: {  	[spmem:s1] =	stream.indirect.scatter.add.f32 [tilespmem:s11], [sflag:$0x4], $0x80, s6, s10, $0xb8;
	[tilespmem:$0x1D080] =	vst v63  }
0x276: {  	_ =	swait.ge [sflag:s8], $0x2800  }
0x277: {  	s7 =	sld [smem:$0x7FC]  }
0x278: {  	[sflag:s8] =	ssyncset.done $0x0  }
0x279: {  	[sflag:s8] =	ssyncadd.s32 $0xFFFFD800  }
0x27a: {  	[tilespmem:s11], [sflag:$0x1] =	stream.indirect.gather [hbm4b:s3+s10], $0x80, s7, s10, $0xb8;
	[tilespmem:$0x1D080] =	vst v63  }
0x27b: {  	_ =	swait.ge [sflag:s15], $0x2800  }
0x27c: {  	[sflag:s15] =	ssyncset.done $0x0  }
0x27d: {  	[sflag:s15] =	ssyncadd.s32 $0xFFFFD800  }
0x27e: {  	[spmem:s1] =	stream.indirect.scatter.add.f32 [tilespmem:s12], [sflag:$0x4], $0x80, s17, s10, $0xb8;
	[tilespmem:$0x1D080] =	vst v63  }
0x27f: {  	_ =	swait.ge [sflag:s8], $0x2800  }
0x280: {  	[sflag:s8] =	ssyncset.done $0x0  }
0x281: {  	[sflag:s8] =	ssyncadd.s32 $0xFFFFD800  }
0x282: {  	[tilespmem:s12], [sflag:$0x2] =	stream.indirect.gather [hbm4b:s3+s10], $0x80, s18, s10, $0xb8;
	[tilespmem:$0x1D080] =	vst v63  }
0x283: {  	_ =	swait.ge [sflag:s16], $0x2800  }
0x284: {  	[sflag:s16] =	ssyncset.done $0x0  }
0x285: {  	[sflag:s16] =	ssyncadd.s32 $0xFFFFD800  }
0x286: {  	[spmem:s1] =	stream.indirect.scatter.add.f32 [tilespmem:s13], [sflag:$0x4], $0x80, s19, s10, $0xb8;
	[tilespmem:$0x1D080] =	vst v63  }
0x287: {  	_ =	swait.ge [sflag:s8], $0x2800  }
0x288: {  	[sflag:s8] =	ssyncset.done $0x0  }
0x289: {  	[sflag:s8] =	ssyncadd.s32 $0xFFFFD800  }
0x28a: {  	[tilespmem:s13], [sflag:$0x3] =	stream.indirect.gather [hbm4b:s3+s10], $0x80, s20, s10, $0xb8;
	[tilespmem:$0x1D080] =	vst v63  }
0x28b: {  	_ =	swait.ge [sflag:s14], $0x2800  }
0x28c: {  	[sflag:s14] =	ssyncset.done $0x0  }
0x28d: {  	[sflag:s14] =	ssyncadd.s32 $0xFFFFD800  }
0x28e: {  	[spmem:s1] =	stream.indirect.scatter.add.f32 [tilespmem:s11], [sflag:$0x4], $0x80, s21, s10, $0xb8;
	[tilespmem:$0x1D080] =	vst v63  }
0x28f: {  	_ =	swait.ge [sflag:s8], $0x2800  }
0x290: {  	[sflag:s8] =	ssyncset.done $0x0  }
0x291: {  	[sflag:s8] =	ssyncadd.s32 $0xFFFFD800  }
0x292: {  	[tilespmem:s11], [sflag:$0x1] =	stream.indirect.gather [hbm4b:s3+s10], $0x80, s22, s10, $0xb8;
	[tilespmem:$0x1D080] =	vst v63  }
0x293: {  	_ =	swait.ge [sflag:s15], $0x2800  }
0x294: {  	[sflag:s15] =	ssyncset.done $0x0  }
0x295: {  	[sflag:s15] =	ssyncadd.s32 $0xFFFFD800  }
0x296: {  	[spmem:s1] =	stream.indirect.scatter.add.f32 [tilespmem:s12], [sflag:$0x4], $0x80, s23, s10, $0xb8;
	[tilespmem:$0x1D080] =	vst v63  }
0x297: {  	_ =	swait.ge [sflag:s8], $0x2800  }
0x298: {  	[sflag:s8] =	ssyncset.done $0x0  }
0x299: {  	[sflag:s8] =	ssyncadd.s32 $0xFFFFD800  }
0x29a: {  	[tilespmem:s12], [sflag:$0x2] =	stream.indirect.gather [hbm4b:s3+s10], $0x80, s24, s10, $0xb8;
	[tilespmem:$0x1D080] =	vst v63  }
0x29b: {  	_ =	swait.ge [sflag:s16], $0x2800  }
0x29c: {  	[sflag:s16] =	ssyncset.done $0x0  }
0x29d: {  	[sflag:s16] =	ssyncadd.s32 $0xFFFFD800  }
0x29e: {  	[spmem:s1] =	stream.indirect.scatter.add.f32 [tilespmem:s13], [sflag:$0x4], $0x80, s25, s10, $0xb8;
	[tilespmem:$0x1D080] =	vst v63  }
0x29f: {  	_ =	swait.ge [sflag:s8], $0x2800  }
0x2a0: {  	[sflag:s8] =	ssyncset.done $0x0  }
0x2a1: {  	[sflag:s8] =	ssyncadd.s32 $0xFFFFD800  }
0x2a2: {  	[tilespmem:s13], [sflag:$0x3] =	stream.indirect.gather [hbm4b:s3+s10], $0x80, s26, s10, $0xb8;
	[tilespmem:$0x1D080] =	vst v63  }
0x2a3: {  	_ =	swait.ge [sflag:s14], $0x2800  }
0x2a4: {  	[sflag:s14] =	ssyncset.done $0x0  }
0x2a5: {  	[sflag:s14] =	ssyncadd.s32 $0xFFFFD800  }
0x2a6: {  	[spmem:s1] =	stream.indirect.scatter.add.f32 [tilespmem:s11], [sflag:$0x4], $0x80, s28, s10, $0xb8;
	[tilespmem:$0x1D080] =	vst v63  }
0x2a7: {  	_ =	swait.ge [sflag:s8], $0x2800  }
0x2a8: {  	[sflag:s8] =	ssyncset.done $0x0  }
0x2a9: {  	[sflag:s8] =	ssyncadd.s32 $0xFFFFD800  }
0x2aa: {  	[tilespmem:s11], [sflag:$0x1] =	stream.indirect.gather [hbm4b:s3+s10], $0x80, s29, s10, $0xb8;
	[tilespmem:$0x1D080] =	vst v63  }
0x2ab: {  	_ =	swait.ge [sflag:s15], $0x2800  }
0x2ac: {  	[sflag:s15] =	ssyncset.done $0x0  }
0x2ad: {  	[sflag:s15] =	ssyncadd.s32 $0xFFFFD800  }
0x2ae: {  	[spmem:s1] =	stream.indirect.scatter.add.f32 [tilespmem:s12], [sflag:$0x4], $0x80, s30, s10, $0xb8;
	[tilespmem:$0x1D080] =	vst v63  }
0x2af: {  	_ =	swait.ge [sflag:s8], $0x2800  }
0x2b0: {  	[sflag:s8] =	ssyncset.done $0x0  }
0x2b1: {  	[sflag:s8] =	ssyncadd.s32 $0xFFFFD800  }
0x2b2: {  	_ =	swait.ge [sflag:s16], $0x2800  }
0x2b3: {  	[sflag:s16] =	ssyncset.done $0x0  }
0x2b4: {  	[sflag:s16] =	ssyncadd.s32 $0xFFFFD800  }
0x2b5: {  	[spmem:s1] =	stream.indirect.scatter.add.f32 [tilespmem:s13], [sflag:$0x4], $0x80, s31, s10, $0xb8;
	[tilespmem:$0x1D080] =	vst v63  }
0x2b6: {  	_ =	swait.ge [sflag:s8], $0x2800  }
0x2b7: {  	[sflag:s8] =	ssyncset.done $0x0  }
0x2b8: {  	[sflag:s8] =	ssyncadd.s32 $0xFFFFD800  }
0x2b9: {  	_ =	swait.ge [sflag:s14], $0x2800  }
0x2ba: {  	[sflag:s14] =	ssyncset.done $0x0  }
0x2bb: {  	[sflag:s14] =	ssyncadd.s32 $0xFFFFD800  }
0x2bc: {  	[spmem:s1] =	stream.indirect.scatter.add.f32 [tilespmem:s11], [sflag:$0x4], $0x80, s0, s10, $0xb8;
	[tilespmem:$0x1D080] =	vst v63  }
0x2bd: {  	_ =	swait.ge [sflag:s8], $0x2800  }
0x2be: {  	[sflag:s8] =	ssyncset.done $0x0  }
0x2bf: {  	[sflag:s8] =	ssyncadd.s32 $0xFFFFD800  }
0x2c0: {  	[bflag:$0x0] =	sbarrier.arrive $0xFFFF  }
0x2c1: {  	s5 =	sld [smem:$0x7F5]  }
0x2c2: {  	s6 =	sld [smem:$0x7FD];
	_ =	sdelay $0x1  }
0x2c3: {  	s4 =	simm.s32 @!p0 $0x1C04  }
0x2c4: {  	[hbm:s5], [sflag:s4] =	dma.local @!p0 [spmem:s6], $0x27100  }
0x2c5: {  	s4 =	simm.s32 @!p0 $0x4  }
0x2c6: {  	_ =	swait.ge @!p0 [sflag:s4], $0x27100  }
0x2c7: {  	s5 =	sld [smem:$0x7F3];
	_ =	sdelay $0x2  }
0x2c8: {  	s7 =	sadd.s32 $0x1, s5;
	s5 =	sld [smem:$0x7F6];
	_ =	sdelay $0x2  }
0x2c9: {  	p1 =	sne.s32 s7, s5  }
.Ltmp1:
0x2ca: {  	_ = 	snop;
	(pc) =	sbr.rel @p1 .LBB2_1-.Ltmp1, $3  }
0x2cb: {  	_ =	sdelay $0x1  }
0x2cc: {  	[sflag:s4] =	ssyncset.done @!p0 $0x0  }
0x2cd: {  	[sflag:s4] =	ssyncadd.s32 @!p0 $0xFFFD8F00  }
0x2ce: {  	_ =	sfence.sel $0x180000  }
0x2cf: {  	[bflag:$0x0] =	sbarrier.arrive $0xFFFF  }
0x2d0: {  	_ =	strace $0x9000004A  }
0x2d1: {  	[bflag:$0x2] =	sbarrier.arrive $0xFFFF  }
0x2d2: {  	s0 =	rddreg [dreg:$0x2]  }
0x2d3: {  	s0 =	sadd.s32 @!p0 $0x100000, s0  }
0x2d4: {  	[sflag:s0] =	ssyncadd.tile.s32 @!p0 $0x1;
	_ =	shalt  }
.Lfunc_end2:
_tile_overlayer_lowered:
.L_overlay_start_2:
0x2d5: {  	(tag) =	ssettag $0x2  }
0x2d6: {  	s0 =	rddreg [dreg:$0x0];
	s2 =	stileid.u32  }
0x2d7: {  	s1 =	rddreg [dreg:$0x1];
	p0 =	sne.s32 s2, $0x0  }
0x2d8: {  	s3 =	rddreg [dreg:$0x2];
	[bflag:$0x3] =	sbarrier.arrive $0xFFFF;
	s2 =	simm.s32 @!p0 $0x1C04  }
0x2d9: {  	[timem:s3], [sflag:s2] =	dma.local @!p0 [hbm:s0], s1  }
0x2da: {  	s0 =	simm.s32 @!p0 $0x4  }
0x2db: {  	_ =	swait.ge @!p0 [sflag:s0], s1  }
0x2dc: {  	s1 =	ssub.s32 @!p0 $0x0, s1;
	[sflag:s0] =	ssyncset.done @!p0 $0x0  }
0x2dd: {  	[sflag:s0] =	ssyncadd.s32 @!p0 s1  }
0x2de: {  	[bflag:$0x3] =	sbarrier.arrive $0xFFFF  }
0x2df: {  	_ =	shalt  }

// kernel: kernel.16.cloned.1.call-start
scs
__scs_entry_jumppad:
0x0: {  	(pc) =	sbr.rel $0x88, $3  }
0x1: {  	(tag) =	ssettag $0x0;
	lr =	simm.s32 $0x1  }
0x2: {  	[smem:$0x3F99] =	sst lr;
	_ =	strace $0xD0000000  }
0x3: {  	_ = 	snop  }
0x4: {  	_ = 	snop  }
0x5: {  	_ = 	snop  }
0x6: {  	_ = 	snop  }
0x7: {  	_ = 	snop  }
__scs_overlays_trampoline_lowered:
0x8: {  	[smem:$0x3FA8] =	sst s0  }
0x9: {  	[smem:$0x3FA9] =	sst s1  }
0xa: {  	[smem:$0x3FAA] =	sst s2  }
0xb: {  	[smem:$0x3FAB] =	sst s3  }
0xc: {  	[smem:$0x3FAC] =	sst s4  }
0xd: {  	[smem:$0x3FAD] =	sst s5  }
0xe: {  	[smem:$0x3FAE] =	sst s6  }
0xf: {  	[smem:$0x3FAF] =	sst s7  }
0x10: {  	[smem:$0x3FB0] =	sst s8  }
0x11: {  	[smem:$0x3FB1] =	sst s9;
	s0 =	simm.s32 @!p0 $0x0  }
0x12: {  	s1 =	sld [smem:$0x3F97];
	s0 =	simm.s32 @p0 $0x1  }
0x13: {  	[smem:$0x3FB2] =	sst s0;
	s0 =	simm.s32 @!p1 $0x0  }
0x14: {  	s2 =	sld [smem:$0x3F96];
	s0 =	simm.s32 @p1 $0x1  }
0x15: {  	[smem:$0x3FB3] =	sst s0;
	s0 =	simm.s32 @!p2 $0x0  }
0x16: {  	s3 =	sld [smem:$0x3FDB];
	s0 =	simm.s32 @p2 $0x1  }
0x17: {  	s4 =	simm.s32 $0x1BF5;
	[smem:$0x3FB5] =	sst s0  }
0x18: {  	s0 =	sld [smem:$0x3F98];
	_ =	swait.ge [sflag:s4], $0x0  }
0x19: {  	s7 =	sld [smem:$0x3F99]  }
0x1a: {  	s8 =	sadd.s32 $0xFFFFE003, lr  }
0x1b: {  	s9 =	sadd.s32 $0xFFFFFEF7, lr;
	s5 =	simm.s32 $0xFFFFFFFF;
	p2 =	slt.u32 s8, $0xFFFFF086  }
0x1c: {  	p1 =	slt.u32 s9, $0xF7A;
	s5 =	simm.s32 @!p2 $0x0  }
0x1d: {  	s5 =	simm.s32 @p1 $0x1;
	p0 =	seq.s32 s7, s2  }
0x1e: {  	s7 =	smul.u32 @!p0 $0xF7A, s2;
	p2 =	seq.s32 @!p0 s5, $0x0  }
0x1f: {  	s9 =	smul.u32 $0xF7A, s1;
	s8 =	simm.s32 @!p0 $0x1BF5;
	p2 =	por !p2, p0  }
0x20: {  	[sflag:s8] =	ssyncset.s32 @!p0 $0xFFFFF086;
	s6 =	sadd.s32 @!p0 s3, s7;
	s7 =	simm.s32 @!p0 $0x108  }
0x21: {  	s3 =	sadd.s32 s3, s9;
	s6 =	sadd.s32 @!p0 $0x88, s6;
	s7 =	simm.s32 @p2 $0x1082  }
0x22: {  	[simem:s7], [sflag:s8] =	dma.local @!p0 [hbm:s6], $0xF7A  }
0x23: {  	s9 =	sor.u32 $0xD0000000, s2;
	s6 =	simm.s32 $0x108;
	_ =	swait.ge @!p0 [sflag:s8], $0x0  }
0x24: {  	s3 =	sadd.s32 $0x88, s3;
	s6 =	simm.s32 @!p1 $0x1082;
	[sflag:s4] =	ssyncset.s32 $0xFFFFF086  }
0x25: {  	[simem:s6], [sflag:s4] =	dma.local [hbm:s3], $0xF7A  }
0x26: {  	[smem:$0x3F99] =	sst s1;
	(tag) =	ssettag s2;
	_ =	strace s9  }
0x27: {  	s1 =	sld [smem:$0x3FA9]  }
0x28: {  	s2 =	sld [smem:$0x3FAA]  }
0x29: {  	s4 =	sld [smem:$0x3FAC]  }
0x2a: {  	p0 =	seq.s32 s5, $0x0;
	s5 =	sld [smem:$0x3FAD]  }
0x2b: {  	s6 =	sld [smem:$0x3FAE]  }
0x2c: {  	s7 =	sld [smem:$0x3FAF]  }
0x2d: {  	s3 =	simm.s32 $0x108;
	s8 =	sld [smem:$0x3FB0]  }
0x2e: {  	s3 =	simm.s32 @!p0 $0x1082;
	s9 =	sld [smem:$0x3FB1]  }
0x2f: {  	lr =	sadd.s32 s0, s3;
	s0 =	sld [smem:$0x3FA8]  }
0x30: {  	s3 =	sld [smem:$0x3FAB]  }
0x31: {  	[smem:$0x3FB4] =	sst s10  }
0x32: {  	s10 =	sld [smem:$0x3FB2];
	_ =	sdelay $0x3  }
0x33: {  	p0 =	seq.s32 s10, $0x1;
	s10 =	sld [smem:$0x3FB4];
	_ =	sdelay $0x3  }
0x34: {  	[smem:$0x3FB4] =	sst s10  }
0x35: {  	s10 =	sld [smem:$0x3FB3];
	_ =	sdelay $0x3  }
0x36: {  	p1 =	seq.s32 s10, $0x1;
	s10 =	sld [smem:$0x3FB4];
	_ =	sdelay $0x3  }
0x37: {  	[smem:$0x3FB4] =	sst s10  }
0x38: {  	s10 =	sld [smem:$0x3FB5]  }
0x39: {  	_ = 	snop;
	(pc) =	sbr.ind lr, $3  }
0x3a: {  	_ = 	snop  }
0x3b: {  	_ = 	snop  }
0x3c: {  	p2 =	seq.s32 s10, $0x1;
	s10 =	sld [smem:$0x3FB4]  }
0x3d: {  	_ =	shalt  }
0x3e: {  	_ =	shalt  }
0x3f: {  	_ =	shalt  }
0x40: {  	_ =	shalt  }
0x41: {  	_ =	shalt  }
0x42: {  	_ =	shalt  }
0x43: {  	_ =	shalt  }
0x44: {  	_ =	shalt  }
0x45: {  	_ =	shalt  }
0x46: {  	_ =	shalt  }
0x47: {  	_ =	shalt  }
0x48: {  	_ =	shalt  }
0x49: {  	_ =	shalt  }
0x4a: {  	_ =	shalt  }
0x4b: {  	_ =	shalt  }
0x4c: {  	_ =	shalt  }
0x4d: {  	_ =	shalt  }
0x4e: {  	_ =	shalt  }
0x4f: {  	_ =	shalt  }
0x50: {  	_ =	shalt  }
0x51: {  	_ =	shalt  }
0x52: {  	_ =	shalt  }
0x53: {  	_ =	shalt  }
0x54: {  	_ =	shalt  }
0x55: {  	_ =	shalt  }
0x56: {  	_ =	shalt  }
0x57: {  	_ =	shalt  }
0x58: {  	_ =	shalt  }
0x59: {  	_ =	shalt  }
0x5a: {  	_ =	shalt  }
0x5b: {  	_ =	shalt  }
0x5c: {  	_ =	shalt  }
0x5d: {  	_ =	shalt  }
0x5e: {  	_ =	shalt  }
0x5f: {  	_ =	shalt  }
0x60: {  	_ =	shalt  }
0x61: {  	_ =	shalt  }
0x62: {  	_ =	shalt  }
0x63: {  	_ =	shalt  }
0x64: {  	_ =	shalt  }
0x65: {  	_ =	shalt  }
0x66: {  	_ =	shalt  }
0x67: {  	_ =	shalt  }
0x68: {  	_ =	shalt  }
0x69: {  	_ =	shalt  }
0x6a: {  	_ =	shalt  }
0x6b: {  	_ =	shalt  }
0x6c: {  	_ =	shalt  }
0x6d: {  	_ =	shalt  }
0x6e: {  	_ =	shalt  }
0x6f: {  	_ =	shalt  }
0x70: {  	_ =	shalt  }
0x71: {  	_ =	shalt  }
0x72: {  	_ =	shalt  }
0x73: {  	_ =	shalt  }
0x74: {  	_ =	shalt  }
0x75: {  	_ =	shalt  }
0x76: {  	_ =	shalt  }
0x77: {  	_ =	shalt  }
0x78: {  	_ =	shalt  }
0x79: {  	_ =	shalt  }
0x7a: {  	_ =	shalt  }
0x7b: {  	_ =	shalt  }
0x7c: {  	_ =	shalt  }
0x7d: {  	_ =	shalt  }
0x7e: {  	_ =	shalt  }
0x7f: {  	_ =	shalt  }
0x80: {  	_ =	shalt  }
0x81: {  	_ =	shalt  }
0x82: {  	_ =	shalt  }
0x83: {  	_ =	shalt  }
0x84: {  	_ =	shalt  }
0x85: {  	_ =	shalt  }
0x86: {  	_ =	shalt  }
0x87: {  	_ =	shalt  }
.Lfunc_end0:
.L_simem_size_0:
called_computation.2_lowered:
.L_overlay_start_0:
0x88: {  	s2 =	sld [smem:$0x3FD9]  }
0x89: {  	s3 =	sld [smem:$0x3FFE];
	_ =	sdelay $0x1  }
0x8a: {  	s1 =	srdreg.scid  }
0x8b: {  	s0 =	sand.u32 $0x1, s1  }
0x8c: {  	s16 =	sshll.u32 s0, $0xA;
	s2 =	sadd.s32 s3, s2  }
0x8d: {  	s2 =	sadd.s32 s2, s16  }
0x8e: {  	[smem:$0x3FC0] =	sst s2  }
0x8f: {  	_ = 	snop  }
0x90: {  	(tm) =	ssettm $0x1  }
0x91: {  	s17 =	sld [smem:$0x3FFB];
	_ =	sdelay $0x3  }
0x92: {  	_ =	strace s17  }
0x93: {  	s2 =	sld [smem:$0x3FFC];
	_ =	sdelay $0x3  }
0x94: {  	_ =	strace s2  }
0x95: {  	s2 =	sld [smem:$0x3FFD];
	_ =	sdelay $0x3  }
0x96: {  	_ =	strace s2  }
0x97: {  	_ =	strace $0x8FFFFFFF  }
0x98: {  	s18 =	sld [smem:$0x3FDB];
	_ =	sdelay $0x1  }
0x99: {  	s19 =	simm.s32 $_scs_section_size  }
0x9a: {  	s4 =	simm.s32 $_size__tile_overlayer_lowered;
	s5 =	simm.s32 $_tile_overlayer_lowered  }
0x9b: {  	s22 =	simm.s32 $0x1BFF;
	s21 =	sshll.u32 s5, $0x1;
	s2 =	sadd.s32 s19, s18  }
0x9c: {  	s6 =	simm.s32 $0x0;
	s20 =	sshll.u32 s4, $0x1;
	s4 =	sadd.s32 s21, s2  }
0x9d: {  	[timem:s6], [sflag:s22] =	dma.local [hbm:s4], s20  }
0x9e: {  	_ =	swait.ge [sflag:s22], s20  }
0x9f: {  	s3 =	ssub.s32 $0x0, s20;
	[sflag:s22] =	ssyncset.done $0x0  }
0xa0: {  	[sflag:s22] =	ssyncadd.s32 s3;
	_ =	sdelay $0x1  }
0xa1: {  	s23 =	simm.s32 $0x1B8B  }
0xa2: {  	_ =	swait.ge [sflag:s23], $0x1  }
0xa3: {  	[sflag:s23] =	ssyncset.done $0x0  }
0xa4: {  	s25 =	simm.s32 $0x1B8E;
	s24 =	sld [smem:$0x3FFE];
	[sflag:s23] =	ssyncadd.s32 $0xFFFFFFFF  }
0xa5: {  	s26 =	simm.s32 $execute0_lowered;
	[smem:$0x3FD2] =	sst s25  }
0xa6: {  	s4 =	sshll.u32 s26, $0x1;
	_ =	strace $0x8000004C;
	[dreg:$0x1] =	wrdreg $0xFFFFFFFF  }
0xa7: {  	s28 =	simm.s32 $_size_execute0_lowered;
	s2 =	sadd.s32 s2, s4;
	[dreg:$0x0] =	wrdreg $0x0  }
0xa8: {  	s4 =	sshll.u32 s28, $0x1;
	[dreg:$0x2] =	wrdreg s2  }
0xa9: {  	[dreg:$0x3] =	wrdreg s4  }
0xaa: {  	[dreg:$0x4] =	wrdreg $0xC0  }
0xab: {  	_ =	task [dreg:s6], $0x5FFFF  }
0xac: {  	[dreg:$0x1] =	wrdreg $0xFFFFFFFF  }
0xad: {  	[dreg:$0x0] =	wrdreg $0x60  }
0xae: {  	[dreg:$0x2] =	wrdreg s24  }
0xaf: {  	[dreg:$0x3] =	wrdreg $0x98000  }
0xb0: {  	[dreg:$0x4] =	wrdreg $0x9  }
0xb1: {  	_ =	task.clear_ibuf [dreg:s6], $0x5FFFF;
	_ =	strace $0x9000004C  }
0xb2: {  	s29 =	simm.s32 $0x9;
	_ =	strace $0x8000004E  }
0xb3: {  	_ =	swait.ge [sflag:s29], $0x1  }
0xb4: {  	[sflag:s29] =	ssyncadd.s32 $0xFFFFFFFF  }
0xb5: {  	_ =	strace $0x9000004E  }
0xb6: {  	_ =	sfence  }
0xb7: {  	s30 =	sld [smem:$0x0];
	_ =	sdelay $0x2  }
0xb8: {  	s31 =	sshll.u32 s1, $0xD;
	s1 =	sshrl.u32 s1, $0x2  }
0xb9: {  	s3 =	sand.u32 $0x4000, s31;
	s1 =	sadd.s32 s1, s30  }
0xba: {  	s0 =	sor.u32 s3, s0;
	s1 =	sshll.u32 s1, $0x11  }
0xbb: {  	s0 =	sor.u32 s1, s0  }
0xbc: {  	s0 =	sadd.s32 $0x8F2B, s0  }
0xbd: {  	[sflag:s0] =	ssyncadd.remote.s32 $0x1  }
0xbe: {  	_ =	sfence.sel $0xFFFF  }
0xbf: {  	[dreg:$0x0] =	wrdreg $0xFFFFFFFF;
	(pc) =	sbr.abs _section_cstart, $3  }
0xc0: {  	[dreg:$0x1] =	wrdreg $0xFFFFFFFF  }
0xc1: {  	_ =	task.clear_ibuf [dreg:s6], $0x2FFFF;
	_ =	strace $0x9FFFFFFF  }
0xc2: {  	(tm) =	ssettm $0x7FFFFFFF  }
0xc3: {  	_ =	shalt  }
tec
execute0_lowered:
.L_overlay_start_1:
0x0: {  	(tag) =	ssettag $0x1  }
0x1: {  	s1 =	srdreg.scid;
	s4 =	rddreg [dreg:$0x0]  }
0x2: {  	s2 =	simm.s32 $0x0;
	s5 =	sand.u32 $0x1, s1;
	s1 =	rddreg [dreg:$0x1]  }
0x3: {  	s11 =	simm.s32 $0x80;
	[smem:$0x7FF] =	sst s2  }
0x4: {  	s12 =	simm.s32 $0x100;
	_ =	strace $0x8000004D;
	[dreg:$0x5] =	wrdreg s11  }
0x5: {  	s13 =	simm.s32 $0x180;
	[dreg:$0x6] =	wrdreg s12  }
0x6: {  	s14 =	simm.s32 $0x1080;
	[dreg:$0x7] =	wrdreg s13  }
0x7: {  	s15 =	simm.s32 $0x200;
	[dreg:$0x8] =	wrdreg s14  }
0x8: {  	s16 =	simm.s32 $0x1100;
	[dreg:$0x9] =	wrdreg s15  }
0x9: {  	s17 =	simm.s32 $0x280;
	[dreg:$0xa] =	wrdreg s16  }
0xa: {  	s18 =	simm.s32 $0x1180;
	[dreg:$0xb] =	wrdreg s17  }
0xb: {  	s19 =	simm.s32 $0x300;
	[dreg:$0xc] =	wrdreg s18  }
0xc: {  	s20 =	simm.s32 $0x1200;
	[dreg:$0xd] =	wrdreg s19  }
0xd: {  	s21 =	simm.s32 $0x380;
	[dreg:$0xe] =	wrdreg s20  }
0xe: {  	s22 =	simm.s32 $0x1280;
	[dreg:$0xf] =	wrdreg s21  }
0xf: {  	s23 =	simm.s32 $0x400;
	[dreg:$0x10] =	wrdreg s22  }
0x10: {  	s0 =	stileid.u32;
	s24 =	simm.s32 $0x1300;
	[dreg:$0x11] =	wrdreg s23  }
0x11: {  	s25 =	simm.s32 $0x480;
	s26 =	simm.s32 $0x1380;
	[dreg:$0x12] =	wrdreg s24  }
0x12: {  	s9 =	simm.s32 $0x500;
	s8 =	sadd.s32 $0x16E00, s4;
	[dreg:$0x13] =	wrdreg s25  }
0x13: {  	s10 =	simm.s32 $0x1400;
	s28 =	simm.s32 $0x1A80;
	[smem:$0x7F4] =	sst s8  }
0x14: {  	s29 =	simm.s32 $0xC00;
	s30 =	simm.s32 $0x1B00;
	[dreg:$0x14] =	wrdreg s26  }
0x15: {  	s31 =	simm.s32 $0x1B80;
	s3 =	smul.u32 $0x1400, s0;
	[dreg:$0x15] =	wrdreg s9  }
0x16: {  	p0 =	sne.s32 s0, $0x0;
	[dreg:$0x16] =	wrdreg s10;
	s11 =	simm.s32 $0x580  }
0x17: {  	s0 =	simm.s32 $0x1C00;
	s13 =	simm.s32 $0x1480;
	[dreg:$0x17] =	wrdreg s11  }
0x18: {  	s6 =	smul.u32 $0xA00, s5;
	s14 =	simm.s32 $0x600;
	[dreg:$0x18] =	wrdreg s13  }
0x19: {  	s7 =	smul.u32 $0x27100, s5;
	s15 =	simm.s32 $0x1500;
	[dreg:$0x19] =	wrdreg s14  }
0x1a: {  	s5 =	ssub.s32 $0x2, s5;
	s16 =	simm.s32 $0x680;
	[dreg:$0x1a] =	wrdreg s15  }
0x1b: {  	s17 =	simm.s32 $0x1580;
	s18 =	simm.s32 $0x700;
	[dreg:$0x1b] =	wrdreg s16  }
0x1c: {  	s8 =	simm.s32 $0x4;
	s19 =	simm.s32 $0x1600;
	[dreg:$0x1c] =	wrdreg s17  }
0x1d: {  	s9 =	simm.s32 $0x1000;
	s20 =	simm.s32 $0x780;
	[dreg:$0x1d] =	wrdreg s18  }
0x1e: {  	s10 =	simm.s32 $0x50;
	s21 =	simm.s32 $0x1680;
	[dreg:$0x1e] =	wrdreg s19  }
0x1f: {  	s22 =	simm.s32 $0x800;
	s23 =	simm.s32 $0x1700;
	[dreg:$0x1f] =	wrdreg s20  }
0x20: {  	s24 =	simm.s32 $0x880;
	s25 =	simm.s32 $0x1780;
	[smem:$0x7F7] =	sst s21  }
0x21: {  	s26 =	simm.s32 $0x900;
	s3 =	sadd.s32 s3, s4;
	[smem:$0x7F8] =	sst s22  }
0x22: {  	s12 =	sshrl.u32 s5, $0x1;
	s11 =	simm.s32 $0x2000;
	[smem:$0x7F9] =	sst s23  }
0x23: {  	s13 =	simm.s32 $0x7000;
	s14 =	simm.s32 $0x1;
	[smem:$0x7FA] =	sst s24  }
0x24: {  	s15 =	simm.s32 $0x2;
	[smem:$0x7FB] =	sst s25;
	s16 =	simm.s32 $0x3  }
0x25: {  	[smem:$0x7FC] =	sst s26;
	s17 =	simm.s32 $0x1800;
	s18 =	simm.s32 $0x980  }
0x26: {  	s19 =	simm.s32 $0x1880;
	s20 =	simm.s32 $0xA00;
	s21 =	simm.s32 $0x1900  }
0x27: {  	s22 =	simm.s32 $0xA80;
	s23 =	simm.s32 $0x1980;
	s3 =	sadd.s32 s6, s3  }
0x28: {  	s24 =	simm.s32 $0xB00;
	s25 =	simm.s32 $0x1A00;
	s6 =	sadd.s32 $0x2E00, s3  }
0x29: {  	s5 =	ssub.s32 s5, s12;
	s3 =	sadd.s32 $0x8C200, s3;
	[dreg:$0x3] =	wrdreg s6  }
0x2a: {  	s5 =	smax.u32 s5, $0x1;
	[dreg:$0x4] =	wrdreg s3;
	s3 =	sadd.s32 $0x3E000, s4  }
0x2b: {  	s4 =	sadd.s32 s7, s4;
	[smem:$0x7F6] =	sst s5;
	s6 =	sshrl.u32 @!p0 s1, $0x3  }
0x2c: {  	s26 =	simm.s32 $0xB80;
	s4 =	sadd.s32 $0xC7400, s4;
	[smem:$0x7FD] =	sst s6  }
0x2d: {  	s12 =	simm.s32 $0x4800;
	s7 =	simm.s32 $0x0;
	[smem:$0x7F5] =	sst s4  }
.LBB2_1:
0x2e: {  	s4 =	sld [smem:$0x7F4];
	_ =	sdelay $0x1  }
0x2f: {  	[smem:$0x7F3] =	sst s7;
	s5 =	simm.s32 @!p0 $0x1C04  }
0x30: {  	[spmem:s6], [sflag:s5] =	dma.local @!p0 [hbm:s4], $0x27100  }
0x31: {  	s5 =	simm.s32 @!p0 $0x4  }
0x32: {  	_ =	swait.ge @!p0 [sflag:s5], $0x27100  }
0x33: {  	[sflag:s5] =	ssyncset.done @!p0 $0x0  }
0x34: {  	[sflag:s5] =	ssyncadd.s32 @!p0 $0xFFFD8F00  }
0x35: {  	[bflag:$0x0] =	sbarrier.arrive $0xFFFF  }
0x36: {  	s4 =	rddreg [dreg:$0x4]  }
0x37: {  	s5 =	sadd.s32 $0x0, s4  }
0x38: {  	[tilespmem:s2], [sflag:$0x4] =	stream.linear.gather [hbm4b:s5+s2], $0xC80, $0x38;
	[tilespmem:$0x1D080] =	vst v63  }
0x39: {  	_ =	swait.ge [sflag:s8], $0xC80  }
0x3a: {  	s6 =	rddreg [dreg:$0x3];
	[sflag:s8] =	ssyncset.done $0x0  }
0x3b: {  	[sflag:s8] =	ssyncadd.s32 $0xFFFFF380;
	s5 =	sadd.s32 $0x0, s6  }
0x3c: {  	[tilespmem:s9], [sflag:$0x4] =	stream.linear.gather [hbm4b:s5+s2], $0xC80, $0x38;
	[tilespmem:$0x1D080] =	vst v63  }
0x3d: {  	_ =	swait.ge [sflag:s8], $0xC80  }
0x3e: {  	[sflag:s8] =	ssyncset.done $0x0  }
0x3f: {  	[sflag:s8] =	ssyncadd.s32 $0xFFFFF380  }
0x40: {  	[tilespmem:s11], [sflag:$0x1] =	stream.indirect.gather [hbm4b:s3+s10], $0x80, s2, s10, $0xb8;
	[tilespmem:$0x1D080] =	vst v63  }
0x41: {  	s7 =	rddreg [dreg:$0x5]  }
0x42: {  	[tilespmem:s12], [sflag:$0x2] =	stream.indirect.gather [hbm4b:s3+s10], $0x80, s7, s10, $0xb8;
	[tilespmem:$0x1D080] =	vst v63  }
0x43: {  	s4 =	rddreg [dreg:$0x6]  }
0x44: {  	[tilespmem:s13], [sflag:$0x3] =	stream.indirect.gather [hbm4b:s3+s10], $0x80, s4, s10, $0xb8;
	[tilespmem:$0x1D080] =	vst v63  }
0x45: {  	_ =	swait.ge [sflag:s14], $0x2800  }
0x46: {  	[sflag:s14] =	ssyncset.done $0x0  }
0x47: {  	[sflag:s14] =	ssyncadd.s32 $0xFFFFD800  }
0x48: {  	[spmem:s1] =	stream.indirect.scatter.add.f32 [tilespmem:s11], [sflag:$0x4], $0x80, s9, s10, $0xb8;
	[tilespmem:$0x1D080] =	vst v63  }
0x49: {  	_ =	swait.ge [sflag:s8], $0x2800  }
0x4a: {  	[sflag:s8] =	ssyncset.done $0x0  }
0x4b: {  	s7 =	rddreg [dreg:$0x7];
	[sflag:s8] =	ssyncadd.s32 $0xFFFFD800  }
0x4c: {  	[tilespmem:s11], [sflag:$0x1] =	stream.indirect.gather [hbm4b:s3+s10], $0x80, s7, s10, $0xb8;
	[tilespmem:$0x1D080] =	vst v63  }
0x4d: {  	_ =	swait.ge [sflag:s15], $0x2800  }
0x4e: {  	[sflag:s15] =	ssyncset.done $0x0  }
0x4f: {  	s4 =	rddreg [dreg:$0x8];
	[sflag:s15] =	ssyncadd.s32 $0xFFFFD800  }
0x50: {  	[spmem:s1] =	stream.indirect.scatter.add.f32 [tilespmem:s12], [sflag:$0x4], $0x80, s4, s10, $0xb8;
	[tilespmem:$0x1D080] =	vst v63  }
0x51: {  	_ =	swait.ge [sflag:s8], $0x2800  }
0x52: {  	[sflag:s8] =	ssyncset.done $0x0  }
0x53: {  	s6 =	rddreg [dreg:$0x9];
	[sflag:s8] =	ssyncadd.s32 $0xFFFFD800  }
0x54: {  	[tilespmem:s12], [sflag:$0x2] =	stream.indirect.gather [hbm4b:s3+s10], $0x80, s6, s10, $0xb8;
	[tilespmem:$0x1D080] =	vst v63  }
0x55: {  	_ =	swait.ge [sflag:s16], $0x2800  }
0x56: {  	[sflag:s16] =	ssyncset.done $0x0  }
0x57: {  	s7 =	rddreg [dreg:$0xa];
	[sflag:s16] =	ssyncadd.s32 $0xFFFFD800  }
0x58: {  	[spmem:s1] =	stream.indirect.scatter.add.f32 [tilespmem:s13], [sflag:$0x4], $0x80, s7, s10, $0xb8;
	[tilespmem:$0x1D080] =	vst v63  }
0x59: {  	_ =	swait.ge [sflag:s8], $0x2800  }
0x5a: {  	[sflag:s8] =	ssyncset.done $0x0  }
0x5b: {  	s4 =	rddreg [dreg:$0xb];
	[sflag:s8] =	ssyncadd.s32 $0xFFFFD800  }
0x5c: {  	[tilespmem:s13], [sflag:$0x3] =	stream.indirect.gather [hbm4b:s3+s10], $0x80, s4, s10, $0xb8;
	[tilespmem:$0x1D080] =	vst v63  }
0x5d: {  	_ =	swait.ge [sflag:s14], $0x2800  }
0x5e: {  	[sflag:s14] =	ssyncset.done $0x0  }
0x5f: {  	s6 =	rddreg [dreg:$0xc];
	[sflag:s14] =	ssyncadd.s32 $0xFFFFD800  }
0x60: {  	[spmem:s1] =	stream.indirect.scatter.add.f32 [tilespmem:s11], [sflag:$0x4], $0x80, s6, s10, $0xb8;
	[tilespmem:$0x1D080] =	vst v63  }
0x61: {  	_ =	swait.ge [sflag:s8], $0x2800  }
0x62: {  	[sflag:s8] =	ssyncset.done $0x0  }
0x63: {  	s7 =	rddreg [dreg:$0xd];
	[sflag:s8] =	ssyncadd.s32 $0xFFFFD800  }
0x64: {  	[tilespmem:s11], [sflag:$0x1] =	stream.indirect.gather [hbm4b:s3+s10], $0x80, s7, s10, $0xb8;
	[tilespmem:$0x1D080] =	vst v63  }
0x65: {  	_ =	swait.ge [sflag:s15], $0x2800  }
0x66: {  	[sflag:s15] =	ssyncset.done $0x0  }
0x67: {  	s4 =	rddreg [dreg:$0xe];
	[sflag:s15] =	ssyncadd.s32 $0xFFFFD800  }
0x68: {  	[spmem:s1] =	stream.indirect.scatter.add.f32 [tilespmem:s12], [sflag:$0x4], $0x80, s4, s10, $0xb8;
	[tilespmem:$0x1D080] =	vst v63  }
0x69: {  	_ =	swait.ge [sflag:s8], $0x2800  }
0x6a: {  	[sflag:s8] =	ssyncset.done $0x0  }
0x6b: {  	s6 =	rddreg [dreg:$0xf];
	[sflag:s8] =	ssyncadd.s32 $0xFFFFD800  }
0x6c: {  	[tilespmem:s12], [sflag:$0x2] =	stream.indirect.gather [hbm4b:s3+s10], $0x80, s6, s10, $0xb8;
	[tilespmem:$0x1D080] =	vst v63  }
0x6d: {  	_ =	swait.ge [sflag:s16], $0x2800  }
0x6e: {  	[sflag:s16] =	ssyncset.done $0x0  }
0x6f: {  	s7 =	rddreg [dreg:$0x10];
	[sflag:s16] =	ssyncadd.s32 $0xFFFFD800  }
0x70: {  	[spmem:s1] =	stream.indirect.scatter.add.f32 [tilespmem:s13], [sflag:$0x4], $0x80, s7, s10, $0xb8;
	[tilespmem:$0x1D080] =	vst v63  }
0x71: {  	_ =	swait.ge [sflag:s8], $0x2800  }
0x72: {  	[sflag:s8] =	ssyncset.done $0x0  }
0x73: {  	s4 =	rddreg [dreg:$0x11];
	[sflag:s8] =	ssyncadd.s32 $0xFFFFD800  }
0x74: {  	[tilespmem:s13], [sflag:$0x3] =	stream.indirect.gather [hbm4b:s3+s10], $0x80, s4, s10, $0xb8;
	[tilespmem:$0x1D080] =	vst v63  }
0x75: {  	_ =	swait.ge [sflag:s14], $0x2800  }
0x76: {  	[sflag:s14] =	ssyncset.done $0x0  }
0x77: {  	s6 =	rddreg [dreg:$0x12];
	[sflag:s14] =	ssyncadd.s32 $0xFFFFD800  }
0x78: {  	[spmem:s1] =	stream.indirect.scatter.add.f32 [tilespmem:s11], [sflag:$0x4], $0x80, s6, s10, $0xb8;
	[tilespmem:$0x1D080] =	vst v63  }
0x79: {  	_ =	swait.ge [sflag:s8], $0x2800  }
0x7a: {  	[sflag:s8] =	ssyncset.done $0x0  }
0x7b: {  	s7 =	rddreg [dreg:$0x13];
	[sflag:s8] =	ssyncadd.s32 $0xFFFFD800  }
0x7c: {  	[tilespmem:s11], [sflag:$0x1] =	stream.indirect.gather [hbm4b:s3+s10], $0x80, s7, s10, $0xb8;
	[tilespmem:$0x1D080] =	vst v63  }
0x7d: {  	_ =	swait.ge [sflag:s15], $0x2800  }
0x7e: {  	[sflag:s15] =	ssyncset.done $0x0  }
0x7f: {  	s4 =	rddreg [dreg:$0x14];
	[sflag:s15] =	ssyncadd.s32 $0xFFFFD800  }
0x80: {  	[spmem:s1] =	stream.indirect.scatter.add.f32 [tilespmem:s12], [sflag:$0x4], $0x80, s4, s10, $0xb8;
	[tilespmem:$0x1D080] =	vst v63  }
0x81: {  	_ =	swait.ge [sflag:s8], $0x2800  }
0x82: {  	[sflag:s8] =	ssyncset.done $0x0  }
0x83: {  	s6 =	rddreg [dreg:$0x15];
	[sflag:s8] =	ssyncadd.s32 $0xFFFFD800  }
0x84: {  	[tilespmem:s12], [sflag:$0x2] =	stream.indirect.gather [hbm4b:s3+s10], $0x80, s6, s10, $0xb8;
	[tilespmem:$0x1D080] =	vst v63  }
0x85: {  	_ =	swait.ge [sflag:s16], $0x2800  }
0x86: {  	[sflag:s16] =	ssyncset.done $0x0  }
0x87: {  	s7 =	rddreg [dreg:$0x16];
	[sflag:s16] =	ssyncadd.s32 $0xFFFFD800  }
0x88: {  	[spmem:s1] =	stream.indirect.scatter.add.f32 [tilespmem:s13], [sflag:$0x4], $0x80, s7, s10, $0xb8;
	[tilespmem:$0x1D080] =	vst v63  }
0x89: {  	_ =	swait.ge [sflag:s8], $0x2800  }
0x8a: {  	[sflag:s8] =	ssyncset.done $0x0  }
0x8b: {  	s4 =	rddreg [dreg:$0x17];
	[sflag:s8] =	ssyncadd.s32 $0xFFFFD800  }
0x8c: {  	[tilespmem:s13], [sflag:$0x3] =	stream.indirect.gather [hbm4b:s3+s10], $0x80, s4, s10, $0xb8;
	[tilespmem:$0x1D080] =	vst v63  }
0x8d: {  	_ =	swait.ge [sflag:s14], $0x2800  }
0x8e: {  	[sflag:s14] =	ssyncset.done $0x0  }
0x8f: {  	s6 =	rddreg [dreg:$0x18];
	[sflag:s14] =	ssyncadd.s32 $0xFFFFD800  }
0x90: {  	[spmem:s1] =	stream.indirect.scatter.add.f32 [tilespmem:s11], [sflag:$0x4], $0x80, s6, s10, $0xb8;
	[tilespmem:$0x1D080] =	vst v63  }
0x91: {  	_ =	swait.ge [sflag:s8], $0x2800  }
0x92: {  	[sflag:s8] =	ssyncset.done $0x0  }
0x93: {  	s7 =	rddreg [dreg:$0x19];
	[sflag:s8] =	ssyncadd.s32 $0xFFFFD800  }
0x94: {  	[tilespmem:s11], [sflag:$0x1] =	stream.indirect.gather [hbm4b:s3+s10], $0x80, s7, s10, $0xb8;
	[tilespmem:$0x1D080] =	vst v63  }
0x95: {  	_ =	swait.ge [sflag:s15], $0x2800  }
0x96: {  	[sflag:s15] =	ssyncset.done $0x0  }
0x97: {  	s4 =	rddreg [dreg:$0x1a];
	[sflag:s15] =	ssyncadd.s32 $0xFFFFD800  }
0x98: {  	[spmem:s1] =	stream.indirect.scatter.add.f32 [tilespmem:s12], [sflag:$0x4], $0x80, s4, s10, $0xb8;
	[tilespmem:$0x1D080] =	vst v63  }
0x99: {  	_ =	swait.ge [sflag:s8], $0x2800  }
0x9a: {  	[sflag:s8] =	ssyncset.done $0x0  }
0x9b: {  	s6 =	rddreg [dreg:$0x1b];
	[sflag:s8] =	ssyncadd.s32 $0xFFFFD800  }
0x9c: {  	[tilespmem:s12], [sflag:$0x2] =	stream.indirect.gather [hbm4b:s3+s10], $0x80, s6, s10, $0xb8;
	[tilespmem:$0x1D080] =	vst v63  }
0x9d: {  	_ =	swait.ge [sflag:s16], $0x2800  }
0x9e: {  	[sflag:s16] =	ssyncset.done $0x0  }
0x9f: {  	s7 =	rddreg [dreg:$0x1c];
	[sflag:s16] =	ssyncadd.s32 $0xFFFFD800  }
0xa0: {  	[spmem:s1] =	stream.indirect.scatter.add.f32 [tilespmem:s13], [sflag:$0x4], $0x80, s7, s10, $0xb8;
	[tilespmem:$0x1D080] =	vst v63  }
0xa1: {  	_ =	swait.ge [sflag:s8], $0x2800  }
0xa2: {  	[sflag:s8] =	ssyncset.done $0x0  }
0xa3: {  	s4 =	rddreg [dreg:$0x1d];
	[sflag:s8] =	ssyncadd.s32 $0xFFFFD800  }
0xa4: {  	[tilespmem:s13], [sflag:$0x3] =	stream.indirect.gather [hbm4b:s3+s10], $0x80, s4, s10, $0xb8;
	[tilespmem:$0x1D080] =	vst v63  }
0xa5: {  	_ =	swait.ge [sflag:s14], $0x2800  }
0xa6: {  	[sflag:s14] =	ssyncset.done $0x0  }
0xa7: {  	s6 =	rddreg [dreg:$0x1e];
	[sflag:s14] =	ssyncadd.s32 $0xFFFFD800  }
0xa8: {  	[spmem:s1] =	stream.indirect.scatter.add.f32 [tilespmem:s11], [sflag:$0x4], $0x80, s6, s10, $0xb8;
	[tilespmem:$0x1D080] =	vst v63  }
0xa9: {  	_ =	swait.ge [sflag:s8], $0x2800  }
0xaa: {  	[sflag:s8] =	ssyncset.done $0x0  }
0xab: {  	s7 =	rddreg [dreg:$0x1f];
	[sflag:s8] =	ssyncadd.s32 $0xFFFFD800  }
0xac: {  	[tilespmem:s11], [sflag:$0x1] =	stream.indirect.gather [hbm4b:s3+s10], $0x80, s7, s10, $0xb8;
	[tilespmem:$0x1D080] =	vst v63  }
0xad: {  	_ =	swait.ge [sflag:s15], $0x2800  }
0xae: {  	s4 =	sld [smem:$0x7F7]  }
0xaf: {  	[sflag:s15] =	ssyncset.done $0x0  }
0xb0: {  	[sflag:s15] =	ssyncadd.s32 $0xFFFFD800  }
0xb1: {  	[spmem:s1] =	stream.indirect.scatter.add.f32 [tilespmem:s12], [sflag:$0x4], $0x80, s4, s10, $0xb8;
	[tilespmem:$0x1D080] =	vst v63  }
0xb2: {  	_ =	swait.ge [sflag:s8], $0x2800  }
0xb3: {  	s6 =	sld [smem:$0x7F8]  }
0xb4: {  	[sflag:s8] =	ssyncset.done $0x0  }
0xb5: {  	[sflag:s8] =	ssyncadd.s32 $0xFFFFD800  }
0xb6: {  	[tilespmem:s12], [sflag:$0x2] =	stream.indirect.gather [hbm4b:s3+s10], $0x80, s6, s10, $0xb8;
	[tilespmem:$0x1D080] =	vst v63  }
0xb7: {  	_ =	swait.ge [sflag:s16], $0x2800  }
0xb8: {  	s7 =	sld [smem:$0x7F9]  }
0xb9: {  	[sflag:s16] =	ssyncset.done $0x0  }
0xba: {  	[sflag:s16] =	ssyncadd.s32 $0xFFFFD800  }
0xbb: {  	[spmem:s1] =	stream.indirect.scatter.add.f32 [tilespmem:s13], [sflag:$0x4], $0x80, s7, s10, $0xb8;
	[tilespmem:$0x1D080] =	vst v63  }
0xbc: {  	_ =	swait.ge [sflag:s8], $0x2800  }
0xbd: {  	s4 =	sld [smem:$0x7FA]  }
0xbe: {  	[sflag:s8] =	ssyncset.done $0x0  }
0xbf: {  	[sflag:s8] =	ssyncadd.s32 $0xFFFFD800  }
0xc0: {  	[tilespmem:s13], [sflag:$0x3] =	stream.indirect.gather [hbm4b:s3+s10], $0x80, s4, s10, $0xb8;
	[tilespmem:$0x1D080] =	vst v63  }
0xc1: {  	_ =	swait.ge [sflag:s14], $0x2800  }
0xc2: {  	s6 =	sld [smem:$0x7FB]  }
0xc3: {  	[sflag:s14] =	ssyncset.done $0x0  }
0xc4: {  	[sflag:s14] =	ssyncadd.s32 $0xFFFFD800  }
0xc5: {  	[spmem:s1] =	stream.indirect.scatter.add.f32 [tilespmem:s11], [sflag:$0x4], $0x80, s6, s10, $0xb8;
	[tilespmem:$0x1D080] =	vst v63  }
0xc6: {  	_ =	swait.ge [sflag:s8], $0x2800  }
0xc7: {  	s7 =	sld [smem:$0x7FC]  }
0xc8: {  	[sflag:s8] =	ssyncset.done $0x0  }
0xc9: {  	[sflag:s8] =	ssyncadd.s32 $0xFFFFD800  }
0xca: {  	[tilespmem:s11], [sflag:$0x1] =	stream.indirect.gather [hbm4b:s3+s10], $0x80, s7, s10, $0xb8;
	[tilespmem:$0x1D080] =	vst v63  }
0xcb: {  	_ =	swait.ge [sflag:s15], $0x2800  }
0xcc: {  	[sflag:s15] =	ssyncset.done $0x0  }
0xcd: {  	[sflag:s15] =	ssyncadd.s32 $0xFFFFD800  }
0xce: {  	[spmem:s1] =	stream.indirect.scatter.add.f32 [tilespmem:s12], [sflag:$0x4], $0x80, s17, s10, $0xb8;
	[tilespmem:$0x1D080] =	vst v63  }
0xcf: {  	_ =	swait.ge [sflag:s8], $0x2800  }
0xd0: {  	[sflag:s8] =	ssyncset.done $0x0  }
0xd1: {  	[sflag:s8] =	ssyncadd.s32 $0xFFFFD800  }
0xd2: {  	[tilespmem:s12], [sflag:$0x2] =	stream.indirect.gather [hbm4b:s3+s10], $0x80, s18, s10, $0xb8;
	[tilespmem:$0x1D080] =	vst v63  }
0xd3: {  	_ =	swait.ge [sflag:s16], $0x2800  }
0xd4: {  	[sflag:s16] =	ssyncset.done $0x0  }
0xd5: {  	[sflag:s16] =	ssyncadd.s32 $0xFFFFD800  }
0xd6: {  	[spmem:s1] =	stream.indirect.scatter.add.f32 [tilespmem:s13], [sflag:$0x4], $0x80, s19, s10, $0xb8;
	[tilespmem:$0x1D080] =	vst v63  }
0xd7: {  	_ =	swait.ge [sflag:s8], $0x2800  }
0xd8: {  	[sflag:s8] =	ssyncset.done $0x0  }
0xd9: {  	[sflag:s8] =	ssyncadd.s32 $0xFFFFD800  }
0xda: {  	[tilespmem:s13], [sflag:$0x3] =	stream.indirect.gather [hbm4b:s3+s10], $0x80, s20, s10, $0xb8;
	[tilespmem:$0x1D080] =	vst v63  }
0xdb: {  	_ =	swait.ge [sflag:s14], $0x2800  }
0xdc: {  	[sflag:s14] =	ssyncset.done $0x0  }
0xdd: {  	[sflag:s14] =	ssyncadd.s32 $0xFFFFD800  }
0xde: {  	[spmem:s1] =	stream.indirect.scatter.add.f32 [tilespmem:s11], [sflag:$0x4], $0x80, s21, s10, $0xb8;
	[tilespmem:$0x1D080] =	vst v63  }
0xdf: {  	_ =	swait.ge [sflag:s8], $0x2800  }
0xe0: {  	[sflag:s8] =	ssyncset.done $0x0  }
0xe1: {  	[sflag:s8] =	ssyncadd.s32 $0xFFFFD800  }
0xe2: {  	[tilespmem:s11], [sflag:$0x1] =	stream.indirect.gather [hbm4b:s3+s10], $0x80, s22, s10, $0xb8;
	[tilespmem:$0x1D080] =	vst v63  }
0xe3: {  	_ =	swait.ge [sflag:s15], $0x2800  }
0xe4: {  	[sflag:s15] =	ssyncset.done $0x0  }
0xe5: {  	[sflag:s15] =	ssyncadd.s32 $0xFFFFD800  }
0xe6: {  	[spmem:s1] =	stream.indirect.scatter.add.f32 [tilespmem:s12], [sflag:$0x4], $0x80, s23, s10, $0xb8;
	[tilespmem:$0x1D080] =	vst v63  }
0xe7: {  	_ =	swait.ge [sflag:s8], $0x2800  }
0xe8: {  	[sflag:s8] =	ssyncset.done $0x0  }
0xe9: {  	[sflag:s8] =	ssyncadd.s32 $0xFFFFD800  }
0xea: {  	[tilespmem:s12], [sflag:$0x2] =	stream.indirect.gather [hbm4b:s3+s10], $0x80, s24, s10, $0xb8;
	[tilespmem:$0x1D080] =	vst v63  }
0xeb: {  	_ =	swait.ge [sflag:s16], $0x2800  }
0xec: {  	[sflag:s16] =	ssyncset.done $0x0  }
0xed: {  	[sflag:s16] =	ssyncadd.s32 $0xFFFFD800  }
0xee: {  	[spmem:s1] =	stream.indirect.scatter.add.f32 [tilespmem:s13], [sflag:$0x4], $0x80, s25, s10, $0xb8;
	[tilespmem:$0x1D080] =	vst v63  }
0xef: {  	_ =	swait.ge [sflag:s8], $0x2800  }
0xf0: {  	[sflag:s8] =	ssyncset.done $0x0  }
0xf1: {  	[sflag:s8] =	ssyncadd.s32 $0xFFFFD800  }
0xf2: {  	[tilespmem:s13], [sflag:$0x3] =	stream.indirect.gather [hbm4b:s3+s10], $0x80, s26, s10, $0xb8;
	[tilespmem:$0x1D080] =	vst v63  }
0xf3: {  	_ =	swait.ge [sflag:s14], $0x2800  }
0xf4: {  	[sflag:s14] =	ssyncset.done $0x0  }
0xf5: {  	[sflag:s14] =	ssyncadd.s32 $0xFFFFD800  }
0xf6: {  	[spmem:s1] =	stream.indirect.scatter.add.f32 [tilespmem:s11], [sflag:$0x4], $0x80, s28, s10, $0xb8;
	[tilespmem:$0x1D080] =	vst v63  }
0xf7: {  	_ =	swait.ge [sflag:s8], $0x2800  }
0xf8: {  	[sflag:s8] =	ssyncset.done $0x0  }
0xf9: {  	[sflag:s8] =	ssyncadd.s32 $0xFFFFD800  }
0xfa: {  	[tilespmem:s11], [sflag:$0x1] =	stream.indirect.gather [hbm4b:s3+s10], $0x80, s29, s10, $0xb8;
	[tilespmem:$0x1D080] =	vst v63  }
0xfb: {  	_ =	swait.ge [sflag:s15], $0x2800  }
0xfc: {  	[sflag:s15] =	ssyncset.done $0x0  }
0xfd: {  	[sflag:s15] =	ssyncadd.s32 $0xFFFFD800  }
0xfe: {  	[spmem:s1] =	stream.indirect.scatter.add.f32 [tilespmem:s12], [sflag:$0x4], $0x80, s30, s10, $0xb8;
	[tilespmem:$0x1D080] =	vst v63  }
0xff: {  	_ =	swait.ge [sflag:s8], $0x2800  }
0x100: {  	[sflag:s8] =	ssyncset.done $0x0  }
0x101: {  	[sflag:s8] =	ssyncadd.s32 $0xFFFFD800  }
0x102: {  	_ =	swait.ge [sflag:s16], $0x2800  }
0x103: {  	[sflag:s16] =	ssyncset.done $0x0  }
0x104: {  	[sflag:s16] =	ssyncadd.s32 $0xFFFFD800  }
0x105: {  	[spmem:s1] =	stream.indirect.scatter.add.f32 [tilespmem:s13], [sflag:$0x4], $0x80, s31, s10, $0xb8;
	[tilespmem:$0x1D080] =	vst v63  }
0x106: {  	_ =	swait.ge [sflag:s8], $0x2800  }
0x107: {  	[sflag:s8] =	ssyncset.done $0x0  }
0x108: {  	[sflag:s8] =	ssyncadd.s32 $0xFFFFD800  }
0x109: {  	_ =	swait.ge [sflag:s14], $0x2800  }
0x10a: {  	[sflag:s14] =	ssyncset.done $0x0  }
0x10b: {  	[sflag:s14] =	ssyncadd.s32 $0xFFFFD800  }
0x10c: {  	[spmem:s1] =	stream.indirect.scatter.add.f32 [tilespmem:s11], [sflag:$0x4], $0x80, s0, s10, $0xb8;
	[tilespmem:$0x1D080] =	vst v63  }
0x10d: {  	s5 =	simm.s32 $0x200;
	_ =	swait.ge [sflag:s8], $0x2800  }
0x10e: {  	s6 =	simm.s32 $0x400;
	s7 =	rddreg [dreg:$0x4];
	[sflag:s8] =	ssyncset.done $0x0  }
.LBB2_2:
0x10f: {  	[sflag:s8] =	ssyncadd.s32 $0xFFFFD800;
	s7 =	sadd.s32 s5, s7  }
0x110: {  	[tilespmem:s2], [sflag:$0x4] =	stream.linear.gather [hbm4b:s7+s2], $0xC80, $0x38;
	[tilespmem:$0x1D080] =	vst v63  }
0x111: {  	_ =	swait.ge [sflag:s8], $0xC80  }
0x112: {  	s7 =	rddreg [dreg:$0x3];
	[sflag:s8] =	ssyncset.done $0x0  }
0x113: {  	[sflag:s8] =	ssyncadd.s32 $0xFFFFF380;
	s7 =	sadd.s32 s5, s7  }
0x114: {  	[tilespmem:s9], [sflag:$0x4] =	stream.linear.gather [hbm4b:s7+s2], $0xC80, $0x38;
	[tilespmem:$0x1D080] =	vst v63  }
0x115: {  	_ =	swait.ge [sflag:s8], $0xC80  }
0x116: {  	[sflag:s8] =	ssyncset.done $0x0  }
0x117: {  	s4 =	smov.u32 s6;
	[sflag:s8] =	ssyncadd.s32 $0xFFFFF380  }
0x118: {  	[tilespmem:s11], [sflag:$0x1] =	stream.indirect.gather [hbm4b:s3+s10], $0x80, s2, s10, $0xb8;
	[tilespmem:$0x1D080] =	vst v63  }
0x119: {  	s5 =	smov.u32 s4;
	s4 =	rddreg [dreg:$0x5]  }
0x11a: {  	[tilespmem:s12], [sflag:$0x2] =	stream.indirect.gather [hbm4b:s3+s10], $0x80, s4, s10, $0xb8;
	[tilespmem:$0x1D080] =	vst v63  }
0x11b: {  	s7 =	rddreg [dreg:$0x6]  }
0x11c: {  	[tilespmem:s13], [sflag:$0x3] =	stream.indirect.gather [hbm4b:s3+s10], $0x80, s7, s10, $0xb8;
	[tilespmem:$0x1D080] =	vst v63  }
0x11d: {  	_ =	swait.ge [sflag:s14], $0x2800  }
0x11e: {  	[sflag:s14] =	ssyncset.done $0x0  }
0x11f: {  	[sflag:s14] =	ssyncadd.s32 $0xFFFFD800  }
0x120: {  	[spmem:s1] =	stream.indirect.scatter.add.f32 [tilespmem:s11], [sflag:$0x4], $0x80, s9, s10, $0xb8;
	[tilespmem:$0x1D080] =	vst v63  }
0x121: {  	_ =	swait.ge [sflag:s8], $0x2800  }
0x122: {  	[sflag:s8] =	ssyncset.done $0x0  }
0x123: {  	s7 =	rddreg [dreg:$0x7];
	[sflag:s8] =	ssyncadd.s32 $0xFFFFD800  }
0x124: {  	[tilespmem:s11], [sflag:$0x1] =	stream.indirect.gather [hbm4b:s3+s10], $0x80, s7, s10, $0xb8;
	[tilespmem:$0x1D080] =	vst v63  }
0x125: {  	_ =	swait.ge [sflag:s15], $0x2800  }
0x126: {  	[sflag:s15] =	ssyncset.done $0x0  }
0x127: {  	s7 =	rddreg [dreg:$0x8];
	[sflag:s15] =	ssyncadd.s32 $0xFFFFD800  }
0x128: {  	[spmem:s1] =	stream.indirect.scatter.add.f32 [tilespmem:s12], [sflag:$0x4], $0x80, s7, s10, $0xb8;
	[tilespmem:$0x1D080] =	vst v63  }
0x129: {  	_ =	swait.ge [sflag:s8], $0x2800  }
0x12a: {  	[sflag:s8] =	ssyncset.done $0x0  }
0x12b: {  	s7 =	rddreg [dreg:$0x9];
	[sflag:s8] =	ssyncadd.s32 $0xFFFFD800  }
0x12c: {  	[tilespmem:s12], [sflag:$0x2] =	stream.indirect.gather [hbm4b:s3+s10], $0x80, s7, s10, $0xb8;
	[tilespmem:$0x1D080] =	vst v63  }
0x12d: {  	_ =	swait.ge [sflag:s16], $0x2800  }
0x12e: {  	[sflag:s16] =	ssyncset.done $0x0  }
0x12f: {  	s7 =	rddreg [dreg:$0xa];
	[sflag:s16] =	ssyncadd.s32 $0xFFFFD800  }
0x130: {  	[spmem:s1] =	stream.indirect.scatter.add.f32 [tilespmem:s13], [sflag:$0x4], $0x80, s7, s10, $0xb8;
	[tilespmem:$0x1D080] =	vst v63  }
0x131: {  	_ =	swait.ge [sflag:s8], $0x2800  }
0x132: {  	[sflag:s8] =	ssyncset.done $0x0  }
0x133: {  	s7 =	rddreg [dreg:$0xb];
	[sflag:s8] =	ssyncadd.s32 $0xFFFFD800  }
0x134: {  	[tilespmem:s13], [sflag:$0x3] =	stream.indirect.gather [hbm4b:s3+s10], $0x80, s7, s10, $0xb8;
	[tilespmem:$0x1D080] =	vst v63  }
0x135: {  	_ =	swait.ge [sflag:s14], $0x2800  }
0x136: {  	[sflag:s14] =	ssyncset.done $0x0  }
0x137: {  	s7 =	rddreg [dreg:$0xc];
	[sflag:s14] =	ssyncadd.s32 $0xFFFFD800  }
0x138: {  	[spmem:s1] =	stream.indirect.scatter.add.f32 [tilespmem:s11], [sflag:$0x4], $0x80, s7, s10, $0xb8;
	[tilespmem:$0x1D080] =	vst v63  }
0x139: {  	_ =	swait.ge [sflag:s8], $0x2800  }
0x13a: {  	[sflag:s8] =	ssyncset.done $0x0  }
0x13b: {  	s7 =	rddreg [dreg:$0xd];
	[sflag:s8] =	ssyncadd.s32 $0xFFFFD800  }
0x13c: {  	[tilespmem:s11], [sflag:$0x1] =	stream.indirect.gather [hbm4b:s3+s10], $0x80, s7, s10, $0xb8;
	[tilespmem:$0x1D080] =	vst v63  }
0x13d: {  	_ =	swait.ge [sflag:s15], $0x2800  }
0x13e: {  	[sflag:s15] =	ssyncset.done $0x0  }
0x13f: {  	s7 =	rddreg [dreg:$0xe];
	[sflag:s15] =	ssyncadd.s32 $0xFFFFD800  }
0x140: {  	[spmem:s1] =	stream.indirect.scatter.add.f32 [tilespmem:s12], [sflag:$0x4], $0x80, s7, s10, $0xb8;
	[tilespmem:$0x1D080] =	vst v63  }
0x141: {  	_ =	swait.ge [sflag:s8], $0x2800  }
0x142: {  	[sflag:s8] =	ssyncset.done $0x0  }
0x143: {  	s7 =	rddreg [dreg:$0xf];
	[sflag:s8] =	ssyncadd.s32 $0xFFFFD800  }
0x144: {  	[tilespmem:s12], [sflag:$0x2] =	stream.indirect.gather [hbm4b:s3+s10], $0x80, s7, s10, $0xb8;
	[tilespmem:$0x1D080] =	vst v63  }
0x145: {  	_ =	swait.ge [sflag:s16], $0x2800  }
0x146: {  	[sflag:s16] =	ssyncset.done $0x0  }
0x147: {  	s7 =	rddreg [dreg:$0x10];
	[sflag:s16] =	ssyncadd.s32 $0xFFFFD800  }
0x148: {  	[spmem:s1] =	stream.indirect.scatter.add.f32 [tilespmem:s13], [sflag:$0x4], $0x80, s7, s10, $0xb8;
	[tilespmem:$0x1D080] =	vst v63  }
0x149: {  	_ =	swait.ge [sflag:s8], $0x2800  }
0x14a: {  	[sflag:s8] =	ssyncset.done $0x0  }
0x14b: {  	s7 =	rddreg [dreg:$0x11];
	[sflag:s8] =	ssyncadd.s32 $0xFFFFD800  }
0x14c: {  	[tilespmem:s13], [sflag:$0x3] =	stream.indirect.gather [hbm4b:s3+s10], $0x80, s7, s10, $0xb8;
	[tilespmem:$0x1D080] =	vst v63  }
0x14d: {  	_ =	swait.ge [sflag:s14], $0x2800  }
0x14e: {  	[sflag:s14] =	ssyncset.done $0x0  }
0x14f: {  	s7 =	rddreg [dreg:$0x12];
	[sflag:s14] =	ssyncadd.s32 $0xFFFFD800  }
0x150: {  	[spmem:s1] =	stream.indirect.scatter.add.f32 [tilespmem:s11], [sflag:$0x4], $0x80, s7, s10, $0xb8;
	[tilespmem:$0x1D080] =	vst v63  }
0x151: {  	_ =	swait.ge [sflag:s8], $0x2800  }
0x152: {  	[sflag:s8] =	ssyncset.done $0x0  }
0x153: {  	s7 =	rddreg [dreg:$0x13];
	[sflag:s8] =	ssyncadd.s32 $0xFFFFD800  }
0x154: {  	[tilespmem:s11], [sflag:$0x1] =	stream.indirect.gather [hbm4b:s3+s10], $0x80, s7, s10, $0xb8;
	[tilespmem:$0x1D080] =	vst v63  }
0x155: {  	_ =	swait.ge [sflag:s15], $0x2800  }
0x156: {  	[sflag:s15] =	ssyncset.done $0x0  }
0x157: {  	s7 =	rddreg [dreg:$0x14];
	[sflag:s15] =	ssyncadd.s32 $0xFFFFD800  }
0x158: {  	[spmem:s1] =	stream.indirect.scatter.add.f32 [tilespmem:s12], [sflag:$0x4], $0x80, s7, s10, $0xb8;
	[tilespmem:$0x1D080] =	vst v63  }
0x159: {  	_ =	swait.ge [sflag:s8], $0x2800  }
0x15a: {  	[sflag:s8] =	ssyncset.done $0x0  }
0x15b: {  	s7 =	rddreg [dreg:$0x15];
	[sflag:s8] =	ssyncadd.s32 $0xFFFFD800  }
0x15c: {  	[tilespmem:s12], [sflag:$0x2] =	stream.indirect.gather [hbm4b:s3+s10], $0x80, s7, s10, $0xb8;
	[tilespmem:$0x1D080] =	vst v63  }
0x15d: {  	_ =	swait.ge [sflag:s16], $0x2800  }
0x15e: {  	[sflag:s16] =	ssyncset.done $0x0  }
0x15f: {  	s7 =	rddreg [dreg:$0x16];
	[sflag:s16] =	ssyncadd.s32 $0xFFFFD800  }
0x160: {  	[spmem:s1] =	stream.indirect.scatter.add.f32 [tilespmem:s13], [sflag:$0x4], $0x80, s7, s10, $0xb8;
	[tilespmem:$0x1D080] =	vst v63  }
0x161: {  	_ =	swait.ge [sflag:s8], $0x2800  }
0x162: {  	[sflag:s8] =	ssyncset.done $0x0  }
0x163: {  	s7 =	rddreg [dreg:$0x17];
	[sflag:s8] =	ssyncadd.s32 $0xFFFFD800  }
0x164: {  	[tilespmem:s13], [sflag:$0x3] =	stream.indirect.gather [hbm4b:s3+s10], $0x80, s7, s10, $0xb8;
	[tilespmem:$0x1D080] =	vst v63  }
0x165: {  	_ =	swait.ge [sflag:s14], $0x2800  }
0x166: {  	[sflag:s14] =	ssyncset.done $0x0  }
0x167: {  	s7 =	rddreg [dreg:$0x18];
	[sflag:s14] =	ssyncadd.s32 $0xFFFFD800  }
0x168: {  	[spmem:s1] =	stream.indirect.scatter.add.f32 [tilespmem:s11], [sflag:$0x4], $0x80, s7, s10, $0xb8;
	[tilespmem:$0x1D080] =	vst v63  }
0x169: {  	_ =	swait.ge [sflag:s8], $0x2800  }
0x16a: {  	[sflag:s8] =	ssyncset.done $0x0  }
0x16b: {  	s7 =	rddreg [dreg:$0x19];
	[sflag:s8] =	ssyncadd.s32 $0xFFFFD800  }
0x16c: {  	[tilespmem:s11], [sflag:$0x1] =	stream.indirect.gather [hbm4b:s3+s10], $0x80, s7, s10, $0xb8;
	[tilespmem:$0x1D080] =	vst v63  }
0x16d: {  	_ =	swait.ge [sflag:s15], $0x2800  }
0x16e: {  	[sflag:s15] =	ssyncset.done $0x0  }
0x16f: {  	s7 =	rddreg [dreg:$0x1a];
	[sflag:s15] =	ssyncadd.s32 $0xFFFFD800  }
0x170: {  	[spmem:s1] =	stream.indirect.scatter.add.f32 [tilespmem:s12], [sflag:$0x4], $0x80, s7, s10, $0xb8;
	[tilespmem:$0x1D080] =	vst v63  }
0x171: {  	_ =	swait.ge [sflag:s8], $0x2800  }
0x172: {  	[sflag:s8] =	ssyncset.done $0x0  }
0x173: {  	s7 =	rddreg [dreg:$0x1b];
	[sflag:s8] =	ssyncadd.s32 $0xFFFFD800  }
0x174: {  	[tilespmem:s12], [sflag:$0x2] =	stream.indirect.gather [hbm4b:s3+s10], $0x80, s7, s10, $0xb8;
	[tilespmem:$0x1D080] =	vst v63  }
0x175: {  	_ =	swait.ge [sflag:s16], $0x2800  }
0x176: {  	[sflag:s16] =	ssyncset.done $0x0  }
0x177: {  	s7 =	rddreg [dreg:$0x1c];
	[sflag:s16] =	ssyncadd.s32 $0xFFFFD800  }
0x178: {  	[spmem:s1] =	stream.indirect.scatter.add.f32 [tilespmem:s13], [sflag:$0x4], $0x80, s7, s10, $0xb8;
	[tilespmem:$0x1D080] =	vst v63  }
0x179: {  	_ =	swait.ge [sflag:s8], $0x2800  }
0x17a: {  	[sflag:s8] =	ssyncset.done $0x0  }
0x17b: {  	s7 =	rddreg [dreg:$0x1d];
	[sflag:s8] =	ssyncadd.s32 $0xFFFFD800  }
0x17c: {  	[tilespmem:s13], [sflag:$0x3] =	stream.indirect.gather [hbm4b:s3+s10], $0x80, s7, s10, $0xb8;
	[tilespmem:$0x1D080] =	vst v63  }
0x17d: {  	_ =	swait.ge [sflag:s14], $0x2800  }
0x17e: {  	[sflag:s14] =	ssyncset.done $0x0  }
0x17f: {  	s7 =	rddreg [dreg:$0x1e];
	[sflag:s14] =	ssyncadd.s32 $0xFFFFD800  }
0x180: {  	[spmem:s1] =	stream.indirect.scatter.add.f32 [tilespmem:s11], [sflag:$0x4], $0x80, s7, s10, $0xb8;
	[tilespmem:$0x1D080] =	vst v63  }
0x181: {  	_ =	swait.ge [sflag:s8], $0x2800  }
0x182: {  	[sflag:s8] =	ssyncset.done $0x0  }
0x183: {  	s7 =	rddreg [dreg:$0x1f];
	[sflag:s8] =	ssyncadd.s32 $0xFFFFD800  }
0x184: {  	[tilespmem:s11], [sflag:$0x1] =	stream.indirect.gather [hbm4b:s3+s10], $0x80, s7, s10, $0xb8;
	[tilespmem:$0x1D080] =	vst v63  }
0x185: {  	_ =	swait.ge [sflag:s15], $0x2800  }
0x186: {  	s7 =	sld [smem:$0x7F7]  }
0x187: {  	[sflag:s15] =	ssyncset.done $0x0  }
0x188: {  	[sflag:s15] =	ssyncadd.s32 $0xFFFFD800  }
0x189: {  	[spmem:s1] =	stream.indirect.scatter.add.f32 [tilespmem:s12], [sflag:$0x4], $0x80, s7, s10, $0xb8;
	[tilespmem:$0x1D080] =	vst v63  }
0x18a: {  	_ =	swait.ge [sflag:s8], $0x2800  }
0x18b: {  	s7 =	sld [smem:$0x7F8]  }
0x18c: {  	[sflag:s8] =	ssyncset.done $0x0  }
0x18d: {  	[sflag:s8] =	ssyncadd.s32 $0xFFFFD800  }
0x18e: {  	[tilespmem:s12], [sflag:$0x2] =	stream.indirect.gather [hbm4b:s3+s10], $0x80, s7, s10, $0xb8;
	[tilespmem:$0x1D080] =	vst v63  }
0x18f: {  	_ =	swait.ge [sflag:s16], $0x2800  }
0x190: {  	s7 =	sld [smem:$0x7F9]  }
0x191: {  	[sflag:s16] =	ssyncset.done $0x0  }
0x192: {  	[sflag:s16] =	ssyncadd.s32 $0xFFFFD800  }
0x193: {  	[spmem:s1] =	stream.indirect.scatter.add.f32 [tilespmem:s13], [sflag:$0x4], $0x80, s7, s10, $0xb8;
	[tilespmem:$0x1D080] =	vst v63  }
0x194: {  	_ =	swait.ge [sflag:s8], $0x2800  }
0x195: {  	s7 =	sld [smem:$0x7FA]  }
0x196: {  	[sflag:s8] =	ssyncset.done $0x0  }
0x197: {  	[sflag:s8] =	ssyncadd.s32 $0xFFFFD800  }
0x198: {  	[tilespmem:s13], [sflag:$0x3] =	stream.indirect.gather [hbm4b:s3+s10], $0x80, s7, s10, $0xb8;
	[tilespmem:$0x1D080] =	vst v63  }
0x199: {  	_ =	swait.ge [sflag:s14], $0x2800  }
0x19a: {  	s7 =	sld [smem:$0x7FB]  }
0x19b: {  	[sflag:s14] =	ssyncset.done $0x0  }
0x19c: {  	[sflag:s14] =	ssyncadd.s32 $0xFFFFD800  }
0x19d: {  	[spmem:s1] =	stream.indirect.scatter.add.f32 [tilespmem:s11], [sflag:$0x4], $0x80, s7, s10, $0xb8;
	[tilespmem:$0x1D080] =	vst v63  }
0x19e: {  	_ =	swait.ge [sflag:s8], $0x2800  }
0x19f: {  	s7 =	sld [smem:$0x7FC]  }
0x1a0: {  	[sflag:s8] =	ssyncset.done $0x0  }
0x1a1: {  	[sflag:s8] =	ssyncadd.s32 $0xFFFFD800  }
0x1a2: {  	[tilespmem:s11], [sflag:$0x1] =	stream.indirect.gather [hbm4b:s3+s10], $0x80, s7, s10, $0xb8;
	[tilespmem:$0x1D080] =	vst v63  }
0x1a3: {  	_ =	swait.ge [sflag:s15], $0x2800  }
0x1a4: {  	[sflag:s15] =	ssyncset.done $0x0  }
0x1a5: {  	[sflag:s15] =	ssyncadd.s32 $0xFFFFD800  }
0x1a6: {  	[spmem:s1] =	stream.indirect.scatter.add.f32 [tilespmem:s12], [sflag:$0x4], $0x80, s17, s10, $0xb8;
	[tilespmem:$0x1D080] =	vst v63  }
0x1a7: {  	_ =	swait.ge [sflag:s8], $0x2800  }
0x1a8: {  	[sflag:s8] =	ssyncset.done $0x0  }
0x1a9: {  	[sflag:s8] =	ssyncadd.s32 $0xFFFFD800  }
0x1aa: {  	[tilespmem:s12], [sflag:$0x2] =	stream.indirect.gather [hbm4b:s3+s10], $0x80, s18, s10, $0xb8;
	[tilespmem:$0x1D080] =	vst v63  }
0x1ab: {  	_ =	swait.ge [sflag:s16], $0x2800  }
0x1ac: {  	[sflag:s16] =	ssyncset.done $0x0  }
0x1ad: {  	[sflag:s16] =	ssyncadd.s32 $0xFFFFD800  }
0x1ae: {  	[spmem:s1] =	stream.indirect.scatter.add.f32 [tilespmem:s13], [sflag:$0x4], $0x80, s19, s10, $0xb8;
	[tilespmem:$0x1D080] =	vst v63  }
0x1af: {  	_ =	swait.ge [sflag:s8], $0x2800  }
0x1b0: {  	[sflag:s8] =	ssyncset.done $0x0  }
0x1b1: {  	[sflag:s8] =	ssyncadd.s32 $0xFFFFD800  }
0x1b2: {  	[tilespmem:s13], [sflag:$0x3] =	stream.indirect.gather [hbm4b:s3+s10], $0x80, s20, s10, $0xb8;
	[tilespmem:$0x1D080] =	vst v63  }
0x1b3: {  	_ =	swait.ge [sflag:s14], $0x2800  }
0x1b4: {  	[sflag:s14] =	ssyncset.done $0x0  }
0x1b5: {  	[sflag:s14] =	ssyncadd.s32 $0xFFFFD800  }
0x1b6: {  	[spmem:s1] =	stream.indirect.scatter.add.f32 [tilespmem:s11], [sflag:$0x4], $0x80, s21, s10, $0xb8;
	[tilespmem:$0x1D080] =	vst v63  }
0x1b7: {  	_ =	swait.ge [sflag:s8], $0x2800  }
0x1b8: {  	[sflag:s8] =	ssyncset.done $0x0  }
0x1b9: {  	[sflag:s8] =	ssyncadd.s32 $0xFFFFD800  }
0x1ba: {  	[tilespmem:s11], [sflag:$0x1] =	stream.indirect.gather [hbm4b:s3+s10], $0x80, s22, s10, $0xb8;
	[tilespmem:$0x1D080] =	vst v63  }
0x1bb: {  	_ =	swait.ge [sflag:s15], $0x2800  }
0x1bc: {  	[sflag:s15] =	ssyncset.done $0x0  }
0x1bd: {  	[sflag:s15] =	ssyncadd.s32 $0xFFFFD800  }
0x1be: {  	[spmem:s1] =	stream.indirect.scatter.add.f32 [tilespmem:s12], [sflag:$0x4], $0x80, s23, s10, $0xb8;
	[tilespmem:$0x1D080] =	vst v63  }
0x1bf: {  	_ =	swait.ge [sflag:s8], $0x2800  }
0x1c0: {  	[sflag:s8] =	ssyncset.done $0x0  }
0x1c1: {  	[sflag:s8] =	ssyncadd.s32 $0xFFFFD800  }
0x1c2: {  	[tilespmem:s12], [sflag:$0x2] =	stream.indirect.gather [hbm4b:s3+s10], $0x80, s24, s10, $0xb8;
	[tilespmem:$0x1D080] =	vst v63  }
0x1c3: {  	_ =	swait.ge [sflag:s16], $0x2800  }
0x1c4: {  	[sflag:s16] =	ssyncset.done $0x0  }
0x1c5: {  	[sflag:s16] =	ssyncadd.s32 $0xFFFFD800  }
0x1c6: {  	[spmem:s1] =	stream.indirect.scatter.add.f32 [tilespmem:s13], [sflag:$0x4], $0x80, s25, s10, $0xb8;
	[tilespmem:$0x1D080] =	vst v63  }
0x1c7: {  	_ =	swait.ge [sflag:s8], $0x2800  }
0x1c8: {  	[sflag:s8] =	ssyncset.done $0x0  }
0x1c9: {  	[sflag:s8] =	ssyncadd.s32 $0xFFFFD800  }
0x1ca: {  	[tilespmem:s13], [sflag:$0x3] =	stream.indirect.gather [hbm4b:s3+s10], $0x80, s26, s10, $0xb8;
	[tilespmem:$0x1D080] =	vst v63  }
0x1cb: {  	_ =	swait.ge [sflag:s14], $0x2800  }
0x1cc: {  	[sflag:s14] =	ssyncset.done $0x0  }
0x1cd: {  	[sflag:s14] =	ssyncadd.s32 $0xFFFFD800  }
0x1ce: {  	[spmem:s1] =	stream.indirect.scatter.add.f32 [tilespmem:s11], [sflag:$0x4], $0x80, s28, s10, $0xb8;
	[tilespmem:$0x1D080] =	vst v63  }
0x1cf: {  	_ =	swait.ge [sflag:s8], $0x2800  }
0x1d0: {  	[sflag:s8] =	ssyncset.done $0x0  }
0x1d1: {  	[sflag:s8] =	ssyncadd.s32 $0xFFFFD800  }
0x1d2: {  	[tilespmem:s11], [sflag:$0x1] =	stream.indirect.gather [hbm4b:s3+s10], $0x80, s29, s10, $0xb8;
	[tilespmem:$0x1D080] =	vst v63  }
0x1d3: {  	_ =	swait.ge [sflag:s15], $0x2800  }
0x1d4: {  	[sflag:s15] =	ssyncset.done $0x0  }
0x1d5: {  	[sflag:s15] =	ssyncadd.s32 $0xFFFFD800  }
0x1d6: {  	[spmem:s1] =	stream.indirect.scatter.add.f32 [tilespmem:s12], [sflag:$0x4], $0x80, s30, s10, $0xb8;
	[tilespmem:$0x1D080] =	vst v63  }
0x1d7: {  	_ =	swait.ge [sflag:s8], $0x2800  }
0x1d8: {  	[sflag:s8] =	ssyncset.done $0x0  }
0x1d9: {  	[sflag:s8] =	ssyncadd.s32 $0xFFFFD800  }
0x1da: {  	_ =	swait.ge [sflag:s16], $0x2800  }
0x1db: {  	[sflag:s16] =	ssyncset.done $0x0  }
0x1dc: {  	[sflag:s16] =	ssyncadd.s32 $0xFFFFD800  }
0x1dd: {  	[spmem:s1] =	stream.indirect.scatter.add.f32 [tilespmem:s13], [sflag:$0x4], $0x80, s31, s10, $0xb8;
	[tilespmem:$0x1D080] =	vst v63  }
0x1de: {  	_ =	swait.ge [sflag:s8], $0x2800  }
0x1df: {  	[sflag:s8] =	ssyncset.done $0x0  }
0x1e0: {  	[sflag:s8] =	ssyncadd.s32 $0xFFFFD800  }
0x1e1: {  	p1 =	sne.s32 s6, $0x800;
	_ =	swait.ge [sflag:s14], $0x2800  }
.Ltmp0:
0x1e2: {  	[sflag:s14] =	ssyncset.done $0x0;
	(pc) =	sbr.rel @p1 .LBB2_2-.Ltmp0, $4  }
0x1e3: {  	[sflag:s14] =	ssyncadd.s32 $0xFFFFD800  }
0x1e4: {  	[spmem:s1] =	stream.indirect.scatter.add.f32 [tilespmem:s11], [sflag:$0x4], $0x80, s0, s10, $0xb8;
	[tilespmem:$0x1D080] =	vst v63  }
0x1e5: {  	_ =	swait.ge [sflag:s8], $0x2800  }
0x1e6: {  	s6 =	sadd.s32 $0x200, s6;
	s7 =	rddreg [dreg:$0x4];
	[sflag:s8] =	ssyncset.done $0x0  }
0x1e7: {  	[sflag:s8] =	ssyncadd.s32 $0xFFFFD800;
	s4 =	sadd.s32 s5, s7  }
0x1e8: {  	[tilespmem:s2], [sflag:$0x4] =	stream.linear.gather [hbm4b:s4+s2], $0xC80, $0x38;
	[tilespmem:$0x1D080] =	vst v63  }
0x1e9: {  	_ =	swait.ge [sflag:s8], $0xC80  }
0x1ea: {  	s7 =	rddreg [dreg:$0x3];
	[sflag:s8] =	ssyncset.done $0x0  }
0x1eb: {  	[sflag:s8] =	ssyncadd.s32 $0xFFFFF380;
	s4 =	sadd.s32 s5, s7  }
0x1ec: {  	[tilespmem:s9], [sflag:$0x4] =	stream.linear.gather [hbm4b:s4+s2], $0xC80, $0x38;
	[tilespmem:$0x1D080] =	vst v63  }
0x1ed: {  	_ =	swait.ge [sflag:s8], $0xC80  }
0x1ee: {  	[sflag:s8] =	ssyncset.done $0x0  }
0x1ef: {  	[sflag:s8] =	ssyncadd.s32 $0xFFFFF380  }
0x1f0: {  	[tilespmem:s11], [sflag:$0x1] =	stream.indirect.gather [hbm4b:s3+s10], $0x80, s2, s10, $0xb8;
	[tilespmem:$0x1D080] =	vst v63  }
0x1f1: {  	s5 =	rddreg [dreg:$0x5]  }
0x1f2: {  	[tilespmem:s12], [sflag:$0x2] =	stream.indirect.gather [hbm4b:s3+s10], $0x80, s5, s10, $0xb8;
	[tilespmem:$0x1D080] =	vst v63  }
0x1f3: {  	s6 =	rddreg [dreg:$0x6]  }
0x1f4: {  	[tilespmem:s13], [sflag:$0x3] =	stream.indirect.gather [hbm4b:s3+s10], $0x80, s6, s10, $0xb8;
	[tilespmem:$0x1D080] =	vst v63  }
0x1f5: {  	_ =	swait.ge [sflag:s14], $0x2800  }
0x1f6: {  	[sflag:s14] =	ssyncset.done $0x0  }
0x1f7: {  	[sflag:s14] =	ssyncadd.s32 $0xFFFFD800  }
0x1f8: {  	[spmem:s1] =	stream.indirect.scatter.add.f32 [tilespmem:s11], [sflag:$0x4], $0x80, s9, s10, $0xb8;
	[tilespmem:$0x1D080] =	vst v63  }
0x1f9: {  	_ =	swait.ge [sflag:s8], $0x2800  }
0x1fa: {  	[sflag:s8] =	ssyncset.done $0x0  }
0x1fb: {  	s7 =	rddreg [dreg:$0x7];
	[sflag:s8] =	ssyncadd.s32 $0xFFFFD800  }
0x1fc: {  	[tilespmem:s11], [sflag:$0x1] =	stream.indirect.gather [hbm4b:s3+s10], $0x80, s7, s10, $0xb8;
	[tilespmem:$0x1D080] =	vst v63  }
0x1fd: {  	_ =	swait.ge [sflag:s15], $0x2800  }
0x1fe: {  	[sflag:s15] =	ssyncset.done $0x0  }
0x1ff: {  	s5 =	rddreg [dreg:$0x8];
	[sflag:s15] =	ssyncadd.s32 $0xFFFFD800  }
0x200: {  	[spmem:s1] =	stream.indirect.scatter.add.f32 [tilespmem:s12], [sflag:$0x4], $0x80, s5, s10, $0xb8;
	[tilespmem:$0x1D080] =	vst v63  }
0x201: {  	_ =	swait.ge [sflag:s8], $0x2800  }
0x202: {  	[sflag:s8] =	ssyncset.done $0x0  }
0x203: {  	s6 =	rddreg [dreg:$0x9];
	[sflag:s8] =	ssyncadd.s32 $0xFFFFD800  }
0x204: {  	[tilespmem:s12], [sflag:$0x2] =	stream.indirect.gather [hbm4b:s3+s10], $0x80, s6, s10, $0xb8;
	[tilespmem:$0x1D080] =	vst v63  }
0x205: {  	_ =	swait.ge [sflag:s16], $0x2800  }
0x206: {  	[sflag:s16] =	ssyncset.done $0x0  }
0x207: {  	s7 =	rddreg [dreg:$0xa];
	[sflag:s16] =	ssyncadd.s32 $0xFFFFD800  }
0x208: {  	[spmem:s1] =	stream.indirect.scatter.add.f32 [tilespmem:s13], [sflag:$0x4], $0x80, s7, s10, $0xb8;
	[tilespmem:$0x1D080] =	vst v63  }
0x209: {  	_ =	swait.ge [sflag:s8], $0x2800  }
0x20a: {  	[sflag:s8] =	ssyncset.done $0x0  }
0x20b: {  	s5 =	rddreg [dreg:$0xb];
	[sflag:s8] =	ssyncadd.s32 $0xFFFFD800  }
0x20c: {  	[tilespmem:s13], [sflag:$0x3] =	stream.indirect.gather [hbm4b:s3+s10], $0x80, s5, s10, $0xb8;
	[tilespmem:$0x1D080] =	vst v63  }
0x20d: {  	_ =	swait.ge [sflag:s14], $0x2800  }
0x20e: {  	[sflag:s14] =	ssyncset.done $0x0  }
0x20f: {  	s6 =	rddreg [dreg:$0xc];
	[sflag:s14] =	ssyncadd.s32 $0xFFFFD800  }
0x210: {  	[spmem:s1] =	stream.indirect.scatter.add.f32 [tilespmem:s11], [sflag:$0x4], $0x80, s6, s10, $0xb8;
	[tilespmem:$0x1D080] =	vst v63  }
0x211: {  	_ =	swait.ge [sflag:s8], $0x2800  }
0x212: {  	[sflag:s8] =	ssyncset.done $0x0  }
0x213: {  	s7 =	rddreg [dreg:$0xd];
	[sflag:s8] =	ssyncadd.s32 $0xFFFFD800  }
0x214: {  	[tilespmem:s11], [sflag:$0x1] =	stream.indirect.gather [hbm4b:s3+s10], $0x80, s7, s10, $0xb8;
	[tilespmem:$0x1D080] =	vst v63  }
0x215: {  	_ =	swait.ge [sflag:s15], $0x2800  }
0x216: {  	[sflag:s15] =	ssyncset.done $0x0  }
0x217: {  	s5 =	rddreg [dreg:$0xe];
	[sflag:s15] =	ssyncadd.s32 $0xFFFFD800  }
0x218: {  	[spmem:s1] =	stream.indirect.scatter.add.f32 [tilespmem:s12], [sflag:$0x4], $0x80, s5, s10, $0xb8;
	[tilespmem:$0x1D080] =	vst v63  }
0x219: {  	_ =	swait.ge [sflag:s8], $0x2800  }
0x21a: {  	[sflag:s8] =	ssyncset.done $0x0  }
0x21b: {  	s6 =	rddreg [dreg:$0xf];
	[sflag:s8] =	ssyncadd.s32 $0xFFFFD800  }
0x21c: {  	[tilespmem:s12], [sflag:$0x2] =	stream.indirect.gather [hbm4b:s3+s10], $0x80, s6, s10, $0xb8;
	[tilespmem:$0x1D080] =	vst v63  }
0x21d: {  	_ =	swait.ge [sflag:s16], $0x2800  }
0x21e: {  	[sflag:s16] =	ssyncset.done $0x0  }
0x21f: {  	s7 =	rddreg [dreg:$0x10];
	[sflag:s16] =	ssyncadd.s32 $0xFFFFD800  }
0x220: {  	[spmem:s1] =	stream.indirect.scatter.add.f32 [tilespmem:s13], [sflag:$0x4], $0x80, s7, s10, $0xb8;
	[tilespmem:$0x1D080] =	vst v63  }
0x221: {  	_ =	swait.ge [sflag:s8], $0x2800  }
0x222: {  	[sflag:s8] =	ssyncset.done $0x0  }
0x223: {  	s5 =	rddreg [dreg:$0x11];
	[sflag:s8] =	ssyncadd.s32 $0xFFFFD800  }
0x224: {  	[tilespmem:s13], [sflag:$0x3] =	stream.indirect.gather [hbm4b:s3+s10], $0x80, s5, s10, $0xb8;
	[tilespmem:$0x1D080] =	vst v63  }
0x225: {  	_ =	swait.ge [sflag:s14], $0x2800  }
0x226: {  	[sflag:s14] =	ssyncset.done $0x0  }
0x227: {  	s6 =	rddreg [dreg:$0x12];
	[sflag:s14] =	ssyncadd.s32 $0xFFFFD800  }
0x228: {  	[spmem:s1] =	stream.indirect.scatter.add.f32 [tilespmem:s11], [sflag:$0x4], $0x80, s6, s10, $0xb8;
	[tilespmem:$0x1D080] =	vst v63  }
0x229: {  	_ =	swait.ge [sflag:s8], $0x2800  }
0x22a: {  	[sflag:s8] =	ssyncset.done $0x0  }
0x22b: {  	s7 =	rddreg [dreg:$0x13];
	[sflag:s8] =	ssyncadd.s32 $0xFFFFD800  }
0x22c: {  	[tilespmem:s11], [sflag:$0x1] =	stream.indirect.gather [hbm4b:s3+s10], $0x80, s7, s10, $0xb8;
	[tilespmem:$0x1D080] =	vst v63  }
0x22d: {  	_ =	swait.ge [sflag:s15], $0x2800  }
0x22e: {  	[sflag:s15] =	ssyncset.done $0x0  }
0x22f: {  	s5 =	rddreg [dreg:$0x14];
	[sflag:s15] =	ssyncadd.s32 $0xFFFFD800  }
0x230: {  	[spmem:s1] =	stream.indirect.scatter.add.f32 [tilespmem:s12], [sflag:$0x4], $0x80, s5, s10, $0xb8;
	[tilespmem:$0x1D080] =	vst v63  }
0x231: {  	_ =	swait.ge [sflag:s8], $0x2800  }
0x232: {  	[sflag:s8] =	ssyncset.done $0x0  }
0x233: {  	s6 =	rddreg [dreg:$0x15];
	[sflag:s8] =	ssyncadd.s32 $0xFFFFD800  }
0x234: {  	[tilespmem:s12], [sflag:$0x2] =	stream.indirect.gather [hbm4b:s3+s10], $0x80, s6, s10, $0xb8;
	[tilespmem:$0x1D080] =	vst v63  }
0x235: {  	_ =	swait.ge [sflag:s16], $0x2800  }
0x236: {  	[sflag:s16] =	ssyncset.done $0x0  }
0x237: {  	s7 =	rddreg [dreg:$0x16];
	[sflag:s16] =	ssyncadd.s32 $0xFFFFD800  }
0x238: {  	[spmem:s1] =	stream.indirect.scatter.add.f32 [tilespmem:s13], [sflag:$0x4], $0x80, s7, s10, $0xb8;
	[tilespmem:$0x1D080] =	vst v63  }
0x239: {  	_ =	swait.ge [sflag:s8], $0x2800  }
0x23a: {  	[sflag:s8] =	ssyncset.done $0x0  }
0x23b: {  	s5 =	rddreg [dreg:$0x17];
	[sflag:s8] =	ssyncadd.s32 $0xFFFFD800  }
0x23c: {  	[tilespmem:s13], [sflag:$0x3] =	stream.indirect.gather [hbm4b:s3+s10], $0x80, s5, s10, $0xb8;
	[tilespmem:$0x1D080] =	vst v63  }
0x23d: {  	_ =	swait.ge [sflag:s14], $0x2800  }
0x23e: {  	[sflag:s14] =	ssyncset.done $0x0  }
0x23f: {  	s6 =	rddreg [dreg:$0x18];
	[sflag:s14] =	ssyncadd.s32 $0xFFFFD800  }
0x240: {  	[spmem:s1] =	stream.indirect.scatter.add.f32 [tilespmem:s11], [sflag:$0x4], $0x80, s6, s10, $0xb8;
	[tilespmem:$0x1D080] =	vst v63  }
0x241: {  	_ =	swait.ge [sflag:s8], $0x2800  }
0x242: {  	[sflag:s8] =	ssyncset.done $0x0  }
0x243: {  	s7 =	rddreg [dreg:$0x19];
	[sflag:s8] =	ssyncadd.s32 $0xFFFFD800  }
0x244: {  	[tilespmem:s11], [sflag:$0x1] =	stream.indirect.gather [hbm4b:s3+s10], $0x80, s7, s10, $0xb8;
	[tilespmem:$0x1D080] =	vst v63  }
0x245: {  	_ =	swait.ge [sflag:s15], $0x2800  }
0x246: {  	[sflag:s15] =	ssyncset.done $0x0  }
0x247: {  	s5 =	rddreg [dreg:$0x1a];
	[sflag:s15] =	ssyncadd.s32 $0xFFFFD800  }
0x248: {  	[spmem:s1] =	stream.indirect.scatter.add.f32 [tilespmem:s12], [sflag:$0x4], $0x80, s5, s10, $0xb8;
	[tilespmem:$0x1D080] =	vst v63  }
0x249: {  	_ =	swait.ge [sflag:s8], $0x2800  }
0x24a: {  	[sflag:s8] =	ssyncset.done $0x0  }
0x24b: {  	s6 =	rddreg [dreg:$0x1b];
	[sflag:s8] =	ssyncadd.s32 $0xFFFFD800  }
0x24c: {  	[tilespmem:s12], [sflag:$0x2] =	stream.indirect.gather [hbm4b:s3+s10], $0x80, s6, s10, $0xb8;
	[tilespmem:$0x1D080] =	vst v63  }
0x24d: {  	_ =	swait.ge [sflag:s16], $0x2800  }
0x24e: {  	[sflag:s16] =	ssyncset.done $0x0  }
0x24f: {  	s7 =	rddreg [dreg:$0x1c];
	[sflag:s16] =	ssyncadd.s32 $0xFFFFD800  }
0x250: {  	[spmem:s1] =	stream.indirect.scatter.add.f32 [tilespmem:s13], [sflag:$0x4], $0x80, s7, s10, $0xb8;
	[tilespmem:$0x1D080] =	vst v63  }
0x251: {  	_ =	swait.ge [sflag:s8], $0x2800  }
0x252: {  	[sflag:s8] =	ssyncset.done $0x0  }
0x253: {  	s5 =	rddreg [dreg:$0x1d];
	[sflag:s8] =	ssyncadd.s32 $0xFFFFD800  }
0x254: {  	[tilespmem:s13], [sflag:$0x3] =	stream.indirect.gather [hbm4b:s3+s10], $0x80, s5, s10, $0xb8;
	[tilespmem:$0x1D080] =	vst v63  }
0x255: {  	_ =	swait.ge [sflag:s14], $0x2800  }
0x256: {  	[sflag:s14] =	ssyncset.done $0x0  }
0x257: {  	s6 =	rddreg [dreg:$0x1e];
	[sflag:s14] =	ssyncadd.s32 $0xFFFFD800  }
0x258: {  	[spmem:s1] =	stream.indirect.scatter.add.f32 [tilespmem:s11], [sflag:$0x4], $0x80, s6, s10, $0xb8;
	[tilespmem:$0x1D080] =	vst v63  }
0x259: {  	_ =	swait.ge [sflag:s8], $0x2800  }
0x25a: {  	[sflag:s8] =	ssyncset.done $0x0  }
0x25b: {  	s7 =	rddreg [dreg:$0x1f];
	[sflag:s8] =	ssyncadd.s32 $0xFFFFD800  }
0x25c: {  	[tilespmem:s11], [sflag:$0x1] =	stream.indirect.gather [hbm4b:s3+s10], $0x80, s7, s10, $0xb8;
	[tilespmem:$0x1D080] =	vst v63  }
0x25d: {  	_ =	swait.ge [sflag:s15], $0x2800  }
0x25e: {  	s5 =	sld [smem:$0x7F7]  }
0x25f: {  	[sflag:s15] =	ssyncset.done $0x0  }
0x260: {  	[sflag:s15] =	ssyncadd.s32 $0xFFFFD800  }
0x261: {  	[spmem:s1] =	stream.indirect.scatter.add.f32 [tilespmem:s12], [sflag:$0x4], $0x80, s5, s10, $0xb8;
	[tilespmem:$0x1D080] =	vst v63  }
0x262: {  	_ =	swait.ge [sflag:s8], $0x2800  }
0x263: {  	s6 =	sld [smem:$0x7F8]  }
0x264: {  	[sflag:s8] =	ssyncset.done $0x0  }
0x265: {  	[sflag:s8] =	ssyncadd.s32 $0xFFFFD800  }
0x266: {  	[tilespmem:s12], [sflag:$0x2] =	stream.indirect.gather [hbm4b:s3+s10], $0x80, s6, s10, $0xb8;
	[tilespmem:$0x1D080] =	vst v63  }
0x267: {  	_ =	swait.ge [sflag:s16], $0x2800  }
0x268: {  	s7 =	sld [smem:$0x7F9]  }
0x269: {  	[sflag:s16] =	ssyncset.done $0x0  }
0x26a: {  	[sflag:s16] =	ssyncadd.s32 $0xFFFFD800  }
0x26b: {  	[spmem:s1] =	stream.indirect.scatter.add.f32 [tilespmem:s13], [sflag:$0x4], $0x80, s7, s10, $0xb8;
	[tilespmem:$0x1D080] =	vst v63  }
0x26c: {  	_ =	swait.ge [sflag:s8], $0x2800  }
0x26d: {  	s5 =	sld [smem:$0x7FA]  }
0x26e: {  	[sflag:s8] =	ssyncset.done $0x0  }
0x26f: {  	[sflag:s8] =	ssyncadd.s32 $0xFFFFD800  }
0x270: {  	[tilespmem:s13], [sflag:$0x3] =	stream.indirect.gather [hbm4b:s3+s10], $0x80, s5, s10, $0xb8;
	[tilespmem:$0x1D080] =	vst v63  }
0x271: {  	_ =	swait.ge [sflag:s14], $0x2800  }
0x272: {  	s6 =	sld [smem:$0x7FB]  }
0x273: {  	[sflag:s14] =	ssyncset.done $0x0  }
0x274: {  	[sflag:s14] =	ssyncadd.s32 $0xFFFFD800  }
0x275: {  	[spmem:s1] =	stream.indirect.scatter.add.f32 [tilespmem:s11], [sflag:$0x4], $0x80, s6, s10, $0xb8;
	[tilespmem:$0x1D080] =	vst v63  }
0x276: {  	_ =	swait.ge [sflag:s8], $0x2800  }
0x277: {  	s7 =	sld [smem:$0x7FC]  }
0x278: {  	[sflag:s8] =	ssyncset.done $0x0  }
0x279: {  	[sflag:s8] =	ssyncadd.s32 $0xFFFFD800  }
0x27a: {  	[tilespmem:s11], [sflag:$0x1] =	stream.indirect.gather [hbm4b:s3+s10], $0x80, s7, s10, $0xb8;
	[tilespmem:$0x1D080] =	vst v63  }
0x27b: {  	_ =	swait.ge [sflag:s15], $0x2800  }
0x27c: {  	[sflag:s15] =	ssyncset.done $0x0  }
0x27d: {  	[sflag:s15] =	ssyncadd.s32 $0xFFFFD800  }
0x27e: {  	[spmem:s1] =	stream.indirect.scatter.add.f32 [tilespmem:s12], [sflag:$0x4], $0x80, s17, s10, $0xb8;
	[tilespmem:$0x1D080] =	vst v63  }
0x27f: {  	_ =	swait.ge [sflag:s8], $0x2800  }
0x280: {  	[sflag:s8] =	ssyncset.done $0x0  }
0x281: {  	[sflag:s8] =	ssyncadd.s32 $0xFFFFD800  }
0x282: {  	[tilespmem:s12], [sflag:$0x2] =	stream.indirect.gather [hbm4b:s3+s10], $0x80, s18, s10, $0xb8;
	[tilespmem:$0x1D080] =	vst v63  }
0x283: {  	_ =	swait.ge [sflag:s16], $0x2800  }
0x284: {  	[sflag:s16] =	ssyncset.done $0x0  }
0x285: {  	[sflag:s16] =	ssyncadd.s32 $0xFFFFD800  }
0x286: {  	[spmem:s1] =	stream.indirect.scatter.add.f32 [tilespmem:s13], [sflag:$0x4], $0x80, s19, s10, $0xb8;
	[tilespmem:$0x1D080] =	vst v63  }
0x287: {  	_ =	swait.ge [sflag:s8], $0x2800  }
0x288: {  	[sflag:s8] =	ssyncset.done $0x0  }
0x289: {  	[sflag:s8] =	ssyncadd.s32 $0xFFFFD800  }
0x28a: {  	[tilespmem:s13], [sflag:$0x3] =	stream.indirect.gather [hbm4b:s3+s10], $0x80, s20, s10, $0xb8;
	[tilespmem:$0x1D080] =	vst v63  }
0x28b: {  	_ =	swait.ge [sflag:s14], $0x2800  }
0x28c: {  	[sflag:s14] =	ssyncset.done $0x0  }
0x28d: {  	[sflag:s14] =	ssyncadd.s32 $0xFFFFD800  }
0x28e: {  	[spmem:s1] =	stream.indirect.scatter.add.f32 [tilespmem:s11], [sflag:$0x4], $0x80, s21, s10, $0xb8;
	[tilespmem:$0x1D080] =	vst v63  }
0x28f: {  	_ =	swait.ge [sflag:s8], $0x2800  }
0x290: {  	[sflag:s8] =	ssyncset.done $0x0  }
0x291: {  	[sflag:s8] =	ssyncadd.s32 $0xFFFFD800  }
0x292: {  	[tilespmem:s11], [sflag:$0x1] =	stream.indirect.gather [hbm4b:s3+s10], $0x80, s22, s10, $0xb8;
	[tilespmem:$0x1D080] =	vst v63  }
0x293: {  	_ =	swait.ge [sflag:s15], $0x2800  }
0x294: {  	[sflag:s15] =	ssyncset.done $0x0  }
0x295: {  	[sflag:s15] =	ssyncadd.s32 $0xFFFFD800  }
0x296: {  	[spmem:s1] =	stream.indirect.scatter.add.f32 [tilespmem:s12], [sflag:$0x4], $0x80, s23, s10, $0xb8;
	[tilespmem:$0x1D080] =	vst v63  }
0x297: {  	_ =	swait.ge [sflag:s8], $0x2800  }
0x298: {  	[sflag:s8] =	ssyncset.done $0x0  }
0x299: {  	[sflag:s8] =	ssyncadd.s32 $0xFFFFD800  }
0x29a: {  	[tilespmem:s12], [sflag:$0x2] =	stream.indirect.gather [hbm4b:s3+s10], $0x80, s24, s10, $0xb8;
	[tilespmem:$0x1D080] =	vst v63  }
0x29b: {  	_ =	swait.ge [sflag:s16], $0x2800  }
0x29c: {  	[sflag:s16] =	ssyncset.done $0x0  }
0x29d: {  	[sflag:s16] =	ssyncadd.s32 $0xFFFFD800  }
0x29e: {  	[spmem:s1] =	stream.indirect.scatter.add.f32 [tilespmem:s13], [sflag:$0x4], $0x80, s25, s10, $0xb8;
	[tilespmem:$0x1D080] =	vst v63  }
0x29f: {  	_ =	swait.ge [sflag:s8], $0x2800  }
0x2a0: {  	[sflag:s8] =	ssyncset.done $0x0  }
0x2a1: {  	[sflag:s8] =	ssyncadd.s32 $0xFFFFD800  }
0x2a2: {  	[tilespmem:s13], [sflag:$0x3] =	stream.indirect.gather [hbm4b:s3+s10], $0x80, s26, s10, $0xb8;
	[tilespmem:$0x1D080] =	vst v63  }
0x2a3: {  	_ =	swait.ge [sflag:s14], $0x2800  }
0x2a4: {  	[sflag:s14] =	ssyncset.done $0x0  }
0x2a5: {  	[sflag:s14] =	ssyncadd.s32 $0xFFFFD800  }
0x2a6: {  	[spmem:s1] =	stream.indirect.scatter.add.f32 [tilespmem:s11], [sflag:$0x4], $0x80, s28, s10, $0xb8;
	[tilespmem:$0x1D080] =	vst v63  }
0x2a7: {  	_ =	swait.ge [sflag:s8], $0x2800  }
0x2a8: {  	[sflag:s8] =	ssyncset.done $0x0  }
0x2a9: {  	[sflag:s8] =	ssyncadd.s32 $0xFFFFD800  }
0x2aa: {  	[tilespmem:s11], [sflag:$0x1] =	stream.indirect.gather [hbm4b:s3+s10], $0x80, s29, s10, $0xb8;
	[tilespmem:$0x1D080] =	vst v63  }
0x2ab: {  	_ =	swait.ge [sflag:s15], $0x2800  }
0x2ac: {  	[sflag:s15] =	ssyncset.done $0x0  }
0x2ad: {  	[sflag:s15] =	ssyncadd.s32 $0xFFFFD800  }
0x2ae: {  	[spmem:s1] =	stream.indirect.scatter.add.f32 [tilespmem:s12], [sflag:$0x4], $0x80, s30, s10, $0xb8;
	[tilespmem:$0x1D080] =	vst v63  }
0x2af: {  	_ =	swait.ge [sflag:s8], $0x2800  }
0x2b0: {  	[sflag:s8] =	ssyncset.done $0x0  }
0x2b1: {  	[sflag:s8] =	ssyncadd.s32 $0xFFFFD800  }
0x2b2: {  	_ =	swait.ge [sflag:s16], $0x2800  }
0x2b3: {  	[sflag:s16] =	ssyncset.done $0x0  }
0x2b4: {  	[sflag:s16] =	ssyncadd.s32 $0xFFFFD800  }
0x2b5: {  	[spmem:s1] =	stream.indirect.scatter.add.f32 [tilespmem:s13], [sflag:$0x4], $0x80, s31, s10, $0xb8;
	[tilespmem:$0x1D080] =	vst v63  }
0x2b6: {  	_ =	swait.ge [sflag:s8], $0x2800  }
0x2b7: {  	[sflag:s8] =	ssyncset.done $0x0  }
0x2b8: {  	[sflag:s8] =	ssyncadd.s32 $0xFFFFD800  }
0x2b9: {  	_ =	swait.ge [sflag:s14], $0x2800  }
0x2ba: {  	[sflag:s14] =	ssyncset.done $0x0  }
0x2bb: {  	[sflag:s14] =	ssyncadd.s32 $0xFFFFD800  }
0x2bc: {  	[spmem:s1] =	stream.indirect.scatter.add.f32 [tilespmem:s11], [sflag:$0x4], $0x80, s0, s10, $0xb8;
	[tilespmem:$0x1D080] =	vst v63  }
0x2bd: {  	_ =	swait.ge [sflag:s8], $0x2800  }
0x2be: {  	[sflag:s8] =	ssyncset.done $0x0  }
0x2bf: {  	[sflag:s8] =	ssyncadd.s32 $0xFFFFD800  }
0x2c0: {  	[bflag:$0x0] =	sbarrier.arrive $0xFFFF  }
0x2c1: {  	s5 =	sld [smem:$0x7F5]  }
0x2c2: {  	s6 =	sld [smem:$0x7FD];
	_ =	sdelay $0x1  }
0x2c3: {  	s4 =	simm.s32 @!p0 $0x1C04  }
0x2c4: {  	[hbm:s5], [sflag:s4] =	dma.local @!p0 [spmem:s6], $0x27100  }
0x2c5: {  	s4 =	simm.s32 @!p0 $0x4  }
0x2c6: {  	_ =	swait.ge @!p0 [sflag:s4], $0x27100  }
0x2c7: {  	s5 =	sld [smem:$0x7F3];
	_ =	sdelay $0x2  }
0x2c8: {  	s7 =	sadd.s32 $0x1, s5;
	s5 =	sld [smem:$0x7F6];
	_ =	sdelay $0x2  }
0x2c9: {  	p1 =	sne.s32 s7, s5  }
.Ltmp1:
0x2ca: {  	_ = 	snop;
	(pc) =	sbr.rel @p1 .LBB2_1-.Ltmp1, $3  }
0x2cb: {  	_ =	sdelay $0x1  }
0x2cc: {  	[sflag:s4] =	ssyncset.done @!p0 $0x0  }
0x2cd: {  	[sflag:s4] =	ssyncadd.s32 @!p0 $0xFFFD8F00  }
0x2ce: {  	_ =	sfence.sel $0x180000  }
0x2cf: {  	[bflag:$0x0] =	sbarrier.arrive $0xFFFF  }
0x2d0: {  	_ =	strace $0x9000004D  }
0x2d1: {  	[bflag:$0x2] =	sbarrier.arrive $0xFFFF  }
0x2d2: {  	s0 =	rddreg [dreg:$0x2]  }
0x2d3: {  	s0 =	sadd.s32 @!p0 $0x100000, s0  }
0x2d4: {  	[sflag:s0] =	ssyncadd.tile.s32 @!p0 $0x1;
	_ =	shalt  }
.Lfunc_end2:
_tile_overlayer_lowered:
.L_overlay_start_2:
0x2d5: {  	(tag) =	ssettag $0x2  }
0x2d6: {  	s0 =	rddreg [dreg:$0x0];
	s2 =	stileid.u32  }
0x2d7: {  	s1 =	rddreg [dreg:$0x1];
	p0 =	sne.s32 s2, $0x0  }
0x2d8: {  	s3 =	rddreg [dreg:$0x2];
	[bflag:$0x3] =	sbarrier.arrive $0xFFFF;
	s2 =	simm.s32 @!p0 $0x1C04  }
0x2d9: {  	[timem:s3], [sflag:s2] =	dma.local @!p0 [hbm:s0], s1  }
0x2da: {  	s0 =	simm.s32 @!p0 $0x4  }
0x2db: {  	_ =	swait.ge @!p0 [sflag:s0], s1  }
0x2dc: {  	s1 =	ssub.s32 @!p0 $0x0, s1;
	[sflag:s0] =	ssyncset.done @!p0 $0x0  }
0x2dd: {  	[sflag:s0] =	ssyncadd.s32 @!p0 s1  }
0x2de: {  	[bflag:$0x3] =	sbarrier.arrive $0xFFFF  }
0x2df: {  	_ =	shalt  }

// kernel: kernel.19.cloned.1.call-start
scs
__scs_entry_jumppad:
0x0: {  	(pc) =	sbr.rel $0x88, $3  }
0x1: {  	(tag) =	ssettag $0x0;
	lr =	simm.s32 $0x1  }
0x2: {  	[smem:$0x3F99] =	sst lr;
	_ =	strace $0xD0000000  }
0x3: {  	_ = 	snop  }
0x4: {  	_ = 	snop  }
0x5: {  	_ = 	snop  }
0x6: {  	_ = 	snop  }
0x7: {  	_ = 	snop  }
__scs_overlays_trampoline_lowered:
0x8: {  	[smem:$0x3FA8] =	sst s0  }
0x9: {  	[smem:$0x3FA9] =	sst s1  }
0xa: {  	[smem:$0x3FAA] =	sst s2  }
0xb: {  	[smem:$0x3FAB] =	sst s3  }
0xc: {  	[smem:$0x3FAC] =	sst s4  }
0xd: {  	[smem:$0x3FAD] =	sst s5  }
0xe: {  	[smem:$0x3FAE] =	sst s6  }
0xf: {  	[smem:$0x3FAF] =	sst s7  }
0x10: {  	[smem:$0x3FB0] =	sst s8  }
0x11: {  	[smem:$0x3FB1] =	sst s9;
	s0 =	simm.s32 @!p0 $0x0  }
0x12: {  	s1 =	sld [smem:$0x3F97];
	s0 =	simm.s32 @p0 $0x1  }
0x13: {  	[smem:$0x3FB2] =	sst s0;
	s0 =	simm.s32 @!p1 $0x0  }
0x14: {  	s2 =	sld [smem:$0x3F96];
	s0 =	simm.s32 @p1 $0x1  }
0x15: {  	[smem:$0x3FB3] =	sst s0;
	s0 =	simm.s32 @!p2 $0x0  }
0x16: {  	s3 =	sld [smem:$0x3FDB];
	s0 =	simm.s32 @p2 $0x1  }
0x17: {  	s4 =	simm.s32 $0x1BF5;
	[smem:$0x3FB5] =	sst s0  }
0x18: {  	s0 =	sld [smem:$0x3F98];
	_ =	swait.ge [sflag:s4], $0x0  }
0x19: {  	s7 =	sld [smem:$0x3F99]  }
0x1a: {  	s8 =	sadd.s32 $0xFFFFE003, lr  }
0x1b: {  	s9 =	sadd.s32 $0xFFFFFEF7, lr;
	s5 =	simm.s32 $0xFFFFFFFF;
	p2 =	slt.u32 s8, $0xFFFFF086  }
0x1c: {  	p1 =	slt.u32 s9, $0xF7A;
	s5 =	simm.s32 @!p2 $0x0  }
0x1d: {  	s5 =	simm.s32 @p1 $0x1;
	p0 =	seq.s32 s7, s2  }
0x1e: {  	s7 =	smul.u32 @!p0 $0xF7A, s2;
	p2 =	seq.s32 @!p0 s5, $0x0  }
0x1f: {  	s9 =	smul.u32 $0xF7A, s1;
	s8 =	simm.s32 @!p0 $0x1BF5;
	p2 =	por !p2, p0  }
0x20: {  	[sflag:s8] =	ssyncset.s32 @!p0 $0xFFFFF086;
	s6 =	sadd.s32 @!p0 s3, s7;
	s7 =	simm.s32 @!p0 $0x108  }
0x21: {  	s3 =	sadd.s32 s3, s9;
	s6 =	sadd.s32 @!p0 $0x88, s6;
	s7 =	simm.s32 @p2 $0x1082  }
0x22: {  	[simem:s7], [sflag:s8] =	dma.local @!p0 [hbm:s6], $0xF7A  }
0x23: {  	s9 =	sor.u32 $0xD0000000, s2;
	s6 =	simm.s32 $0x108;
	_ =	swait.ge @!p0 [sflag:s8], $0x0  }
0x24: {  	s3 =	sadd.s32 $0x88, s3;
	s6 =	simm.s32 @!p1 $0x1082;
	[sflag:s4] =	ssyncset.s32 $0xFFFFF086  }
0x25: {  	[simem:s6], [sflag:s4] =	dma.local [hbm:s3], $0xF7A  }
0x26: {  	[smem:$0x3F99] =	sst s1;
	(tag) =	ssettag s2;
	_ =	strace s9  }
0x27: {  	s1 =	sld [smem:$0x3FA9]  }
0x28: {  	s2 =	sld [smem:$0x3FAA]  }
0x29: {  	s4 =	sld [smem:$0x3FAC]  }
0x2a: {  	p0 =	seq.s32 s5, $0x0;
	s5 =	sld [smem:$0x3FAD]  }
0x2b: {  	s6 =	sld [smem:$0x3FAE]  }
0x2c: {  	s7 =	sld [smem:$0x3FAF]  }
0x2d: {  	s3 =	simm.s32 $0x108;
	s8 =	sld [smem:$0x3FB0]  }
0x2e: {  	s3 =	simm.s32 @!p0 $0x1082;
	s9 =	sld [smem:$0x3FB1]  }
0x2f: {  	lr =	sadd.s32 s0, s3;
	s0 =	sld [smem:$0x3FA8]  }
0x30: {  	s3 =	sld [smem:$0x3FAB]  }
0x31: {  	[smem:$0x3FB4] =	sst s10  }
0x32: {  	s10 =	sld [smem:$0x3FB2];
	_ =	sdelay $0x3  }
0x33: {  	p0 =	seq.s32 s10, $0x1;
	s10 =	sld [smem:$0x3FB4];
	_ =	sdelay $0x3  }
0x34: {  	[smem:$0x3FB4] =	sst s10  }
0x35: {  	s10 =	sld [smem:$0x3FB3];
	_ =	sdelay $0x3  }
0x36: {  	p1 =	seq.s32 s10, $0x1;
	s10 =	sld [smem:$0x3FB4];
	_ =	sdelay $0x3  }
0x37: {  	[smem:$0x3FB4] =	sst s10  }
0x38: {  	s10 =	sld [smem:$0x3FB5]  }
0x39: {  	_ = 	snop;
	(pc) =	sbr.ind lr, $3  }
0x3a: {  	_ = 	snop  }
0x3b: {  	_ = 	snop  }
0x3c: {  	p2 =	seq.s32 s10, $0x1;
	s10 =	sld [smem:$0x3FB4]  }
0x3d: {  	_ =	shalt  }
0x3e: {  	_ =	shalt  }
0x3f: {  	_ =	shalt  }
0x40: {  	_ =	shalt  }
0x41: {  	_ =	shalt  }
0x42: {  	_ =	shalt  }
0x43: {  	_ =	shalt  }
0x44: {  	_ =	shalt  }
0x45: {  	_ =	shalt  }
0x46: {  	_ =	shalt  }
0x47: {  	_ =	shalt  }
0x48: {  	_ =	shalt  }
0x49: {  	_ =	shalt  }
0x4a: {  	_ =	shalt  }
0x4b: {  	_ =	shalt  }
0x4c: {  	_ =	shalt  }
0x4d: {  	_ =	shalt  }
0x4e: {  	_ =	shalt  }
0x4f: {  	_ =	shalt  }
0x50: {  	_ =	shalt  }
0x51: {  	_ =	shalt  }
0x52: {  	_ =	shalt  }
0x53: {  	_ =	shalt  }
0x54: {  	_ =	shalt  }
0x55: {  	_ =	shalt  }
0x56: {  	_ =	shalt  }
0x57: {  	_ =	shalt  }
0x58: {  	_ =	shalt  }
0x59: {  	_ =	shalt  }
0x5a: {  	_ =	shalt  }
0x5b: {  	_ =	shalt  }
0x5c: {  	_ =	shalt  }
0x5d: {  	_ =	shalt  }
0x5e: {  	_ =	shalt  }
0x5f: {  	_ =	shalt  }
0x60: {  	_ =	shalt  }
0x61: {  	_ =	shalt  }
0x62: {  	_ =	shalt  }
0x63: {  	_ =	shalt  }
0x64: {  	_ =	shalt  }
0x65: {  	_ =	shalt  }
0x66: {  	_ =	shalt  }
0x67: {  	_ =	shalt  }
0x68: {  	_ =	shalt  }
0x69: {  	_ =	shalt  }
0x6a: {  	_ =	shalt  }
0x6b: {  	_ =	shalt  }
0x6c: {  	_ =	shalt  }
0x6d: {  	_ =	shalt  }
0x6e: {  	_ =	shalt  }
0x6f: {  	_ =	shalt  }
0x70: {  	_ =	shalt  }
0x71: {  	_ =	shalt  }
0x72: {  	_ =	shalt  }
0x73: {  	_ =	shalt  }
0x74: {  	_ =	shalt  }
0x75: {  	_ =	shalt  }
0x76: {  	_ =	shalt  }
0x77: {  	_ =	shalt  }
0x78: {  	_ =	shalt  }
0x79: {  	_ =	shalt  }
0x7a: {  	_ =	shalt  }
0x7b: {  	_ =	shalt  }
0x7c: {  	_ =	shalt  }
0x7d: {  	_ =	shalt  }
0x7e: {  	_ =	shalt  }
0x7f: {  	_ =	shalt  }
0x80: {  	_ =	shalt  }
0x81: {  	_ =	shalt  }
0x82: {  	_ =	shalt  }
0x83: {  	_ =	shalt  }
0x84: {  	_ =	shalt  }
0x85: {  	_ =	shalt  }
0x86: {  	_ =	shalt  }
0x87: {  	_ =	shalt  }
.Lfunc_end0:
.L_simem_size_0:
called_computation.3_lowered:
.L_overlay_start_0:
0x88: {  	s2 =	sld [smem:$0x3FD9]  }
0x89: {  	s3 =	sld [smem:$0x3FFE];
	_ =	sdelay $0x1  }
0x8a: {  	s1 =	srdreg.scid  }
0x8b: {  	s0 =	sand.u32 $0x1, s1  }
0x8c: {  	s16 =	sshll.u32 s0, $0xA;
	s2 =	sadd.s32 s3, s2  }
0x8d: {  	s2 =	sadd.s32 s2, s16  }
0x8e: {  	[smem:$0x3FC0] =	sst s2  }
0x8f: {  	_ = 	snop  }
0x90: {  	(tm) =	ssettm $0x1  }
0x91: {  	s17 =	sld [smem:$0x3FFB];
	_ =	sdelay $0x3  }
0x92: {  	_ =	strace s17  }
0x93: {  	s2 =	sld [smem:$0x3FFC];
	_ =	sdelay $0x3  }
0x94: {  	_ =	strace s2  }
0x95: {  	s2 =	sld [smem:$0x3FFD];
	_ =	sdelay $0x3  }
0x96: {  	_ =	strace s2  }
0x97: {  	_ =	strace $0x8FFFFFFF  }
0x98: {  	s18 =	sld [smem:$0x3FDB];
	_ =	sdelay $0x1  }
0x99: {  	s19 =	simm.s32 $_scs_section_size  }
0x9a: {  	s4 =	simm.s32 $_size__tile_overlayer_lowered;
	s5 =	simm.s32 $_tile_overlayer_lowered  }
0x9b: {  	s22 =	simm.s32 $0x1BFF;
	s21 =	sshll.u32 s5, $0x1;
	s2 =	sadd.s32 s19, s18  }
0x9c: {  	s6 =	simm.s32 $0x0;
	s20 =	sshll.u32 s4, $0x1;
	s4 =	sadd.s32 s21, s2  }
0x9d: {  	[timem:s6], [sflag:s22] =	dma.local [hbm:s4], s20  }
0x9e: {  	_ =	swait.ge [sflag:s22], s20  }
0x9f: {  	s3 =	ssub.s32 $0x0, s20;
	[sflag:s22] =	ssyncset.done $0x0  }
0xa0: {  	[sflag:s22] =	ssyncadd.s32 s3;
	_ =	sdelay $0x1  }
0xa1: {  	s23 =	simm.s32 $0x1B8B  }
0xa2: {  	_ =	swait.ge [sflag:s23], $0x1  }
0xa3: {  	[sflag:s23] =	ssyncset.done $0x0  }
0xa4: {  	s25 =	simm.s32 $0x1B8E;
	s24 =	sld [smem:$0x3FFE];
	[sflag:s23] =	ssyncadd.s32 $0xFFFFFFFF  }
0xa5: {  	s26 =	simm.s32 $execute0_lowered;
	[smem:$0x3FD2] =	sst s25  }
0xa6: {  	s4 =	sshll.u32 s26, $0x1;
	_ =	strace $0x8000004F;
	[dreg:$0x1] =	wrdreg $0xFFFFFFFF  }
0xa7: {  	s28 =	simm.s32 $_size_execute0_lowered;
	s2 =	sadd.s32 s2, s4;
	[dreg:$0x0] =	wrdreg $0x0  }
0xa8: {  	s4 =	sshll.u32 s28, $0x1;
	[dreg:$0x2] =	wrdreg s2  }
0xa9: {  	[dreg:$0x3] =	wrdreg s4  }
0xaa: {  	[dreg:$0x4] =	wrdreg $0xC0  }
0xab: {  	_ =	task [dreg:s6], $0x5FFFF  }
0xac: {  	[dreg:$0x1] =	wrdreg $0xFFFFFFFF  }
0xad: {  	[dreg:$0x0] =	wrdreg $0x60  }
0xae: {  	[dreg:$0x2] =	wrdreg s24  }
0xaf: {  	[dreg:$0x3] =	wrdreg $0x98000  }
0xb0: {  	[dreg:$0x4] =	wrdreg $0x9  }
0xb1: {  	_ =	task.clear_ibuf [dreg:s6], $0x5FFFF;
	_ =	strace $0x9000004F  }
0xb2: {  	s29 =	simm.s32 $0x9;
	_ =	strace $0x80000051  }
0xb3: {  	_ =	swait.ge [sflag:s29], $0x1  }
0xb4: {  	[sflag:s29] =	ssyncadd.s32 $0xFFFFFFFF  }
0xb5: {  	_ =	strace $0x90000051  }
0xb6: {  	_ =	sfence  }
0xb7: {  	s30 =	sld [smem:$0x0];
	_ =	sdelay $0x2  }
0xb8: {  	s31 =	sshll.u32 s1, $0xD;
	s1 =	sshrl.u32 s1, $0x2  }
0xb9: {  	s3 =	sand.u32 $0x4000, s31;
	s1 =	sadd.s32 s1, s30  }
0xba: {  	s0 =	sor.u32 s3, s0;
	s1 =	sshll.u32 s1, $0x11  }
0xbb: {  	s0 =	sor.u32 s1, s0  }
0xbc: {  	s0 =	sadd.s32 $0x8F2B, s0  }
0xbd: {  	[sflag:s0] =	ssyncadd.remote.s32 $0x1  }
0xbe: {  	_ =	sfence.sel $0xFFFF  }
0xbf: {  	[dreg:$0x0] =	wrdreg $0xFFFFFFFF;
	(pc) =	sbr.abs _section_cstart, $3  }
0xc0: {  	[dreg:$0x1] =	wrdreg $0xFFFFFFFF  }
0xc1: {  	_ =	task.clear_ibuf [dreg:s6], $0x2FFFF;
	_ =	strace $0x9FFFFFFF  }
0xc2: {  	(tm) =	ssettm $0x7FFFFFFF  }
0xc3: {  	_ =	shalt  }
tec
execute0_lowered:
.L_overlay_start_1:
0x0: {  	(tag) =	ssettag $0x1  }
0x1: {  	s1 =	srdreg.scid;
	s4 =	rddreg [dreg:$0x0]  }
0x2: {  	s2 =	simm.s32 $0x0;
	s5 =	sand.u32 $0x1, s1;
	s1 =	rddreg [dreg:$0x1]  }
0x3: {  	s11 =	simm.s32 $0x80;
	[smem:$0x7FF] =	sst s2  }
0x4: {  	s12 =	simm.s32 $0x100;
	_ =	strace $0x80000050;
	[dreg:$0x5] =	wrdreg s11  }
0x5: {  	s13 =	simm.s32 $0x180;
	[dreg:$0x6] =	wrdreg s12  }
0x6: {  	s14 =	simm.s32 $0x1080;
	[dreg:$0x7] =	wrdreg s13  }
0x7: {  	s15 =	simm.s32 $0x200;
	[dreg:$0x8] =	wrdreg s14  }
0x8: {  	s16 =	simm.s32 $0x1100;
	[dreg:$0x9] =	wrdreg s15  }
0x9: {  	s17 =	simm.s32 $0x280;
	[dreg:$0xa] =	wrdreg s16  }
0xa: {  	s18 =	simm.s32 $0x1180;
	[dreg:$0xb] =	wrdreg s17  }
0xb: {  	s19 =	simm.s32 $0x300;
	[dreg:$0xc] =	wrdreg s18  }
0xc: {  	s20 =	simm.s32 $0x1200;
	[dreg:$0xd] =	wrdreg s19  }
0xd: {  	s21 =	simm.s32 $0x380;
	[dreg:$0xe] =	wrdreg s20  }
0xe: {  	s22 =	simm.s32 $0x1280;
	[dreg:$0xf] =	wrdreg s21  }
0xf: {  	s23 =	simm.s32 $0x400;
	[dreg:$0x10] =	wrdreg s22  }
0x10: {  	s0 =	stileid.u32;
	s24 =	simm.s32 $0x1300;
	[dreg:$0x11] =	wrdreg s23  }
0x11: {  	s25 =	simm.s32 $0x480;
	s26 =	simm.s32 $0x1380;
	[dreg:$0x12] =	wrdreg s24  }
0x12: {  	s9 =	simm.s32 $0x500;
	s8 =	sadd.s32 $0x16E00, s4;
	[dreg:$0x13] =	wrdreg s25  }
0x13: {  	s10 =	simm.s32 $0x1400;
	s28 =	simm.s32 $0x1A80;
	[smem:$0x7F4] =	sst s8  }
0x14: {  	s29 =	simm.s32 $0xC00;
	s30 =	simm.s32 $0x1B00;
	[dreg:$0x14] =	wrdreg s26  }
0x15: {  	s31 =	simm.s32 $0x1B80;
	s3 =	smul.u32 $0x1400, s0;
	[dreg:$0x15] =	wrdreg s9  }
0x16: {  	p0 =	sne.s32 s0, $0x0;
	[dreg:$0x16] =	wrdreg s10;
	s11 =	simm.s32 $0x580  }
0x17: {  	s0 =	simm.s32 $0x1C00;
	s13 =	simm.s32 $0x1480;
	[dreg:$0x17] =	wrdreg s11  }
0x18: {  	s6 =	smul.u32 $0xA00, s5;
	s14 =	simm.s32 $0x600;
	[dreg:$0x18] =	wrdreg s13  }
0x19: {  	s7 =	smul.u32 $0x27100, s5;
	s15 =	simm.s32 $0x1500;
	[dreg:$0x19] =	wrdreg s14  }
0x1a: {  	s5 =	ssub.s32 $0x2, s5;
	s16 =	simm.s32 $0x680;
	[dreg:$0x1a] =	wrdreg s15  }
0x1b: {  	s17 =	simm.s32 $0x1580;
	s18 =	simm.s32 $0x700;
	[dreg:$0x1b] =	wrdreg s16  }
0x1c: {  	s8 =	simm.s32 $0x4;
	s19 =	simm.s32 $0x1600;
	[dreg:$0x1c] =	wrdreg s17  }
0x1d: {  	s9 =	simm.s32 $0x1000;
	s20 =	simm.s32 $0x780;
	[dreg:$0x1d] =	wrdreg s18  }
0x1e: {  	s10 =	simm.s32 $0x50;
	s21 =	simm.s32 $0x1680;
	[dreg:$0x1e] =	wrdreg s19  }
0x1f: {  	s22 =	simm.s32 $0x800;
	s23 =	simm.s32 $0x1700;
	[dreg:$0x1f] =	wrdreg s20  }
0x20: {  	s24 =	simm.s32 $0x880;
	s25 =	simm.s32 $0x1780;
	[smem:$0x7F7] =	sst s21  }
0x21: {  	s26 =	simm.s32 $0x900;
	s3 =	sadd.s32 s3, s4;
	[smem:$0x7F8] =	sst s22  }
0x22: {  	s12 =	sshrl.u32 s5, $0x1;
	s11 =	simm.s32 $0x2000;
	[smem:$0x7F9] =	sst s23  }
0x23: {  	s13 =	simm.s32 $0x7000;
	s14 =	simm.s32 $0x1;
	[smem:$0x7FA] =	sst s24  }
0x24: {  	s15 =	simm.s32 $0x2;
	[smem:$0x7FB] =	sst s25;
	s16 =	simm.s32 $0x3  }
0x25: {  	[smem:$0x7FC] =	sst s26;
	s17 =	simm.s32 $0x1800;
	s18 =	simm.s32 $0x980  }
0x26: {  	s19 =	simm.s32 $0x1880;
	s20 =	simm.s32 $0xA00;
	s21 =	simm.s32 $0x1900  }
0x27: {  	s22 =	simm.s32 $0xA80;
	s23 =	simm.s32 $0x1980;
	s3 =	sadd.s32 s6, s3  }
0x28: {  	s24 =	simm.s32 $0xB00;
	s25 =	simm.s32 $0x1A00;
	s6 =	sadd.s32 $0x2E00, s3  }
0x29: {  	s5 =	ssub.s32 s5, s12;
	s3 =	sadd.s32 $0x8C200, s3;
	[dreg:$0x3] =	wrdreg s6  }
0x2a: {  	s5 =	smax.u32 s5, $0x1;
	[dreg:$0x4] =	wrdreg s3;
	s3 =	sadd.s32 $0x3E000, s4  }
0x2b: {  	s4 =	sadd.s32 s7, s4;
	[smem:$0x7F6] =	sst s5;
	s6 =	sshrl.u32 @!p0 s1, $0x3  }
0x2c: {  	s26 =	simm.s32 $0xB80;
	s4 =	sadd.s32 $0xC7400, s4;
	[smem:$0x7FD] =	sst s6  }
0x2d: {  	s12 =	simm.s32 $0x4800;
	s7 =	simm.s32 $0x0;
	[smem:$0x7F5] =	sst s4  }
.LBB2_1:
0x2e: {  	s4 =	sld [smem:$0x7F4];
	_ =	sdelay $0x1  }
0x2f: {  	[smem:$0x7F3] =	sst s7;
	s5 =	simm.s32 @!p0 $0x1C04  }
0x30: {  	[spmem:s6], [sflag:s5] =	dma.local @!p0 [hbm:s4], $0x27100  }
0x31: {  	s5 =	simm.s32 @!p0 $0x4  }
0x32: {  	_ =	swait.ge @!p0 [sflag:s5], $0x27100  }
0x33: {  	[sflag:s5] =	ssyncset.done @!p0 $0x0  }
0x34: {  	[sflag:s5] =	ssyncadd.s32 @!p0 $0xFFFD8F00  }
0x35: {  	[bflag:$0x0] =	sbarrier.arrive $0xFFFF  }
0x36: {  	s4 =	rddreg [dreg:$0x4]  }
0x37: {  	s5 =	sadd.s32 $0x0, s4  }
0x38: {  	[tilespmem:s2], [sflag:$0x4] =	stream.linear.gather [hbm4b:s5+s2], $0xC80, $0x38;
	[tilespmem:$0x1D080] =	vst v63  }
0x39: {  	_ =	swait.ge [sflag:s8], $0xC80  }
0x3a: {  	s6 =	rddreg [dreg:$0x3];
	[sflag:s8] =	ssyncset.done $0x0  }
0x3b: {  	[sflag:s8] =	ssyncadd.s32 $0xFFFFF380;
	s5 =	sadd.s32 $0x0, s6  }
0x3c: {  	[tilespmem:s9], [sflag:$0x4] =	stream.linear.gather [hbm4b:s5+s2], $0xC80, $0x38;
	[tilespmem:$0x1D080] =	vst v63  }
0x3d: {  	_ =	swait.ge [sflag:s8], $0xC80  }
0x3e: {  	[sflag:s8] =	ssyncset.done $0x0  }
0x3f: {  	[sflag:s8] =	ssyncadd.s32 $0xFFFFF380  }
0x40: {  	[tilespmem:s11], [sflag:$0x1] =	stream.indirect.gather [hbm4b:s3+s10], $0x80, s2, s10, $0xb8;
	[tilespmem:$0x1D080] =	vst v63  }
0x41: {  	s7 =	rddreg [dreg:$0x5]  }
0x42: {  	[tilespmem:s12], [sflag:$0x2] =	stream.indirect.gather [hbm4b:s3+s10], $0x80, s7, s10, $0xb8;
	[tilespmem:$0x1D080] =	vst v63  }
0x43: {  	s4 =	rddreg [dreg:$0x6]  }
0x44: {  	[tilespmem:s13], [sflag:$0x3] =	stream.indirect.gather [hbm4b:s3+s10], $0x80, s4, s10, $0xb8;
	[tilespmem:$0x1D080] =	vst v63  }
0x45: {  	_ =	swait.ge [sflag:s14], $0x2800  }
0x46: {  	[sflag:s14] =	ssyncset.done $0x0  }
0x47: {  	[sflag:s14] =	ssyncadd.s32 $0xFFFFD800  }
0x48: {  	[spmem:s1] =	stream.indirect.scatter.add.f32 [tilespmem:s11], [sflag:$0x4], $0x80, s9, s10, $0xb8;
	[tilespmem:$0x1D080] =	vst v63  }
0x49: {  	_ =	swait.ge [sflag:s8], $0x2800  }
0x4a: {  	[sflag:s8] =	ssyncset.done $0x0  }
0x4b: {  	s7 =	rddreg [dreg:$0x7];
	[sflag:s8] =	ssyncadd.s32 $0xFFFFD800  }
0x4c: {  	[tilespmem:s11], [sflag:$0x1] =	stream.indirect.gather [hbm4b:s3+s10], $0x80, s7, s10, $0xb8;
	[tilespmem:$0x1D080] =	vst v63  }
0x4d: {  	_ =	swait.ge [sflag:s15], $0x2800  }
0x4e: {  	[sflag:s15] =	ssyncset.done $0x0  }
0x4f: {  	s4 =	rddreg [dreg:$0x8];
	[sflag:s15] =	ssyncadd.s32 $0xFFFFD800  }
0x50: {  	[spmem:s1] =	stream.indirect.scatter.add.f32 [tilespmem:s12], [sflag:$0x4], $0x80, s4, s10, $0xb8;
	[tilespmem:$0x1D080] =	vst v63  }
0x51: {  	_ =	swait.ge [sflag:s8], $0x2800  }
0x52: {  	[sflag:s8] =	ssyncset.done $0x0  }
0x53: {  	s6 =	rddreg [dreg:$0x9];
	[sflag:s8] =	ssyncadd.s32 $0xFFFFD800  }
0x54: {  	[tilespmem:s12], [sflag:$0x2] =	stream.indirect.gather [hbm4b:s3+s10], $0x80, s6, s10, $0xb8;
	[tilespmem:$0x1D080] =	vst v63  }
0x55: {  	_ =	swait.ge [sflag:s16], $0x2800  }
0x56: {  	[sflag:s16] =	ssyncset.done $0x0  }
0x57: {  	s7 =	rddreg [dreg:$0xa];
	[sflag:s16] =	ssyncadd.s32 $0xFFFFD800  }
0x58: {  	[spmem:s1] =	stream.indirect.scatter.add.f32 [tilespmem:s13], [sflag:$0x4], $0x80, s7, s10, $0xb8;
	[tilespmem:$0x1D080] =	vst v63  }
0x59: {  	_ =	swait.ge [sflag:s8], $0x2800  }
0x5a: {  	[sflag:s8] =	ssyncset.done $0x0  }
0x5b: {  	s4 =	rddreg [dreg:$0xb];
	[sflag:s8] =	ssyncadd.s32 $0xFFFFD800  }
0x5c: {  	[tilespmem:s13], [sflag:$0x3] =	stream.indirect.gather [hbm4b:s3+s10], $0x80, s4, s10, $0xb8;
	[tilespmem:$0x1D080] =	vst v63  }
0x5d: {  	_ =	swait.ge [sflag:s14], $0x2800  }
0x5e: {  	[sflag:s14] =	ssyncset.done $0x0  }
0x5f: {  	s6 =	rddreg [dreg:$0xc];
	[sflag:s14] =	ssyncadd.s32 $0xFFFFD800  }
0x60: {  	[spmem:s1] =	stream.indirect.scatter.add.f32 [tilespmem:s11], [sflag:$0x4], $0x80, s6, s10, $0xb8;
	[tilespmem:$0x1D080] =	vst v63  }
0x61: {  	_ =	swait.ge [sflag:s8], $0x2800  }
0x62: {  	[sflag:s8] =	ssyncset.done $0x0  }
0x63: {  	s7 =	rddreg [dreg:$0xd];
	[sflag:s8] =	ssyncadd.s32 $0xFFFFD800  }
0x64: {  	[tilespmem:s11], [sflag:$0x1] =	stream.indirect.gather [hbm4b:s3+s10], $0x80, s7, s10, $0xb8;
	[tilespmem:$0x1D080] =	vst v63  }
0x65: {  	_ =	swait.ge [sflag:s15], $0x2800  }
0x66: {  	[sflag:s15] =	ssyncset.done $0x0  }
0x67: {  	s4 =	rddreg [dreg:$0xe];
	[sflag:s15] =	ssyncadd.s32 $0xFFFFD800  }
0x68: {  	[spmem:s1] =	stream.indirect.scatter.add.f32 [tilespmem:s12], [sflag:$0x4], $0x80, s4, s10, $0xb8;
	[tilespmem:$0x1D080] =	vst v63  }
0x69: {  	_ =	swait.ge [sflag:s8], $0x2800  }
0x6a: {  	[sflag:s8] =	ssyncset.done $0x0  }
0x6b: {  	s6 =	rddreg [dreg:$0xf];
	[sflag:s8] =	ssyncadd.s32 $0xFFFFD800  }
0x6c: {  	[tilespmem:s12], [sflag:$0x2] =	stream.indirect.gather [hbm4b:s3+s10], $0x80, s6, s10, $0xb8;
	[tilespmem:$0x1D080] =	vst v63  }
0x6d: {  	_ =	swait.ge [sflag:s16], $0x2800  }
0x6e: {  	[sflag:s16] =	ssyncset.done $0x0  }
0x6f: {  	s7 =	rddreg [dreg:$0x10];
	[sflag:s16] =	ssyncadd.s32 $0xFFFFD800  }
0x70: {  	[spmem:s1] =	stream.indirect.scatter.add.f32 [tilespmem:s13], [sflag:$0x4], $0x80, s7, s10, $0xb8;
	[tilespmem:$0x1D080] =	vst v63  }
0x71: {  	_ =	swait.ge [sflag:s8], $0x2800  }
0x72: {  	[sflag:s8] =	ssyncset.done $0x0  }
0x73: {  	s4 =	rddreg [dreg:$0x11];
	[sflag:s8] =	ssyncadd.s32 $0xFFFFD800  }
0x74: {  	[tilespmem:s13], [sflag:$0x3] =	stream.indirect.gather [hbm4b:s3+s10], $0x80, s4, s10, $0xb8;
	[tilespmem:$0x1D080] =	vst v63  }
0x75: {  	_ =	swait.ge [sflag:s14], $0x2800  }
0x76: {  	[sflag:s14] =	ssyncset.done $0x0  }
0x77: {  	s6 =	rddreg [dreg:$0x12];
	[sflag:s14] =	ssyncadd.s32 $0xFFFFD800  }
0x78: {  	[spmem:s1] =	stream.indirect.scatter.add.f32 [tilespmem:s11], [sflag:$0x4], $0x80, s6, s10, $0xb8;
	[tilespmem:$0x1D080] =	vst v63  }
0x79: {  	_ =	swait.ge [sflag:s8], $0x2800  }
0x7a: {  	[sflag:s8] =	ssyncset.done $0x0  }
0x7b: {  	s7 =	rddreg [dreg:$0x13];
	[sflag:s8] =	ssyncadd.s32 $0xFFFFD800  }
0x7c: {  	[tilespmem:s11], [sflag:$0x1] =	stream.indirect.gather [hbm4b:s3+s10], $0x80, s7, s10, $0xb8;
	[tilespmem:$0x1D080] =	vst v63  }
0x7d: {  	_ =	swait.ge [sflag:s15], $0x2800  }
0x7e: {  	[sflag:s15] =	ssyncset.done $0x0  }
0x7f: {  	s4 =	rddreg [dreg:$0x14];
	[sflag:s15] =	ssyncadd.s32 $0xFFFFD800  }
0x80: {  	[spmem:s1] =	stream.indirect.scatter.add.f32 [tilespmem:s12], [sflag:$0x4], $0x80, s4, s10, $0xb8;
	[tilespmem:$0x1D080] =	vst v63  }
0x81: {  	_ =	swait.ge [sflag:s8], $0x2800  }
0x82: {  	[sflag:s8] =	ssyncset.done $0x0  }
0x83: {  	s6 =	rddreg [dreg:$0x15];
	[sflag:s8] =	ssyncadd.s32 $0xFFFFD800  }
0x84: {  	[tilespmem:s12], [sflag:$0x2] =	stream.indirect.gather [hbm4b:s3+s10], $0x80, s6, s10, $0xb8;
	[tilespmem:$0x1D080] =	vst v63  }
0x85: {  	_ =	swait.ge [sflag:s16], $0x2800  }
0x86: {  	[sflag:s16] =	ssyncset.done $0x0  }
0x87: {  	s7 =	rddreg [dreg:$0x16];
	[sflag:s16] =	ssyncadd.s32 $0xFFFFD800  }
0x88: {  	[spmem:s1] =	stream.indirect.scatter.add.f32 [tilespmem:s13], [sflag:$0x4], $0x80, s7, s10, $0xb8;
	[tilespmem:$0x1D080] =	vst v63  }
0x89: {  	_ =	swait.ge [sflag:s8], $0x2800  }
0x8a: {  	[sflag:s8] =	ssyncset.done $0x0  }
0x8b: {  	s4 =	rddreg [dreg:$0x17];
	[sflag:s8] =	ssyncadd.s32 $0xFFFFD800  }
0x8c: {  	[tilespmem:s13], [sflag:$0x3] =	stream.indirect.gather [hbm4b:s3+s10], $0x80, s4, s10, $0xb8;
	[tilespmem:$0x1D080] =	vst v63  }
0x8d: {  	_ =	swait.ge [sflag:s14], $0x2800  }
0x8e: {  	[sflag:s14] =	ssyncset.done $0x0  }
0x8f: {  	s6 =	rddreg [dreg:$0x18];
	[sflag:s14] =	ssyncadd.s32 $0xFFFFD800  }
0x90: {  	[spmem:s1] =	stream.indirect.scatter.add.f32 [tilespmem:s11], [sflag:$0x4], $0x80, s6, s10, $0xb8;
	[tilespmem:$0x1D080] =	vst v63  }
0x91: {  	_ =	swait.ge [sflag:s8], $0x2800  }
0x92: {  	[sflag:s8] =	ssyncset.done $0x0  }
0x93: {  	s7 =	rddreg [dreg:$0x19];
	[sflag:s8] =	ssyncadd.s32 $0xFFFFD800  }
0x94: {  	[tilespmem:s11], [sflag:$0x1] =	stream.indirect.gather [hbm4b:s3+s10], $0x80, s7, s10, $0xb8;
	[tilespmem:$0x1D080] =	vst v63  }
0x95: {  	_ =	swait.ge [sflag:s15], $0x2800  }
0x96: {  	[sflag:s15] =	ssyncset.done $0x0  }
0x97: {  	s4 =	rddreg [dreg:$0x1a];
	[sflag:s15] =	ssyncadd.s32 $0xFFFFD800  }
0x98: {  	[spmem:s1] =	stream.indirect.scatter.add.f32 [tilespmem:s12], [sflag:$0x4], $0x80, s4, s10, $0xb8;
	[tilespmem:$0x1D080] =	vst v63  }
0x99: {  	_ =	swait.ge [sflag:s8], $0x2800  }
0x9a: {  	[sflag:s8] =	ssyncset.done $0x0  }
0x9b: {  	s6 =	rddreg [dreg:$0x1b];
	[sflag:s8] =	ssyncadd.s32 $0xFFFFD800  }
0x9c: {  	[tilespmem:s12], [sflag:$0x2] =	stream.indirect.gather [hbm4b:s3+s10], $0x80, s6, s10, $0xb8;
	[tilespmem:$0x1D080] =	vst v63  }
0x9d: {  	_ =	swait.ge [sflag:s16], $0x2800  }
0x9e: {  	[sflag:s16] =	ssyncset.done $0x0  }
0x9f: {  	s7 =	rddreg [dreg:$0x1c];
	[sflag:s16] =	ssyncadd.s32 $0xFFFFD800  }
0xa0: {  	[spmem:s1] =	stream.indirect.scatter.add.f32 [tilespmem:s13], [sflag:$0x4], $0x80, s7, s10, $0xb8;
	[tilespmem:$0x1D080] =	vst v63  }
0xa1: {  	_ =	swait.ge [sflag:s8], $0x2800  }
0xa2: {  	[sflag:s8] =	ssyncset.done $0x0  }
0xa3: {  	s4 =	rddreg [dreg:$0x1d];
	[sflag:s8] =	ssyncadd.s32 $0xFFFFD800  }
0xa4: {  	[tilespmem:s13], [sflag:$0x3] =	stream.indirect.gather [hbm4b:s3+s10], $0x80, s4, s10, $0xb8;
	[tilespmem:$0x1D080] =	vst v63  }
0xa5: {  	_ =	swait.ge [sflag:s14], $0x2800  }
0xa6: {  	[sflag:s14] =	ssyncset.done $0x0  }
0xa7: {  	s6 =	rddreg [dreg:$0x1e];
	[sflag:s14] =	ssyncadd.s32 $0xFFFFD800  }
0xa8: {  	[spmem:s1] =	stream.indirect.scatter.add.f32 [tilespmem:s11], [sflag:$0x4], $0x80, s6, s10, $0xb8;
	[tilespmem:$0x1D080] =	vst v63  }
0xa9: {  	_ =	swait.ge [sflag:s8], $0x2800  }
0xaa: {  	[sflag:s8] =	ssyncset.done $0x0  }
0xab: {  	s7 =	rddreg [dreg:$0x1f];
	[sflag:s8] =	ssyncadd.s32 $0xFFFFD800  }
0xac: {  	[tilespmem:s11], [sflag:$0x1] =	stream.indirect.gather [hbm4b:s3+s10], $0x80, s7, s10, $0xb8;
	[tilespmem:$0x1D080] =	vst v63  }
0xad: {  	_ =	swait.ge [sflag:s15], $0x2800  }
0xae: {  	s4 =	sld [smem:$0x7F7]  }
0xaf: {  	[sflag:s15] =	ssyncset.done $0x0  }
0xb0: {  	[sflag:s15] =	ssyncadd.s32 $0xFFFFD800  }
0xb1: {  	[spmem:s1] =	stream.indirect.scatter.add.f32 [tilespmem:s12], [sflag:$0x4], $0x80, s4, s10, $0xb8;
	[tilespmem:$0x1D080] =	vst v63  }
0xb2: {  	_ =	swait.ge [sflag:s8], $0x2800  }
0xb3: {  	s6 =	sld [smem:$0x7F8]  }
0xb4: {  	[sflag:s8] =	ssyncset.done $0x0  }
0xb5: {  	[sflag:s8] =	ssyncadd.s32 $0xFFFFD800  }
0xb6: {  	[tilespmem:s12], [sflag:$0x2] =	stream.indirect.gather [hbm4b:s3+s10], $0x80, s6, s10, $0xb8;
	[tilespmem:$0x1D080] =	vst v63  }
0xb7: {  	_ =	swait.ge [sflag:s16], $0x2800  }
0xb8: {  	s7 =	sld [smem:$0x7F9]  }
0xb9: {  	[sflag:s16] =	ssyncset.done $0x0  }
0xba: {  	[sflag:s16] =	ssyncadd.s32 $0xFFFFD800  }
0xbb: {  	[spmem:s1] =	stream.indirect.scatter.add.f32 [tilespmem:s13], [sflag:$0x4], $0x80, s7, s10, $0xb8;
	[tilespmem:$0x1D080] =	vst v63  }
0xbc: {  	_ =	swait.ge [sflag:s8], $0x2800  }
0xbd: {  	s4 =	sld [smem:$0x7FA]  }
0xbe: {  	[sflag:s8] =	ssyncset.done $0x0  }
0xbf: {  	[sflag:s8] =	ssyncadd.s32 $0xFFFFD800  }
0xc0: {  	[tilespmem:s13], [sflag:$0x3] =	stream.indirect.gather [hbm4b:s3+s10], $0x80, s4, s10, $0xb8;
	[tilespmem:$0x1D080] =	vst v63  }
0xc1: {  	_ =	swait.ge [sflag:s14], $0x2800  }
0xc2: {  	s6 =	sld [smem:$0x7FB]  }
0xc3: {  	[sflag:s14] =	ssyncset.done $0x0  }
0xc4: {  	[sflag:s14] =	ssyncadd.s32 $0xFFFFD800  }
0xc5: {  	[spmem:s1] =	stream.indirect.scatter.add.f32 [tilespmem:s11], [sflag:$0x4], $0x80, s6, s10, $0xb8;
	[tilespmem:$0x1D080] =	vst v63  }
0xc6: {  	_ =	swait.ge [sflag:s8], $0x2800  }
0xc7: {  	s7 =	sld [smem:$0x7FC]  }
0xc8: {  	[sflag:s8] =	ssyncset.done $0x0  }
0xc9: {  	[sflag:s8] =	ssyncadd.s32 $0xFFFFD800  }
0xca: {  	[tilespmem:s11], [sflag:$0x1] =	stream.indirect.gather [hbm4b:s3+s10], $0x80, s7, s10, $0xb8;
	[tilespmem:$0x1D080] =	vst v63  }
0xcb: {  	_ =	swait.ge [sflag:s15], $0x2800  }
0xcc: {  	[sflag:s15] =	ssyncset.done $0x0  }
0xcd: {  	[sflag:s15] =	ssyncadd.s32 $0xFFFFD800  }
0xce: {  	[spmem:s1] =	stream.indirect.scatter.add.f32 [tilespmem:s12], [sflag:$0x4], $0x80, s17, s10, $0xb8;
	[tilespmem:$0x1D080] =	vst v63  }
0xcf: {  	_ =	swait.ge [sflag:s8], $0x2800  }
0xd0: {  	[sflag:s8] =	ssyncset.done $0x0  }
0xd1: {  	[sflag:s8] =	ssyncadd.s32 $0xFFFFD800  }
0xd2: {  	[tilespmem:s12], [sflag:$0x2] =	stream.indirect.gather [hbm4b:s3+s10], $0x80, s18, s10, $0xb8;
	[tilespmem:$0x1D080] =	vst v63  }
0xd3: {  	_ =	swait.ge [sflag:s16], $0x2800  }
0xd4: {  	[sflag:s16] =	ssyncset.done $0x0  }
0xd5: {  	[sflag:s16] =	ssyncadd.s32 $0xFFFFD800  }
0xd6: {  	[spmem:s1] =	stream.indirect.scatter.add.f32 [tilespmem:s13], [sflag:$0x4], $0x80, s19, s10, $0xb8;
	[tilespmem:$0x1D080] =	vst v63  }
0xd7: {  	_ =	swait.ge [sflag:s8], $0x2800  }
0xd8: {  	[sflag:s8] =	ssyncset.done $0x0  }
0xd9: {  	[sflag:s8] =	ssyncadd.s32 $0xFFFFD800  }
0xda: {  	[tilespmem:s13], [sflag:$0x3] =	stream.indirect.gather [hbm4b:s3+s10], $0x80, s20, s10, $0xb8;
	[tilespmem:$0x1D080] =	vst v63  }
0xdb: {  	_ =	swait.ge [sflag:s14], $0x2800  }
0xdc: {  	[sflag:s14] =	ssyncset.done $0x0  }
0xdd: {  	[sflag:s14] =	ssyncadd.s32 $0xFFFFD800  }
0xde: {  	[spmem:s1] =	stream.indirect.scatter.add.f32 [tilespmem:s11], [sflag:$0x4], $0x80, s21, s10, $0xb8;
	[tilespmem:$0x1D080] =	vst v63  }
0xdf: {  	_ =	swait.ge [sflag:s8], $0x2800  }
0xe0: {  	[sflag:s8] =	ssyncset.done $0x0  }
0xe1: {  	[sflag:s8] =	ssyncadd.s32 $0xFFFFD800  }
0xe2: {  	[tilespmem:s11], [sflag:$0x1] =	stream.indirect.gather [hbm4b:s3+s10], $0x80, s22, s10, $0xb8;
	[tilespmem:$0x1D080] =	vst v63  }
0xe3: {  	_ =	swait.ge [sflag:s15], $0x2800  }
0xe4: {  	[sflag:s15] =	ssyncset.done $0x0  }
0xe5: {  	[sflag:s15] =	ssyncadd.s32 $0xFFFFD800  }
0xe6: {  	[spmem:s1] =	stream.indirect.scatter.add.f32 [tilespmem:s12], [sflag:$0x4], $0x80, s23, s10, $0xb8;
	[tilespmem:$0x1D080] =	vst v63  }
0xe7: {  	_ =	swait.ge [sflag:s8], $0x2800  }
0xe8: {  	[sflag:s8] =	ssyncset.done $0x0  }
0xe9: {  	[sflag:s8] =	ssyncadd.s32 $0xFFFFD800  }
0xea: {  	[tilespmem:s12], [sflag:$0x2] =	stream.indirect.gather [hbm4b:s3+s10], $0x80, s24, s10, $0xb8;
	[tilespmem:$0x1D080] =	vst v63  }
0xeb: {  	_ =	swait.ge [sflag:s16], $0x2800  }
0xec: {  	[sflag:s16] =	ssyncset.done $0x0  }
0xed: {  	[sflag:s16] =	ssyncadd.s32 $0xFFFFD800  }
0xee: {  	[spmem:s1] =	stream.indirect.scatter.add.f32 [tilespmem:s13], [sflag:$0x4], $0x80, s25, s10, $0xb8;
	[tilespmem:$0x1D080] =	vst v63  }
0xef: {  	_ =	swait.ge [sflag:s8], $0x2800  }
0xf0: {  	[sflag:s8] =	ssyncset.done $0x0  }
0xf1: {  	[sflag:s8] =	ssyncadd.s32 $0xFFFFD800  }
0xf2: {  	[tilespmem:s13], [sflag:$0x3] =	stream.indirect.gather [hbm4b:s3+s10], $0x80, s26, s10, $0xb8;
	[tilespmem:$0x1D080] =	vst v63  }
0xf3: {  	_ =	swait.ge [sflag:s14], $0x2800  }
0xf4: {  	[sflag:s14] =	ssyncset.done $0x0  }
0xf5: {  	[sflag:s14] =	ssyncadd.s32 $0xFFFFD800  }
0xf6: {  	[spmem:s1] =	stream.indirect.scatter.add.f32 [tilespmem:s11], [sflag:$0x4], $0x80, s28, s10, $0xb8;
	[tilespmem:$0x1D080] =	vst v63  }
0xf7: {  	_ =	swait.ge [sflag:s8], $0x2800  }
0xf8: {  	[sflag:s8] =	ssyncset.done $0x0  }
0xf9: {  	[sflag:s8] =	ssyncadd.s32 $0xFFFFD800  }
0xfa: {  	[tilespmem:s11], [sflag:$0x1] =	stream.indirect.gather [hbm4b:s3+s10], $0x80, s29, s10, $0xb8;
	[tilespmem:$0x1D080] =	vst v63  }
0xfb: {  	_ =	swait.ge [sflag:s15], $0x2800  }
0xfc: {  	[sflag:s15] =	ssyncset.done $0x0  }
0xfd: {  	[sflag:s15] =	ssyncadd.s32 $0xFFFFD800  }
0xfe: {  	[spmem:s1] =	stream.indirect.scatter.add.f32 [tilespmem:s12], [sflag:$0x4], $0x80, s30, s10, $0xb8;
	[tilespmem:$0x1D080] =	vst v63  }
0xff: {  	_ =	swait.ge [sflag:s8], $0x2800  }
0x100: {  	[sflag:s8] =	ssyncset.done $0x0  }
0x101: {  	[sflag:s8] =	ssyncadd.s32 $0xFFFFD800  }
0x102: {  	_ =	swait.ge [sflag:s16], $0x2800  }
0x103: {  	[sflag:s16] =	ssyncset.done $0x0  }
0x104: {  	[sflag:s16] =	ssyncadd.s32 $0xFFFFD800  }
0x105: {  	[spmem:s1] =	stream.indirect.scatter.add.f32 [tilespmem:s13], [sflag:$0x4], $0x80, s31, s10, $0xb8;
	[tilespmem:$0x1D080] =	vst v63  }
0x106: {  	_ =	swait.ge [sflag:s8], $0x2800  }
0x107: {  	[sflag:s8] =	ssyncset.done $0x0  }
0x108: {  	[sflag:s8] =	ssyncadd.s32 $0xFFFFD800  }
0x109: {  	_ =	swait.ge [sflag:s14], $0x2800  }
0x10a: {  	[sflag:s14] =	ssyncset.done $0x0  }
0x10b: {  	[sflag:s14] =	ssyncadd.s32 $0xFFFFD800  }
0x10c: {  	[spmem:s1] =	stream.indirect.scatter.add.f32 [tilespmem:s11], [sflag:$0x4], $0x80, s0, s10, $0xb8;
	[tilespmem:$0x1D080] =	vst v63  }
0x10d: {  	s5 =	simm.s32 $0x200;
	_ =	swait.ge [sflag:s8], $0x2800  }
0x10e: {  	s6 =	simm.s32 $0x400;
	s7 =	rddreg [dreg:$0x4];
	[sflag:s8] =	ssyncset.done $0x0  }
.LBB2_2:
0x10f: {  	[sflag:s8] =	ssyncadd.s32 $0xFFFFD800;
	s7 =	sadd.s32 s5, s7  }
0x110: {  	[tilespmem:s2], [sflag:$0x4] =	stream.linear.gather [hbm4b:s7+s2], $0xC80, $0x38;
	[tilespmem:$0x1D080] =	vst v63  }
0x111: {  	_ =	swait.ge [sflag:s8], $0xC80  }
0x112: {  	s7 =	rddreg [dreg:$0x3];
	[sflag:s8] =	ssyncset.done $0x0  }
0x113: {  	[sflag:s8] =	ssyncadd.s32 $0xFFFFF380;
	s7 =	sadd.s32 s5, s7  }
0x114: {  	[tilespmem:s9], [sflag:$0x4] =	stream.linear.gather [hbm4b:s7+s2], $0xC80, $0x38;
	[tilespmem:$0x1D080] =	vst v63  }
0x115: {  	_ =	swait.ge [sflag:s8], $0xC80  }
0x116: {  	[sflag:s8] =	ssyncset.done $0x0  }
0x117: {  	s4 =	smov.u32 s6;
	[sflag:s8] =	ssyncadd.s32 $0xFFFFF380  }
0x118: {  	[tilespmem:s11], [sflag:$0x1] =	stream.indirect.gather [hbm4b:s3+s10], $0x80, s2, s10, $0xb8;
	[tilespmem:$0x1D080] =	vst v63  }
0x119: {  	s5 =	smov.u32 s4;
	s4 =	rddreg [dreg:$0x5]  }
0x11a: {  	[tilespmem:s12], [sflag:$0x2] =	stream.indirect.gather [hbm4b:s3+s10], $0x80, s4, s10, $0xb8;
	[tilespmem:$0x1D080] =	vst v63  }
0x11b: {  	s7 =	rddreg [dreg:$0x6]  }
0x11c: {  	[tilespmem:s13], [sflag:$0x3] =	stream.indirect.gather [hbm4b:s3+s10], $0x80, s7, s10, $0xb8;
	[tilespmem:$0x1D080] =	vst v63  }
0x11d: {  	_ =	swait.ge [sflag:s14], $0x2800  }
0x11e: {  	[sflag:s14] =	ssyncset.done $0x0  }
0x11f: {  	[sflag:s14] =	ssyncadd.s32 $0xFFFFD800  }
0x120: {  	[spmem:s1] =	stream.indirect.scatter.add.f32 [tilespmem:s11], [sflag:$0x4], $0x80, s9, s10, $0xb8;
	[tilespmem:$0x1D080] =	vst v63  }
0x121: {  	_ =	swait.ge [sflag:s8], $0x2800  }
0x122: {  	[sflag:s8] =	ssyncset.done $0x0  }
0x123: {  	s7 =	rddreg [dreg:$0x7];
	[sflag:s8] =	ssyncadd.s32 $0xFFFFD800  }
0x124: {  	[tilespmem:s11], [sflag:$0x1] =	stream.indirect.gather [hbm4b:s3+s10], $0x80, s7, s10, $0xb8;
	[tilespmem:$0x1D080] =	vst v63  }
0x125: {  	_ =	swait.ge [sflag:s15], $0x2800  }
0x126: {  	[sflag:s15] =	ssyncset.done $0x0  }
0x127: {  	s7 =	rddreg [dreg:$0x8];
	[sflag:s15] =	ssyncadd.s32 $0xFFFFD800  }
0x128: {  	[spmem:s1] =	stream.indirect.scatter.add.f32 [tilespmem:s12], [sflag:$0x4], $0x80, s7, s10, $0xb8;
	[tilespmem:$0x1D080] =	vst v63  }
0x129: {  	_ =	swait.ge [sflag:s8], $0x2800  }
0x12a: {  	[sflag:s8] =	ssyncset.done $0x0  }
0x12b: {  	s7 =	rddreg [dreg:$0x9];
	[sflag:s8] =	ssyncadd.s32 $0xFFFFD800  }
0x12c: {  	[tilespmem:s12], [sflag:$0x2] =	stream.indirect.gather [hbm4b:s3+s10], $0x80, s7, s10, $0xb8;
	[tilespmem:$0x1D080] =	vst v63  }
0x12d: {  	_ =	swait.ge [sflag:s16], $0x2800  }
0x12e: {  	[sflag:s16] =	ssyncset.done $0x0  }
0x12f: {  	s7 =	rddreg [dreg:$0xa];
	[sflag:s16] =	ssyncadd.s32 $0xFFFFD800  }
0x130: {  	[spmem:s1] =	stream.indirect.scatter.add.f32 [tilespmem:s13], [sflag:$0x4], $0x80, s7, s10, $0xb8;
	[tilespmem:$0x1D080] =	vst v63  }
0x131: {  	_ =	swait.ge [sflag:s8], $0x2800  }
0x132: {  	[sflag:s8] =	ssyncset.done $0x0  }
0x133: {  	s7 =	rddreg [dreg:$0xb];
	[sflag:s8] =	ssyncadd.s32 $0xFFFFD800  }
0x134: {  	[tilespmem:s13], [sflag:$0x3] =	stream.indirect.gather [hbm4b:s3+s10], $0x80, s7, s10, $0xb8;
	[tilespmem:$0x1D080] =	vst v63  }
0x135: {  	_ =	swait.ge [sflag:s14], $0x2800  }
0x136: {  	[sflag:s14] =	ssyncset.done $0x0  }
0x137: {  	s7 =	rddreg [dreg:$0xc];
	[sflag:s14] =	ssyncadd.s32 $0xFFFFD800  }
0x138: {  	[spmem:s1] =	stream.indirect.scatter.add.f32 [tilespmem:s11], [sflag:$0x4], $0x80, s7, s10, $0xb8;
	[tilespmem:$0x1D080] =	vst v63  }
0x139: {  	_ =	swait.ge [sflag:s8], $0x2800  }
0x13a: {  	[sflag:s8] =	ssyncset.done $0x0  }
0x13b: {  	s7 =	rddreg [dreg:$0xd];
	[sflag:s8] =	ssyncadd.s32 $0xFFFFD800  }
0x13c: {  	[tilespmem:s11], [sflag:$0x1] =	stream.indirect.gather [hbm4b:s3+s10], $0x80, s7, s10, $0xb8;
	[tilespmem:$0x1D080] =	vst v63  }
0x13d: {  	_ =	swait.ge [sflag:s15], $0x2800  }
0x13e: {  	[sflag:s15] =	ssyncset.done $0x0  }
0x13f: {  	s7 =	rddreg [dreg:$0xe];
	[sflag:s15] =	ssyncadd.s32 $0xFFFFD800  }
0x140: {  	[spmem:s1] =	stream.indirect.scatter.add.f32 [tilespmem:s12], [sflag:$0x4], $0x80, s7, s10, $0xb8;
	[tilespmem:$0x1D080] =	vst v63  }
0x141: {  	_ =	swait.ge [sflag:s8], $0x2800  }
0x142: {  	[sflag:s8] =	ssyncset.done $0x0  }
0x143: {  	s7 =	rddreg [dreg:$0xf];
	[sflag:s8] =	ssyncadd.s32 $0xFFFFD800  }
0x144: {  	[tilespmem:s12], [sflag:$0x2] =	stream.indirect.gather [hbm4b:s3+s10], $0x80, s7, s10, $0xb8;
	[tilespmem:$0x1D080] =	vst v63  }
0x145: {  	_ =	swait.ge [sflag:s16], $0x2800  }
0x146: {  	[sflag:s16] =	ssyncset.done $0x0  }
0x147: {  	s7 =	rddreg [dreg:$0x10];
	[sflag:s16] =	ssyncadd.s32 $0xFFFFD800  }
0x148: {  	[spmem:s1] =	stream.indirect.scatter.add.f32 [tilespmem:s13], [sflag:$0x4], $0x80, s7, s10, $0xb8;
	[tilespmem:$0x1D080] =	vst v63  }
0x149: {  	_ =	swait.ge [sflag:s8], $0x2800  }
0x14a: {  	[sflag:s8] =	ssyncset.done $0x0  }
0x14b: {  	s7 =	rddreg [dreg:$0x11];
	[sflag:s8] =	ssyncadd.s32 $0xFFFFD800  }
0x14c: {  	[tilespmem:s13], [sflag:$0x3] =	stream.indirect.gather [hbm4b:s3+s10], $0x80, s7, s10, $0xb8;
	[tilespmem:$0x1D080] =	vst v63  }
0x14d: {  	_ =	swait.ge [sflag:s14], $0x2800  }
0x14e: {  	[sflag:s14] =	ssyncset.done $0x0  }
0x14f: {  	s7 =	rddreg [dreg:$0x12];
	[sflag:s14] =	ssyncadd.s32 $0xFFFFD800  }
0x150: {  	[spmem:s1] =	stream.indirect.scatter.add.f32 [tilespmem:s11], [sflag:$0x4], $0x80, s7, s10, $0xb8;
	[tilespmem:$0x1D080] =	vst v63  }
0x151: {  	_ =	swait.ge [sflag:s8], $0x2800  }
0x152: {  	[sflag:s8] =	ssyncset.done $0x0  }
0x153: {  	s7 =	rddreg [dreg:$0x13];
	[sflag:s8] =	ssyncadd.s32 $0xFFFFD800  }
0x154: {  	[tilespmem:s11], [sflag:$0x1] =	stream.indirect.gather [hbm4b:s3+s10], $0x80, s7, s10, $0xb8;
	[tilespmem:$0x1D080] =	vst v63  }
0x155: {  	_ =	swait.ge [sflag:s15], $0x2800  }
0x156: {  	[sflag:s15] =	ssyncset.done $0x0  }
0x157: {  	s7 =	rddreg [dreg:$0x14];
	[sflag:s15] =	ssyncadd.s32 $0xFFFFD800  }
0x158: {  	[spmem:s1] =	stream.indirect.scatter.add.f32 [tilespmem:s12], [sflag:$0x4], $0x80, s7, s10, $0xb8;
	[tilespmem:$0x1D080] =	vst v63  }
0x159: {  	_ =	swait.ge [sflag:s8], $0x2800  }
0x15a: {  	[sflag:s8] =	ssyncset.done $0x0  }
0x15b: {  	s7 =	rddreg [dreg:$0x15];
	[sflag:s8] =	ssyncadd.s32 $0xFFFFD800  }
0x15c: {  	[tilespmem:s12], [sflag:$0x2] =	stream.indirect.gather [hbm4b:s3+s10], $0x80, s7, s10, $0xb8;
	[tilespmem:$0x1D080] =	vst v63  }
0x15d: {  	_ =	swait.ge [sflag:s16], $0x2800  }
0x15e: {  	[sflag:s16] =	ssyncset.done $0x0  }
0x15f: {  	s7 =	rddreg [dreg:$0x16];
	[sflag:s16] =	ssyncadd.s32 $0xFFFFD800  }
0x160: {  	[spmem:s1] =	stream.indirect.scatter.add.f32 [tilespmem:s13], [sflag:$0x4], $0x80, s7, s10, $0xb8;
	[tilespmem:$0x1D080] =	vst v63  }
0x161: {  	_ =	swait.ge [sflag:s8], $0x2800  }
0x162: {  	[sflag:s8] =	ssyncset.done $0x0  }
0x163: {  	s7 =	rddreg [dreg:$0x17];
	[sflag:s8] =	ssyncadd.s32 $0xFFFFD800  }
0x164: {  	[tilespmem:s13], [sflag:$0x3] =	stream.indirect.gather [hbm4b:s3+s10], $0x80, s7, s10, $0xb8;
	[tilespmem:$0x1D080] =	vst v63  }
0x165: {  	_ =	swait.ge [sflag:s14], $0x2800  }
0x166: {  	[sflag:s14] =	ssyncset.done $0x0  }
0x167: {  	s7 =	rddreg [dreg:$0x18];
	[sflag:s14] =	ssyncadd.s32 $0xFFFFD800  }
0x168: {  	[spmem:s1] =	stream.indirect.scatter.add.f32 [tilespmem:s11], [sflag:$0x4], $0x80, s7, s10, $0xb8;
	[tilespmem:$0x1D080] =	vst v63  }
0x169: {  	_ =	swait.ge [sflag:s8], $0x2800  }
0x16a: {  	[sflag:s8] =	ssyncset.done $0x0  }
0x16b: {  	s7 =	rddreg [dreg:$0x19];
	[sflag:s8] =	ssyncadd.s32 $0xFFFFD800  }
0x16c: {  	[tilespmem:s11], [sflag:$0x1] =	stream.indirect.gather [hbm4b:s3+s10], $0x80, s7, s10, $0xb8;
	[tilespmem:$0x1D080] =	vst v63  }
0x16d: {  	_ =	swait.ge [sflag:s15], $0x2800  }
0x16e: {  	[sflag:s15] =	ssyncset.done $0x0  }
0x16f: {  	s7 =	rddreg [dreg:$0x1a];
	[sflag:s15] =	ssyncadd.s32 $0xFFFFD800  }
0x170: {  	[spmem:s1] =	stream.indirect.scatter.add.f32 [tilespmem:s12], [sflag:$0x4], $0x80, s7, s10, $0xb8;
	[tilespmem:$0x1D080] =	vst v63  }
0x171: {  	_ =	swait.ge [sflag:s8], $0x2800  }
0x172: {  	[sflag:s8] =	ssyncset.done $0x0  }
0x173: {  	s7 =	rddreg [dreg:$0x1b];
	[sflag:s8] =	ssyncadd.s32 $0xFFFFD800  }
0x174: {  	[tilespmem:s12], [sflag:$0x2] =	stream.indirect.gather [hbm4b:s3+s10], $0x80, s7, s10, $0xb8;
	[tilespmem:$0x1D080] =	vst v63  }
0x175: {  	_ =	swait.ge [sflag:s16], $0x2800  }
0x176: {  	[sflag:s16] =	ssyncset.done $0x0  }
0x177: {  	s7 =	rddreg [dreg:$0x1c];
	[sflag:s16] =	ssyncadd.s32 $0xFFFFD800  }
0x178: {  	[spmem:s1] =	stream.indirect.scatter.add.f32 [tilespmem:s13], [sflag:$0x4], $0x80, s7, s10, $0xb8;
	[tilespmem:$0x1D080] =	vst v63  }
0x179: {  	_ =	swait.ge [sflag:s8], $0x2800  }
0x17a: {  	[sflag:s8] =	ssyncset.done $0x0  }
0x17b: {  	s7 =	rddreg [dreg:$0x1d];
	[sflag:s8] =	ssyncadd.s32 $0xFFFFD800  }
0x17c: {  	[tilespmem:s13], [sflag:$0x3] =	stream.indirect.gather [hbm4b:s3+s10], $0x80, s7, s10, $0xb8;
	[tilespmem:$0x1D080] =	vst v63  }
0x17d: {  	_ =	swait.ge [sflag:s14], $0x2800  }
0x17e: {  	[sflag:s14] =	ssyncset.done $0x0  }
0x17f: {  	s7 =	rddreg [dreg:$0x1e];
	[sflag:s14] =	ssyncadd.s32 $0xFFFFD800  }
0x180: {  	[spmem:s1] =	stream.indirect.scatter.add.f32 [tilespmem:s11], [sflag:$0x4], $0x80, s7, s10, $0xb8;
	[tilespmem:$0x1D080] =	vst v63  }
0x181: {  	_ =	swait.ge [sflag:s8], $0x2800  }
0x182: {  	[sflag:s8] =	ssyncset.done $0x0  }
0x183: {  	s7 =	rddreg [dreg:$0x1f];
	[sflag:s8] =	ssyncadd.s32 $0xFFFFD800  }
0x184: {  	[tilespmem:s11], [sflag:$0x1] =	stream.indirect.gather [hbm4b:s3+s10], $0x80, s7, s10, $0xb8;
	[tilespmem:$0x1D080] =	vst v63  }
0x185: {  	_ =	swait.ge [sflag:s15], $0x2800  }
0x186: {  	s7 =	sld [smem:$0x7F7]  }
0x187: {  	[sflag:s15] =	ssyncset.done $0x0  }
0x188: {  	[sflag:s15] =	ssyncadd.s32 $0xFFFFD800  }
0x189: {  	[spmem:s1] =	stream.indirect.scatter.add.f32 [tilespmem:s12], [sflag:$0x4], $0x80, s7, s10, $0xb8;
	[tilespmem:$0x1D080] =	vst v63  }
0x18a: {  	_ =	swait.ge [sflag:s8], $0x2800  }
0x18b: {  	s7 =	sld [smem:$0x7F8]  }
0x18c: {  	[sflag:s8] =	ssyncset.done $0x0  }
0x18d: {  	[sflag:s8] =	ssyncadd.s32 $0xFFFFD800  }
0x18e: {  	[tilespmem:s12], [sflag:$0x2] =	stream.indirect.gather [hbm4b:s3+s10], $0x80, s7, s10, $0xb8;
	[tilespmem:$0x1D080] =	vst v63  }
0x18f: {  	_ =	swait.ge [sflag:s16], $0x2800  }
0x190: {  	s7 =	sld [smem:$0x7F9]  }
0x191: {  	[sflag:s16] =	ssyncset.done $0x0  }
0x192: {  	[sflag:s16] =	ssyncadd.s32 $0xFFFFD800  }
0x193: {  	[spmem:s1] =	stream.indirect.scatter.add.f32 [tilespmem:s13], [sflag:$0x4], $0x80, s7, s10, $0xb8;
	[tilespmem:$0x1D080] =	vst v63  }
0x194: {  	_ =	swait.ge [sflag:s8], $0x2800  }
0x195: {  	s7 =	sld [smem:$0x7FA]  }
0x196: {  	[sflag:s8] =	ssyncset.done $0x0  }
0x197: {  	[sflag:s8] =	ssyncadd.s32 $0xFFFFD800  }
0x198: {  	[tilespmem:s13], [sflag:$0x3] =	stream.indirect.gather [hbm4b:s3+s10], $0x80, s7, s10, $0xb8;
	[tilespmem:$0x1D080] =	vst v63  }
0x199: {  	_ =	swait.ge [sflag:s14], $0x2800  }
0x19a: {  	s7 =	sld [smem:$0x7FB]  }
0x19b: {  	[sflag:s14] =	ssyncset.done $0x0  }
0x19c: {  	[sflag:s14] =	ssyncadd.s32 $0xFFFFD800  }
0x19d: {  	[spmem:s1] =	stream.indirect.scatter.add.f32 [tilespmem:s11], [sflag:$0x4], $0x80, s7, s10, $0xb8;
	[tilespmem:$0x1D080] =	vst v63  }
0x19e: {  	_ =	swait.ge [sflag:s8], $0x2800  }
0x19f: {  	s7 =	sld [smem:$0x7FC]  }
0x1a0: {  	[sflag:s8] =	ssyncset.done $0x0  }
0x1a1: {  	[sflag:s8] =	ssyncadd.s32 $0xFFFFD800  }
0x1a2: {  	[tilespmem:s11], [sflag:$0x1] =	stream.indirect.gather [hbm4b:s3+s10], $0x80, s7, s10, $0xb8;
	[tilespmem:$0x1D080] =	vst v63  }
0x1a3: {  	_ =	swait.ge [sflag:s15], $0x2800  }
0x1a4: {  	[sflag:s15] =	ssyncset.done $0x0  }
0x1a5: {  	[sflag:s15] =	ssyncadd.s32 $0xFFFFD800  }
0x1a6: {  	[spmem:s1] =	stream.indirect.scatter.add.f32 [tilespmem:s12], [sflag:$0x4], $0x80, s17, s10, $0xb8;
	[tilespmem:$0x1D080] =	vst v63  }
0x1a7: {  	_ =	swait.ge [sflag:s8], $0x2800  }
0x1a8: {  	[sflag:s8] =	ssyncset.done $0x0  }
0x1a9: {  	[sflag:s8] =	ssyncadd.s32 $0xFFFFD800  }
0x1aa: {  	[tilespmem:s12], [sflag:$0x2] =	stream.indirect.gather [hbm4b:s3+s10], $0x80, s18, s10, $0xb8;
	[tilespmem:$0x1D080] =	vst v63  }
0x1ab: {  	_ =	swait.ge [sflag:s16], $0x2800  }
0x1ac: {  	[sflag:s16] =	ssyncset.done $0x0  }
0x1ad: {  	[sflag:s16] =	ssyncadd.s32 $0xFFFFD800  }
0x1ae: {  	[spmem:s1] =	stream.indirect.scatter.add.f32 [tilespmem:s13], [sflag:$0x4], $0x80, s19, s10, $0xb8;
	[tilespmem:$0x1D080] =	vst v63  }
0x1af: {  	_ =	swait.ge [sflag:s8], $0x2800  }
0x1b0: {  	[sflag:s8] =	ssyncset.done $0x0  }
0x1b1: {  	[sflag:s8] =	ssyncadd.s32 $0xFFFFD800  }
0x1b2: {  	[tilespmem:s13], [sflag:$0x3] =	stream.indirect.gather [hbm4b:s3+s10], $0x80, s20, s10, $0xb8;
	[tilespmem:$0x1D080] =	vst v63  }
0x1b3: {  	_ =	swait.ge [sflag:s14], $0x2800  }
0x1b4: {  	[sflag:s14] =	ssyncset.done $0x0  }
0x1b5: {  	[sflag:s14] =	ssyncadd.s32 $0xFFFFD800  }
0x1b6: {  	[spmem:s1] =	stream.indirect.scatter.add.f32 [tilespmem:s11], [sflag:$0x4], $0x80, s21, s10, $0xb8;
	[tilespmem:$0x1D080] =	vst v63  }
0x1b7: {  	_ =	swait.ge [sflag:s8], $0x2800  }
0x1b8: {  	[sflag:s8] =	ssyncset.done $0x0  }
0x1b9: {  	[sflag:s8] =	ssyncadd.s32 $0xFFFFD800  }
0x1ba: {  	[tilespmem:s11], [sflag:$0x1] =	stream.indirect.gather [hbm4b:s3+s10], $0x80, s22, s10, $0xb8;
	[tilespmem:$0x1D080] =	vst v63  }
0x1bb: {  	_ =	swait.ge [sflag:s15], $0x2800  }
0x1bc: {  	[sflag:s15] =	ssyncset.done $0x0  }
0x1bd: {  	[sflag:s15] =	ssyncadd.s32 $0xFFFFD800  }
0x1be: {  	[spmem:s1] =	stream.indirect.scatter.add.f32 [tilespmem:s12], [sflag:$0x4], $0x80, s23, s10, $0xb8;
	[tilespmem:$0x1D080] =	vst v63  }
0x1bf: {  	_ =	swait.ge [sflag:s8], $0x2800  }
0x1c0: {  	[sflag:s8] =	ssyncset.done $0x0  }
0x1c1: {  	[sflag:s8] =	ssyncadd.s32 $0xFFFFD800  }
0x1c2: {  	[tilespmem:s12], [sflag:$0x2] =	stream.indirect.gather [hbm4b:s3+s10], $0x80, s24, s10, $0xb8;
	[tilespmem:$0x1D080] =	vst v63  }
0x1c3: {  	_ =	swait.ge [sflag:s16], $0x2800  }
0x1c4: {  	[sflag:s16] =	ssyncset.done $0x0  }
0x1c5: {  	[sflag:s16] =	ssyncadd.s32 $0xFFFFD800  }
0x1c6: {  	[spmem:s1] =	stream.indirect.scatter.add.f32 [tilespmem:s13], [sflag:$0x4], $0x80, s25, s10, $0xb8;
	[tilespmem:$0x1D080] =	vst v63  }
0x1c7: {  	_ =	swait.ge [sflag:s8], $0x2800  }
0x1c8: {  	[sflag:s8] =	ssyncset.done $0x0  }
0x1c9: {  	[sflag:s8] =	ssyncadd.s32 $0xFFFFD800  }
0x1ca: {  	[tilespmem:s13], [sflag:$0x3] =	stream.indirect.gather [hbm4b:s3+s10], $0x80, s26, s10, $0xb8;
	[tilespmem:$0x1D080] =	vst v63  }
0x1cb: {  	_ =	swait.ge [sflag:s14], $0x2800  }
0x1cc: {  	[sflag:s14] =	ssyncset.done $0x0  }
0x1cd: {  	[sflag:s14] =	ssyncadd.s32 $0xFFFFD800  }
0x1ce: {  	[spmem:s1] =	stream.indirect.scatter.add.f32 [tilespmem:s11], [sflag:$0x4], $0x80, s28, s10, $0xb8;
	[tilespmem:$0x1D080] =	vst v63  }
0x1cf: {  	_ =	swait.ge [sflag:s8], $0x2800  }
0x1d0: {  	[sflag:s8] =	ssyncset.done $0x0  }
0x1d1: {  	[sflag:s8] =	ssyncadd.s32 $0xFFFFD800  }
0x1d2: {  	[tilespmem:s11], [sflag:$0x1] =	stream.indirect.gather [hbm4b:s3+s10], $0x80, s29, s10, $0xb8;
	[tilespmem:$0x1D080] =	vst v63  }
0x1d3: {  	_ =	swait.ge [sflag:s15], $0x2800  }
0x1d4: {  	[sflag:s15] =	ssyncset.done $0x0  }
0x1d5: {  	[sflag:s15] =	ssyncadd.s32 $0xFFFFD800  }
0x1d6: {  	[spmem:s1] =	stream.indirect.scatter.add.f32 [tilespmem:s12], [sflag:$0x4], $0x80, s30, s10, $0xb8;
	[tilespmem:$0x1D080] =	vst v63  }
0x1d7: {  	_ =	swait.ge [sflag:s8], $0x2800  }
0x1d8: {  	[sflag:s8] =	ssyncset.done $0x0  }
0x1d9: {  	[sflag:s8] =	ssyncadd.s32 $0xFFFFD800  }
0x1da: {  	_ =	swait.ge [sflag:s16], $0x2800  }
0x1db: {  	[sflag:s16] =	ssyncset.done $0x0  }
0x1dc: {  	[sflag:s16] =	ssyncadd.s32 $0xFFFFD800  }
0x1dd: {  	[spmem:s1] =	stream.indirect.scatter.add.f32 [tilespmem:s13], [sflag:$0x4], $0x80, s31, s10, $0xb8;
	[tilespmem:$0x1D080] =	vst v63  }
0x1de: {  	_ =	swait.ge [sflag:s8], $0x2800  }
0x1df: {  	[sflag:s8] =	ssyncset.done $0x0  }
0x1e0: {  	[sflag:s8] =	ssyncadd.s32 $0xFFFFD800  }
0x1e1: {  	p1 =	sne.s32 s6, $0x800;
	_ =	swait.ge [sflag:s14], $0x2800  }
.Ltmp0:
0x1e2: {  	[sflag:s14] =	ssyncset.done $0x0;
	(pc) =	sbr.rel @p1 .LBB2_2-.Ltmp0, $4  }
0x1e3: {  	[sflag:s14] =	ssyncadd.s32 $0xFFFFD800  }
0x1e4: {  	[spmem:s1] =	stream.indirect.scatter.add.f32 [tilespmem:s11], [sflag:$0x4], $0x80, s0, s10, $0xb8;
	[tilespmem:$0x1D080] =	vst v63  }
0x1e5: {  	_ =	swait.ge [sflag:s8], $0x2800  }
0x1e6: {  	s6 =	sadd.s32 $0x200, s6;
	s7 =	rddreg [dreg:$0x4];
	[sflag:s8] =	ssyncset.done $0x0  }
0x1e7: {  	[sflag:s8] =	ssyncadd.s32 $0xFFFFD800;
	s4 =	sadd.s32 s5, s7  }
0x1e8: {  	[tilespmem:s2], [sflag:$0x4] =	stream.linear.gather [hbm4b:s4+s2], $0xC80, $0x38;
	[tilespmem:$0x1D080] =	vst v63  }
0x1e9: {  	_ =	swait.ge [sflag:s8], $0xC80  }
0x1ea: {  	s7 =	rddreg [dreg:$0x3];
	[sflag:s8] =	ssyncset.done $0x0  }
0x1eb: {  	[sflag:s8] =	ssyncadd.s32 $0xFFFFF380;
	s4 =	sadd.s32 s5, s7  }
0x1ec: {  	[tilespmem:s9], [sflag:$0x4] =	stream.linear.gather [hbm4b:s4+s2], $0xC80, $0x38;
	[tilespmem:$0x1D080] =	vst v63  }
0x1ed: {  	_ =	swait.ge [sflag:s8], $0xC80  }
0x1ee: {  	[sflag:s8] =	ssyncset.done $0x0  }
0x1ef: {  	[sflag:s8] =	ssyncadd.s32 $0xFFFFF380  }
0x1f0: {  	[tilespmem:s11], [sflag:$0x1] =	stream.indirect.gather [hbm4b:s3+s10], $0x80, s2, s10, $0xb8;
	[tilespmem:$0x1D080] =	vst v63  }
0x1f1: {  	s5 =	rddreg [dreg:$0x5]  }
0x1f2: {  	[tilespmem:s12], [sflag:$0x2] =	stream.indirect.gather [hbm4b:s3+s10], $0x80, s5, s10, $0xb8;
	[tilespmem:$0x1D080] =	vst v63  }
0x1f3: {  	s6 =	rddreg [dreg:$0x6]  }
0x1f4: {  	[tilespmem:s13], [sflag:$0x3] =	stream.indirect.gather [hbm4b:s3+s10], $0x80, s6, s10, $0xb8;
	[tilespmem:$0x1D080] =	vst v63  }
0x1f5: {  	_ =	swait.ge [sflag:s14], $0x2800  }
0x1f6: {  	[sflag:s14] =	ssyncset.done $0x0  }
0x1f7: {  	[sflag:s14] =	ssyncadd.s32 $0xFFFFD800  }
0x1f8: {  	[spmem:s1] =	stream.indirect.scatter.add.f32 [tilespmem:s11], [sflag:$0x4], $0x80, s9, s10, $0xb8;
	[tilespmem:$0x1D080] =	vst v63  }
0x1f9: {  	_ =	swait.ge [sflag:s8], $0x2800  }
0x1fa: {  	[sflag:s8] =	ssyncset.done $0x0  }
0x1fb: {  	s7 =	rddreg [dreg:$0x7];
	[sflag:s8] =	ssyncadd.s32 $0xFFFFD800  }
0x1fc: {  	[tilespmem:s11], [sflag:$0x1] =	stream.indirect.gather [hbm4b:s3+s10], $0x80, s7, s10, $0xb8;
	[tilespmem:$0x1D080] =	vst v63  }
0x1fd: {  	_ =	swait.ge [sflag:s15], $0x2800  }
0x1fe: {  	[sflag:s15] =	ssyncset.done $0x0  }
0x1ff: {  	s5 =	rddreg [dreg:$0x8];
	[sflag:s15] =	ssyncadd.s32 $0xFFFFD800  }
0x200: {  	[spmem:s1] =	stream.indirect.scatter.add.f32 [tilespmem:s12], [sflag:$0x4], $0x80, s5, s10, $0xb8;
	[tilespmem:$0x1D080] =	vst v63  }
0x201: {  	_ =	swait.ge [sflag:s8], $0x2800  }
0x202: {  	[sflag:s8] =	ssyncset.done $0x0  }
0x203: {  	s6 =	rddreg [dreg:$0x9];
	[sflag:s8] =	ssyncadd.s32 $0xFFFFD800  }
0x204: {  	[tilespmem:s12], [sflag:$0x2] =	stream.indirect.gather [hbm4b:s3+s10], $0x80, s6, s10, $0xb8;
	[tilespmem:$0x1D080] =	vst v63  }
0x205: {  	_ =	swait.ge [sflag:s16], $0x2800  }
0x206: {  	[sflag:s16] =	ssyncset.done $0x0  }
0x207: {  	s7 =	rddreg [dreg:$0xa];
	[sflag:s16] =	ssyncadd.s32 $0xFFFFD800  }
0x208: {  	[spmem:s1] =	stream.indirect.scatter.add.f32 [tilespmem:s13], [sflag:$0x4], $0x80, s7, s10, $0xb8;
	[tilespmem:$0x1D080] =	vst v63  }
0x209: {  	_ =	swait.ge [sflag:s8], $0x2800  }
0x20a: {  	[sflag:s8] =	ssyncset.done $0x0  }
0x20b: {  	s5 =	rddreg [dreg:$0xb];
	[sflag:s8] =	ssyncadd.s32 $0xFFFFD800  }
0x20c: {  	[tilespmem:s13], [sflag:$0x3] =	stream.indirect.gather [hbm4b:s3+s10], $0x80, s5, s10, $0xb8;
	[tilespmem:$0x1D080] =	vst v63  }
0x20d: {  	_ =	swait.ge [sflag:s14], $0x2800  }
0x20e: {  	[sflag:s14] =	ssyncset.done $0x0  }
0x20f: {  	s6 =	rddreg [dreg:$0xc];
	[sflag:s14] =	ssyncadd.s32 $0xFFFFD800  }
0x210: {  	[spmem:s1] =	stream.indirect.scatter.add.f32 [tilespmem:s11], [sflag:$0x4], $0x80, s6, s10, $0xb8;
	[tilespmem:$0x1D080] =	vst v63  }
0x211: {  	_ =	swait.ge [sflag:s8], $0x2800  }
0x212: {  	[sflag:s8] =	ssyncset.done $0x0  }
0x213: {  	s7 =	rddreg [dreg:$0xd];
	[sflag:s8] =	ssyncadd.s32 $0xFFFFD800  }
0x214: {  	[tilespmem:s11], [sflag:$0x1] =	stream.indirect.gather [hbm4b:s3+s10], $0x80, s7, s10, $0xb8;
	[tilespmem:$0x1D080] =	vst v63  }
0x215: {  	_ =	swait.ge [sflag:s15], $0x2800  }
0x216: {  	[sflag:s15] =	ssyncset.done $0x0  }
0x217: {  	s5 =	rddreg [dreg:$0xe];
	[sflag:s15] =	ssyncadd.s32 $0xFFFFD800  }
0x218: {  	[spmem:s1] =	stream.indirect.scatter.add.f32 [tilespmem:s12], [sflag:$0x4], $0x80, s5, s10, $0xb8;
	[tilespmem:$0x1D080] =	vst v63  }
0x219: {  	_ =	swait.ge [sflag:s8], $0x2800  }
0x21a: {  	[sflag:s8] =	ssyncset.done $0x0  }
0x21b: {  	s6 =	rddreg [dreg:$0xf];
	[sflag:s8] =	ssyncadd.s32 $0xFFFFD800  }
0x21c: {  	[tilespmem:s12], [sflag:$0x2] =	stream.indirect.gather [hbm4b:s3+s10], $0x80, s6, s10, $0xb8;
	[tilespmem:$0x1D080] =	vst v63  }
0x21d: {  	_ =	swait.ge [sflag:s16], $0x2800  }
0x21e: {  	[sflag:s16] =	ssyncset.done $0x0  }
0x21f: {  	s7 =	rddreg [dreg:$0x10];
	[sflag:s16] =	ssyncadd.s32 $0xFFFFD800  }
0x220: {  	[spmem:s1] =	stream.indirect.scatter.add.f32 [tilespmem:s13], [sflag:$0x4], $0x80, s7, s10, $0xb8;
	[tilespmem:$0x1D080] =	vst v63  }
0x221: {  	_ =	swait.ge [sflag:s8], $0x2800  }
0x222: {  	[sflag:s8] =	ssyncset.done $0x0  }
0x223: {  	s5 =	rddreg [dreg:$0x11];
	[sflag:s8] =	ssyncadd.s32 $0xFFFFD800  }
0x224: {  	[tilespmem:s13], [sflag:$0x3] =	stream.indirect.gather [hbm4b:s3+s10], $0x80, s5, s10, $0xb8;
	[tilespmem:$0x1D080] =	vst v63  }
0x225: {  	_ =	swait.ge [sflag:s14], $0x2800  }
0x226: {  	[sflag:s14] =	ssyncset.done $0x0  }
0x227: {  	s6 =	rddreg [dreg:$0x12];
	[sflag:s14] =	ssyncadd.s32 $0xFFFFD800  }
0x228: {  	[spmem:s1] =	stream.indirect.scatter.add.f32 [tilespmem:s11], [sflag:$0x4], $0x80, s6, s10, $0xb8;
	[tilespmem:$0x1D080] =	vst v63  }
0x229: {  	_ =	swait.ge [sflag:s8], $0x2800  }
0x22a: {  	[sflag:s8] =	ssyncset.done $0x0  }
0x22b: {  	s7 =	rddreg [dreg:$0x13];
	[sflag:s8] =	ssyncadd.s32 $0xFFFFD800  }
0x22c: {  	[tilespmem:s11], [sflag:$0x1] =	stream.indirect.gather [hbm4b:s3+s10], $0x80, s7, s10, $0xb8;
	[tilespmem:$0x1D080] =	vst v63  }
0x22d: {  	_ =	swait.ge [sflag:s15], $0x2800  }
0x22e: {  	[sflag:s15] =	ssyncset.done $0x0  }
0x22f: {  	s5 =	rddreg [dreg:$0x14];
	[sflag:s15] =	ssyncadd.s32 $0xFFFFD800  }
0x230: {  	[spmem:s1] =	stream.indirect.scatter.add.f32 [tilespmem:s12], [sflag:$0x4], $0x80, s5, s10, $0xb8;
	[tilespmem:$0x1D080] =	vst v63  }
0x231: {  	_ =	swait.ge [sflag:s8], $0x2800  }
0x232: {  	[sflag:s8] =	ssyncset.done $0x0  }
0x233: {  	s6 =	rddreg [dreg:$0x15];
	[sflag:s8] =	ssyncadd.s32 $0xFFFFD800  }
0x234: {  	[tilespmem:s12], [sflag:$0x2] =	stream.indirect.gather [hbm4b:s3+s10], $0x80, s6, s10, $0xb8;
	[tilespmem:$0x1D080] =	vst v63  }
0x235: {  	_ =	swait.ge [sflag:s16], $0x2800  }
0x236: {  	[sflag:s16] =	ssyncset.done $0x0  }
0x237: {  	s7 =	rddreg [dreg:$0x16];
	[sflag:s16] =	ssyncadd.s32 $0xFFFFD800  }
0x238: {  	[spmem:s1] =	stream.indirect.scatter.add.f32 [tilespmem:s13], [sflag:$0x4], $0x80, s7, s10, $0xb8;
	[tilespmem:$0x1D080] =	vst v63  }
0x239: {  	_ =	swait.ge [sflag:s8], $0x2800  }
0x23a: {  	[sflag:s8] =	ssyncset.done $0x0  }
0x23b: {  	s5 =	rddreg [dreg:$0x17];
	[sflag:s8] =	ssyncadd.s32 $0xFFFFD800  }
0x23c: {  	[tilespmem:s13], [sflag:$0x3] =	stream.indirect.gather [hbm4b:s3+s10], $0x80, s5, s10, $0xb8;
	[tilespmem:$0x1D080] =	vst v63  }
0x23d: {  	_ =	swait.ge [sflag:s14], $0x2800  }
0x23e: {  	[sflag:s14] =	ssyncset.done $0x0  }
0x23f: {  	s6 =	rddreg [dreg:$0x18];
	[sflag:s14] =	ssyncadd.s32 $0xFFFFD800  }
0x240: {  	[spmem:s1] =	stream.indirect.scatter.add.f32 [tilespmem:s11], [sflag:$0x4], $0x80, s6, s10, $0xb8;
	[tilespmem:$0x1D080] =	vst v63  }
0x241: {  	_ =	swait.ge [sflag:s8], $0x2800  }
0x242: {  	[sflag:s8] =	ssyncset.done $0x0  }
0x243: {  	s7 =	rddreg [dreg:$0x19];
	[sflag:s8] =	ssyncadd.s32 $0xFFFFD800  }
0x244: {  	[tilespmem:s11], [sflag:$0x1] =	stream.indirect.gather [hbm4b:s3+s10], $0x80, s7, s10, $0xb8;
	[tilespmem:$0x1D080] =	vst v63  }
0x245: {  	_ =	swait.ge [sflag:s15], $0x2800  }
0x246: {  	[sflag:s15] =	ssyncset.done $0x0  }
0x247: {  	s5 =	rddreg [dreg:$0x1a];
	[sflag:s15] =	ssyncadd.s32 $0xFFFFD800  }
0x248: {  	[spmem:s1] =	stream.indirect.scatter.add.f32 [tilespmem:s12], [sflag:$0x4], $0x80, s5, s10, $0xb8;
	[tilespmem:$0x1D080] =	vst v63  }
0x249: {  	_ =	swait.ge [sflag:s8], $0x2800  }
0x24a: {  	[sflag:s8] =	ssyncset.done $0x0  }
0x24b: {  	s6 =	rddreg [dreg:$0x1b];
	[sflag:s8] =	ssyncadd.s32 $0xFFFFD800  }
0x24c: {  	[tilespmem:s12], [sflag:$0x2] =	stream.indirect.gather [hbm4b:s3+s10], $0x80, s6, s10, $0xb8;
	[tilespmem:$0x1D080] =	vst v63  }
0x24d: {  	_ =	swait.ge [sflag:s16], $0x2800  }
0x24e: {  	[sflag:s16] =	ssyncset.done $0x0  }
0x24f: {  	s7 =	rddreg [dreg:$0x1c];
	[sflag:s16] =	ssyncadd.s32 $0xFFFFD800  }
0x250: {  	[spmem:s1] =	stream.indirect.scatter.add.f32 [tilespmem:s13], [sflag:$0x4], $0x80, s7, s10, $0xb8;
	[tilespmem:$0x1D080] =	vst v63  }
0x251: {  	_ =	swait.ge [sflag:s8], $0x2800  }
0x252: {  	[sflag:s8] =	ssyncset.done $0x0  }
0x253: {  	s5 =	rddreg [dreg:$0x1d];
	[sflag:s8] =	ssyncadd.s32 $0xFFFFD800  }
0x254: {  	[tilespmem:s13], [sflag:$0x3] =	stream.indirect.gather [hbm4b:s3+s10], $0x80, s5, s10, $0xb8;
	[tilespmem:$0x1D080] =	vst v63  }
0x255: {  	_ =	swait.ge [sflag:s14], $0x2800  }
0x256: {  	[sflag:s14] =	ssyncset.done $0x0  }
0x257: {  	s6 =	rddreg [dreg:$0x1e];
	[sflag:s14] =	ssyncadd.s32 $0xFFFFD800  }
0x258: {  	[spmem:s1] =	stream.indirect.scatter.add.f32 [tilespmem:s11], [sflag:$0x4], $0x80, s6, s10, $0xb8;
	[tilespmem:$0x1D080] =	vst v63  }
0x259: {  	_ =	swait.ge [sflag:s8], $0x2800  }
0x25a: {  	[sflag:s8] =	ssyncset.done $0x0  }
0x25b: {  	s7 =	rddreg [dreg:$0x1f];
	[sflag:s8] =	ssyncadd.s32 $0xFFFFD800  }
0x25c: {  	[tilespmem:s11], [sflag:$0x1] =	stream.indirect.gather [hbm4b:s3+s10], $0x80, s7, s10, $0xb8;
	[tilespmem:$0x1D080] =	vst v63  }
0x25d: {  	_ =	swait.ge [sflag:s15], $0x2800  }
0x25e: {  	s5 =	sld [smem:$0x7F7]  }
0x25f: {  	[sflag:s15] =	ssyncset.done $0x0  }
0x260: {  	[sflag:s15] =	ssyncadd.s32 $0xFFFFD800  }
0x261: {  	[spmem:s1] =	stream.indirect.scatter.add.f32 [tilespmem:s12], [sflag:$0x4], $0x80, s5, s10, $0xb8;
	[tilespmem:$0x1D080] =	vst v63  }
0x262: {  	_ =	swait.ge [sflag:s8], $0x2800  }
0x263: {  	s6 =	sld [smem:$0x7F8]  }
0x264: {  	[sflag:s8] =	ssyncset.done $0x0  }
0x265: {  	[sflag:s8] =	ssyncadd.s32 $0xFFFFD800  }
0x266: {  	[tilespmem:s12], [sflag:$0x2] =	stream.indirect.gather [hbm4b:s3+s10], $0x80, s6, s10, $0xb8;
	[tilespmem:$0x1D080] =	vst v63  }
0x267: {  	_ =	swait.ge [sflag:s16], $0x2800  }
0x268: {  	s7 =	sld [smem:$0x7F9]  }
0x269: {  	[sflag:s16] =	ssyncset.done $0x0  }
0x26a: {  	[sflag:s16] =	ssyncadd.s32 $0xFFFFD800  }
0x26b: {  	[spmem:s1] =	stream.indirect.scatter.add.f32 [tilespmem:s13], [sflag:$0x4], $0x80, s7, s10, $0xb8;
	[tilespmem:$0x1D080] =	vst v63  }
0x26c: {  	_ =	swait.ge [sflag:s8], $0x2800  }
0x26d: {  	s5 =	sld [smem:$0x7FA]  }
0x26e: {  	[sflag:s8] =	ssyncset.done $0x0  }
0x26f: {  	[sflag:s8] =	ssyncadd.s32 $0xFFFFD800  }
0x270: {  	[tilespmem:s13], [sflag:$0x3] =	stream.indirect.gather [hbm4b:s3+s10], $0x80, s5, s10, $0xb8;
	[tilespmem:$0x1D080] =	vst v63  }
0x271: {  	_ =	swait.ge [sflag:s14], $0x2800  }
0x272: {  	s6 =	sld [smem:$0x7FB]  }
0x273: {  	[sflag:s14] =	ssyncset.done $0x0  }
0x274: {  	[sflag:s14] =	ssyncadd.s32 $0xFFFFD800  }
0x275: {  	[spmem:s1] =	stream.indirect.scatter.add.f32 [tilespmem:s11], [sflag:$0x4], $0x80, s6, s10, $0xb8;
	[tilespmem:$0x1D080] =	vst v63  }
0x276: {  	_ =	swait.ge [sflag:s8], $0x2800  }
0x277: {  	s7 =	sld [smem:$0x7FC]  }
0x278: {  	[sflag:s8] =	ssyncset.done $0x0  }
0x279: {  	[sflag:s8] =	ssyncadd.s32 $0xFFFFD800  }
0x27a: {  	[tilespmem:s11], [sflag:$0x1] =	stream.indirect.gather [hbm4b:s3+s10], $0x80, s7, s10, $0xb8;
	[tilespmem:$0x1D080] =	vst v63  }
0x27b: {  	_ =	swait.ge [sflag:s15], $0x2800  }
0x27c: {  	[sflag:s15] =	ssyncset.done $0x0  }
0x27d: {  	[sflag:s15] =	ssyncadd.s32 $0xFFFFD800  }
0x27e: {  	[spmem:s1] =	stream.indirect.scatter.add.f32 [tilespmem:s12], [sflag:$0x4], $0x80, s17, s10, $0xb8;
	[tilespmem:$0x1D080] =	vst v63  }
0x27f: {  	_ =	swait.ge [sflag:s8], $0x2800  }
0x280: {  	[sflag:s8] =	ssyncset.done $0x0  }
0x281: {  	[sflag:s8] =	ssyncadd.s32 $0xFFFFD800  }
0x282: {  	[tilespmem:s12], [sflag:$0x2] =	stream.indirect.gather [hbm4b:s3+s10], $0x80, s18, s10, $0xb8;
	[tilespmem:$0x1D080] =	vst v63  }
0x283: {  	_ =	swait.ge [sflag:s16], $0x2800  }
0x284: {  	[sflag:s16] =	ssyncset.done $0x0  }
0x285: {  	[sflag:s16] =	ssyncadd.s32 $0xFFFFD800  }
0x286: {  	[spmem:s1] =	stream.indirect.scatter.add.f32 [tilespmem:s13], [sflag:$0x4], $0x80, s19, s10, $0xb8;
	[tilespmem:$0x1D080] =	vst v63  }
0x287: {  	_ =	swait.ge [sflag:s8], $0x2800  }
0x288: {  	[sflag:s8] =	ssyncset.done $0x0  }
0x289: {  	[sflag:s8] =	ssyncadd.s32 $0xFFFFD800  }
0x28a: {  	[tilespmem:s13], [sflag:$0x3] =	stream.indirect.gather [hbm4b:s3+s10], $0x80, s20, s10, $0xb8;
	[tilespmem:$0x1D080] =	vst v63  }
0x28b: {  	_ =	swait.ge [sflag:s14], $0x2800  }
0x28c: {  	[sflag:s14] =	ssyncset.done $0x0  }
0x28d: {  	[sflag:s14] =	ssyncadd.s32 $0xFFFFD800  }
0x28e: {  	[spmem:s1] =	stream.indirect.scatter.add.f32 [tilespmem:s11], [sflag:$0x4], $0x80, s21, s10, $0xb8;
	[tilespmem:$0x1D080] =	vst v63  }
0x28f: {  	_ =	swait.ge [sflag:s8], $0x2800  }
0x290: {  	[sflag:s8] =	ssyncset.done $0x0  }
0x291: {  	[sflag:s8] =	ssyncadd.s32 $0xFFFFD800  }
0x292: {  	[tilespmem:s11], [sflag:$0x1] =	stream.indirect.gather [hbm4b:s3+s10], $0x80, s22, s10, $0xb8;
	[tilespmem:$0x1D080] =	vst v63  }
0x293: {  	_ =	swait.ge [sflag:s15], $0x2800  }
0x294: {  	[sflag:s15] =	ssyncset.done $0x0  }
0x295: {  	[sflag:s15] =	ssyncadd.s32 $0xFFFFD800  }
0x296: {  	[spmem:s1] =	stream.indirect.scatter.add.f32 [tilespmem:s12], [sflag:$0x4], $0x80, s23, s10, $0xb8;
	[tilespmem:$0x1D080] =	vst v63  }
0x297: {  	_ =	swait.ge [sflag:s8], $0x2800  }
0x298: {  	[sflag:s8] =	ssyncset.done $0x0  }
0x299: {  	[sflag:s8] =	ssyncadd.s32 $0xFFFFD800  }
0x29a: {  	[tilespmem:s12], [sflag:$0x2] =	stream.indirect.gather [hbm4b:s3+s10], $0x80, s24, s10, $0xb8;
	[tilespmem:$0x1D080] =	vst v63  }
0x29b: {  	_ =	swait.ge [sflag:s16], $0x2800  }
0x29c: {  	[sflag:s16] =	ssyncset.done $0x0  }
0x29d: {  	[sflag:s16] =	ssyncadd.s32 $0xFFFFD800  }
0x29e: {  	[spmem:s1] =	stream.indirect.scatter.add.f32 [tilespmem:s13], [sflag:$0x4], $0x80, s25, s10, $0xb8;
	[tilespmem:$0x1D080] =	vst v63  }
0x29f: {  	_ =	swait.ge [sflag:s8], $0x2800  }
0x2a0: {  	[sflag:s8] =	ssyncset.done $0x0  }
0x2a1: {  	[sflag:s8] =	ssyncadd.s32 $0xFFFFD800  }
0x2a2: {  	[tilespmem:s13], [sflag:$0x3] =	stream.indirect.gather [hbm4b:s3+s10], $0x80, s26, s10, $0xb8;
	[tilespmem:$0x1D080] =	vst v63  }
0x2a3: {  	_ =	swait.ge [sflag:s14], $0x2800  }
0x2a4: {  	[sflag:s14] =	ssyncset.done $0x0  }
0x2a5: {  	[sflag:s14] =	ssyncadd.s32 $0xFFFFD800  }
0x2a6: {  	[spmem:s1] =	stream.indirect.scatter.add.f32 [tilespmem:s11], [sflag:$0x4], $0x80, s28, s10, $0xb8;
	[tilespmem:$0x1D080] =	vst v63  }
0x2a7: {  	_ =	swait.ge [sflag:s8], $0x2800  }
0x2a8: {  	[sflag:s8] =	ssyncset.done $0x0  }
0x2a9: {  	[sflag:s8] =	ssyncadd.s32 $0xFFFFD800  }
0x2aa: {  	[tilespmem:s11], [sflag:$0x1] =	stream.indirect.gather [hbm4b:s3+s10], $0x80, s29, s10, $0xb8;
	[tilespmem:$0x1D080] =	vst v63  }
0x2ab: {  	_ =	swait.ge [sflag:s15], $0x2800  }
0x2ac: {  	[sflag:s15] =	ssyncset.done $0x0  }
0x2ad: {  	[sflag:s15] =	ssyncadd.s32 $0xFFFFD800  }
0x2ae: {  	[spmem:s1] =	stream.indirect.scatter.add.f32 [tilespmem:s12], [sflag:$0x4], $0x80, s30, s10, $0xb8;
	[tilespmem:$0x1D080] =	vst v63  }
0x2af: {  	_ =	swait.ge [sflag:s8], $0x2800  }
0x2b0: {  	[sflag:s8] =	ssyncset.done $0x0  }
0x2b1: {  	[sflag:s8] =	ssyncadd.s32 $0xFFFFD800  }
0x2b2: {  	_ =	swait.ge [sflag:s16], $0x2800  }
0x2b3: {  	[sflag:s16] =	ssyncset.done $0x0  }
0x2b4: {  	[sflag:s16] =	ssyncadd.s32 $0xFFFFD800  }
0x2b5: {  	[spmem:s1] =	stream.indirect.scatter.add.f32 [tilespmem:s13], [sflag:$0x4], $0x80, s31, s10, $0xb8;
	[tilespmem:$0x1D080] =	vst v63  }
0x2b6: {  	_ =	swait.ge [sflag:s8], $0x2800  }
0x2b7: {  	[sflag:s8] =	ssyncset.done $0x0  }
0x2b8: {  	[sflag:s8] =	ssyncadd.s32 $0xFFFFD800  }
0x2b9: {  	_ =	swait.ge [sflag:s14], $0x2800  }
0x2ba: {  	[sflag:s14] =	ssyncset.done $0x0  }
0x2bb: {  	[sflag:s14] =	ssyncadd.s32 $0xFFFFD800  }
0x2bc: {  	[spmem:s1] =	stream.indirect.scatter.add.f32 [tilespmem:s11], [sflag:$0x4], $0x80, s0, s10, $0xb8;
	[tilespmem:$0x1D080] =	vst v63  }
0x2bd: {  	_ =	swait.ge [sflag:s8], $0x2800  }
0x2be: {  	[sflag:s8] =	ssyncset.done $0x0  }
0x2bf: {  	[sflag:s8] =	ssyncadd.s32 $0xFFFFD800  }
0x2c0: {  	[bflag:$0x0] =	sbarrier.arrive $0xFFFF  }
0x2c1: {  	s5 =	sld [smem:$0x7F5]  }
0x2c2: {  	s6 =	sld [smem:$0x7FD];
	_ =	sdelay $0x1  }
0x2c3: {  	s4 =	simm.s32 @!p0 $0x1C04  }
0x2c4: {  	[hbm:s5], [sflag:s4] =	dma.local @!p0 [spmem:s6], $0x27100  }
0x2c5: {  	s4 =	simm.s32 @!p0 $0x4  }
0x2c6: {  	_ =	swait.ge @!p0 [sflag:s4], $0x27100  }
0x2c7: {  	s5 =	sld [smem:$0x7F3];
	_ =	sdelay $0x2  }
0x2c8: {  	s7 =	sadd.s32 $0x1, s5;
	s5 =	sld [smem:$0x7F6];
	_ =	sdelay $0x2  }
0x2c9: {  	p1 =	sne.s32 s7, s5  }
.Ltmp1:
0x2ca: {  	_ = 	snop;
	(pc) =	sbr.rel @p1 .LBB2_1-.Ltmp1, $3  }
0x2cb: {  	_ =	sdelay $0x1  }
0x2cc: {  	[sflag:s4] =	ssyncset.done @!p0 $0x0  }
0x2cd: {  	[sflag:s4] =	ssyncadd.s32 @!p0 $0xFFFD8F00  }
0x2ce: {  	_ =	sfence.sel $0x180000  }
0x2cf: {  	[bflag:$0x0] =	sbarrier.arrive $0xFFFF  }
0x2d0: {  	_ =	strace $0x90000050  }
0x2d1: {  	[bflag:$0x2] =	sbarrier.arrive $0xFFFF  }
0x2d2: {  	s0 =	rddreg [dreg:$0x2]  }
0x2d3: {  	s0 =	sadd.s32 @!p0 $0x100000, s0  }
0x2d4: {  	[sflag:s0] =	ssyncadd.tile.s32 @!p0 $0x1;
	_ =	shalt  }
.Lfunc_end2:
_tile_overlayer_lowered:
.L_overlay_start_2:
0x2d5: {  	(tag) =	ssettag $0x2  }
0x2d6: {  	s0 =	rddreg [dreg:$0x0];
	s2 =	stileid.u32  }
0x2d7: {  	s1 =	rddreg [dreg:$0x1];
	p0 =	sne.s32 s2, $0x0  }
0x2d8: {  	s3 =	rddreg [dreg:$0x2];
	[bflag:$0x3] =	sbarrier.arrive $0xFFFF;
	s2 =	simm.s32 @!p0 $0x1C04  }
0x2d9: {  	[timem:s3], [sflag:s2] =	dma.local @!p0 [hbm:s0], s1  }
0x2da: {  	s0 =	simm.s32 @!p0 $0x4  }
0x2db: {  	_ =	swait.ge @!p0 [sflag:s0], s1  }
0x2dc: {  	s1 =	ssub.s32 @!p0 $0x0, s1;
	[sflag:s0] =	ssyncset.done @!p0 $0x0  }
0x2dd: {  	[sflag:s0] =	ssyncadd.s32 @!p0 s1  }
0x2de: {  	[bflag:$0x3] =	sbarrier.arrive $0xFFFF  }
0x2df: {  	_ =	shalt  }

</sc_bundles>
